<compile_context>
chip_gen: v7x
topology: tpu7x:2x2x1
jax: 0.10.2.dev20260603
libtpu: 0.0.44.dev20260713+nightly
codegen_flags: <defaults>
</compile_context>

<pallas_src>
import functools

import jax
import jax.numpy as jnp
from jax import lax
from jax.experimental import pallas as pl
from jax.experimental.pallas import tpu as pltpu
from jax.experimental.pallas import tpu_sc as plsc

N = 10000
E = 320000
D = 128
G = 16
DOUT = 64

NC = 2
NS = 16
L = 16
NW = NC * NS

CH = 128
NCHUNK = 79
N0 = 120
N1 = 38
EPT = NCHUNK * CH
EPAD = EPT * NW
NROWPAD = 10112
RPT = NROWPAD // NS
HR = EPT // L
DEGR = 80
NHIST = DEGR * D

_sc_mesh = plsc.VectorSubcoreMesh(core_axis_name="c", subcore_axis_name="s")
_sc_params = pltpu.CompilerParams(needs_layout_passes=False)


@functools.partial(
    pl.kernel,
    out_type=jax.ShapeDtypeStruct((NW * NHIST,), jnp.float32),
    mesh=_sc_mesh,
    compiler_params=_sc_params,
    scratch_types=[
        pltpu.VMEM((EPT,), jnp.int32),
        pltpu.VMEM((NHIST,), jnp.float32),
    ],
)
def _sc_degree(dst_hbm, zero_hbm, deg_hbm, didx, hist):
    c = lax.axis_index("c")
    s = lax.axis_index("s")
    wid = s * NC + c
    base = pl.multiple_of(wid * EPT, CH)
    pltpu.sync_copy(dst_hbm.at[pl.ds(base, EPT)], didx)
    pltpu.sync_copy(zero_hbm, hist)
    ones = jnp.ones((L,), jnp.float32)

    def step(j, carry):
        idx = didx[pl.ds(j * L, L)]
        plsc.addupdate_scatter(hist, [idx], ones)
        return carry

    lax.fori_loop(0, HR, step, 0)
    pltpu.sync_copy(hist, deg_hbm.at[pl.ds(pl.multiple_of(wid * NHIST, CH), NHIST)])


K = 3


@functools.partial(
    pl.kernel,
    out_type=jax.ShapeDtypeStruct((NC, NROWPAD, D), jnp.float32),
    mesh=_sc_mesh,
    compiler_params=_sc_params,
    scratch_types=[
        pltpu.VMEM((K, CH), jnp.int32),
        pltpu.VMEM((K, CH), jnp.int32),
    ] + [pltpu.VMEM((CH, D), jnp.float32) for _ in range(K)] + [
        pltpu.VMEM_SHARED((NROWPAD, D), jnp.float32),
    ] + [pltpu.SemaphoreType.DMA for _ in range(K)],
)
def _sc_scatter(hs_hbm, src_hbm, dst_hbm, zero_hbm, part_hbm, sidx, didx, *rest):
    rows = rest[:K]
    acc = rest[K]
    sems = rest[K + 1:]
    c = lax.axis_index("c")
    s = lax.axis_index("s")
    wid = s * NC + c
    r0 = s * RPT
    pltpu.sync_copy(zero_hbm.at[pl.ds(r0, RPT)], acc.at[pl.ds(r0, RPT)])
    plsc.subcore_barrier()

    def burst(cbase, j0, nb):
        offs = [pl.multiple_of(cbase + (j0 + b) * CH, CH) for b in range(nb)]
        ds = []
        for b in range(nb):
            pltpu.sync_copy(src_hbm.at[pl.ds(offs[b], CH)], sidx.at[b])
            ds.append(pltpu.async_copy(hs_hbm.at[sidx.at[b]], rows[b], sems[b]))
        for b in range(nb):
            pltpu.sync_copy(dst_hbm.at[pl.ds(offs[b], CH)], didx.at[b])
        for b in range(nb):
            ds[b].wait()
            pltpu.sync_copy(rows[b], acc.at[didx.at[b]], add=True)

    def run(nch, cbase):
        nt = nch // K
        for b in range(K):
            off = pl.multiple_of(cbase + b * CH, CH)
            pltpu.sync_copy(src_hbm.at[pl.ds(off, CH)], sidx.at[b])
            pltpu.async_copy(hs_hbm.at[sidx.at[b]], rows[b], sems[b])
            pltpu.sync_copy(dst_hbm.at[pl.ds(off, CH)], didx.at[b])

        def step(jj, carry):
            for b in range(K):
                pltpu.make_async_copy(hs_hbm.at[sidx.at[b]], rows[b], sems[b]).wait()
                pltpu.sync_copy(rows[b], acc.at[didx.at[b]], add=True)
                offn = pl.multiple_of(cbase + ((jj + 1) * K + b) * CH, CH)
                pltpu.sync_copy(src_hbm.at[pl.ds(offn, CH)], sidx.at[b])
                pltpu.async_copy(hs_hbm.at[sidx.at[b]], rows[b], sems[b])
                pltpu.sync_copy(dst_hbm.at[pl.ds(offn, CH)], didx.at[b])
            return carry

        lax.fori_loop(0, nt - 1, step, 0)
        for b in range(K):
            pltpu.make_async_copy(hs_hbm.at[sidx.at[b]], rows[b], sems[b]).wait()
            pltpu.sync_copy(rows[b], acc.at[didx.at[b]], add=True)
        if nch % K:
            burst(cbase, nt * K, nch % K)

    @pl.when(c == 0)
    def _():
        run(N0, s * (N0 * CH))

    @pl.when(c == 1)
    def _():
        run(N1, NS * N0 * CH + s * (N1 * CH))

    plsc.subcore_barrier()
    pltpu.sync_copy(acc.at[pl.ds(r0, RPT)], part_hbm.at[c, pl.ds(r0, RPT)])


def _tc_dis_body(degpart_ref, dis_ref):
    d = jnp.sum(degpart_ref[...], axis=0, keepdims=True)
    dis_ref[...] = jnp.where(d > 0, lax.rsqrt(jnp.maximum(d, 1e-12)), 0.0)


_tc_dis = pl.pallas_call(
    _tc_dis_body,
    out_shape=jax.ShapeDtypeStruct((1, NHIST), jnp.float32),
)

BLK = 1000
GRID = N // BLK


def _tc_l1_body(x_ref, dis_ref, w_ref, v_ref, b_ref, hs_ref, xvb_ref):
    xb = x_ref[...]
    dis = dis_ref[...]
    hs_ref[...] = jnp.dot(xb, w_ref[...], preferred_element_type=jnp.float32) * dis
    xvb_ref[...] = jnp.dot(xb, v_ref[...], preferred_element_type=jnp.float32) + b_ref[...]


_tc_l1 = pl.pallas_call(
    _tc_l1_body,
    grid=(GRID,),
    in_specs=[
        pl.BlockSpec((BLK, D), lambda k: (k, 0)),
        pl.BlockSpec((BLK, 1), lambda k: (k, 0)),
        pl.BlockSpec((D, D), lambda k: (0, 0)),
        pl.BlockSpec((D, D), lambda k: (0, 0)),
        pl.BlockSpec((1, D), lambda k: (0, 0)),
    ],
    out_specs=[
        pl.BlockSpec((BLK, D), lambda k: (k, 0)),
        pl.BlockSpec((BLK, D), lambda k: (k, 0)),
    ],
    out_shape=[
        jax.ShapeDtypeStruct((N, D), jnp.float32),
        jax.ShapeDtypeStruct((N, D), jnp.float32),
    ],
)


def _tc_mid_body(p_ref, xvb_ref, dis_ref, w_ref, v_ref, b_ref, hs_ref, xvb2_ref):
    dis = dis_ref[...]
    h = jax.nn.relu(dis * (p_ref[0] + p_ref[1]) + xvb_ref[...])
    hs_ref[...] = jnp.dot(h, w_ref[...], preferred_element_type=jnp.float32) * dis
    xvb2_ref[...] = jnp.dot(h, v_ref[...], preferred_element_type=jnp.float32) + b_ref[...]


_tc_mid = pl.pallas_call(
    _tc_mid_body,
    grid=(GRID,),
    in_specs=[
        pl.BlockSpec((NC, BLK, D), lambda k: (0, k, 0)),
        pl.BlockSpec((BLK, D), lambda k: (k, 0)),
        pl.BlockSpec((BLK, 1), lambda k: (k, 0)),
        pl.BlockSpec((D, D), lambda k: (0, 0)),
        pl.BlockSpec((D, D), lambda k: (0, 0)),
        pl.BlockSpec((1, D), lambda k: (0, 0)),
    ],
    out_specs=[
        pl.BlockSpec((BLK, D), lambda k: (k, 0)),
        pl.BlockSpec((BLK, D), lambda k: (k, 0)),
    ],
    out_shape=[
        jax.ShapeDtypeStruct((N, D), jnp.float32),
        jax.ShapeDtypeStruct((N, D), jnp.float32),
    ],
)


def _tc_pool_body(p_ref, xvb_ref, dis_ref, batch_ref, wfc_ref, bfc_ref, out_ref, sums, cnt):
    k = pl.program_id(0)

    @pl.when(k == 0)
    def _():
        sums[...] = jnp.zeros((G, D), jnp.float32)
        cnt[...] = jnp.zeros((G, D), jnp.float32)

    dis = dis_ref[...]
    h = jax.nn.relu(dis * (p_ref[0] + p_ref[1]) + xvb_ref[...])
    oh = (batch_ref[...] == lax.broadcasted_iota(jnp.int32, (BLK, G), 1)).astype(jnp.float32)
    sums[...] += lax.dot_general(oh, h, (((0,), (0,)), ((), ())),
                                 preferred_element_type=jnp.float32)
    cnt[...] += lax.dot_general(oh, jnp.ones((BLK, D), jnp.float32),
                                (((0,), (0,)), ((), ())),
                                preferred_element_type=jnp.float32)

    @pl.when(k == GRID - 1)
    def _():
        pooled = sums[...] / jnp.maximum(cnt[...], 1.0)
        out_ref[...] = jnp.dot(pooled, wfc_ref[...],
                               preferred_element_type=jnp.float32) + bfc_ref[...]


_tc_pool = pl.pallas_call(
    _tc_pool_body,
    grid=(GRID,),
    in_specs=[
        pl.BlockSpec((NC, BLK, D), lambda k: (0, k, 0)),
        pl.BlockSpec((BLK, D), lambda k: (k, 0)),
        pl.BlockSpec((BLK, 1), lambda k: (k, 0)),
        pl.BlockSpec((BLK, 1), lambda k: (k, 0)),
        pl.BlockSpec((D, DOUT), lambda k: (0, 0)),
        pl.BlockSpec((1, DOUT), lambda k: (0, 0)),
    ],
    out_specs=pl.BlockSpec((G, DOUT), lambda k: (0, 0)),
    out_shape=jax.ShapeDtypeStruct((G, DOUT), jnp.float32),
    scratch_shapes=[
        pltpu.VMEM((G, D), jnp.float32),
        pltpu.VMEM((G, D), jnp.float32),
    ],
)


def kernel(x, edge_index, batch, W1, V1, b1, W2, V2, b2, Wfc, bfc):
    src = edge_index[0]
    dst = edge_index[1]
    pad = EPAD - E
    srcp = jnp.concatenate([src, jnp.zeros((pad,), jnp.int32)])
    dstp = jnp.concatenate([dst, jnp.full((pad,), N, jnp.int32)])
    zero = jnp.zeros((NROWPAD, D), jnp.float32)
    zero1 = jnp.zeros((NHIST,), jnp.float32)

    degflat = _sc_degree(dstp, zero1)
    dis = _tc_dis(degflat.reshape(NW, NHIST))
    dis_col = dis.reshape(-1)[:N].reshape(N, 1)

    hs1, xvb1 = _tc_l1(x, dis_col, W1, V1, b1.reshape(1, D))
    part1 = _sc_scatter(hs1, srcp, dstp, zero)
    hs2, xvb2 = _tc_mid(part1, xvb1, dis_col, W2, V2, b2.reshape(1, D))
    part2 = _sc_scatter(hs2, srcp, dstp, zero)
    return _tc_pool(part2, xvb2, dis_col, batch.reshape(N, 1), Wfc, bfc.reshape(1, DOUT))

# --- scband reference (transcript-rebuilt; emitter-appended) ---
"""Pipeline reference for scband-armanet-10737418240589 (READ-ONLY COPY).

The authoritative reference and input builder live on the scoring server;
editing this copy changes nothing except your own understanding.
"""

import jax, jax.numpy as jnp
import numpy as np

N = 10000
E = 320000
D_IN = 128
D_HID = 128
D_OUT = 64
NUM_GRAPHS = 16


def setup_inputs(seed: int = 0) -> dict:
    key = jax.random.key(seed)
    ks = jax.random.split(key, 12)
    x = jax.random.normal(ks[0], (N, D_IN), dtype=jnp.float32)
    edge_index = jax.random.randint(ks[1], (2, E), 0, N, dtype=jnp.int32)
    batch = jnp.sort(jax.random.randint(ks[2], (N,), 0, NUM_GRAPHS, dtype=jnp.int32))
    s_in = 1.0 / np.sqrt(D_IN)
    s_h = 1.0 / np.sqrt(D_HID)
    W1 = jax.random.normal(ks[3], (D_IN, D_HID), dtype=jnp.float32) * s_in
    V1 = jax.random.normal(ks[4], (D_IN, D_HID), dtype=jnp.float32) * s_in
    b1 = jnp.zeros((D_HID,), dtype=jnp.float32)
    W2 = jax.random.normal(ks[5], (D_HID, D_HID), dtype=jnp.float32) * s_h
    V2 = jax.random.normal(ks[6], (D_HID, D_HID), dtype=jnp.float32) * s_h
    b2 = jnp.zeros((D_HID,), dtype=jnp.float32)
    Wfc = jax.random.normal(ks[7], (D_HID, D_OUT), dtype=jnp.float32) * s_h
    bfc = jnp.zeros((D_OUT,), dtype=jnp.float32)
    return {"x": x, "edge_index": edge_index, "batch": batch,
            "W1": W1, "V1": V1, "b1": b1,
            "W2": W2, "V2": V2, "b2": b2,
            "Wfc": Wfc, "bfc": bfc}


def _arma_conv(x, edge_index, W, V, b):
    # ARMAConv with num_stacks=1, num_layers=1, activation=None:
    # out = A_hat (x @ W) + x @ V + b, A_hat = D^{-1/2} A D^{-1/2} (no self loops)
    src = edge_index[0]
    dst = edge_index[1]
    n = x.shape[0]
    deg = jnp.zeros((n,), x.dtype).at[dst].add(1.0)
    dis = jnp.where(deg > 0, jax.lax.rsqrt(jnp.maximum(deg, 1e-12)), 0.0)
    norm = dis[src] * dis[dst]
    h = x @ W
    msg = h[src] * norm[:, None]
    agg = jnp.zeros((n, W.shape[1]), x.dtype).at[dst].add(msg)
    return agg + x @ V + b


def reference(x, edge_index, batch, W1, V1, b1, W2, V2, b2, Wfc, bfc):
    h = jax.nn.relu(_arma_conv(x, edge_index, W1, V1, b1))
    h = jax.nn.relu(_arma_conv(h, edge_index, W2, V2, b2))
    sums = jax.ops.segment_sum(h, batch, num_segments=NUM_GRAPHS)
    cnt = jax.ops.segment_sum(jnp.ones((h.shape[0], 1), h.dtype), batch, num_segments=NUM_GRAPHS)
    pooled = sums / jnp.maximum(cnt, 1.0)
    # dropout p=0.0 -> identity
    out = pooled @ Wfc + bfc
    return out

if __name__ == "__main__":
    import jax
    _d = setup_inputs()
    print(jax.jit(kernel)(*tuple(_d.values())))

</pallas_src>

<mosaic_0001>
#map = affine_map<(d0, d1) -> (0)>
module attributes {stable_mosaic.version = 14 : i64} {
  func.func @_sc_degree(%arg0: i32, %arg1: i32, %arg2: memref<323584xi32, #tpu.memory_space<hbm>>, %arg3: memref<10240xf32, #tpu.memory_space<hbm>>, %arg4: memref<327680xf32, #tpu.memory_space<hbm>>, %arg5: memref<10112xi32, #tpu.memory_space<vmem>>, %arg6: memref<10240xf32, #tpu.memory_space<vmem>>) attributes {dimension_semantics = [#tpu.dimension_semantics<core_parallel>, #tpu.dimension_semantics<subcore_parallel>], iteration_bounds = array<i64: 2, 16>, scalar_prefetch = 0 : i64, scratch_operands = 2 : i64, tpu.core_type = #tpu.core_type<sc_vector_subcore>, window_params = [{transform_indices = #map}, {transform_indices = #map}, {transform_indices = #map}]} {
    %mul3A = arith.constant 2 : i32
    %mul3A_0 = arith.muli %arg1, %mul3A : i32
    %add3A = arith.addi %mul3A_0, %arg0 : i32
    %mul3A_1 = arith.constant 10112 : i32
    %mul3A_2 = arith.muli %add3A, %mul3A_1 : i32
    %multiple_of3A = tpu.assume_multiple %mul3A_2, 128 : i32
    "tpu.region"() ({
      %run_scoped3A = tpu.sem_alloc : memref<!tpu.dma_semaphore, #tpu.memory_space<semaphore_mem>>
      %dma_start3A = tpu.memref_slice %arg2[%multiple_of3A] : memref<323584xi32, #tpu.memory_space<hbm>> -> memref<10112xi32, #tpu.memory_space<hbm>>
      %dma_start3A_12 = tpu.memref_slice %arg2[%multiple_of3A] : memref<323584xi32, #tpu.memory_space<hbm>> -> memref<10112xi32, #tpu.memory_space<hbm>>
      tpu.enqueue_dma source(%dma_start3A_12 : memref<10112xi32, #tpu.memory_space<hbm>>) target(%arg5 : memref<10112xi32, #tpu.memory_space<vmem>>) target_semaphore(%run_scoped3A : memref<!tpu.dma_semaphore, #tpu.memory_space<semaphore_mem>>)
      %dma_wait3A = tpu.memref_slice %arg2[%multiple_of3A] : memref<323584xi32, #tpu.memory_space<hbm>> -> memref<10112xi32, #tpu.memory_space<hbm>>
      %dma_wait3A_13 = tpu.memref_slice %arg2[%multiple_of3A] : memref<323584xi32, #tpu.memory_space<hbm>> -> memref<10112xi32, #tpu.memory_space<hbm>>
      tpu.wait_dma2 semaphore(%run_scoped3A : memref<!tpu.dma_semaphore, #tpu.memory_space<semaphore_mem>>) src(%dma_wait3A_13 : memref<10112xi32, #tpu.memory_space<hbm>>) dst(%arg5 : memref<10112xi32, #tpu.memory_space<vmem>>)
      tpu.yield
    }) : () -> ()
    "tpu.region"() ({
      %run_scoped3A = tpu.sem_alloc : memref<!tpu.dma_semaphore, #tpu.memory_space<semaphore_mem>>
      tpu.enqueue_dma source(%arg3 : memref<10240xf32, #tpu.memory_space<hbm>>) target(%arg6 : memref<10240xf32, #tpu.memory_space<vmem>>) target_semaphore(%run_scoped3A : memref<!tpu.dma_semaphore, #tpu.memory_space<semaphore_mem>>)
      tpu.wait_dma2 semaphore(%run_scoped3A : memref<!tpu.dma_semaphore, #tpu.memory_space<semaphore_mem>>) src(%arg3 : memref<10240xf32, #tpu.memory_space<hbm>>) dst(%arg6 : memref<10240xf32, #tpu.memory_space<vmem>>)
      tpu.yield
    }) : () -> ()
    %broadcast_in_dim3A = arith.constant 1.000000e+00 : f32
    %broadcast_in_dim3A_3 = vector.broadcast %broadcast_in_dim3A : f32 to vector<16xf32>
    %scan3A = arith.constant 0 : i32
    %scan3A_4 = arith.constant 0 : i32
    %scan3A_5 = arith.constant 632 : i32
    %scan3A_6 = arith.addi %scan3A_4, %scan3A_5 : i32
    %scan3A_7 = arith.constant 1 : i32
    scf.for %scan3A_12 = %scan3A_4 to %scan3A_6 step %scan3A_7  : i32 {
      %mul3A_13 = arith.constant 16 : i32
      %mul3A_14 = arith.muli %scan3A_12, %mul3A_13 : i32
      %get3A = arith.index_cast %mul3A_14 : i32 to index
      %get3A_15 = tpu.vector_load %arg5[%get3A] {strides = array<i32>} : memref<10112xi32, #tpu.memory_space<vmem>>, vector<16xi32>,
      tpu.vector_store_idx %arg6[%get3A_15], %broadcast_in_dim3A_3 {add = true} : memref<10240xf32, #tpu.memory_space<vmem>>[vector<16xi32>], vector<16xf32>,
    }
    %scan3A_8 = arith.constant 632 : i32
    %mul3A_9 = arith.constant 10240 : i32
    %mul3A_10 = arith.muli %add3A, %mul3A_9 : i32
    %multiple_of3A_11 = tpu.assume_multiple %mul3A_10, 128 : i32
    "tpu.region"() ({
      %run_scoped3A = tpu.sem_alloc : memref<!tpu.dma_semaphore, #tpu.memory_space<semaphore_mem>>
      %dma_start3A = tpu.memref_slice %arg4[%multiple_of3A_11] : memref<327680xf32, #tpu.memory_space<hbm>> -> memref<10240xf32, #tpu.memory_space<hbm>>
      %dma_start3A_12 = tpu.memref_slice %arg4[%multiple_of3A_11] : memref<327680xf32, #tpu.memory_space<hbm>> -> memref<10240xf32, #tpu.memory_space<hbm>>
      tpu.enqueue_dma source(%arg6 : memref<10240xf32, #tpu.memory_space<vmem>>) target(%dma_start3A_12 : memref<10240xf32, #tpu.memory_space<hbm>>) target_semaphore(%run_scoped3A : memref<!tpu.dma_semaphore, #tpu.memory_space<semaphore_mem>>)
      %dma_wait3A = tpu.memref_slice %arg4[%multiple_of3A_11] : memref<327680xf32, #tpu.memory_space<hbm>> -> memref<10240xf32, #tpu.memory_space<hbm>>
      %dma_wait3A_13 = tpu.memref_slice %arg4[%multiple_of3A_11] : memref<327680xf32, #tpu.memory_space<hbm>> -> memref<10240xf32, #tpu.memory_space<hbm>>
      tpu.wait_dma2 semaphore(%run_scoped3A : memref<!tpu.dma_semaphore, #tpu.memory_space<semaphore_mem>>) src(%arg6 : memref<10240xf32, #tpu.memory_space<vmem>>) dst(%dma_wait3A_13 : memref<10240xf32, #tpu.memory_space<hbm>>)
      tpu.yield
    }) : () -> ()
    return
  }
}

#map = affine_map<(d0, d1) -> (0, 0)>
#map1 = affine_map<(d0, d1) -> (0)>
#map2 = affine_map<(d0, d1) -> (0, 0, 0)>
module attributes {stable_mosaic.version = 14 : i64} {
  func.func @_sc_scatter(%arg0: i32, %arg1: i32, %arg2: memref<10000x128xf32, #tpu.memory_space<hbm>>, %arg3: memref<323584xi32, #tpu.memory_space<hbm>>, %arg4: memref<323584xi32, #tpu.memory_space<hbm>>, %arg5: memref<10112x128xf32, #tpu.memory_space<hbm>>, %arg6: memref<2x10112x128xf32, #tpu.memory_space<hbm>>, %arg7: memref<3x128xi32, #tpu.memory_space<vmem>>, %arg8: memref<3x128xi32, #tpu.memory_space<vmem>>, %arg9: memref<128x128xf32, #tpu.memory_space<vmem>>, %arg10: memref<128x128xf32, #tpu.memory_space<vmem>>, %arg11: memref<128x128xf32, #tpu.memory_space<vmem>>, %arg12: memref<10112x128xf32, #tpu.memory_space<vmem_shared>>, %arg13: memref<!tpu.dma_semaphore, #tpu.memory_space<semaphore_mem>>, %arg14: memref<!tpu.dma_semaphore, #tpu.memory_space<semaphore_mem>>, %arg15: memref<!tpu.dma_semaphore, #tpu.memory_space<semaphore_mem>>) attributes {dimension_semantics = [#tpu.dimension_semantics<core_parallel>, #tpu.dimension_semantics<subcore_parallel>], iteration_bounds = array<i64: 2, 16>, scalar_prefetch = 0 : i64, scratch_operands = 9 : i64, tpu.core_type = #tpu.core_type<sc_vector_subcore>, window_params = [{transform_indices = #map}, {transform_indices = #map1}, {transform_indices = #map1}, {transform_indices = #map}, {transform_indices = #map2}]} {
    %mul3A = arith.constant 2 : i32
    %mul3A_0 = arith.muli %arg1, %mul3A : i32
    %add3A = arith.addi %mul3A_0, %arg0 : i32
    %mul3A_1 = arith.constant 632 : i32
    %mul3A_2 = arith.muli %arg1, %mul3A_1 : i32
    "tpu.region"() ({
      %run_scoped3A = tpu.sem_alloc : memref<!tpu.dma_semaphore, #tpu.memory_space<semaphore_mem>>
      %dma_start3A = arith.constant 0 : i32
      %dma_start3A_11 = tpu.memref_slice %arg12[%mul3A_2, %dma_start3A] : memref<10112x128xf32, #tpu.memory_space<vmem_shared>> -> memref<632x128xf32, #tpu.memory_space<vmem_shared>>
      %dma_start3A_12 = arith.constant 0 : i32
      %dma_start3A_13 = tpu.memref_slice %arg5[%mul3A_2, %dma_start3A_12] : memref<10112x128xf32, #tpu.memory_space<hbm>> -> memref<632x128xf32, #tpu.memory_space<hbm>>
      tpu.enqueue_dma source(%dma_start3A_13 : memref<632x128xf32, #tpu.memory_space<hbm>>) target(%dma_start3A_11 : memref<632x128xf32, #tpu.memory_space<vmem_shared>>) target_semaphore(%run_scoped3A : memref<!tpu.dma_semaphore, #tpu.memory_space<semaphore_mem>>)
      %dma_wait3A = arith.constant 0 : i32
      %dma_wait3A_14 = tpu.memref_slice %arg12[%mul3A_2, %dma_wait3A] : memref<10112x128xf32, #tpu.memory_space<vmem_shared>> -> memref<632x128xf32, #tpu.memory_space<vmem_shared>>
      %dma_wait3A_15 = arith.constant 0 : i32
      %dma_wait3A_16 = tpu.memref_slice %arg5[%mul3A_2, %dma_wait3A_15] : memref<10112x128xf32, #tpu.memory_space<hbm>> -> memref<632x128xf32, #tpu.memory_space<hbm>>
      tpu.wait_dma2 semaphore(%run_scoped3A : memref<!tpu.dma_semaphore, #tpu.memory_space<semaphore_mem>>) src(%dma_wait3A_16 : memref<632x128xf32, #tpu.memory_space<hbm>>) dst(%dma_wait3A_14 : memref<632x128xf32, #tpu.memory_space<vmem_shared>>)
      tpu.yield
    }) : () -> ()
    %barrier3A = arith.constant 0 : index
    tpu.barrier barrier_id(%barrier3A)
    %eq3A = arith.constant 0 : i32
    %eq3A_3 = arith.cmpi eq, %arg0, %eq3A : i32
    %convert_element_type3A = arith.extui %eq3A_3 : i1 to i32
    %cond3A = arith.constant 0 : i32
    %cond3A_4 = arith.cmpi ne, %convert_element_type3A, %cond3A : i32
    scf.if %cond3A_4 {
      %mul3A_11 = arith.constant 15360 : i32
      %mul3A_12 = arith.muli %arg1, %mul3A_11 : i32
      %add3A_13 = arith.constant 0 : i32
      %add3A_14 = arith.addi %mul3A_12, %add3A_13 : i32
      %multiple_of3A = tpu.assume_multiple %add3A_14, 128 : i32
      %run_scoped3A = arith.constant 0 : i32
      "tpu.region"() ({
        %run_scoped3A_74 = tpu.sem_alloc : memref<!tpu.dma_semaphore, #tpu.memory_space<semaphore_mem>>
        %dma_start3A_75 = arith.constant 0 : i32
        %dma_start3A_76 = tpu.memref_slice %arg7[%run_scoped3A, %dma_start3A_75] : memref<3x128xi32, #tpu.memory_space<vmem>> -> memref<1x128xi32, #tpu.memory_space<vmem>>
        %dma_start3A_77 = tpu.memref_squeeze %dma_start3A_76 : memref<1x128xi32, #tpu.memory_space<vmem>> -> memref<128xi32, #tpu.memory_space<vmem>>
        %dma_start3A_78 = tpu.memref_slice %arg3[%multiple_of3A] : memref<323584xi32, #tpu.memory_space<hbm>> -> memref<128xi32, #tpu.memory_space<hbm>>
        %dma_start3A_79 = arith.constant 0 : i32
        %dma_start3A_80 = tpu.memref_slice %arg7[%run_scoped3A, %dma_start3A_79] : memref<3x128xi32, #tpu.memory_space<vmem>> -> memref<1x128xi32, #tpu.memory_space<vmem>>
        %dma_start3A_81 = tpu.memref_squeeze %dma_start3A_80 : memref<1x128xi32, #tpu.memory_space<vmem>> -> memref<128xi32, #tpu.memory_space<vmem>>
        %dma_start3A_82 = tpu.memref_slice %arg3[%multiple_of3A] : memref<323584xi32, #tpu.memory_space<hbm>> -> memref<128xi32, #tpu.memory_space<hbm>>
        tpu.enqueue_dma source(%dma_start3A_82 : memref<128xi32, #tpu.memory_space<hbm>>) target(%dma_start3A_81 : memref<128xi32, #tpu.memory_space<vmem>>) target_semaphore(%run_scoped3A_74 : memref<!tpu.dma_semaphore, #tpu.memory_space<semaphore_mem>>)
        %dma_wait3A_83 = arith.constant 0 : i32
        %dma_wait3A_84 = tpu.memref_slice %arg7[%run_scoped3A, %dma_wait3A_83] : memref<3x128xi32, #tpu.memory_space<vmem>> -> memref<1x128xi32, #tpu.memory_space<vmem>>
        %dma_wait3A_85 = tpu.memref_squeeze %dma_wait3A_84 : memref<1x128xi32, #tpu.memory_space<vmem>> -> memref<128xi32, #tpu.memory_space<vmem>>
        %dma_wait3A_86 = tpu.memref_slice %arg3[%multiple_of3A] : memref<323584xi32, #tpu.memory_space<hbm>> -> memref<128xi32, #tpu.memory_space<hbm>>
        %dma_wait3A_87 = arith.constant 0 : i32
        %dma_wait3A_88 = tpu.memref_slice %arg7[%run_scoped3A, %dma_wait3A_87] : memref<3x128xi32, #tpu.memory_space<vmem>> -> memref<1x128xi32, #tpu.memory_space<vmem>>
        %dma_wait3A_89 = tpu.memref_squeeze %dma_wait3A_88 : memref<1x128xi32, #tpu.memory_space<vmem>> -> memref<128xi32, #tpu.memory_space<vmem>>
        %dma_wait3A_90 = tpu.memref_slice %arg3[%multiple_of3A] : memref<323584xi32, #tpu.memory_space<hbm>> -> memref<128xi32, #tpu.memory_space<hbm>>
        tpu.wait_dma2 semaphore(%run_scoped3A_74 : memref<!tpu.dma_semaphore, #tpu.memory_space<semaphore_mem>>) src(%dma_wait3A_90 : memref<128xi32, #tpu.memory_space<hbm>>) dst(%dma_wait3A_89 : memref<128xi32, #tpu.memory_space<vmem>>)
        tpu.yield
      }) : () -> ()
      %dma_start3A = arith.constant 0 : i32
      %dma_start3A_15 = arith.constant 0 : i32
      %dma_start3A_16 = tpu.memref_slice %arg7[%dma_start3A, %dma_start3A_15] : memref<3x128xi32, #tpu.memory_space<vmem>> -> memref<1x128xi32, #tpu.memory_space<vmem>>
      %dma_start3A_17 = tpu.memref_squeeze %dma_start3A_16 : memref<1x128xi32, #tpu.memory_space<vmem>> -> memref<128xi32, #tpu.memory_space<vmem>>
      %dma_start3A_18 = arith.constant 0 : i32
      %dma_start3A_19 = arith.constant 0 : i32
      %dma_start3A_20 = tpu.memref_slice %arg2[%dma_start3A_18, %dma_start3A_19] : memref<10000x128xf32, #tpu.memory_space<hbm>> -> memref<10000x128xf32, #tpu.memory_space<hbm>>
      tpu.enqueue_indirect_dma source(%dma_start3A_20 : memref<10000x128xf32, #tpu.memory_space<hbm>>) target(%arg9 : memref<128x128xf32, #tpu.memory_space<vmem>>) offsets(%dma_start3A_17 : memref<128xi32, #tpu.memory_space<vmem>>) semaphore(%arg13 : memref<!tpu.dma_semaphore, #tpu.memory_space<semaphore_mem>>)
      %run_scoped3A_21 = arith.constant 0 : i32
      "tpu.region"() ({
        %run_scoped3A_74 = tpu.sem_alloc : memref<!tpu.dma_semaphore, #tpu.memory_space<semaphore_mem>>
        %dma_start3A_75 = arith.constant 0 : i32
        %dma_start3A_76 = tpu.memref_slice %arg8[%run_scoped3A_21, %dma_start3A_75] : memref<3x128xi32, #tpu.memory_space<vmem>> -> memref<1x128xi32, #tpu.memory_space<vmem>>
        %dma_start3A_77 = tpu.memref_squeeze %dma_start3A_76 : memref<1x128xi32, #tpu.memory_space<vmem>> -> memref<128xi32, #tpu.memory_space<vmem>>
        %dma_start3A_78 = tpu.memref_slice %arg4[%multiple_of3A] : memref<323584xi32, #tpu.memory_space<hbm>> -> memref<128xi32, #tpu.memory_space<hbm>>
        %dma_start3A_79 = arith.constant 0 : i32
        %dma_start3A_80 = tpu.memref_slice %arg8[%run_scoped3A_21, %dma_start3A_79] : memref<3x128xi32, #tpu.memory_space<vmem>> -> memref<1x128xi32, #tpu.memory_space<vmem>>
        %dma_start3A_81 = tpu.memref_squeeze %dma_start3A_80 : memref<1x128xi32, #tpu.memory_space<vmem>> -> memref<128xi32, #tpu.memory_space<vmem>>
        %dma_start3A_82 = tpu.memref_slice %arg4[%multiple_of3A] : memref<323584xi32, #tpu.memory_space<hbm>> -> memref<128xi32, #tpu.memory_space<hbm>>
        tpu.enqueue_dma source(%dma_start3A_82 : memref<128xi32, #tpu.memory_space<hbm>>) target(%dma_start3A_81 : memref<128xi32, #tpu.memory_space<vmem>>) target_semaphore(%run_scoped3A_74 : memref<!tpu.dma_semaphore, #tpu.memory_space<semaphore_mem>>)
        %dma_wait3A_83 = arith.constant 0 : i32
        %dma_wait3A_84 = tpu.memref_slice %arg8[%run_scoped3A_21, %dma_wait3A_83] : memref<3x128xi32, #tpu.memory_space<vmem>> -> memref<1x128xi32, #tpu.memory_space<vmem>>
        %dma_wait3A_85 = tpu.memref_squeeze %dma_wait3A_84 : memref<1x128xi32, #tpu.memory_space<vmem>> -> memref<128xi32, #tpu.memory_space<vmem>>
        %dma_wait3A_86 = tpu.memref_slice %arg4[%multiple_of3A] : memref<323584xi32, #tpu.memory_space<hbm>> -> memref<128xi32, #tpu.memory_space<hbm>>
        %dma_wait3A_87 = arith.constant 0 : i32
        %dma_wait3A_88 = tpu.memref_slice %arg8[%run_scoped3A_21, %dma_wait3A_87] : memref<3x128xi32, #tpu.memory_space<vmem>> -> memref<1x128xi32, #tpu.memory_space<vmem>>
        %dma_wait3A_89 = tpu.memref_squeeze %dma_wait3A_88 : memref<1x128xi32, #tpu.memory_space<vmem>> -> memref<128xi32, #tpu.memory_space<vmem>>
        %dma_wait3A_90 = tpu.memref_slice %arg4[%multiple_of3A] : memref<323584xi32, #tpu.memory_space<hbm>> -> memref<128xi32, #tpu.memory_space<hbm>>
        tpu.wait_dma2 semaphore(%run_scoped3A_74 : memref<!tpu.dma_semaphore, #tpu.memory_space<semaphore_mem>>) src(%dma_wait3A_90 : memref<128xi32, #tpu.memory_space<hbm>>) dst(%dma_wait3A_89 : memref<128xi32, #tpu.memory_space<vmem>>)
        tpu.yield
      }) : () -> ()
      %add3A_22 = arith.constant 128 : i32
      %add3A_23 = arith.addi %mul3A_12, %add3A_22 : i32
      %multiple_of3A_24 = tpu.assume_multiple %add3A_23, 128 : i32
      %run_scoped3A_25 = arith.constant 1 : i32
      "tpu.region"() ({
        %run_scoped3A_74 = tpu.sem_alloc : memref<!tpu.dma_semaphore, #tpu.memory_space<semaphore_mem>>
        %dma_start3A_75 = arith.constant 0 : i32
        %dma_start3A_76 = tpu.memref_slice %arg7[%run_scoped3A_25, %dma_start3A_75] : memref<3x128xi32, #tpu.memory_space<vmem>> -> memref<1x128xi32, #tpu.memory_space<vmem>>
        %dma_start3A_77 = tpu.memref_squeeze %dma_start3A_76 : memref<1x128xi32, #tpu.memory_space<vmem>> -> memref<128xi32, #tpu.memory_space<vmem>>
        %dma_start3A_78 = tpu.memref_slice %arg3[%multiple_of3A_24] : memref<323584xi32, #tpu.memory_space<hbm>> -> memref<128xi32, #tpu.memory_space<hbm>>
        %dma_start3A_79 = arith.constant 0 : i32
        %dma_start3A_80 = tpu.memref_slice %arg7[%run_scoped3A_25, %dma_start3A_79] : memref<3x128xi32, #tpu.memory_space<vmem>> -> memref<1x128xi32, #tpu.memory_space<vmem>>
        %dma_start3A_81 = tpu.memref_squeeze %dma_start3A_80 : memref<1x128xi32, #tpu.memory_space<vmem>> -> memref<128xi32, #tpu.memory_space<vmem>>
        %dma_start3A_82 = tpu.memref_slice %arg3[%multiple_of3A_24] : memref<323584xi32, #tpu.memory_space<hbm>> -> memref<128xi32, #tpu.memory_space<hbm>>
        tpu.enqueue_dma source(%dma_start3A_82 : memref<128xi32, #tpu.memory_space<hbm>>) target(%dma_start3A_81 : memref<128xi32, #tpu.memory_space<vmem>>) target_semaphore(%run_scoped3A_74 : memref<!tpu.dma_semaphore, #tpu.memory_space<semaphore_mem>>)
        %dma_wait3A_83 = arith.constant 0 : i32
        %dma_wait3A_84 = tpu.memref_slice %arg7[%run_scoped3A_25, %dma_wait3A_83] : memref<3x128xi32, #tpu.memory_space<vmem>> -> memref<1x128xi32, #tpu.memory_space<vmem>>
        %dma_wait3A_85 = tpu.memref_squeeze %dma_wait3A_84 : memref<1x128xi32, #tpu.memory_space<vmem>> -> memref<128xi32, #tpu.memory_space<vmem>>
        %dma_wait3A_86 = tpu.memref_slice %arg3[%multiple_of3A_24] : memref<323584xi32, #tpu.memory_space<hbm>> -> memref<128xi32, #tpu.memory_space<hbm>>
        %dma_wait3A_87 = arith.constant 0 : i32
        %dma_wait3A_88 = tpu.memref_slice %arg7[%run_scoped3A_25, %dma_wait3A_87] : memref<3x128xi32, #tpu.memory_space<vmem>> -> memref<1x128xi32, #tpu.memory_space<vmem>>
        %dma_wait3A_89 = tpu.memref_squeeze %dma_wait3A_88 : memref<1x128xi32, #tpu.memory_space<vmem>> -> memref<128xi32, #tpu.memory_space<vmem>>
        %dma_wait3A_90 = tpu.memref_slice %arg3[%multiple_of3A_24] : memref<323584xi32, #tpu.memory_space<hbm>> -> memref<128xi32, #tpu.memory_space<hbm>>
        tpu.wait_dma2 semaphore(%run_scoped3A_74 : memref<!tpu.dma_semaphore, #tpu.memory_space<semaphore_mem>>) src(%dma_wait3A_90 : memref<128xi32, #tpu.memory_space<hbm>>) dst(%dma_wait3A_89 : memref<128xi32, #tpu.memory_space<vmem>>)
        tpu.yield
      }) : () -> ()
      %dma_start3A_26 = arith.constant 1 : i32
      %dma_start3A_27 = arith.constant 0 : i32
      %dma_start3A_28 = tpu.memref_slice %arg7[%dma_start3A_26, %dma_start3A_27] : memref<3x128xi32, #tpu.memory_space<vmem>> -> memref<1x128xi32, #tpu.memory_space<vmem>>
      %dma_start3A_29 = tpu.memref_squeeze %dma_start3A_28 : memref<1x128xi32, #tpu.memory_space<vmem>> -> memref<128xi32, #tpu.memory_space<vmem>>
      %dma_start3A_30 = arith.constant 0 : i32
      %dma_start3A_31 = arith.constant 0 : i32
      %dma_start3A_32 = tpu.memref_slice %arg2[%dma_start3A_30, %dma_start3A_31] : memref<10000x128xf32, #tpu.memory_space<hbm>> -> memref<10000x128xf32, #tpu.memory_space<hbm>>
      tpu.enqueue_indirect_dma source(%dma_start3A_32 : memref<10000x128xf32, #tpu.memory_space<hbm>>) target(%arg10 : memref<128x128xf32, #tpu.memory_space<vmem>>) offsets(%dma_start3A_29 : memref<128xi32, #tpu.memory_space<vmem>>) semaphore(%arg14 : memref<!tpu.dma_semaphore, #tpu.memory_space<semaphore_mem>>)
      %run_scoped3A_33 = arith.constant 1 : i32
      "tpu.region"() ({
        %run_scoped3A_74 = tpu.sem_alloc : memref<!tpu.dma_semaphore, #tpu.memory_space<semaphore_mem>>
        %dma_start3A_75 = arith.constant 0 : i32
        %dma_start3A_76 = tpu.memref_slice %arg8[%run_scoped3A_33, %dma_start3A_75] : memref<3x128xi32, #tpu.memory_space<vmem>> -> memref<1x128xi32, #tpu.memory_space<vmem>>
        %dma_start3A_77 = tpu.memref_squeeze %dma_start3A_76 : memref<1x128xi32, #tpu.memory_space<vmem>> -> memref<128xi32, #tpu.memory_space<vmem>>
        %dma_start3A_78 = tpu.memref_slice %arg4[%multiple_of3A_24] : memref<323584xi32, #tpu.memory_space<hbm>> -> memref<128xi32, #tpu.memory_space<hbm>>
        %dma_start3A_79 = arith.constant 0 : i32
        %dma_start3A_80 = tpu.memref_slice %arg8[%run_scoped3A_33, %dma_start3A_79] : memref<3x128xi32, #tpu.memory_space<vmem>> -> memref<1x128xi32, #tpu.memory_space<vmem>>
        %dma_start3A_81 = tpu.memref_squeeze %dma_start3A_80 : memref<1x128xi32, #tpu.memory_space<vmem>> -> memref<128xi32, #tpu.memory_space<vmem>>
        %dma_start3A_82 = tpu.memref_slice %arg4[%multiple_of3A_24] : memref<323584xi32, #tpu.memory_space<hbm>> -> memref<128xi32, #tpu.memory_space<hbm>>
        tpu.enqueue_dma source(%dma_start3A_82 : memref<128xi32, #tpu.memory_space<hbm>>) target(%dma_start3A_81 : memref<128xi32, #tpu.memory_space<vmem>>) target_semaphore(%run_scoped3A_74 : memref<!tpu.dma_semaphore, #tpu.memory_space<semaphore_mem>>)
        %dma_wait3A_83 = arith.constant 0 : i32
        %dma_wait3A_84 = tpu.memref_slice %arg8[%run_scoped3A_33, %dma_wait3A_83] : memref<3x128xi32, #tpu.memory_space<vmem>> -> memref<1x128xi32, #tpu.memory_space<vmem>>
        %dma_wait3A_85 = tpu.memref_squeeze %dma_wait3A_84 : memref<1x128xi32, #tpu.memory_space<vmem>> -> memref<128xi32, #tpu.memory_space<vmem>>
        %dma_wait3A_86 = tpu.memref_slice %arg4[%multiple_of3A_24] : memref<323584xi32, #tpu.memory_space<hbm>> -> memref<128xi32, #tpu.memory_space<hbm>>
        %dma_wait3A_87 = arith.constant 0 : i32
        %dma_wait3A_88 = tpu.memref_slice %arg8[%run_scoped3A_33, %dma_wait3A_87] : memref<3x128xi32, #tpu.memory_space<vmem>> -> memref<1x128xi32, #tpu.memory_space<vmem>>
        %dma_wait3A_89 = tpu.memref_squeeze %dma_wait3A_88 : memref<1x128xi32, #tpu.memory_space<vmem>> -> memref<128xi32, #tpu.memory_space<vmem>>
        %dma_wait3A_90 = tpu.memref_slice %arg4[%multiple_of3A_24] : memref<323584xi32, #tpu.memory_space<hbm>> -> memref<128xi32, #tpu.memory_space<hbm>>
        tpu.wait_dma2 semaphore(%run_scoped3A_74 : memref<!tpu.dma_semaphore, #tpu.memory_space<semaphore_mem>>) src(%dma_wait3A_90 : memref<128xi32, #tpu.memory_space<hbm>>) dst(%dma_wait3A_89 : memref<128xi32, #tpu.memory_space<vmem>>)
        tpu.yield
      }) : () -> ()
      %add3A_34 = arith.constant 256 : i32
      %add3A_35 = arith.addi %mul3A_12, %add3A_34 : i32
      %multiple_of3A_36 = tpu.assume_multiple %add3A_35, 128 : i32
      %run_scoped3A_37 = arith.constant 2 : i32
      "tpu.region"() ({
        %run_scoped3A_74 = tpu.sem_alloc : memref<!tpu.dma_semaphore, #tpu.memory_space<semaphore_mem>>
        %dma_start3A_75 = arith.constant 0 : i32
        %dma_start3A_76 = tpu.memref_slice %arg7[%run_scoped3A_37, %dma_start3A_75] : memref<3x128xi32, #tpu.memory_space<vmem>> -> memref<1x128xi32, #tpu.memory_space<vmem>>
        %dma_start3A_77 = tpu.memref_squeeze %dma_start3A_76 : memref<1x128xi32, #tpu.memory_space<vmem>> -> memref<128xi32, #tpu.memory_space<vmem>>
        %dma_start3A_78 = tpu.memref_slice %arg3[%multiple_of3A_36] : memref<323584xi32, #tpu.memory_space<hbm>> -> memref<128xi32, #tpu.memory_space<hbm>>
        %dma_start3A_79 = arith.constant 0 : i32
        %dma_start3A_80 = tpu.memref_slice %arg7[%run_scoped3A_37, %dma_start3A_79] : memref<3x128xi32, #tpu.memory_space<vmem>> -> memref<1x128xi32, #tpu.memory_space<vmem>>
        %dma_start3A_81 = tpu.memref_squeeze %dma_start3A_80 : memref<1x128xi32, #tpu.memory_space<vmem>> -> memref<128xi32, #tpu.memory_space<vmem>>
        %dma_start3A_82 = tpu.memref_slice %arg3[%multiple_of3A_36] : memref<323584xi32, #tpu.memory_space<hbm>> -> memref<128xi32, #tpu.memory_space<hbm>>
        tpu.enqueue_dma source(%dma_start3A_82 : memref<128xi32, #tpu.memory_space<hbm>>) target(%dma_start3A_81 : memref<128xi32, #tpu.memory_space<vmem>>) target_semaphore(%run_scoped3A_74 : memref<!tpu.dma_semaphore, #tpu.memory_space<semaphore_mem>>)
        %dma_wait3A_83 = arith.constant 0 : i32
        %dma_wait3A_84 = tpu.memref_slice %arg7[%run_scoped3A_37, %dma_wait3A_83] : memref<3x128xi32, #tpu.memory_space<vmem>> -> memref<1x128xi32, #tpu.memory_space<vmem>>
        %dma_wait3A_85 = tpu.memref_squeeze %dma_wait3A_84 : memref<1x128xi32, #tpu.memory_space<vmem>> -> memref<128xi32, #tpu.memory_space<vmem>>
        %dma_wait3A_86 = tpu.memref_slice %arg3[%multiple_of3A_36] : memref<323584xi32, #tpu.memory_space<hbm>> -> memref<128xi32, #tpu.memory_space<hbm>>
        %dma_wait3A_87 = arith.constant 0 : i32
        %dma_wait3A_88 = tpu.memref_slice %arg7[%run_scoped3A_37, %dma_wait3A_87] : memref<3x128xi32, #tpu.memory_space<vmem>> -> memref<1x128xi32, #tpu.memory_space<vmem>>
        %dma_wait3A_89 = tpu.memref_squeeze %dma_wait3A_88 : memref<1x128xi32, #tpu.memory_space<vmem>> -> memref<128xi32, #tpu.memory_space<vmem>>
        %dma_wait3A_90 = tpu.memref_slice %arg3[%multiple_of3A_36] : memref<323584xi32, #tpu.memory_space<hbm>> -> memref<128xi32, #tpu.memory_space<hbm>>
        tpu.wait_dma2 semaphore(%run_scoped3A_74 : memref<!tpu.dma_semaphore, #tpu.memory_space<semaphore_mem>>) src(%dma_wait3A_90 : memref<128xi32, #tpu.memory_space<hbm>>) dst(%dma_wait3A_89 : memref<128xi32, #tpu.memory_space<vmem>>)
        tpu.yield
      }) : () -> ()
      %dma_start3A_38 = arith.constant 2 : i32
      %dma_start3A_39 = arith.constant 0 : i32
      %dma_start3A_40 = tpu.memref_slice %arg7[%dma_start3A_38, %dma_start3A_39] : memref<3x128xi32, #tpu.memory_space<vmem>> -> memref<1x128xi32, #tpu.memory_space<vmem>>
      %dma_start3A_41 = tpu.memref_squeeze %dma_start3A_40 : memref<1x128xi32, #tpu.memory_space<vmem>> -> memref<128xi32, #tpu.memory_space<vmem>>
      %dma_start3A_42 = arith.constant 0 : i32
      %dma_start3A_43 = arith.constant 0 : i32
      %dma_start3A_44 = tpu.memref_slice %arg2[%dma_start3A_42, %dma_start3A_43] : memref<10000x128xf32, #tpu.memory_space<hbm>> -> memref<10000x128xf32, #tpu.memory_space<hbm>>
      tpu.enqueue_indirect_dma source(%dma_start3A_44 : memref<10000x128xf32, #tpu.memory_space<hbm>>) target(%arg11 : memref<128x128xf32, #tpu.memory_space<vmem>>) offsets(%dma_start3A_41 : memref<128xi32, #tpu.memory_space<vmem>>) semaphore(%arg15 : memref<!tpu.dma_semaphore, #tpu.memory_space<semaphore_mem>>)
      %run_scoped3A_45 = arith.constant 2 : i32
      "tpu.region"() ({
        %run_scoped3A_74 = tpu.sem_alloc : memref<!tpu.dma_semaphore, #tpu.memory_space<semaphore_mem>>
        %dma_start3A_75 = arith.constant 0 : i32
        %dma_start3A_76 = tpu.memref_slice %arg8[%run_scoped3A_45, %dma_start3A_75] : memref<3x128xi32, #tpu.memory_space<vmem>> -> memref<1x128xi32, #tpu.memory_space<vmem>>
        %dma_start3A_77 = tpu.memref_squeeze %dma_start3A_76 : memref<1x128xi32, #tpu.memory_space<vmem>> -> memref<128xi32, #tpu.memory_space<vmem>>
        %dma_start3A_78 = tpu.memref_slice %arg4[%multiple_of3A_36] : memref<323584xi32, #tpu.memory_space<hbm>> -> memref<128xi32, #tpu.memory_space<hbm>>
        %dma_start3A_79 = arith.constant 0 : i32
        %dma_start3A_80 = tpu.memref_slice %arg8[%run_scoped3A_45, %dma_start3A_79] : memref<3x128xi32, #tpu.memory_space<vmem>> -> memref<1x128xi32, #tpu.memory_space<vmem>>
        %dma_start3A_81 = tpu.memref_squeeze %dma_start3A_80 : memref<1x128xi32, #tpu.memory_space<vmem>> -> memref<128xi32, #tpu.memory_space<vmem>>
        %dma_start3A_82 = tpu.memref_slice %arg4[%multiple_of3A_36] : memref<323584xi32, #tpu.memory_space<hbm>> -> memref<128xi32, #tpu.memory_space<hbm>>
        tpu.enqueue_dma source(%dma_start3A_82 : memref<128xi32, #tpu.memory_space<hbm>>) target(%dma_start3A_81 : memref<128xi32, #tpu.memory_space<vmem>>) target_semaphore(%run_scoped3A_74 : memref<!tpu.dma_semaphore, #tpu.memory_space<semaphore_mem>>)
        %dma_wait3A_83 = arith.constant 0 : i32
        %dma_wait3A_84 = tpu.memref_slice %arg8[%run_scoped3A_45, %dma_wait3A_83] : memref<3x128xi32, #tpu.memory_space<vmem>> -> memref<1x128xi32, #tpu.memory_space<vmem>>
        %dma_wait3A_85 = tpu.memref_squeeze %dma_wait3A_84 : memref<1x128xi32, #tpu.memory_space<vmem>> -> memref<128xi32, #tpu.memory_space<vmem>>
        %dma_wait3A_86 = tpu.memref_slice %arg4[%multiple_of3A_36] : memref<323584xi32, #tpu.memory_space<hbm>> -> memref<128xi32, #tpu.memory_space<hbm>>
        %dma_wait3A_87 = arith.constant 0 : i32
        %dma_wait3A_88 = tpu.memref_slice %arg8[%run_scoped3A_45, %dma_wait3A_87] : memref<3x128xi32, #tpu.memory_space<vmem>> -> memref<1x128xi32, #tpu.memory_space<vmem>>
        %dma_wait3A_89 = tpu.memref_squeeze %dma_wait3A_88 : memref<1x128xi32, #tpu.memory_space<vmem>> -> memref<128xi32, #tpu.memory_space<vmem>>
        %dma_wait3A_90 = tpu.memref_slice %arg4[%multiple_of3A_36] : memref<323584xi32, #tpu.memory_space<hbm>> -> memref<128xi32, #tpu.memory_space<hbm>>
        tpu.wait_dma2 semaphore(%run_scoped3A_74 : memref<!tpu.dma_semaphore, #tpu.memory_space<semaphore_mem>>) src(%dma_wait3A_90 : memref<128xi32, #tpu.memory_space<hbm>>) dst(%dma_wait3A_89 : memref<128xi32, #tpu.memory_space<vmem>>)
        tpu.yield
      }) : () -> ()
      %scan3A = arith.constant 0 : i32
      %scan3A_46 = arith.constant 0 : i32
      %scan3A_47 = arith.constant 39 : i32
      %scan3A_48 = arith.addi %scan3A_46, %scan3A_47 : i32
      %scan3A_49 = arith.constant 1 : i32
      scf.for %scan3A_74 = %scan3A_46 to %scan3A_48 step %scan3A_49  : i32 {
        %dma_wait3A_75 = arith.constant 0 : i32
        %dma_wait3A_76 = arith.constant 0 : i32
        %dma_wait3A_77 = tpu.memref_slice %arg7[%dma_wait3A_75, %dma_wait3A_76] : memref<3x128xi32, #tpu.memory_space<vmem>> -> memref<1x128xi32, #tpu.memory_space<vmem>>
        %dma_wait3A_78 = tpu.memref_squeeze %dma_wait3A_77 : memref<1x128xi32, #tpu.memory_space<vmem>> -> memref<128xi32, #tpu.memory_space<vmem>>
        %dma_wait3A_79 = arith.constant 0 : i32
        %dma_wait3A_80 = arith.constant 0 : i32
        %dma_wait3A_81 = tpu.memref_slice %arg2[%dma_wait3A_79, %dma_wait3A_80] : memref<10000x128xf32, #tpu.memory_space<hbm>> -> memref<10000x128xf32, #tpu.memory_space<hbm>>
        tpu.wait_indirect_dma semaphore(%arg13 : memref<!tpu.dma_semaphore, #tpu.memory_space<semaphore_mem>>) src(%dma_wait3A_81 : memref<10000x128xf32, #tpu.memory_space<hbm>>) dst(%arg9 : memref<128x128xf32, #tpu.memory_space<vmem>>)
        %run_scoped3A_82 = arith.constant 0 : i32
        "tpu.region"() ({
          %run_scoped3A_156 = tpu.sem_alloc : memref<!tpu.dma_semaphore, #tpu.memory_space<semaphore_mem>>
          %dma_start3A_157 = arith.constant 0 : i32
          %dma_start3A_158 = tpu.memref_slice %arg8[%run_scoped3A_82, %dma_start3A_157] : memref<3x128xi32, #tpu.memory_space<vmem>> -> memref<1x128xi32, #tpu.memory_space<vmem>>
          %dma_start3A_159 = tpu.memref_squeeze %dma_start3A_158 : memref<1x128xi32, #tpu.memory_space<vmem>> -> memref<128xi32, #tpu.memory_space<vmem>>
          %dma_start3A_160 = arith.constant 0 : i32
          %dma_start3A_161 = arith.constant 0 : i32
          %dma_start3A_162 = tpu.memref_slice %arg12[%dma_start3A_160, %dma_start3A_161] : memref<10112x128xf32, #tpu.memory_space<vmem_shared>> -> memref<10112x128xf32, #tpu.memory_space<vmem_shared>>
          tpu.enqueue_indirect_dma source(%arg9 : memref<128x128xf32, #tpu.memory_space<vmem>>) target(%dma_start3A_162 : memref<10112x128xf32, #tpu.memory_space<vmem_shared>>) offsets(%dma_start3A_159 : memref<128xi32, #tpu.memory_space<vmem>>) semaphore(%run_scoped3A_156 : memref<!tpu.dma_semaphore, #tpu.memory_space<semaphore_mem>>) {add = true}
          %dma_wait3A_163 = arith.constant 0 : i32
          %dma_wait3A_164 = tpu.memref_slice %arg8[%run_scoped3A_82, %dma_wait3A_163] : memref<3x128xi32, #tpu.memory_space<vmem>> -> memref<1x128xi32, #tpu.memory_space<vmem>>
          %dma_wait3A_165 = tpu.memref_squeeze %dma_wait3A_164 : memref<1x128xi32, #tpu.memory_space<vmem>> -> memref<128xi32, #tpu.memory_space<vmem>>
          %dma_wait3A_166 = arith.constant 0 : i32
          %dma_wait3A_167 = arith.constant 0 : i32
          %dma_wait3A_168 = tpu.memref_slice %arg12[%dma_wait3A_166, %dma_wait3A_167] : memref<10112x128xf32, #tpu.memory_space<vmem_shared>> -> memref<10112x128xf32, #tpu.memory_space<vmem_shared>>
          tpu.wait_indirect_dma semaphore(%run_scoped3A_156 : memref<!tpu.dma_semaphore, #tpu.memory_space<semaphore_mem>>) src(%arg9 : memref<128x128xf32, #tpu.memory_space<vmem>>) dst(%dma_wait3A_168 : memref<10112x128xf32, #tpu.memory_space<vmem_shared>>)
          tpu.yield
        }) : () -> ()
        %add3A_83 = arith.constant 1 : i32
        %add3A_84 = arith.addi %scan3A_74, %add3A_83 : i32
        %mul3A_85 = arith.constant 3 : i32
        %mul3A_86 = arith.muli %add3A_84, %mul3A_85 : i32
        %add3A_87 = arith.constant 0 : i32
        %add3A_88 = arith.addi %mul3A_86, %add3A_87 : i32
        %mul3A_89 = arith.constant 128 : i32
        %mul3A_90 = arith.muli %add3A_88, %mul3A_89 : i32
        %add3A_91 = arith.addi %mul3A_12, %mul3A_90 : i32
        %multiple_of3A_92 = tpu.assume_multiple %add3A_91, 128 : i32
        %run_scoped3A_93 = arith.constant 0 : i32
        "tpu.region"() ({
          %run_scoped3A_156 = tpu.sem_alloc : memref<!tpu.dma_semaphore, #tpu.memory_space<semaphore_mem>>
          %dma_start3A_157 = arith.constant 0 : i32
          %dma_start3A_158 = tpu.memref_slice %arg7[%run_scoped3A_93, %dma_start3A_157] : memref<3x128xi32, #tpu.memory_space<vmem>> -> memref<1x128xi32, #tpu.memory_space<vmem>>
          %dma_start3A_159 = tpu.memref_squeeze %dma_start3A_158 : memref<1x128xi32, #tpu.memory_space<vmem>> -> memref<128xi32, #tpu.memory_space<vmem>>
          %dma_start3A_160 = tpu.memref_slice %arg3[%multiple_of3A_92] : memref<323584xi32, #tpu.memory_space<hbm>> -> memref<128xi32, #tpu.memory_space<hbm>>
          %dma_start3A_161 = arith.constant 0 : i32
          %dma_start3A_162 = tpu.memref_slice %arg7[%run_scoped3A_93, %dma_start3A_161] : memref<3x128xi32, #tpu.memory_space<vmem>> -> memref<1x128xi32, #tpu.memory_space<vmem>>
          %dma_start3A_163 = tpu.memref_squeeze %dma_start3A_162 : memref<1x128xi32, #tpu.memory_space<vmem>> -> memref<128xi32, #tpu.memory_space<vmem>>
          %dma_start3A_164 = tpu.memref_slice %arg3[%multiple_of3A_92] : memref<323584xi32, #tpu.memory_space<hbm>> -> memref<128xi32, #tpu.memory_space<hbm>>
          tpu.enqueue_dma source(%dma_start3A_164 : memref<128xi32, #tpu.memory_space<hbm>>) target(%dma_start3A_163 : memref<128xi32, #tpu.memory_space<vmem>>) target_semaphore(%run_scoped3A_156 : memref<!tpu.dma_semaphore, #tpu.memory_space<semaphore_mem>>)
          %dma_wait3A_165 = arith.constant 0 : i32
          %dma_wait3A_166 = tpu.memref_slice %arg7[%run_scoped3A_93, %dma_wait3A_165] : memref<3x128xi32, #tpu.memory_space<vmem>> -> memref<1x128xi32, #tpu.memory_space<vmem>>
          %dma_wait3A_167 = tpu.memref_squeeze %dma_wait3A_166 : memref<1x128xi32, #tpu.memory_space<vmem>> -> memref<128xi32, #tpu.memory_space<vmem>>
          %dma_wait3A_168 = tpu.memref_slice %arg3[%multiple_of3A_92] : memref<323584xi32, #tpu.memory_space<hbm>> -> memref<128xi32, #tpu.memory_space<hbm>>
          %dma_wait3A_169 = arith.constant 0 : i32
          %dma_wait3A_170 = tpu.memref_slice %arg7[%run_scoped3A_93, %dma_wait3A_169] : memref<3x128xi32, #tpu.memory_space<vmem>> -> memref<1x128xi32, #tpu.memory_space<vmem>>
          %dma_wait3A_171 = tpu.memref_squeeze %dma_wait3A_170 : memref<1x128xi32, #tpu.memory_space<vmem>> -> memref<128xi32, #tpu.memory_space<vmem>>
          %dma_wait3A_172 = tpu.memref_slice %arg3[%multiple_of3A_92] : memref<323584xi32, #tpu.memory_space<hbm>> -> memref<128xi32, #tpu.memory_space<hbm>>
          tpu.wait_dma2 semaphore(%run_scoped3A_156 : memref<!tpu.dma_semaphore, #tpu.memory_space<semaphore_mem>>) src(%dma_wait3A_172 : memref<128xi32, #tpu.memory_space<hbm>>) dst(%dma_wait3A_171 : memref<128xi32, #tpu.memory_space<vmem>>)
          tpu.yield
        }) : () -> ()
        %dma_start3A_94 = arith.constant 0 : i32
        %dma_start3A_95 = arith.constant 0 : i32
        %dma_start3A_96 = tpu.memref_slice %arg7[%dma_start3A_94, %dma_start3A_95] : memref<3x128xi32, #tpu.memory_space<vmem>> -> memref<1x128xi32, #tpu.memory_space<vmem>>
        %dma_start3A_97 = tpu.memref_squeeze %dma_start3A_96 : memref<1x128xi32, #tpu.memory_space<vmem>> -> memref<128xi32, #tpu.memory_space<vmem>>
        %dma_start3A_98 = arith.constant 0 : i32
        %dma_start3A_99 = arith.constant 0 : i32
        %dma_start3A_100 = tpu.memref_slice %arg2[%dma_start3A_98, %dma_start3A_99] : memref<10000x128xf32, #tpu.memory_space<hbm>> -> memref<10000x128xf32, #tpu.memory_space<hbm>>
        tpu.enqueue_indirect_dma source(%dma_start3A_100 : memref<10000x128xf32, #tpu.memory_space<hbm>>) target(%arg9 : memref<128x128xf32, #tpu.memory_space<vmem>>) offsets(%dma_start3A_97 : memref<128xi32, #tpu.memory_space<vmem>>) semaphore(%arg13 : memref<!tpu.dma_semaphore, #tpu.memory_space<semaphore_mem>>)
        %run_scoped3A_101 = arith.constant 0 : i32
        "tpu.region"() ({
          %run_scoped3A_156 = tpu.sem_alloc : memref<!tpu.dma_semaphore, #tpu.memory_space<semaphore_mem>>
          %dma_start3A_157 = arith.constant 0 : i32
          %dma_start3A_158 = tpu.memref_slice %arg8[%run_scoped3A_101, %dma_start3A_157] : memref<3x128xi32, #tpu.memory_space<vmem>> -> memref<1x128xi32, #tpu.memory_space<vmem>>
          %dma_start3A_159 = tpu.memref_squeeze %dma_start3A_158 : memref<1x128xi32, #tpu.memory_space<vmem>> -> memref<128xi32, #tpu.memory_space<vmem>>
          %dma_start3A_160 = tpu.memref_slice %arg4[%multiple_of3A_92] : memref<323584xi32, #tpu.memory_space<hbm>> -> memref<128xi32, #tpu.memory_space<hbm>>
          %dma_start3A_161 = arith.constant 0 : i32
          %dma_start3A_162 = tpu.memref_slice %arg8[%run_scoped3A_101, %dma_start3A_161] : memref<3x128xi32, #tpu.memory_space<vmem>> -> memref<1x128xi32, #tpu.memory_space<vmem>>
          %dma_start3A_163 = tpu.memref_squeeze %dma_start3A_162 : memref<1x128xi32, #tpu.memory_space<vmem>> -> memref<128xi32, #tpu.memory_space<vmem>>
          %dma_start3A_164 = tpu.memref_slice %arg4[%multiple_of3A_92] : memref<323584xi32, #tpu.memory_space<hbm>> -> memref<128xi32, #tpu.memory_space<hbm>>
          tpu.enqueue_dma source(%dma_start3A_164 : memref<128xi32, #tpu.memory_space<hbm>>) target(%dma_start3A_163 : memref<128xi32, #tpu.memory_space<vmem>>) target_semaphore(%run_scoped3A_156 : memref<!tpu.dma_semaphore, #tpu.memory_space<semaphore_mem>>)
          %dma_wait3A_165 = arith.constant 0 : i32
          %dma_wait3A_166 = tpu.memref_slice %arg8[%run_scoped3A_101, %dma_wait3A_165] : memref<3x128xi32, #tpu.memory_space<vmem>> -> memref<1x128xi32, #tpu.memory_space<vmem>>
          %dma_wait3A_167 = tpu.memref_squeeze %dma_wait3A_166 : memref<1x128xi32, #tpu.memory_space<vmem>> -> memref<128xi32, #tpu.memory_space<vmem>>
          %dma_wait3A_168 = tpu.memref_slice %arg4[%multiple_of3A_92] : memref<323584xi32, #tpu.memory_space<hbm>> -> memref<128xi32, #tpu.memory_space<hbm>>
          %dma_wait3A_169 = arith.constant 0 : i32
          %dma_wait3A_170 = tpu.memref_slice %arg8[%run_scoped3A_101, %dma_wait3A_169] : memref<3x128xi32, #tpu.memory_space<vmem>> -> memref<1x128xi32, #tpu.memory_space<vmem>>
          %dma_wait3A_171 = tpu.memref_squeeze %dma_wait3A_170 : memref<1x128xi32, #tpu.memory_space<vmem>> -> memref<128xi32, #tpu.memory_space<vmem>>
          %dma_wait3A_172 = tpu.memref_slice %arg4[%multiple_of3A_92] : memref<323584xi32, #tpu.memory_space<hbm>> -> memref<128xi32, #tpu.memory_space<hbm>>
          tpu.wait_dma2 semaphore(%run_scoped3A_156 : memref<!tpu.dma_semaphore, #tpu.memory_space<semaphore_mem>>) src(%dma_wait3A_172 : memref<128xi32, #tpu.memory_space<hbm>>) dst(%dma_wait3A_171 : memref<128xi32, #tpu.memory_space<vmem>>)
          tpu.yield
        }) : () -> ()
        %dma_wait3A_102 = arith.constant 1 : i32
        %dma_wait3A_103 = arith.constant 0 : i32
        %dma_wait3A_104 = tpu.memref_slice %arg7[%dma_wait3A_102, %dma_wait3A_103] : memref<3x128xi32, #tpu.memory_space<vmem>> -> memref<1x128xi32, #tpu.memory_space<vmem>>
        %dma_wait3A_105 = tpu.memref_squeeze %dma_wait3A_104 : memref<1x128xi32, #tpu.memory_space<vmem>> -> memref<128xi32, #tpu.memory_space<vmem>>
        %dma_wait3A_106 = arith.constant 0 : i32
        %dma_wait3A_107 = arith.constant 0 : i32
        %dma_wait3A_108 = tpu.memref_slice %arg2[%dma_wait3A_106, %dma_wait3A_107] : memref<10000x128xf32, #tpu.memory_space<hbm>> -> memref<10000x128xf32, #tpu.memory_space<hbm>>
        tpu.wait_indirect_dma semaphore(%arg14 : memref<!tpu.dma_semaphore, #tpu.memory_space<semaphore_mem>>) src(%dma_wait3A_108 : memref<10000x128xf32, #tpu.memory_space<hbm>>) dst(%arg10 : memref<128x128xf32, #tpu.memory_space<vmem>>)
        %run_scoped3A_109 = arith.constant 1 : i32
        "tpu.region"() ({
          %run_scoped3A_156 = tpu.sem_alloc : memref<!tpu.dma_semaphore, #tpu.memory_space<semaphore_mem>>
          %dma_start3A_157 = arith.constant 0 : i32
          %dma_start3A_158 = tpu.memref_slice %arg8[%run_scoped3A_109, %dma_start3A_157] : memref<3x128xi32, #tpu.memory_space<vmem>> -> memref<1x128xi32, #tpu.memory_space<vmem>>
          %dma_start3A_159 = tpu.memref_squeeze %dma_start3A_158 : memref<1x128xi32, #tpu.memory_space<vmem>> -> memref<128xi32, #tpu.memory_space<vmem>>
          %dma_start3A_160 = arith.constant 0 : i32
          %dma_start3A_161 = arith.constant 0 : i32
          %dma_start3A_162 = tpu.memref_slice %arg12[%dma_start3A_160, %dma_start3A_161] : memref<10112x128xf32, #tpu.memory_space<vmem_shared>> -> memref<10112x128xf32, #tpu.memory_space<vmem_shared>>
          tpu.enqueue_indirect_dma source(%arg10 : memref<128x128xf32, #tpu.memory_space<vmem>>) target(%dma_start3A_162 : memref<10112x128xf32, #tpu.memory_space<vmem_shared>>) offsets(%dma_start3A_159 : memref<128xi32, #tpu.memory_space<vmem>>) semaphore(%run_scoped3A_156 : memref<!tpu.dma_semaphore, #tpu.memory_space<semaphore_mem>>) {add = true}
          %dma_wait3A_163 = arith.constant 0 : i32
          %dma_wait3A_164 = tpu.memref_slice %arg8[%run_scoped3A_109, %dma_wait3A_163] : memref<3x128xi32, #tpu.memory_space<vmem>> -> memref<1x128xi32, #tpu.memory_space<vmem>>
          %dma_wait3A_165 = tpu.memref_squeeze %dma_wait3A_164 : memref<1x128xi32, #tpu.memory_space<vmem>> -> memref<128xi32, #tpu.memory_space<vmem>>
          %dma_wait3A_166 = arith.constant 0 : i32
          %dma_wait3A_167 = arith.constant 0 : i32
          %dma_wait3A_168 = tpu.memref_slice %arg12[%dma_wait3A_166, %dma_wait3A_167] : memref<10112x128xf32, #tpu.memory_space<vmem_shared>> -> memref<10112x128xf32, #tpu.memory_space<vmem_shared>>
          tpu.wait_indirect_dma semaphore(%run_scoped3A_156 : memref<!tpu.dma_semaphore, #tpu.memory_space<semaphore_mem>>) src(%arg10 : memref<128x128xf32, #tpu.memory_space<vmem>>) dst(%dma_wait3A_168 : memref<10112x128xf32, #tpu.memory_space<vmem_shared>>)
          tpu.yield
        }) : () -> ()
        %add3A_110 = arith.constant 1 : i32
        %add3A_111 = arith.addi %scan3A_74, %add3A_110 : i32
        %mul3A_112 = arith.constant 3 : i32
        %mul3A_113 = arith.muli %add3A_111, %mul3A_112 : i32
        %add3A_114 = arith.constant 1 : i32
        %add3A_115 = arith.addi %mul3A_113, %add3A_114 : i32
        %mul3A_116 = arith.constant 128 : i32
        %mul3A_117 = arith.muli %add3A_115, %mul3A_116 : i32
        %add3A_118 = arith.addi %mul3A_12, %mul3A_117 : i32
        %multiple_of3A_119 = tpu.assume_multiple %add3A_118, 128 : i32
        %run_scoped3A_120 = arith.constant 1 : i32
        "tpu.region"() ({
          %run_scoped3A_156 = tpu.sem_alloc : memref<!tpu.dma_semaphore, #tpu.memory_space<semaphore_mem>>
          %dma_start3A_157 = arith.constant 0 : i32
          %dma_start3A_158 = tpu.memref_slice %arg7[%run_scoped3A_120, %dma_start3A_157] : memref<3x128xi32, #tpu.memory_space<vmem>> -> memref<1x128xi32, #tpu.memory_space<vmem>>
          %dma_start3A_159 = tpu.memref_squeeze %dma_start3A_158 : memref<1x128xi32, #tpu.memory_space<vmem>> -> memref<128xi32, #tpu.memory_space<vmem>>
          %dma_start3A_160 = tpu.memref_slice %arg3[%multiple_of3A_119] : memref<323584xi32, #tpu.memory_space<hbm>> -> memref<128xi32, #tpu.memory_space<hbm>>
          %dma_start3A_161 = arith.constant 0 : i32
          %dma_start3A_162 = tpu.memref_slice %arg7[%run_scoped3A_120, %dma_start3A_161] : memref<3x128xi32, #tpu.memory_space<vmem>> -> memref<1x128xi32, #tpu.memory_space<vmem>>
          %dma_start3A_163 = tpu.memref_squeeze %dma_start3A_162 : memref<1x128xi32, #tpu.memory_space<vmem>> -> memref<128xi32, #tpu.memory_space<vmem>>
          %dma_start3A_164 = tpu.memref_slice %arg3[%multiple_of3A_119] : memref<323584xi32, #tpu.memory_space<hbm>> -> memref<128xi32, #tpu.memory_space<hbm>>
          tpu.enqueue_dma source(%dma_start3A_164 : memref<128xi32, #tpu.memory_space<hbm>>) target(%dma_start3A_163 : memref<128xi32, #tpu.memory_space<vmem>>) target_semaphore(%run_scoped3A_156 : memref<!tpu.dma_semaphore, #tpu.memory_space<semaphore_mem>>)
          %dma_wait3A_165 = arith.constant 0 : i32
          %dma_wait3A_166 = tpu.memref_slice %arg7[%run_scoped3A_120, %dma_wait3A_165] : memref<3x128xi32, #tpu.memory_space<vmem>> -> memref<1x128xi32, #tpu.memory_space<vmem>>
          %dma_wait3A_167 = tpu.memref_squeeze %dma_wait3A_166 : memref<1x128xi32, #tpu.memory_space<vmem>> -> memref<128xi32, #tpu.memory_space<vmem>>
          %dma_wait3A_168 = tpu.memref_slice %arg3[%multiple_of3A_119] : memref<323584xi32, #tpu.memory_space<hbm>> -> memref<128xi32, #tpu.memory_space<hbm>>
          %dma_wait3A_169 = arith.constant 0 : i32
          %dma_wait3A_170 = tpu.memref_slice %arg7[%run_scoped3A_120, %dma_wait3A_169] : memref<3x128xi32, #tpu.memory_space<vmem>> -> memref<1x128xi32, #tpu.memory_space<vmem>>
          %dma_wait3A_171 = tpu.memref_squeeze %dma_wait3A_170 : memref<1x128xi32, #tpu.memory_space<vmem>> -> memref<128xi32, #tpu.memory_space<vmem>>
          %dma_wait3A_172 = tpu.memref_slice %arg3[%multiple_of3A_119] : memref<323584xi32, #tpu.memory_space<hbm>> -> memref<128xi32, #tpu.memory_space<hbm>>
          tpu.wait_dma2 semaphore(%run_scoped3A_156 : memref<!tpu.dma_semaphore, #tpu.memory_space<semaphore_mem>>) src(%dma_wait3A_172 : memref<128xi32, #tpu.memory_space<hbm>>) dst(%dma_wait3A_171 : memref<128xi32, #tpu.memory_space<vmem>>)
          tpu.yield
        }) : () -> ()
        %dma_start3A_121 = arith.constant 1 : i32
        %dma_start3A_122 = arith.constant 0 : i32
        %dma_start3A_123 = tpu.memref_slice %arg7[%dma_start3A_121, %dma_start3A_122] : memref<3x128xi32, #tpu.memory_space<vmem>> -> memref<1x128xi32, #tpu.memory_space<vmem>>
        %dma_start3A_124 = tpu.memref_squeeze %dma_start3A_123 : memref<1x128xi32, #tpu.memory_space<vmem>> -> memref<128xi32, #tpu.memory_space<vmem>>
        %dma_start3A_125 = arith.constant 0 : i32
        %dma_start3A_126 = arith.constant 0 : i32
        %dma_start3A_127 = tpu.memref_slice %arg2[%dma_start3A_125, %dma_start3A_126] : memref<10000x128xf32, #tpu.memory_space<hbm>> -> memref<10000x128xf32, #tpu.memory_space<hbm>>
        tpu.enqueue_indirect_dma source(%dma_start3A_127 : memref<10000x128xf32, #tpu.memory_space<hbm>>) target(%arg10 : memref<128x128xf32, #tpu.memory_space<vmem>>) offsets(%dma_start3A_124 : memref<128xi32, #tpu.memory_space<vmem>>) semaphore(%arg14 : memref<!tpu.dma_semaphore, #tpu.memory_space<semaphore_mem>>)
        %run_scoped3A_128 = arith.constant 1 : i32
        "tpu.region"() ({
          %run_scoped3A_156 = tpu.sem_alloc : memref<!tpu.dma_semaphore, #tpu.memory_space<semaphore_mem>>
          %dma_start3A_157 = arith.constant 0 : i32
          %dma_start3A_158 = tpu.memref_slice %arg8[%run_scoped3A_128, %dma_start3A_157] : memref<3x128xi32, #tpu.memory_space<vmem>> -> memref<1x128xi32, #tpu.memory_space<vmem>>
          %dma_start3A_159 = tpu.memref_squeeze %dma_start3A_158 : memref<1x128xi32, #tpu.memory_space<vmem>> -> memref<128xi32, #tpu.memory_space<vmem>>
          %dma_start3A_160 = tpu.memref_slice %arg4[%multiple_of3A_119] : memref<323584xi32, #tpu.memory_space<hbm>> -> memref<128xi32, #tpu.memory_space<hbm>>
          %dma_start3A_161 = arith.constant 0 : i32
          %dma_start3A_162 = tpu.memref_slice %arg8[%run_scoped3A_128, %dma_start3A_161] : memref<3x128xi32, #tpu.memory_space<vmem>> -> memref<1x128xi32, #tpu.memory_space<vmem>>
          %dma_start3A_163 = tpu.memref_squeeze %dma_start3A_162 : memref<1x128xi32, #tpu.memory_space<vmem>> -> memref<128xi32, #tpu.memory_space<vmem>>
          %dma_start3A_164 = tpu.memref_slice %arg4[%multiple_of3A_119] : memref<323584xi32, #tpu.memory_space<hbm>> -> memref<128xi32, #tpu.memory_space<hbm>>
          tpu.enqueue_dma source(%dma_start3A_164 : memref<128xi32, #tpu.memory_space<hbm>>) target(%dma_start3A_163 : memref<128xi32, #tpu.memory_space<vmem>>) target_semaphore(%run_scoped3A_156 : memref<!tpu.dma_semaphore, #tpu.memory_space<semaphore_mem>>)
          %dma_wait3A_165 = arith.constant 0 : i32
          %dma_wait3A_166 = tpu.memref_slice %arg8[%run_scoped3A_128, %dma_wait3A_165] : memref<3x128xi32, #tpu.memory_space<vmem>> -> memref<1x128xi32, #tpu.memory_space<vmem>>
          %dma_wait3A_167 = tpu.memref_squeeze %dma_wait3A_166 : memref<1x128xi32, #tpu.memory_space<vmem>> -> memref<128xi32, #tpu.memory_space<vmem>>
          %dma_wait3A_168 = tpu.memref_slice %arg4[%multiple_of3A_119] : memref<323584xi32, #tpu.memory_space<hbm>> -> memref<128xi32, #tpu.memory_space<hbm>>
          %dma_wait3A_169 = arith.constant 0 : i32
          %dma_wait3A_170 = tpu.memref_slice %arg8[%run_scoped3A_128, %dma_wait3A_169] : memref<3x128xi32, #tpu.memory_space<vmem>> -> memref<1x128xi32, #tpu.memory_space<vmem>>
          %dma_wait3A_171 = tpu.memref_squeeze %dma_wait3A_170 : memref<1x128xi32, #tpu.memory_space<vmem>> -> memref<128xi32, #tpu.memory_space<vmem>>
          %dma_wait3A_172 = tpu.memref_slice %arg4[%multiple_of3A_119] : memref<323584xi32, #tpu.memory_space<hbm>> -> memref<128xi32, #tpu.memory_space<hbm>>
          tpu.wait_dma2 semaphore(%run_scoped3A_156 : memref<!tpu.dma_semaphore, #tpu.memory_space<semaphore_mem>>) src(%dma_wait3A_172 : memref<128xi32, #tpu.memory_space<hbm>>) dst(%dma_wait3A_171 : memref<128xi32, #tpu.memory_space<vmem>>)
          tpu.yield
        }) : () -> ()
        %dma_wait3A_129 = arith.constant 2 : i32
        %dma_wait3A_130 = arith.constant 0 : i32
        %dma_wait3A_131 = tpu.memref_slice %arg7[%dma_wait3A_129, %dma_wait3A_130] : memref<3x128xi32, #tpu.memory_space<vmem>> -> memref<1x128xi32, #tpu.memory_space<vmem>>
        %dma_wait3A_132 = tpu.memref_squeeze %dma_wait3A_131 : memref<1x128xi32, #tpu.memory_space<vmem>> -> memref<128xi32, #tpu.memory_space<vmem>>
        %dma_wait3A_133 = arith.constant 0 : i32
        %dma_wait3A_134 = arith.constant 0 : i32
        %dma_wait3A_135 = tpu.memref_slice %arg2[%dma_wait3A_133, %dma_wait3A_134] : memref<10000x128xf32, #tpu.memory_space<hbm>> -> memref<10000x128xf32, #tpu.memory_space<hbm>>
        tpu.wait_indirect_dma semaphore(%arg15 : memref<!tpu.dma_semaphore, #tpu.memory_space<semaphore_mem>>) src(%dma_wait3A_135 : memref<10000x128xf32, #tpu.memory_space<hbm>>) dst(%arg11 : memref<128x128xf32, #tpu.memory_space<vmem>>)
        %run_scoped3A_136 = arith.constant 2 : i32
        "tpu.region"() ({
          %run_scoped3A_156 = tpu.sem_alloc : memref<!tpu.dma_semaphore, #tpu.memory_space<semaphore_mem>>
          %dma_start3A_157 = arith.constant 0 : i32
          %dma_start3A_158 = tpu.memref_slice %arg8[%run_scoped3A_136, %dma_start3A_157] : memref<3x128xi32, #tpu.memory_space<vmem>> -> memref<1x128xi32, #tpu.memory_space<vmem>>
          %dma_start3A_159 = tpu.memref_squeeze %dma_start3A_158 : memref<1x128xi32, #tpu.memory_space<vmem>> -> memref<128xi32, #tpu.memory_space<vmem>>
          %dma_start3A_160 = arith.constant 0 : i32
          %dma_start3A_161 = arith.constant 0 : i32
          %dma_start3A_162 = tpu.memref_slice %arg12[%dma_start3A_160, %dma_start3A_161] : memref<10112x128xf32, #tpu.memory_space<vmem_shared>> -> memref<10112x128xf32, #tpu.memory_space<vmem_shared>>
          tpu.enqueue_indirect_dma source(%arg11 : memref<128x128xf32, #tpu.memory_space<vmem>>) target(%dma_start3A_162 : memref<10112x128xf32, #tpu.memory_space<vmem_shared>>) offsets(%dma_start3A_159 : memref<128xi32, #tpu.memory_space<vmem>>) semaphore(%run_scoped3A_156 : memref<!tpu.dma_semaphore, #tpu.memory_space<semaphore_mem>>) {add = true}
          %dma_wait3A_163 = arith.constant 0 : i32
          %dma_wait3A_164 = tpu.memref_slice %arg8[%run_scoped3A_136, %dma_wait3A_163] : memref<3x128xi32, #tpu.memory_space<vmem>> -> memref<1x128xi32, #tpu.memory_space<vmem>>
          %dma_wait3A_165 = tpu.memref_squeeze %dma_wait3A_164 : memref<1x128xi32, #tpu.memory_space<vmem>> -> memref<128xi32, #tpu.memory_space<vmem>>
          %dma_wait3A_166 = arith.constant 0 : i32
          %dma_wait3A_167 = arith.constant 0 : i32
          %dma_wait3A_168 = tpu.memref_slice %arg12[%dma_wait3A_166, %dma_wait3A_167] : memref<10112x128xf32, #tpu.memory_space<vmem_shared>> -> memref<10112x128xf32, #tpu.memory_space<vmem_shared>>
          tpu.wait_indirect_dma semaphore(%run_scoped3A_156 : memref<!tpu.dma_semaphore, #tpu.memory_space<semaphore_mem>>) src(%arg11 : memref<128x128xf32, #tpu.memory_space<vmem>>) dst(%dma_wait3A_168 : memref<10112x128xf32, #tpu.memory_space<vmem_shared>>)
          tpu.yield
        }) : () -> ()
        %add3A_137 = arith.constant 1 : i32
        %add3A_138 = arith.addi %scan3A_74, %add3A_137 : i32
        %mul3A_139 = arith.constant 3 : i32
        %mul3A_140 = arith.muli %add3A_138, %mul3A_139 : i32
        %add3A_141 = arith.constant 2 : i32
        %add3A_142 = arith.addi %mul3A_140, %add3A_141 : i32
        %mul3A_143 = arith.constant 128 : i32
        %mul3A_144 = arith.muli %add3A_142, %mul3A_143 : i32
        %add3A_145 = arith.addi %mul3A_12, %mul3A_144 : i32
        %multiple_of3A_146 = tpu.assume_multiple %add3A_145, 128 : i32
        %run_scoped3A_147 = arith.constant 2 : i32
        "tpu.region"() ({
          %run_scoped3A_156 = tpu.sem_alloc : memref<!tpu.dma_semaphore, #tpu.memory_space<semaphore_mem>>
          %dma_start3A_157 = arith.constant 0 : i32
          %dma_start3A_158 = tpu.memref_slice %arg7[%run_scoped3A_147, %dma_start3A_157] : memref<3x128xi32, #tpu.memory_space<vmem>> -> memref<1x128xi32, #tpu.memory_space<vmem>>
          %dma_start3A_159 = tpu.memref_squeeze %dma_start3A_158 : memref<1x128xi32, #tpu.memory_space<vmem>> -> memref<128xi32, #tpu.memory_space<vmem>>
          %dma_start3A_160 = tpu.memref_slice %arg3[%multiple_of3A_146] : memref<323584xi32, #tpu.memory_space<hbm>> -> memref<128xi32, #tpu.memory_space<hbm>>
          %dma_start3A_161 = arith.constant 0 : i32
          %dma_start3A_162 = tpu.memref_slice %arg7[%run_scoped3A_147, %dma_start3A_161] : memref<3x128xi32, #tpu.memory_space<vmem>> -> memref<1x128xi32, #tpu.memory_space<vmem>>
          %dma_start3A_163 = tpu.memref_squeeze %dma_start3A_162 : memref<1x128xi32, #tpu.memory_space<vmem>> -> memref<128xi32, #tpu.memory_space<vmem>>
          %dma_start3A_164 = tpu.memref_slice %arg3[%multiple_of3A_146] : memref<323584xi32, #tpu.memory_space<hbm>> -> memref<128xi32, #tpu.memory_space<hbm>>
          tpu.enqueue_dma source(%dma_start3A_164 : memref<128xi32, #tpu.memory_space<hbm>>) target(%dma_start3A_163 : memref<128xi32, #tpu.memory_space<vmem>>) target_semaphore(%run_scoped3A_156 : memref<!tpu.dma_semaphore, #tpu.memory_space<semaphore_mem>>)
          %dma_wait3A_165 = arith.constant 0 : i32
          %dma_wait3A_166 = tpu.memref_slice %arg7[%run_scoped3A_147, %dma_wait3A_165] : memref<3x128xi32, #tpu.memory_space<vmem>> -> memref<1x128xi32, #tpu.memory_space<vmem>>
          %dma_wait3A_167 = tpu.memref_squeeze %dma_wait3A_166 : memref<1x128xi32, #tpu.memory_space<vmem>> -> memref<128xi32, #tpu.memory_space<vmem>>
          %dma_wait3A_168 = tpu.memref_slice %arg3[%multiple_of3A_146] : memref<323584xi32, #tpu.memory_space<hbm>> -> memref<128xi32, #tpu.memory_space<hbm>>
          %dma_wait3A_169 = arith.constant 0 : i32
          %dma_wait3A_170 = tpu.memref_slice %arg7[%run_scoped3A_147, %dma_wait3A_169] : memref<3x128xi32, #tpu.memory_space<vmem>> -> memref<1x128xi32, #tpu.memory_space<vmem>>
          %dma_wait3A_171 = tpu.memref_squeeze %dma_wait3A_170 : memref<1x128xi32, #tpu.memory_space<vmem>> -> memref<128xi32, #tpu.memory_space<vmem>>
          %dma_wait3A_172 = tpu.memref_slice %arg3[%multiple_of3A_146] : memref<323584xi32, #tpu.memory_space<hbm>> -> memref<128xi32, #tpu.memory_space<hbm>>
          tpu.wait_dma2 semaphore(%run_scoped3A_156 : memref<!tpu.dma_semaphore, #tpu.memory_space<semaphore_mem>>) src(%dma_wait3A_172 : memref<128xi32, #tpu.memory_space<hbm>>) dst(%dma_wait3A_171 : memref<128xi32, #tpu.memory_space<vmem>>)
          tpu.yield
        }) : () -> ()
        %dma_start3A_148 = arith.constant 2 : i32
        %dma_start3A_149 = arith.constant 0 : i32
        %dma_start3A_150 = tpu.memref_slice %arg7[%dma_start3A_148, %dma_start3A_149] : memref<3x128xi32, #tpu.memory_space<vmem>> -> memref<1x128xi32, #tpu.memory_space<vmem>>
        %dma_start3A_151 = tpu.memref_squeeze %dma_start3A_150 : memref<1x128xi32, #tpu.memory_space<vmem>> -> memref<128xi32, #tpu.memory_space<vmem>>
        %dma_start3A_152 = arith.constant 0 : i32
        %dma_start3A_153 = arith.constant 0 : i32
        %dma_start3A_154 = tpu.memref_slice %arg2[%dma_start3A_152, %dma_start3A_153] : memref<10000x128xf32, #tpu.memory_space<hbm>> -> memref<10000x128xf32, #tpu.memory_space<hbm>>
        tpu.enqueue_indirect_dma source(%dma_start3A_154 : memref<10000x128xf32, #tpu.memory_space<hbm>>) target(%arg11 : memref<128x128xf32, #tpu.memory_space<vmem>>) offsets(%dma_start3A_151 : memref<128xi32, #tpu.memory_space<vmem>>) semaphore(%arg15 : memref<!tpu.dma_semaphore, #tpu.memory_space<semaphore_mem>>)
        %run_scoped3A_155 = arith.constant 2 : i32
        "tpu.region"() ({
          %run_scoped3A_156 = tpu.sem_alloc : memref<!tpu.dma_semaphore, #tpu.memory_space<semaphore_mem>>
          %dma_start3A_157 = arith.constant 0 : i32
          %dma_start3A_158 = tpu.memref_slice %arg8[%run_scoped3A_155, %dma_start3A_157] : memref<3x128xi32, #tpu.memory_space<vmem>> -> memref<1x128xi32, #tpu.memory_space<vmem>>
          %dma_start3A_159 = tpu.memref_squeeze %dma_start3A_158 : memref<1x128xi32, #tpu.memory_space<vmem>> -> memref<128xi32, #tpu.memory_space<vmem>>
          %dma_start3A_160 = tpu.memref_slice %arg4[%multiple_of3A_146] : memref<323584xi32, #tpu.memory_space<hbm>> -> memref<128xi32, #tpu.memory_space<hbm>>
          %dma_start3A_161 = arith.constant 0 : i32
          %dma_start3A_162 = tpu.memref_slice %arg8[%run_scoped3A_155, %dma_start3A_161] : memref<3x128xi32, #tpu.memory_space<vmem>> -> memref<1x128xi32, #tpu.memory_space<vmem>>
          %dma_start3A_163 = tpu.memref_squeeze %dma_start3A_162 : memref<1x128xi32, #tpu.memory_space<vmem>> -> memref<128xi32, #tpu.memory_space<vmem>>
          %dma_start3A_164 = tpu.memref_slice %arg4[%multiple_of3A_146] : memref<323584xi32, #tpu.memory_space<hbm>> -> memref<128xi32, #tpu.memory_space<hbm>>
          tpu.enqueue_dma source(%dma_start3A_164 : memref<128xi32, #tpu.memory_space<hbm>>) target(%dma_start3A_163 : memref<128xi32, #tpu.memory_space<vmem>>) target_semaphore(%run_scoped3A_156 : memref<!tpu.dma_semaphore, #tpu.memory_space<semaphore_mem>>)
          %dma_wait3A_165 = arith.constant 0 : i32
          %dma_wait3A_166 = tpu.memref_slice %arg8[%run_scoped3A_155, %dma_wait3A_165] : memref<3x128xi32, #tpu.memory_space<vmem>> -> memref<1x128xi32, #tpu.memory_space<vmem>>
          %dma_wait3A_167 = tpu.memref_squeeze %dma_wait3A_166 : memref<1x128xi32, #tpu.memory_space<vmem>> -> memref<128xi32, #tpu.memory_space<vmem>>
          %dma_wait3A_168 = tpu.memref_slice %arg4[%multiple_of3A_146] : memref<323584xi32, #tpu.memory_space<hbm>> -> memref<128xi32, #tpu.memory_space<hbm>>
          %dma_wait3A_169 = arith.constant 0 : i32
          %dma_wait3A_170 = tpu.memref_slice %arg8[%run_scoped3A_155, %dma_wait3A_169] : memref<3x128xi32, #tpu.memory_space<vmem>> -> memref<1x128xi32, #tpu.memory_space<vmem>>
          %dma_wait3A_171 = tpu.memref_squeeze %dma_wait3A_170 : memref<1x128xi32, #tpu.memory_space<vmem>> -> memref<128xi32, #tpu.memory_space<vmem>>
          %dma_wait3A_172 = tpu.memref_slice %arg4[%multiple_of3A_146] : memref<323584xi32, #tpu.memory_space<hbm>> -> memref<128xi32, #tpu.memory_space<hbm>>
          tpu.wait_dma2 semaphore(%run_scoped3A_156 : memref<!tpu.dma_semaphore, #tpu.memory_space<semaphore_mem>>) src(%dma_wait3A_172 : memref<128xi32, #tpu.memory_space<hbm>>) dst(%dma_wait3A_171 : memref<128xi32, #tpu.memory_space<vmem>>)
          tpu.yield
        }) : () -> ()
      }
      %scan3A_50 = arith.constant 39 : i32
      %dma_wait3A = arith.constant 0 : i32
      %dma_wait3A_51 = arith.constant 0 : i32
      %dma_wait3A_52 = tpu.memref_slice %arg7[%dma_wait3A, %dma_wait3A_51] : memref<3x128xi32, #tpu.memory_space<vmem>> -> memref<1x128xi32, #tpu.memory_space<vmem>>
      %dma_wait3A_53 = tpu.memref_squeeze %dma_wait3A_52 : memref<1x128xi32, #tpu.memory_space<vmem>> -> memref<128xi32, #tpu.memory_space<vmem>>
      %dma_wait3A_54 = arith.constant 0 : i32
      %dma_wait3A_55 = arith.constant 0 : i32
      %dma_wait3A_56 = tpu.memref_slice %arg2[%dma_wait3A_54, %dma_wait3A_55] : memref<10000x128xf32, #tpu.memory_space<hbm>> -> memref<10000x128xf32, #tpu.memory_space<hbm>>
      tpu.wait_indirect_dma semaphore(%arg13 : memref<!tpu.dma_semaphore, #tpu.memory_space<semaphore_mem>>) src(%dma_wait3A_56 : memref<10000x128xf32, #tpu.memory_space<hbm>>) dst(%arg9 : memref<128x128xf32, #tpu.memory_space<vmem>>)
      %run_scoped3A_57 = arith.constant 0 : i32
      "tpu.region"() ({
        %run_scoped3A_74 = tpu.sem_alloc : memref<!tpu.dma_semaphore, #tpu.memory_space<semaphore_mem>>
        %dma_start3A_75 = arith.constant 0 : i32
        %dma_start3A_76 = tpu.memref_slice %arg8[%run_scoped3A_57, %dma_start3A_75] : memref<3x128xi32, #tpu.memory_space<vmem>> -> memref<1x128xi32, #tpu.memory_space<vmem>>
        %dma_start3A_77 = tpu.memref_squeeze %dma_start3A_76 : memref<1x128xi32, #tpu.memory_space<vmem>> -> memref<128xi32, #tpu.memory_space<vmem>>
        %dma_start3A_78 = arith.constant 0 : i32
        %dma_start3A_79 = arith.constant 0 : i32
        %dma_start3A_80 = tpu.memref_slice %arg12[%dma_start3A_78, %dma_start3A_79] : memref<10112x128xf32, #tpu.memory_space<vmem_shared>> -> memref<10112x128xf32, #tpu.memory_space<vmem_shared>>
        tpu.enqueue_indirect_dma source(%arg9 : memref<128x128xf32, #tpu.memory_space<vmem>>) target(%dma_start3A_80 : memref<10112x128xf32, #tpu.memory_space<vmem_shared>>) offsets(%dma_start3A_77 : memref<128xi32, #tpu.memory_space<vmem>>) semaphore(%run_scoped3A_74 : memref<!tpu.dma_semaphore, #tpu.memory_space<semaphore_mem>>) {add = true}
        %dma_wait3A_81 = arith.constant 0 : i32
        %dma_wait3A_82 = tpu.memref_slice %arg8[%run_scoped3A_57, %dma_wait3A_81] : memref<3x128xi32, #tpu.memory_space<vmem>> -> memref<1x128xi32, #tpu.memory_space<vmem>>
        %dma_wait3A_83 = tpu.memref_squeeze %dma_wait3A_82 : memref<1x128xi32, #tpu.memory_space<vmem>> -> memref<128xi32, #tpu.memory_space<vmem>>
        %dma_wait3A_84 = arith.constant 0 : i32
        %dma_wait3A_85 = arith.constant 0 : i32
        %dma_wait3A_86 = tpu.memref_slice %arg12[%dma_wait3A_84, %dma_wait3A_85] : memref<10112x128xf32, #tpu.memory_space<vmem_shared>> -> memref<10112x128xf32, #tpu.memory_space<vmem_shared>>
        tpu.wait_indirect_dma semaphore(%run_scoped3A_74 : memref<!tpu.dma_semaphore, #tpu.memory_space<semaphore_mem>>) src(%arg9 : memref<128x128xf32, #tpu.memory_space<vmem>>) dst(%dma_wait3A_86 : memref<10112x128xf32, #tpu.memory_space<vmem_shared>>)
        tpu.yield
      }) : () -> ()
      %dma_wait3A_58 = arith.constant 1 : i32
      %dma_wait3A_59 = arith.constant 0 : i32
      %dma_wait3A_60 = tpu.memref_slice %arg7[%dma_wait3A_58, %dma_wait3A_59] : memref<3x128xi32, #tpu.memory_space<vmem>> -> memref<1x128xi32, #tpu.memory_space<vmem>>
      %dma_wait3A_61 = tpu.memref_squeeze %dma_wait3A_60 : memref<1x128xi32, #tpu.memory_space<vmem>> -> memref<128xi32, #tpu.memory_space<vmem>>
      %dma_wait3A_62 = arith.constant 0 : i32
      %dma_wait3A_63 = arith.constant 0 : i32
      %dma_wait3A_64 = tpu.memref_slice %arg2[%dma_wait3A_62, %dma_wait3A_63] : memref<10000x128xf32, #tpu.memory_space<hbm>> -> memref<10000x128xf32, #tpu.memory_space<hbm>>
      tpu.wait_indirect_dma semaphore(%arg14 : memref<!tpu.dma_semaphore, #tpu.memory_space<semaphore_mem>>) src(%dma_wait3A_64 : memref<10000x128xf32, #tpu.memory_space<hbm>>) dst(%arg10 : memref<128x128xf32, #tpu.memory_space<vmem>>)
      %run_scoped3A_65 = arith.constant 1 : i32
      "tpu.region"() ({
        %run_scoped3A_74 = tpu.sem_alloc : memref<!tpu.dma_semaphore, #tpu.memory_space<semaphore_mem>>
        %dma_start3A_75 = arith.constant 0 : i32
        %dma_start3A_76 = tpu.memref_slice %arg8[%run_scoped3A_65, %dma_start3A_75] : memref<3x128xi32, #tpu.memory_space<vmem>> -> memref<1x128xi32, #tpu.memory_space<vmem>>
        %dma_start3A_77 = tpu.memref_squeeze %dma_start3A_76 : memref<1x128xi32, #tpu.memory_space<vmem>> -> memref<128xi32, #tpu.memory_space<vmem>>
        %dma_start3A_78 = arith.constant 0 : i32
        %dma_start3A_79 = arith.constant 0 : i32
        %dma_start3A_80 = tpu.memref_slice %arg12[%dma_start3A_78, %dma_start3A_79] : memref<10112x128xf32, #tpu.memory_space<vmem_shared>> -> memref<10112x128xf32, #tpu.memory_space<vmem_shared>>
        tpu.enqueue_indirect_dma source(%arg10 : memref<128x128xf32, #tpu.memory_space<vmem>>) target(%dma_start3A_80 : memref<10112x128xf32, #tpu.memory_space<vmem_shared>>) offsets(%dma_start3A_77 : memref<128xi32, #tpu.memory_space<vmem>>) semaphore(%run_scoped3A_74 : memref<!tpu.dma_semaphore, #tpu.memory_space<semaphore_mem>>) {add = true}
        %dma_wait3A_81 = arith.constant 0 : i32
        %dma_wait3A_82 = tpu.memref_slice %arg8[%run_scoped3A_65, %dma_wait3A_81] : memref<3x128xi32, #tpu.memory_space<vmem>> -> memref<1x128xi32, #tpu.memory_space<vmem>>
        %dma_wait3A_83 = tpu.memref_squeeze %dma_wait3A_82 : memref<1x128xi32, #tpu.memory_space<vmem>> -> memref<128xi32, #tpu.memory_space<vmem>>
        %dma_wait3A_84 = arith.constant 0 : i32
        %dma_wait3A_85 = arith.constant 0 : i32
        %dma_wait3A_86 = tpu.memref_slice %arg12[%dma_wait3A_84, %dma_wait3A_85] : memref<10112x128xf32, #tpu.memory_space<vmem_shared>> -> memref<10112x128xf32, #tpu.memory_space<vmem_shared>>
        tpu.wait_indirect_dma semaphore(%run_scoped3A_74 : memref<!tpu.dma_semaphore, #tpu.memory_space<semaphore_mem>>) src(%arg10 : memref<128x128xf32, #tpu.memory_space<vmem>>) dst(%dma_wait3A_86 : memref<10112x128xf32, #tpu.memory_space<vmem_shared>>)
        tpu.yield
      }) : () -> ()
      %dma_wait3A_66 = arith.constant 2 : i32
      %dma_wait3A_67 = arith.constant 0 : i32
      %dma_wait3A_68 = tpu.memref_slice %arg7[%dma_wait3A_66, %dma_wait3A_67] : memref<3x128xi32, #tpu.memory_space<vmem>> -> memref<1x128xi32, #tpu.memory_space<vmem>>
      %dma_wait3A_69 = tpu.memref_squeeze %dma_wait3A_68 : memref<1x128xi32, #tpu.memory_space<vmem>> -> memref<128xi32, #tpu.memory_space<vmem>>
      %dma_wait3A_70 = arith.constant 0 : i32
      %dma_wait3A_71 = arith.constant 0 : i32
      %dma_wait3A_72 = tpu.memref_slice %arg2[%dma_wait3A_70, %dma_wait3A_71] : memref<10000x128xf32, #tpu.memory_space<hbm>> -> memref<10000x128xf32, #tpu.memory_space<hbm>>
      tpu.wait_indirect_dma semaphore(%arg15 : memref<!tpu.dma_semaphore, #tpu.memory_space<semaphore_mem>>) src(%dma_wait3A_72 : memref<10000x128xf32, #tpu.memory_space<hbm>>) dst(%arg11 : memref<128x128xf32, #tpu.memory_space<vmem>>)
      %run_scoped3A_73 = arith.constant 2 : i32
      "tpu.region"() ({
        %run_scoped3A_74 = tpu.sem_alloc : memref<!tpu.dma_semaphore, #tpu.memory_space<semaphore_mem>>
        %dma_start3A_75 = arith.constant 0 : i32
        %dma_start3A_76 = tpu.memref_slice %arg8[%run_scoped3A_73, %dma_start3A_75] : memref<3x128xi32, #tpu.memory_space<vmem>> -> memref<1x128xi32, #tpu.memory_space<vmem>>
        %dma_start3A_77 = tpu.memref_squeeze %dma_start3A_76 : memref<1x128xi32, #tpu.memory_space<vmem>> -> memref<128xi32, #tpu.memory_space<vmem>>
        %dma_start3A_78 = arith.constant 0 : i32
        %dma_start3A_79 = arith.constant 0 : i32
        %dma_start3A_80 = tpu.memref_slice %arg12[%dma_start3A_78, %dma_start3A_79] : memref<10112x128xf32, #tpu.memory_space<vmem_shared>> -> memref<10112x128xf32, #tpu.memory_space<vmem_shared>>
        tpu.enqueue_indirect_dma source(%arg11 : memref<128x128xf32, #tpu.memory_space<vmem>>) target(%dma_start3A_80 : memref<10112x128xf32, #tpu.memory_space<vmem_shared>>) offsets(%dma_start3A_77 : memref<128xi32, #tpu.memory_space<vmem>>) semaphore(%run_scoped3A_74 : memref<!tpu.dma_semaphore, #tpu.memory_space<semaphore_mem>>) {add = true}
        %dma_wait3A_81 = arith.constant 0 : i32
        %dma_wait3A_82 = tpu.memref_slice %arg8[%run_scoped3A_73, %dma_wait3A_81] : memref<3x128xi32, #tpu.memory_space<vmem>> -> memref<1x128xi32, #tpu.memory_space<vmem>>
        %dma_wait3A_83 = tpu.memref_squeeze %dma_wait3A_82 : memref<1x128xi32, #tpu.memory_space<vmem>> -> memref<128xi32, #tpu.memory_space<vmem>>
        %dma_wait3A_84 = arith.constant 0 : i32
        %dma_wait3A_85 = arith.constant 0 : i32
        %dma_wait3A_86 = tpu.memref_slice %arg12[%dma_wait3A_84, %dma_wait3A_85] : memref<10112x128xf32, #tpu.memory_space<vmem_shared>> -> memref<10112x128xf32, #tpu.memory_space<vmem_shared>>
        tpu.wait_indirect_dma semaphore(%run_scoped3A_74 : memref<!tpu.dma_semaphore, #tpu.memory_space<semaphore_mem>>) src(%arg11 : memref<128x128xf32, #tpu.memory_space<vmem>>) dst(%dma_wait3A_86 : memref<10112x128xf32, #tpu.memory_space<vmem_shared>>)
        tpu.yield
      }) : () -> ()
    } else {
    }
    %eq3A_5 = arith.constant 1 : i32
    %eq3A_6 = arith.cmpi eq, %arg0, %eq3A_5 : i32
    %convert_element_type3A_7 = arith.extui %eq3A_6 : i1 to i32
    %cond3A_8 = arith.constant 0 : i32
    %cond3A_9 = arith.cmpi ne, %convert_element_type3A_7, %cond3A_8 : i32
    scf.if %cond3A_9 {
      %mul3A_11 = arith.constant 4864 : i32
      %mul3A_12 = arith.muli %arg1, %mul3A_11 : i32
      %add3A_13 = arith.constant 245760 : i32
      %add3A_14 = arith.addi %add3A_13, %mul3A_12 : i32
      %add3A_15 = arith.constant 0 : i32
      %add3A_16 = arith.addi %add3A_14, %add3A_15 : i32
      %multiple_of3A = tpu.assume_multiple %add3A_16, 128 : i32
      %run_scoped3A = arith.constant 0 : i32
      "tpu.region"() ({
        %run_scoped3A_116 = tpu.sem_alloc : memref<!tpu.dma_semaphore, #tpu.memory_space<semaphore_mem>>
        %dma_start3A_117 = arith.constant 0 : i32
        %dma_start3A_118 = tpu.memref_slice %arg7[%run_scoped3A, %dma_start3A_117] : memref<3x128xi32, #tpu.memory_space<vmem>> -> memref<1x128xi32, #tpu.memory_space<vmem>>
        %dma_start3A_119 = tpu.memref_squeeze %dma_start3A_118 : memref<1x128xi32, #tpu.memory_space<vmem>> -> memref<128xi32, #tpu.memory_space<vmem>>
        %dma_start3A_120 = tpu.memref_slice %arg3[%multiple_of3A] : memref<323584xi32, #tpu.memory_space<hbm>> -> memref<128xi32, #tpu.memory_space<hbm>>
        %dma_start3A_121 = arith.constant 0 : i32
        %dma_start3A_122 = tpu.memref_slice %arg7[%run_scoped3A, %dma_start3A_121] : memref<3x128xi32, #tpu.memory_space<vmem>> -> memref<1x128xi32, #tpu.memory_space<vmem>>
        %dma_start3A_123 = tpu.memref_squeeze %dma_start3A_122 : memref<1x128xi32, #tpu.memory_space<vmem>> -> memref<128xi32, #tpu.memory_space<vmem>>
        %dma_start3A_124 = tpu.memref_slice %arg3[%multiple_of3A] : memref<323584xi32, #tpu.memory_space<hbm>> -> memref<128xi32, #tpu.memory_space<hbm>>
        tpu.enqueue_dma source(%dma_start3A_124 : memref<128xi32, #tpu.memory_space<hbm>>) target(%dma_start3A_123 : memref<128xi32, #tpu.memory_space<vmem>>) target_semaphore(%run_scoped3A_116 : memref<!tpu.dma_semaphore, #tpu.memory_space<semaphore_mem>>)
        %dma_wait3A_125 = arith.constant 0 : i32
        %dma_wait3A_126 = tpu.memref_slice %arg7[%run_scoped3A, %dma_wait3A_125] : memref<3x128xi32, #tpu.memory_space<vmem>> -> memref<1x128xi32, #tpu.memory_space<vmem>>
        %dma_wait3A_127 = tpu.memref_squeeze %dma_wait3A_126 : memref<1x128xi32, #tpu.memory_space<vmem>> -> memref<128xi32, #tpu.memory_space<vmem>>
        %dma_wait3A_128 = tpu.memref_slice %arg3[%multiple_of3A] : memref<323584xi32, #tpu.memory_space<hbm>> -> memref<128xi32, #tpu.memory_space<hbm>>
        %dma_wait3A_129 = arith.constant 0 : i32
        %dma_wait3A_130 = tpu.memref_slice %arg7[%run_scoped3A, %dma_wait3A_129] : memref<3x128xi32, #tpu.memory_space<vmem>> -> memref<1x128xi32, #tpu.memory_space<vmem>>
        %dma_wait3A_131 = tpu.memref_squeeze %dma_wait3A_130 : memref<1x128xi32, #tpu.memory_space<vmem>> -> memref<128xi32, #tpu.memory_space<vmem>>
        %dma_wait3A_132 = tpu.memref_slice %arg3[%multiple_of3A] : memref<323584xi32, #tpu.memory_space<hbm>> -> memref<128xi32, #tpu.memory_space<hbm>>
        tpu.wait_dma2 semaphore(%run_scoped3A_116 : memref<!tpu.dma_semaphore, #tpu.memory_space<semaphore_mem>>) src(%dma_wait3A_132 : memref<128xi32, #tpu.memory_space<hbm>>) dst(%dma_wait3A_131 : memref<128xi32, #tpu.memory_space<vmem>>)
        tpu.yield
      }) : () -> ()
      %dma_start3A = arith.constant 0 : i32
      %dma_start3A_17 = arith.constant 0 : i32
      %dma_start3A_18 = tpu.memref_slice %arg7[%dma_start3A, %dma_start3A_17] : memref<3x128xi32, #tpu.memory_space<vmem>> -> memref<1x128xi32, #tpu.memory_space<vmem>>
      %dma_start3A_19 = tpu.memref_squeeze %dma_start3A_18 : memref<1x128xi32, #tpu.memory_space<vmem>> -> memref<128xi32, #tpu.memory_space<vmem>>
      %dma_start3A_20 = arith.constant 0 : i32
      %dma_start3A_21 = arith.constant 0 : i32
      %dma_start3A_22 = tpu.memref_slice %arg2[%dma_start3A_20, %dma_start3A_21] : memref<10000x128xf32, #tpu.memory_space<hbm>> -> memref<10000x128xf32, #tpu.memory_space<hbm>>
      tpu.enqueue_indirect_dma source(%dma_start3A_22 : memref<10000x128xf32, #tpu.memory_space<hbm>>) target(%arg9 : memref<128x128xf32, #tpu.memory_space<vmem>>) offsets(%dma_start3A_19 : memref<128xi32, #tpu.memory_space<vmem>>) semaphore(%arg13 : memref<!tpu.dma_semaphore, #tpu.memory_space<semaphore_mem>>)
      %run_scoped3A_23 = arith.constant 0 : i32
      "tpu.region"() ({
        %run_scoped3A_116 = tpu.sem_alloc : memref<!tpu.dma_semaphore, #tpu.memory_space<semaphore_mem>>
        %dma_start3A_117 = arith.constant 0 : i32
        %dma_start3A_118 = tpu.memref_slice %arg8[%run_scoped3A_23, %dma_start3A_117] : memref<3x128xi32, #tpu.memory_space<vmem>> -> memref<1x128xi32, #tpu.memory_space<vmem>>
        %dma_start3A_119 = tpu.memref_squeeze %dma_start3A_118 : memref<1x128xi32, #tpu.memory_space<vmem>> -> memref<128xi32, #tpu.memory_space<vmem>>
        %dma_start3A_120 = tpu.memref_slice %arg4[%multiple_of3A] : memref<323584xi32, #tpu.memory_space<hbm>> -> memref<128xi32, #tpu.memory_space<hbm>>
        %dma_start3A_121 = arith.constant 0 : i32
        %dma_start3A_122 = tpu.memref_slice %arg8[%run_scoped3A_23, %dma_start3A_121] : memref<3x128xi32, #tpu.memory_space<vmem>> -> memref<1x128xi32, #tpu.memory_space<vmem>>
        %dma_start3A_123 = tpu.memref_squeeze %dma_start3A_122 : memref<1x128xi32, #tpu.memory_space<vmem>> -> memref<128xi32, #tpu.memory_space<vmem>>
        %dma_start3A_124 = tpu.memref_slice %arg4[%multiple_of3A] : memref<323584xi32, #tpu.memory_space<hbm>> -> memref<128xi32, #tpu.memory_space<hbm>>
        tpu.enqueue_dma source(%dma_start3A_124 : memref<128xi32, #tpu.memory_space<hbm>>) target(%dma_start3A_123 : memref<128xi32, #tpu.memory_space<vmem>>) target_semaphore(%run_scoped3A_116 : memref<!tpu.dma_semaphore, #tpu.memory_space<semaphore_mem>>)
        %dma_wait3A_125 = arith.constant 0 : i32
        %dma_wait3A_126 = tpu.memref_slice %arg8[%run_scoped3A_23, %dma_wait3A_125] : memref<3x128xi32, #tpu.memory_space<vmem>> -> memref<1x128xi32, #tpu.memory_space<vmem>>
        %dma_wait3A_127 = tpu.memref_squeeze %dma_wait3A_126 : memref<1x128xi32, #tpu.memory_space<vmem>> -> memref<128xi32, #tpu.memory_space<vmem>>
        %dma_wait3A_128 = tpu.memref_slice %arg4[%multiple_of3A] : memref<323584xi32, #tpu.memory_space<hbm>> -> memref<128xi32, #tpu.memory_space<hbm>>
        %dma_wait3A_129 = arith.constant 0 : i32
        %dma_wait3A_130 = tpu.memref_slice %arg8[%run_scoped3A_23, %dma_wait3A_129] : memref<3x128xi32, #tpu.memory_space<vmem>> -> memref<1x128xi32, #tpu.memory_space<vmem>>
        %dma_wait3A_131 = tpu.memref_squeeze %dma_wait3A_130 : memref<1x128xi32, #tpu.memory_space<vmem>> -> memref<128xi32, #tpu.memory_space<vmem>>
        %dma_wait3A_132 = tpu.memref_slice %arg4[%multiple_of3A] : memref<323584xi32, #tpu.memory_space<hbm>> -> memref<128xi32, #tpu.memory_space<hbm>>
        tpu.wait_dma2 semaphore(%run_scoped3A_116 : memref<!tpu.dma_semaphore, #tpu.memory_space<semaphore_mem>>) src(%dma_wait3A_132 : memref<128xi32, #tpu.memory_space<hbm>>) dst(%dma_wait3A_131 : memref<128xi32, #tpu.memory_space<vmem>>)
        tpu.yield
      }) : () -> ()
      %add3A_24 = arith.constant 128 : i32
      %add3A_25 = arith.addi %add3A_14, %add3A_24 : i32
      %multiple_of3A_26 = tpu.assume_multiple %add3A_25, 128 : i32
      %run_scoped3A_27 = arith.constant 1 : i32
      "tpu.region"() ({
        %run_scoped3A_116 = tpu.sem_alloc : memref<!tpu.dma_semaphore, #tpu.memory_space<semaphore_mem>>
        %dma_start3A_117 = arith.constant 0 : i32
        %dma_start3A_118 = tpu.memref_slice %arg7[%run_scoped3A_27, %dma_start3A_117] : memref<3x128xi32, #tpu.memory_space<vmem>> -> memref<1x128xi32, #tpu.memory_space<vmem>>
        %dma_start3A_119 = tpu.memref_squeeze %dma_start3A_118 : memref<1x128xi32, #tpu.memory_space<vmem>> -> memref<128xi32, #tpu.memory_space<vmem>>
        %dma_start3A_120 = tpu.memref_slice %arg3[%multiple_of3A_26] : memref<323584xi32, #tpu.memory_space<hbm>> -> memref<128xi32, #tpu.memory_space<hbm>>
        %dma_start3A_121 = arith.constant 0 : i32
        %dma_start3A_122 = tpu.memref_slice %arg7[%run_scoped3A_27, %dma_start3A_121] : memref<3x128xi32, #tpu.memory_space<vmem>> -> memref<1x128xi32, #tpu.memory_space<vmem>>
        %dma_start3A_123 = tpu.memref_squeeze %dma_start3A_122 : memref<1x128xi32, #tpu.memory_space<vmem>> -> memref<128xi32, #tpu.memory_space<vmem>>
        %dma_start3A_124 = tpu.memref_slice %arg3[%multiple_of3A_26] : memref<323584xi32, #tpu.memory_space<hbm>> -> memref<128xi32, #tpu.memory_space<hbm>>
        tpu.enqueue_dma source(%dma_start3A_124 : memref<128xi32, #tpu.memory_space<hbm>>) target(%dma_start3A_123 : memref<128xi32, #tpu.memory_space<vmem>>) target_semaphore(%run_scoped3A_116 : memref<!tpu.dma_semaphore, #tpu.memory_space<semaphore_mem>>)
        %dma_wait3A_125 = arith.constant 0 : i32
        %dma_wait3A_126 = tpu.memref_slice %arg7[%run_scoped3A_27, %dma_wait3A_125] : memref<3x128xi32, #tpu.memory_space<vmem>> -> memref<1x128xi32, #tpu.memory_space<vmem>>
        %dma_wait3A_127 = tpu.memref_squeeze %dma_wait3A_126 : memref<1x128xi32, #tpu.memory_space<vmem>> -> memref<128xi32, #tpu.memory_space<vmem>>
        %dma_wait3A_128 = tpu.memref_slice %arg3[%multiple_of3A_26] : memref<323584xi32, #tpu.memory_space<hbm>> -> memref<128xi32, #tpu.memory_space<hbm>>
        %dma_wait3A_129 = arith.constant 0 : i32
        %dma_wait3A_130 = tpu.memref_slice %arg7[%run_scoped3A_27, %dma_wait3A_129] : memref<3x128xi32, #tpu.memory_space<vmem>> -> memref<1x128xi32, #tpu.memory_space<vmem>>
        %dma_wait3A_131 = tpu.memref_squeeze %dma_wait3A_130 : memref<1x128xi32, #tpu.memory_space<vmem>> -> memref<128xi32, #tpu.memory_space<vmem>>
        %dma_wait3A_132 = tpu.memref_slice %arg3[%multiple_of3A_26] : memref<323584xi32, #tpu.memory_space<hbm>> -> memref<128xi32, #tpu.memory_space<hbm>>
        tpu.wait_dma2 semaphore(%run_scoped3A_116 : memref<!tpu.dma_semaphore, #tpu.memory_space<semaphore_mem>>) src(%dma_wait3A_132 : memref<128xi32, #tpu.memory_space<hbm>>) dst(%dma_wait3A_131 : memref<128xi32, #tpu.memory_space<vmem>>)
        tpu.yield
      }) : () -> ()
      %dma_start3A_28 = arith.constant 1 : i32
      %dma_start3A_29 = arith.constant 0 : i32
      %dma_start3A_30 = tpu.memref_slice %arg7[%dma_start3A_28, %dma_start3A_29] : memref<3x128xi32, #tpu.memory_space<vmem>> -> memref<1x128xi32, #tpu.memory_space<vmem>>
      %dma_start3A_31 = tpu.memref_squeeze %dma_start3A_30 : memref<1x128xi32, #tpu.memory_space<vmem>> -> memref<128xi32, #tpu.memory_space<vmem>>
      %dma_start3A_32 = arith.constant 0 : i32
      %dma_start3A_33 = arith.constant 0 : i32
      %dma_start3A_34 = tpu.memref_slice %arg2[%dma_start3A_32, %dma_start3A_33] : memref<10000x128xf32, #tpu.memory_space<hbm>> -> memref<10000x128xf32, #tpu.memory_space<hbm>>
      tpu.enqueue_indirect_dma source(%dma_start3A_34 : memref<10000x128xf32, #tpu.memory_space<hbm>>) target(%arg10 : memref<128x128xf32, #tpu.memory_space<vmem>>) offsets(%dma_start3A_31 : memref<128xi32, #tpu.memory_space<vmem>>) semaphore(%arg14 : memref<!tpu.dma_semaphore, #tpu.memory_space<semaphore_mem>>)
      %run_scoped3A_35 = arith.constant 1 : i32
      "tpu.region"() ({
        %run_scoped3A_116 = tpu.sem_alloc : memref<!tpu.dma_semaphore, #tpu.memory_space<semaphore_mem>>
        %dma_start3A_117 = arith.constant 0 : i32
        %dma_start3A_118 = tpu.memref_slice %arg8[%run_scoped3A_35, %dma_start3A_117] : memref<3x128xi32, #tpu.memory_space<vmem>> -> memref<1x128xi32, #tpu.memory_space<vmem>>
        %dma_start3A_119 = tpu.memref_squeeze %dma_start3A_118 : memref<1x128xi32, #tpu.memory_space<vmem>> -> memref<128xi32, #tpu.memory_space<vmem>>
        %dma_start3A_120 = tpu.memref_slice %arg4[%multiple_of3A_26] : memref<323584xi32, #tpu.memory_space<hbm>> -> memref<128xi32, #tpu.memory_space<hbm>>
        %dma_start3A_121 = arith.constant 0 : i32
        %dma_start3A_122 = tpu.memref_slice %arg8[%run_scoped3A_35, %dma_start3A_121] : memref<3x128xi32, #tpu.memory_space<vmem>> -> memref<1x128xi32, #tpu.memory_space<vmem>>
        %dma_start3A_123 = tpu.memref_squeeze %dma_start3A_122 : memref<1x128xi32, #tpu.memory_space<vmem>> -> memref<128xi32, #tpu.memory_space<vmem>>
        %dma_start3A_124 = tpu.memref_slice %arg4[%multiple_of3A_26] : memref<323584xi32, #tpu.memory_space<hbm>> -> memref<128xi32, #tpu.memory_space<hbm>>
        tpu.enqueue_dma source(%dma_start3A_124 : memref<128xi32, #tpu.memory_space<hbm>>) target(%dma_start3A_123 : memref<128xi32, #tpu.memory_space<vmem>>) target_semaphore(%run_scoped3A_116 : memref<!tpu.dma_semaphore, #tpu.memory_space<semaphore_mem>>)
        %dma_wait3A_125 = arith.constant 0 : i32
        %dma_wait3A_126 = tpu.memref_slice %arg8[%run_scoped3A_35, %dma_wait3A_125] : memref<3x128xi32, #tpu.memory_space<vmem>> -> memref<1x128xi32, #tpu.memory_space<vmem>>
        %dma_wait3A_127 = tpu.memref_squeeze %dma_wait3A_126 : memref<1x128xi32, #tpu.memory_space<vmem>> -> memref<128xi32, #tpu.memory_space<vmem>>
        %dma_wait3A_128 = tpu.memref_slice %arg4[%multiple_of3A_26] : memref<323584xi32, #tpu.memory_space<hbm>> -> memref<128xi32, #tpu.memory_space<hbm>>
        %dma_wait3A_129 = arith.constant 0 : i32
        %dma_wait3A_130 = tpu.memref_slice %arg8[%run_scoped3A_35, %dma_wait3A_129] : memref<3x128xi32, #tpu.memory_space<vmem>> -> memref<1x128xi32, #tpu.memory_space<vmem>>
        %dma_wait3A_131 = tpu.memref_squeeze %dma_wait3A_130 : memref<1x128xi32, #tpu.memory_space<vmem>> -> memref<128xi32, #tpu.memory_space<vmem>>
        %dma_wait3A_132 = tpu.memref_slice %arg4[%multiple_of3A_26] : memref<323584xi32, #tpu.memory_space<hbm>> -> memref<128xi32, #tpu.memory_space<hbm>>
        tpu.wait_dma2 semaphore(%run_scoped3A_116 : memref<!tpu.dma_semaphore, #tpu.memory_space<semaphore_mem>>) src(%dma_wait3A_132 : memref<128xi32, #tpu.memory_space<hbm>>) dst(%dma_wait3A_131 : memref<128xi32, #tpu.memory_space<vmem>>)
        tpu.yield
      }) : () -> ()
      %add3A_36 = arith.constant 256 : i32
      %add3A_37 = arith.addi %add3A_14, %add3A_36 : i32
      %multiple_of3A_38 = tpu.assume_multiple %add3A_37, 128 : i32
      %run_scoped3A_39 = arith.constant 2 : i32
      "tpu.region"() ({
        %run_scoped3A_116 = tpu.sem_alloc : memref<!tpu.dma_semaphore, #tpu.memory_space<semaphore_mem>>
        %dma_start3A_117 = arith.constant 0 : i32
        %dma_start3A_118 = tpu.memref_slice %arg7[%run_scoped3A_39, %dma_start3A_117] : memref<3x128xi32, #tpu.memory_space<vmem>> -> memref<1x128xi32, #tpu.memory_space<vmem>>
        %dma_start3A_119 = tpu.memref_squeeze %dma_start3A_118 : memref<1x128xi32, #tpu.memory_space<vmem>> -> memref<128xi32, #tpu.memory_space<vmem>>
        %dma_start3A_120 = tpu.memref_slice %arg3[%multiple_of3A_38] : memref<323584xi32, #tpu.memory_space<hbm>> -> memref<128xi32, #tpu.memory_space<hbm>>
        %dma_start3A_121 = arith.constant 0 : i32
        %dma_start3A_122 = tpu.memref_slice %arg7[%run_scoped3A_39, %dma_start3A_121] : memref<3x128xi32, #tpu.memory_space<vmem>> -> memref<1x128xi32, #tpu.memory_space<vmem>>
        %dma_start3A_123 = tpu.memref_squeeze %dma_start3A_122 : memref<1x128xi32, #tpu.memory_space<vmem>> -> memref<128xi32, #tpu.memory_space<vmem>>
        %dma_start3A_124 = tpu.memref_slice %arg3[%multiple_of3A_38] : memref<323584xi32, #tpu.memory_space<hbm>> -> memref<128xi32, #tpu.memory_space<hbm>>
        tpu.enqueue_dma source(%dma_start3A_124 : memref<128xi32, #tpu.memory_space<hbm>>) target(%dma_start3A_123 : memref<128xi32, #tpu.memory_space<vmem>>) target_semaphore(%run_scoped3A_116 : memref<!tpu.dma_semaphore, #tpu.memory_space<semaphore_mem>>)
        %dma_wait3A_125 = arith.constant 0 : i32
        %dma_wait3A_126 = tpu.memref_slice %arg7[%run_scoped3A_39, %dma_wait3A_125] : memref<3x128xi32, #tpu.memory_space<vmem>> -> memref<1x128xi32, #tpu.memory_space<vmem>>
        %dma_wait3A_127 = tpu.memref_squeeze %dma_wait3A_126 : memref<1x128xi32, #tpu.memory_space<vmem>> -> memref<128xi32, #tpu.memory_space<vmem>>
        %dma_wait3A_128 = tpu.memref_slice %arg3[%multiple_of3A_38] : memref<323584xi32, #tpu.memory_space<hbm>> -> memref<128xi32, #tpu.memory_space<hbm>>
        %dma_wait3A_129 = arith.constant 0 : i32
        %dma_wait3A_130 = tpu.memref_slice %arg7[%run_scoped3A_39, %dma_wait3A_129] : memref<3x128xi32, #tpu.memory_space<vmem>> -> memref<1x128xi32, #tpu.memory_space<vmem>>
        %dma_wait3A_131 = tpu.memref_squeeze %dma_wait3A_130 : memref<1x128xi32, #tpu.memory_space<vmem>> -> memref<128xi32, #tpu.memory_space<vmem>>
        %dma_wait3A_132 = tpu.memref_slice %arg3[%multiple_of3A_38] : memref<323584xi32, #tpu.memory_space<hbm>> -> memref<128xi32, #tpu.memory_space<hbm>>
        tpu.wait_dma2 semaphore(%run_scoped3A_116 : memref<!tpu.dma_semaphore, #tpu.memory_space<semaphore_mem>>) src(%dma_wait3A_132 : memref<128xi32, #tpu.memory_space<hbm>>) dst(%dma_wait3A_131 : memref<128xi32, #tpu.memory_space<vmem>>)
        tpu.yield
      }) : () -> ()
      %dma_start3A_40 = arith.constant 2 : i32
      %dma_start3A_41 = arith.constant 0 : i32
      %dma_start3A_42 = tpu.memref_slice %arg7[%dma_start3A_40, %dma_start3A_41] : memref<3x128xi32, #tpu.memory_space<vmem>> -> memref<1x128xi32, #tpu.memory_space<vmem>>
      %dma_start3A_43 = tpu.memref_squeeze %dma_start3A_42 : memref<1x128xi32, #tpu.memory_space<vmem>> -> memref<128xi32, #tpu.memory_space<vmem>>
      %dma_start3A_44 = arith.constant 0 : i32
      %dma_start3A_45 = arith.constant 0 : i32
      %dma_start3A_46 = tpu.memref_slice %arg2[%dma_start3A_44, %dma_start3A_45] : memref<10000x128xf32, #tpu.memory_space<hbm>> -> memref<10000x128xf32, #tpu.memory_space<hbm>>
      tpu.enqueue_indirect_dma source(%dma_start3A_46 : memref<10000x128xf32, #tpu.memory_space<hbm>>) target(%arg11 : memref<128x128xf32, #tpu.memory_space<vmem>>) offsets(%dma_start3A_43 : memref<128xi32, #tpu.memory_space<vmem>>) semaphore(%arg15 : memref<!tpu.dma_semaphore, #tpu.memory_space<semaphore_mem>>)
      %run_scoped3A_47 = arith.constant 2 : i32
      "tpu.region"() ({
        %run_scoped3A_116 = tpu.sem_alloc : memref<!tpu.dma_semaphore, #tpu.memory_space<semaphore_mem>>
        %dma_start3A_117 = arith.constant 0 : i32
        %dma_start3A_118 = tpu.memref_slice %arg8[%run_scoped3A_47, %dma_start3A_117] : memref<3x128xi32, #tpu.memory_space<vmem>> -> memref<1x128xi32, #tpu.memory_space<vmem>>
        %dma_start3A_119 = tpu.memref_squeeze %dma_start3A_118 : memref<1x128xi32, #tpu.memory_space<vmem>> -> memref<128xi32, #tpu.memory_space<vmem>>
        %dma_start3A_120 = tpu.memref_slice %arg4[%multiple_of3A_38] : memref<323584xi32, #tpu.memory_space<hbm>> -> memref<128xi32, #tpu.memory_space<hbm>>
        %dma_start3A_121 = arith.constant 0 : i32
        %dma_start3A_122 = tpu.memref_slice %arg8[%run_scoped3A_47, %dma_start3A_121] : memref<3x128xi32, #tpu.memory_space<vmem>> -> memref<1x128xi32, #tpu.memory_space<vmem>>
        %dma_start3A_123 = tpu.memref_squeeze %dma_start3A_122 : memref<1x128xi32, #tpu.memory_space<vmem>> -> memref<128xi32, #tpu.memory_space<vmem>>
        %dma_start3A_124 = tpu.memref_slice %arg4[%multiple_of3A_38] : memref<323584xi32, #tpu.memory_space<hbm>> -> memref<128xi32, #tpu.memory_space<hbm>>
        tpu.enqueue_dma source(%dma_start3A_124 : memref<128xi32, #tpu.memory_space<hbm>>) target(%dma_start3A_123 : memref<128xi32, #tpu.memory_space<vmem>>) target_semaphore(%run_scoped3A_116 : memref<!tpu.dma_semaphore, #tpu.memory_space<semaphore_mem>>)
        %dma_wait3A_125 = arith.constant 0 : i32
        %dma_wait3A_126 = tpu.memref_slice %arg8[%run_scoped3A_47, %dma_wait3A_125] : memref<3x128xi32, #tpu.memory_space<vmem>> -> memref<1x128xi32, #tpu.memory_space<vmem>>
        %dma_wait3A_127 = tpu.memref_squeeze %dma_wait3A_126 : memref<1x128xi32, #tpu.memory_space<vmem>> -> memref<128xi32, #tpu.memory_space<vmem>>
        %dma_wait3A_128 = tpu.memref_slice %arg4[%multiple_of3A_38] : memref<323584xi32, #tpu.memory_space<hbm>> -> memref<128xi32, #tpu.memory_space<hbm>>
        %dma_wait3A_129 = arith.constant 0 : i32
        %dma_wait3A_130 = tpu.memref_slice %arg8[%run_scoped3A_47, %dma_wait3A_129] : memref<3x128xi32, #tpu.memory_space<vmem>> -> memref<1x128xi32, #tpu.memory_space<vmem>>
        %dma_wait3A_131 = tpu.memref_squeeze %dma_wait3A_130 : memref<1x128xi32, #tpu.memory_space<vmem>> -> memref<128xi32, #tpu.memory_space<vmem>>
        %dma_wait3A_132 = tpu.memref_slice %arg4[%multiple_of3A_38] : memref<323584xi32, #tpu.memory_space<hbm>> -> memref<128xi32, #tpu.memory_space<hbm>>
        tpu.wait_dma2 semaphore(%run_scoped3A_116 : memref<!tpu.dma_semaphore, #tpu.memory_space<semaphore_mem>>) src(%dma_wait3A_132 : memref<128xi32, #tpu.memory_space<hbm>>) dst(%dma_wait3A_131 : memref<128xi32, #tpu.memory_space<vmem>>)
        tpu.yield
      }) : () -> ()
      %scan3A = arith.constant 0 : i32
      %scan3A_48 = arith.constant 0 : i32
      %scan3A_49 = arith.constant 11 : i32
      %scan3A_50 = arith.addi %scan3A_48, %scan3A_49 : i32
      %scan3A_51 = arith.constant 1 : i32
      scf.for %scan3A_116 = %scan3A_48 to %scan3A_50 step %scan3A_51  : i32 {
        %dma_wait3A_117 = arith.constant 0 : i32
        %dma_wait3A_118 = arith.constant 0 : i32
        %dma_wait3A_119 = tpu.memref_slice %arg7[%dma_wait3A_117, %dma_wait3A_118] : memref<3x128xi32, #tpu.memory_space<vmem>> -> memref<1x128xi32, #tpu.memory_space<vmem>>
        %dma_wait3A_120 = tpu.memref_squeeze %dma_wait3A_119 : memref<1x128xi32, #tpu.memory_space<vmem>> -> memref<128xi32, #tpu.memory_space<vmem>>
        %dma_wait3A_121 = arith.constant 0 : i32
        %dma_wait3A_122 = arith.constant 0 : i32
        %dma_wait3A_123 = tpu.memref_slice %arg2[%dma_wait3A_121, %dma_wait3A_122] : memref<10000x128xf32, #tpu.memory_space<hbm>> -> memref<10000x128xf32, #tpu.memory_space<hbm>>
        tpu.wait_indirect_dma semaphore(%arg13 : memref<!tpu.dma_semaphore, #tpu.memory_space<semaphore_mem>>) src(%dma_wait3A_123 : memref<10000x128xf32, #tpu.memory_space<hbm>>) dst(%arg9 : memref<128x128xf32, #tpu.memory_space<vmem>>)
        %run_scoped3A_124 = arith.constant 0 : i32
        "tpu.region"() ({
          %run_scoped3A_198 = tpu.sem_alloc : memref<!tpu.dma_semaphore, #tpu.memory_space<semaphore_mem>>
          %dma_start3A_199 = arith.constant 0 : i32
          %dma_start3A_200 = tpu.memref_slice %arg8[%run_scoped3A_124, %dma_start3A_199] : memref<3x128xi32, #tpu.memory_space<vmem>> -> memref<1x128xi32, #tpu.memory_space<vmem>>
          %dma_start3A_201 = tpu.memref_squeeze %dma_start3A_200 : memref<1x128xi32, #tpu.memory_space<vmem>> -> memref<128xi32, #tpu.memory_space<vmem>>
          %dma_start3A_202 = arith.constant 0 : i32
          %dma_start3A_203 = arith.constant 0 : i32
          %dma_start3A_204 = tpu.memref_slice %arg12[%dma_start3A_202, %dma_start3A_203] : memref<10112x128xf32, #tpu.memory_space<vmem_shared>> -> memref<10112x128xf32, #tpu.memory_space<vmem_shared>>
          tpu.enqueue_indirect_dma source(%arg9 : memref<128x128xf32, #tpu.memory_space<vmem>>) target(%dma_start3A_204 : memref<10112x128xf32, #tpu.memory_space<vmem_shared>>) offsets(%dma_start3A_201 : memref<128xi32, #tpu.memory_space<vmem>>) semaphore(%run_scoped3A_198 : memref<!tpu.dma_semaphore, #tpu.memory_space<semaphore_mem>>) {add = true}
          %dma_wait3A_205 = arith.constant 0 : i32
          %dma_wait3A_206 = tpu.memref_slice %arg8[%run_scoped3A_124, %dma_wait3A_205] : memref<3x128xi32, #tpu.memory_space<vmem>> -> memref<1x128xi32, #tpu.memory_space<vmem>>
          %dma_wait3A_207 = tpu.memref_squeeze %dma_wait3A_206 : memref<1x128xi32, #tpu.memory_space<vmem>> -> memref<128xi32, #tpu.memory_space<vmem>>
          %dma_wait3A_208 = arith.constant 0 : i32
          %dma_wait3A_209 = arith.constant 0 : i32
          %dma_wait3A_210 = tpu.memref_slice %arg12[%dma_wait3A_208, %dma_wait3A_209] : memref<10112x128xf32, #tpu.memory_space<vmem_shared>> -> memref<10112x128xf32, #tpu.memory_space<vmem_shared>>
          tpu.wait_indirect_dma semaphore(%run_scoped3A_198 : memref<!tpu.dma_semaphore, #tpu.memory_space<semaphore_mem>>) src(%arg9 : memref<128x128xf32, #tpu.memory_space<vmem>>) dst(%dma_wait3A_210 : memref<10112x128xf32, #tpu.memory_space<vmem_shared>>)
          tpu.yield
        }) : () -> ()
        %add3A_125 = arith.constant 1 : i32
        %add3A_126 = arith.addi %scan3A_116, %add3A_125 : i32
        %mul3A_127 = arith.constant 3 : i32
        %mul3A_128 = arith.muli %add3A_126, %mul3A_127 : i32
        %add3A_129 = arith.constant 0 : i32
        %add3A_130 = arith.addi %mul3A_128, %add3A_129 : i32
        %mul3A_131 = arith.constant 128 : i32
        %mul3A_132 = arith.muli %add3A_130, %mul3A_131 : i32
        %add3A_133 = arith.addi %add3A_14, %mul3A_132 : i32
        %multiple_of3A_134 = tpu.assume_multiple %add3A_133, 128 : i32
        %run_scoped3A_135 = arith.constant 0 : i32
        "tpu.region"() ({
          %run_scoped3A_198 = tpu.sem_alloc : memref<!tpu.dma_semaphore, #tpu.memory_space<semaphore_mem>>
          %dma_start3A_199 = arith.constant 0 : i32
          %dma_start3A_200 = tpu.memref_slice %arg7[%run_scoped3A_135, %dma_start3A_199] : memref<3x128xi32, #tpu.memory_space<vmem>> -> memref<1x128xi32, #tpu.memory_space<vmem>>
          %dma_start3A_201 = tpu.memref_squeeze %dma_start3A_200 : memref<1x128xi32, #tpu.memory_space<vmem>> -> memref<128xi32, #tpu.memory_space<vmem>>
          %dma_start3A_202 = tpu.memref_slice %arg3[%multiple_of3A_134] : memref<323584xi32, #tpu.memory_space<hbm>> -> memref<128xi32, #tpu.memory_space<hbm>>
          %dma_start3A_203 = arith.constant 0 : i32
          %dma_start3A_204 = tpu.memref_slice %arg7[%run_scoped3A_135, %dma_start3A_203] : memref<3x128xi32, #tpu.memory_space<vmem>> -> memref<1x128xi32, #tpu.memory_space<vmem>>
          %dma_start3A_205 = tpu.memref_squeeze %dma_start3A_204 : memref<1x128xi32, #tpu.memory_space<vmem>> -> memref<128xi32, #tpu.memory_space<vmem>>
          %dma_start3A_206 = tpu.memref_slice %arg3[%multiple_of3A_134] : memref<323584xi32, #tpu.memory_space<hbm>> -> memref<128xi32, #tpu.memory_space<hbm>>
          tpu.enqueue_dma source(%dma_start3A_206 : memref<128xi32, #tpu.memory_space<hbm>>) target(%dma_start3A_205 : memref<128xi32, #tpu.memory_space<vmem>>) target_semaphore(%run_scoped3A_198 : memref<!tpu.dma_semaphore, #tpu.memory_space<semaphore_mem>>)
          %dma_wait3A_207 = arith.constant 0 : i32
          %dma_wait3A_208 = tpu.memref_slice %arg7[%run_scoped3A_135, %dma_wait3A_207] : memref<3x128xi32, #tpu.memory_space<vmem>> -> memref<1x128xi32, #tpu.memory_space<vmem>>
          %dma_wait3A_209 = tpu.memref_squeeze %dma_wait3A_208 : memref<1x128xi32, #tpu.memory_space<vmem>> -> memref<128xi32, #tpu.memory_space<vmem>>
          %dma_wait3A_210 = tpu.memref_slice %arg3[%multiple_of3A_134] : memref<323584xi32, #tpu.memory_space<hbm>> -> memref<128xi32, #tpu.memory_space<hbm>>
          %dma_wait3A_211 = arith.constant 0 : i32
          %dma_wait3A_212 = tpu.memref_slice %arg7[%run_scoped3A_135, %dma_wait3A_211] : memref<3x128xi32, #tpu.memory_space<vmem>> -> memref<1x128xi32, #tpu.memory_space<vmem>>
          %dma_wait3A_213 = tpu.memref_squeeze %dma_wait3A_212 : memref<1x128xi32, #tpu.memory_space<vmem>> -> memref<128xi32, #tpu.memory_space<vmem>>
          %dma_wait3A_214 = tpu.memref_slice %arg3[%multiple_of3A_134] : memref<323584xi32, #tpu.memory_space<hbm>> -> memref<128xi32, #tpu.memory_space<hbm>>
          tpu.wait_dma2 semaphore(%run_scoped3A_198 : memref<!tpu.dma_semaphore, #tpu.memory_space<semaphore_mem>>) src(%dma_wait3A_214 : memref<128xi32, #tpu.memory_space<hbm>>) dst(%dma_wait3A_213 : memref<128xi32, #tpu.memory_space<vmem>>)
          tpu.yield
        }) : () -> ()
        %dma_start3A_136 = arith.constant 0 : i32
        %dma_start3A_137 = arith.constant 0 : i32
        %dma_start3A_138 = tpu.memref_slice %arg7[%dma_start3A_136, %dma_start3A_137] : memref<3x128xi32, #tpu.memory_space<vmem>> -> memref<1x128xi32, #tpu.memory_space<vmem>>
        %dma_start3A_139 = tpu.memref_squeeze %dma_start3A_138 : memref<1x128xi32, #tpu.memory_space<vmem>> -> memref<128xi32, #tpu.memory_space<vmem>>
        %dma_start3A_140 = arith.constant 0 : i32
        %dma_start3A_141 = arith.constant 0 : i32
        %dma_start3A_142 = tpu.memref_slice %arg2[%dma_start3A_140, %dma_start3A_141] : memref<10000x128xf32, #tpu.memory_space<hbm>> -> memref<10000x128xf32, #tpu.memory_space<hbm>>
        tpu.enqueue_indirect_dma source(%dma_start3A_142 : memref<10000x128xf32, #tpu.memory_space<hbm>>) target(%arg9 : memref<128x128xf32, #tpu.memory_space<vmem>>) offsets(%dma_start3A_139 : memref<128xi32, #tpu.memory_space<vmem>>) semaphore(%arg13 : memref<!tpu.dma_semaphore, #tpu.memory_space<semaphore_mem>>)
        %run_scoped3A_143 = arith.constant 0 : i32
        "tpu.region"() ({
          %run_scoped3A_198 = tpu.sem_alloc : memref<!tpu.dma_semaphore, #tpu.memory_space<semaphore_mem>>
          %dma_start3A_199 = arith.constant 0 : i32
          %dma_start3A_200 = tpu.memref_slice %arg8[%run_scoped3A_143, %dma_start3A_199] : memref<3x128xi32, #tpu.memory_space<vmem>> -> memref<1x128xi32, #tpu.memory_space<vmem>>
          %dma_start3A_201 = tpu.memref_squeeze %dma_start3A_200 : memref<1x128xi32, #tpu.memory_space<vmem>> -> memref<128xi32, #tpu.memory_space<vmem>>
          %dma_start3A_202 = tpu.memref_slice %arg4[%multiple_of3A_134] : memref<323584xi32, #tpu.memory_space<hbm>> -> memref<128xi32, #tpu.memory_space<hbm>>
          %dma_start3A_203 = arith.constant 0 : i32
          %dma_start3A_204 = tpu.memref_slice %arg8[%run_scoped3A_143, %dma_start3A_203] : memref<3x128xi32, #tpu.memory_space<vmem>> -> memref<1x128xi32, #tpu.memory_space<vmem>>
          %dma_start3A_205 = tpu.memref_squeeze %dma_start3A_204 : memref<1x128xi32, #tpu.memory_space<vmem>> -> memref<128xi32, #tpu.memory_space<vmem>>
          %dma_start3A_206 = tpu.memref_slice %arg4[%multiple_of3A_134] : memref<323584xi32, #tpu.memory_space<hbm>> -> memref<128xi32, #tpu.memory_space<hbm>>
          tpu.enqueue_dma source(%dma_start3A_206 : memref<128xi32, #tpu.memory_space<hbm>>) target(%dma_start3A_205 : memref<128xi32, #tpu.memory_space<vmem>>) target_semaphore(%run_scoped3A_198 : memref<!tpu.dma_semaphore, #tpu.memory_space<semaphore_mem>>)
          %dma_wait3A_207 = arith.constant 0 : i32
          %dma_wait3A_208 = tpu.memref_slice %arg8[%run_scoped3A_143, %dma_wait3A_207] : memref<3x128xi32, #tpu.memory_space<vmem>> -> memref<1x128xi32, #tpu.memory_space<vmem>>
          %dma_wait3A_209 = tpu.memref_squeeze %dma_wait3A_208 : memref<1x128xi32, #tpu.memory_space<vmem>> -> memref<128xi32, #tpu.memory_space<vmem>>
          %dma_wait3A_210 = tpu.memref_slice %arg4[%multiple_of3A_134] : memref<323584xi32, #tpu.memory_space<hbm>> -> memref<128xi32, #tpu.memory_space<hbm>>
          %dma_wait3A_211 = arith.constant 0 : i32
          %dma_wait3A_212 = tpu.memref_slice %arg8[%run_scoped3A_143, %dma_wait3A_211] : memref<3x128xi32, #tpu.memory_space<vmem>> -> memref<1x128xi32, #tpu.memory_space<vmem>>
          %dma_wait3A_213 = tpu.memref_squeeze %dma_wait3A_212 : memref<1x128xi32, #tpu.memory_space<vmem>> -> memref<128xi32, #tpu.memory_space<vmem>>
          %dma_wait3A_214 = tpu.memref_slice %arg4[%multiple_of3A_134] : memref<323584xi32, #tpu.memory_space<hbm>> -> memref<128xi32, #tpu.memory_space<hbm>>
          tpu.wait_dma2 semaphore(%run_scoped3A_198 : memref<!tpu.dma_semaphore, #tpu.memory_space<semaphore_mem>>) src(%dma_wait3A_214 : memref<128xi32, #tpu.memory_space<hbm>>) dst(%dma_wait3A_213 : memref<128xi32, #tpu.memory_space<vmem>>)
          tpu.yield
        }) : () -> ()
        %dma_wait3A_144 = arith.constant 1 : i32
        %dma_wait3A_145 = arith.constant 0 : i32
        %dma_wait3A_146 = tpu.memref_slice %arg7[%dma_wait3A_144, %dma_wait3A_145] : memref<3x128xi32, #tpu.memory_space<vmem>> -> memref<1x128xi32, #tpu.memory_space<vmem>>
        %dma_wait3A_147 = tpu.memref_squeeze %dma_wait3A_146 : memref<1x128xi32, #tpu.memory_space<vmem>> -> memref<128xi32, #tpu.memory_space<vmem>>
        %dma_wait3A_148 = arith.constant 0 : i32
        %dma_wait3A_149 = arith.constant 0 : i32
        %dma_wait3A_150 = tpu.memref_slice %arg2[%dma_wait3A_148, %dma_wait3A_149] : memref<10000x128xf32, #tpu.memory_space<hbm>> -> memref<10000x128xf32, #tpu.memory_space<hbm>>
        tpu.wait_indirect_dma semaphore(%arg14 : memref<!tpu.dma_semaphore, #tpu.memory_space<semaphore_mem>>) src(%dma_wait3A_150 : memref<10000x128xf32, #tpu.memory_space<hbm>>) dst(%arg10 : memref<128x128xf32, #tpu.memory_space<vmem>>)
        %run_scoped3A_151 = arith.constant 1 : i32
        "tpu.region"() ({
          %run_scoped3A_198 = tpu.sem_alloc : memref<!tpu.dma_semaphore, #tpu.memory_space<semaphore_mem>>
          %dma_start3A_199 = arith.constant 0 : i32
          %dma_start3A_200 = tpu.memref_slice %arg8[%run_scoped3A_151, %dma_start3A_199] : memref<3x128xi32, #tpu.memory_space<vmem>> -> memref<1x128xi32, #tpu.memory_space<vmem>>
          %dma_start3A_201 = tpu.memref_squeeze %dma_start3A_200 : memref<1x128xi32, #tpu.memory_space<vmem>> -> memref<128xi32, #tpu.memory_space<vmem>>
          %dma_start3A_202 = arith.constant 0 : i32
          %dma_start3A_203 = arith.constant 0 : i32
          %dma_start3A_204 = tpu.memref_slice %arg12[%dma_start3A_202, %dma_start3A_203] : memref<10112x128xf32, #tpu.memory_space<vmem_shared>> -> memref<10112x128xf32, #tpu.memory_space<vmem_shared>>
          tpu.enqueue_indirect_dma source(%arg10 : memref<128x128xf32, #tpu.memory_space<vmem>>) target(%dma_start3A_204 : memref<10112x128xf32, #tpu.memory_space<vmem_shared>>) offsets(%dma_start3A_201 : memref<128xi32, #tpu.memory_space<vmem>>) semaphore(%run_scoped3A_198 : memref<!tpu.dma_semaphore, #tpu.memory_space<semaphore_mem>>) {add = true}
          %dma_wait3A_205 = arith.constant 0 : i32
          %dma_wait3A_206 = tpu.memref_slice %arg8[%run_scoped3A_151, %dma_wait3A_205] : memref<3x128xi32, #tpu.memory_space<vmem>> -> memref<1x128xi32, #tpu.memory_space<vmem>>
          %dma_wait3A_207 = tpu.memref_squeeze %dma_wait3A_206 : memref<1x128xi32, #tpu.memory_space<vmem>> -> memref<128xi32, #tpu.memory_space<vmem>>
          %dma_wait3A_208 = arith.constant 0 : i32
          %dma_wait3A_209 = arith.constant 0 : i32
          %dma_wait3A_210 = tpu.memref_slice %arg12[%dma_wait3A_208, %dma_wait3A_209] : memref<10112x128xf32, #tpu.memory_space<vmem_shared>> -> memref<10112x128xf32, #tpu.memory_space<vmem_shared>>
          tpu.wait_indirect_dma semaphore(%run_scoped3A_198 : memref<!tpu.dma_semaphore, #tpu.memory_space<semaphore_mem>>) src(%arg10 : memref<128x128xf32, #tpu.memory_space<vmem>>) dst(%dma_wait3A_210 : memref<10112x128xf32, #tpu.memory_space<vmem_shared>>)
          tpu.yield
        }) : () -> ()
        %add3A_152 = arith.constant 1 : i32
        %add3A_153 = arith.addi %scan3A_116, %add3A_152 : i32
        %mul3A_154 = arith.constant 3 : i32
        %mul3A_155 = arith.muli %add3A_153, %mul3A_154 : i32
        %add3A_156 = arith.constant 1 : i32
        %add3A_157 = arith.addi %mul3A_155, %add3A_156 : i32
        %mul3A_158 = arith.constant 128 : i32
        %mul3A_159 = arith.muli %add3A_157, %mul3A_158 : i32
        %add3A_160 = arith.addi %add3A_14, %mul3A_159 : i32
        %multiple_of3A_161 = tpu.assume_multiple %add3A_160, 128 : i32
        %run_scoped3A_162 = arith.constant 1 : i32
        "tpu.region"() ({
          %run_scoped3A_198 = tpu.sem_alloc : memref<!tpu.dma_semaphore, #tpu.memory_space<semaphore_mem>>
          %dma_start3A_199 = arith.constant 0 : i32
          %dma_start3A_200 = tpu.memref_slice %arg7[%run_scoped3A_162, %dma_start3A_199] : memref<3x128xi32, #tpu.memory_space<vmem>> -> memref<1x128xi32, #tpu.memory_space<vmem>>
          %dma_start3A_201 = tpu.memref_squeeze %dma_start3A_200 : memref<1x128xi32, #tpu.memory_space<vmem>> -> memref<128xi32, #tpu.memory_space<vmem>>
          %dma_start3A_202 = tpu.memref_slice %arg3[%multiple_of3A_161] : memref<323584xi32, #tpu.memory_space<hbm>> -> memref<128xi32, #tpu.memory_space<hbm>>
          %dma_start3A_203 = arith.constant 0 : i32
          %dma_start3A_204 = tpu.memref_slice %arg7[%run_scoped3A_162, %dma_start3A_203] : memref<3x128xi32, #tpu.memory_space<vmem>> -> memref<1x128xi32, #tpu.memory_space<vmem>>
          %dma_start3A_205 = tpu.memref_squeeze %dma_start3A_204 : memref<1x128xi32, #tpu.memory_space<vmem>> -> memref<128xi32, #tpu.memory_space<vmem>>
          %dma_start3A_206 = tpu.memref_slice %arg3[%multiple_of3A_161] : memref<323584xi32, #tpu.memory_space<hbm>> -> memref<128xi32, #tpu.memory_space<hbm>>
          tpu.enqueue_dma source(%dma_start3A_206 : memref<128xi32, #tpu.memory_space<hbm>>) target(%dma_start3A_205 : memref<128xi32, #tpu.memory_space<vmem>>) target_semaphore(%run_scoped3A_198 : memref<!tpu.dma_semaphore, #tpu.memory_space<semaphore_mem>>)
          %dma_wait3A_207 = arith.constant 0 : i32
          %dma_wait3A_208 = tpu.memref_slice %arg7[%run_scoped3A_162, %dma_wait3A_207] : memref<3x128xi32, #tpu.memory_space<vmem>> -> memref<1x128xi32, #tpu.memory_space<vmem>>
          %dma_wait3A_209 = tpu.memref_squeeze %dma_wait3A_208 : memref<1x128xi32, #tpu.memory_space<vmem>> -> memref<128xi32, #tpu.memory_space<vmem>>
          %dma_wait3A_210 = tpu.memref_slice %arg3[%multiple_of3A_161] : memref<323584xi32, #tpu.memory_space<hbm>> -> memref<128xi32, #tpu.memory_space<hbm>>
          %dma_wait3A_211 = arith.constant 0 : i32
          %dma_wait3A_212 = tpu.memref_slice %arg7[%run_scoped3A_162, %dma_wait3A_211] : memref<3x128xi32, #tpu.memory_space<vmem>> -> memref<1x128xi32, #tpu.memory_space<vmem>>
          %dma_wait3A_213 = tpu.memref_squeeze %dma_wait3A_212 : memref<1x128xi32, #tpu.memory_space<vmem>> -> memref<128xi32, #tpu.memory_space<vmem>>
          %dma_wait3A_214 = tpu.memref_slice %arg3[%multiple_of3A_161] : memref<323584xi32, #tpu.memory_space<hbm>> -> memref<128xi32, #tpu.memory_space<hbm>>
          tpu.wait_dma2 semaphore(%run_scoped3A_198 : memref<!tpu.dma_semaphore, #tpu.memory_space<semaphore_mem>>) src(%dma_wait3A_214 : memref<128xi32, #tpu.memory_space<hbm>>) dst(%dma_wait3A_213 : memref<128xi32, #tpu.memory_space<vmem>>)
          tpu.yield
        }) : () -> ()
        %dma_start3A_163 = arith.constant 1 : i32
        %dma_start3A_164 = arith.constant 0 : i32
        %dma_start3A_165 = tpu.memref_slice %arg7[%dma_start3A_163, %dma_start3A_164] : memref<3x128xi32, #tpu.memory_space<vmem>> -> memref<1x128xi32, #tpu.memory_space<vmem>>
        %dma_start3A_166 = tpu.memref_squeeze %dma_start3A_165 : memref<1x128xi32, #tpu.memory_space<vmem>> -> memref<128xi32, #tpu.memory_space<vmem>>
        %dma_start3A_167 = arith.constant 0 : i32
        %dma_start3A_168 = arith.constant 0 : i32
        %dma_start3A_169 = tpu.memref_slice %arg2[%dma_start3A_167, %dma_start3A_168] : memref<10000x128xf32, #tpu.memory_space<hbm>> -> memref<10000x128xf32, #tpu.memory_space<hbm>>
        tpu.enqueue_indirect_dma source(%dma_start3A_169 : memref<10000x128xf32, #tpu.memory_space<hbm>>) target(%arg10 : memref<128x128xf32, #tpu.memory_space<vmem>>) offsets(%dma_start3A_166 : memref<128xi32, #tpu.memory_space<vmem>>) semaphore(%arg14 : memref<!tpu.dma_semaphore, #tpu.memory_space<semaphore_mem>>)
        %run_scoped3A_170 = arith.constant 1 : i32
        "tpu.region"() ({
          %run_scoped3A_198 = tpu.sem_alloc : memref<!tpu.dma_semaphore, #tpu.memory_space<semaphore_mem>>
          %dma_start3A_199 = arith.constant 0 : i32
          %dma_start3A_200 = tpu.memref_slice %arg8[%run_scoped3A_170, %dma_start3A_199] : memref<3x128xi32, #tpu.memory_space<vmem>> -> memref<1x128xi32, #tpu.memory_space<vmem>>
          %dma_start3A_201 = tpu.memref_squeeze %dma_start3A_200 : memref<1x128xi32, #tpu.memory_space<vmem>> -> memref<128xi32, #tpu.memory_space<vmem>>
          %dma_start3A_202 = tpu.memref_slice %arg4[%multiple_of3A_161] : memref<323584xi32, #tpu.memory_space<hbm>> -> memref<128xi32, #tpu.memory_space<hbm>>
          %dma_start3A_203 = arith.constant 0 : i32
          %dma_start3A_204 = tpu.memref_slice %arg8[%run_scoped3A_170, %dma_start3A_203] : memref<3x128xi32, #tpu.memory_space<vmem>> -> memref<1x128xi32, #tpu.memory_space<vmem>>
          %dma_start3A_205 = tpu.memref_squeeze %dma_start3A_204 : memref<1x128xi32, #tpu.memory_space<vmem>> -> memref<128xi32, #tpu.memory_space<vmem>>
          %dma_start3A_206 = tpu.memref_slice %arg4[%multiple_of3A_161] : memref<323584xi32, #tpu.memory_space<hbm>> -> memref<128xi32, #tpu.memory_space<hbm>>
          tpu.enqueue_dma source(%dma_start3A_206 : memref<128xi32, #tpu.memory_space<hbm>>) target(%dma_start3A_205 : memref<128xi32, #tpu.memory_space<vmem>>) target_semaphore(%run_scoped3A_198 : memref<!tpu.dma_semaphore, #tpu.memory_space<semaphore_mem>>)
          %dma_wait3A_207 = arith.constant 0 : i32
          %dma_wait3A_208 = tpu.memref_slice %arg8[%run_scoped3A_170, %dma_wait3A_207] : memref<3x128xi32, #tpu.memory_space<vmem>> -> memref<1x128xi32, #tpu.memory_space<vmem>>
          %dma_wait3A_209 = tpu.memref_squeeze %dma_wait3A_208 : memref<1x128xi32, #tpu.memory_space<vmem>> -> memref<128xi32, #tpu.memory_space<vmem>>
          %dma_wait3A_210 = tpu.memref_slice %arg4[%multiple_of3A_161] : memref<323584xi32, #tpu.memory_space<hbm>> -> memref<128xi32, #tpu.memory_space<hbm>>
          %dma_wait3A_211 = arith.constant 0 : i32
          %dma_wait3A_212 = tpu.memref_slice %arg8[%run_scoped3A_170, %dma_wait3A_211] : memref<3x128xi32, #tpu.memory_space<vmem>> -> memref<1x128xi32, #tpu.memory_space<vmem>>
          %dma_wait3A_213 = tpu.memref_squeeze %dma_wait3A_212 : memref<1x128xi32, #tpu.memory_space<vmem>> -> memref<128xi32, #tpu.memory_space<vmem>>
          %dma_wait3A_214 = tpu.memref_slice %arg4[%multiple_of3A_161] : memref<323584xi32, #tpu.memory_space<hbm>> -> memref<128xi32, #tpu.memory_space<hbm>>
          tpu.wait_dma2 semaphore(%run_scoped3A_198 : memref<!tpu.dma_semaphore, #tpu.memory_space<semaphore_mem>>) src(%dma_wait3A_214 : memref<128xi32, #tpu.memory_space<hbm>>) dst(%dma_wait3A_213 : memref<128xi32, #tpu.memory_space<vmem>>)
          tpu.yield
        }) : () -> ()
        %dma_wait3A_171 = arith.constant 2 : i32
        %dma_wait3A_172 = arith.constant 0 : i32
        %dma_wait3A_173 = tpu.memref_slice %arg7[%dma_wait3A_171, %dma_wait3A_172] : memref<3x128xi32, #tpu.memory_space<vmem>> -> memref<1x128xi32, #tpu.memory_space<vmem>>
        %dma_wait3A_174 = tpu.memref_squeeze %dma_wait3A_173 : memref<1x128xi32, #tpu.memory_space<vmem>> -> memref<128xi32, #tpu.memory_space<vmem>>
        %dma_wait3A_175 = arith.constant 0 : i32
        %dma_wait3A_176 = arith.constant 0 : i32
        %dma_wait3A_177 = tpu.memref_slice %arg2[%dma_wait3A_175, %dma_wait3A_176] : memref<10000x128xf32, #tpu.memory_space<hbm>> -> memref<10000x128xf32, #tpu.memory_space<hbm>>
        tpu.wait_indirect_dma semaphore(%arg15 : memref<!tpu.dma_semaphore, #tpu.memory_space<semaphore_mem>>) src(%dma_wait3A_177 : memref<10000x128xf32, #tpu.memory_space<hbm>>) dst(%arg11 : memref<128x128xf32, #tpu.memory_space<vmem>>)
        %run_scoped3A_178 = arith.constant 2 : i32
        "tpu.region"() ({
          %run_scoped3A_198 = tpu.sem_alloc : memref<!tpu.dma_semaphore, #tpu.memory_space<semaphore_mem>>
          %dma_start3A_199 = arith.constant 0 : i32
          %dma_start3A_200 = tpu.memref_slice %arg8[%run_scoped3A_178, %dma_start3A_199] : memref<3x128xi32, #tpu.memory_space<vmem>> -> memref<1x128xi32, #tpu.memory_space<vmem>>
          %dma_start3A_201 = tpu.memref_squeeze %dma_start3A_200 : memref<1x128xi32, #tpu.memory_space<vmem>> -> memref<128xi32, #tpu.memory_space<vmem>>
          %dma_start3A_202 = arith.constant 0 : i32
          %dma_start3A_203 = arith.constant 0 : i32
          %dma_start3A_204 = tpu.memref_slice %arg12[%dma_start3A_202, %dma_start3A_203] : memref<10112x128xf32, #tpu.memory_space<vmem_shared>> -> memref<10112x128xf32, #tpu.memory_space<vmem_shared>>
          tpu.enqueue_indirect_dma source(%arg11 : memref<128x128xf32, #tpu.memory_space<vmem>>) target(%dma_start3A_204 : memref<10112x128xf32, #tpu.memory_space<vmem_shared>>) offsets(%dma_start3A_201 : memref<128xi32, #tpu.memory_space<vmem>>) semaphore(%run_scoped3A_198 : memref<!tpu.dma_semaphore, #tpu.memory_space<semaphore_mem>>) {add = true}
          %dma_wait3A_205 = arith.constant 0 : i32
          %dma_wait3A_206 = tpu.memref_slice %arg8[%run_scoped3A_178, %dma_wait3A_205] : memref<3x128xi32, #tpu.memory_space<vmem>> -> memref<1x128xi32, #tpu.memory_space<vmem>>
          %dma_wait3A_207 = tpu.memref_squeeze %dma_wait3A_206 : memref<1x128xi32, #tpu.memory_space<vmem>> -> memref<128xi32, #tpu.memory_space<vmem>>
          %dma_wait3A_208 = arith.constant 0 : i32
          %dma_wait3A_209 = arith.constant 0 : i32
          %dma_wait3A_210 = tpu.memref_slice %arg12[%dma_wait3A_208, %dma_wait3A_209] : memref<10112x128xf32, #tpu.memory_space<vmem_shared>> -> memref<10112x128xf32, #tpu.memory_space<vmem_shared>>
          tpu.wait_indirect_dma semaphore(%run_scoped3A_198 : memref<!tpu.dma_semaphore, #tpu.memory_space<semaphore_mem>>) src(%arg11 : memref<128x128xf32, #tpu.memory_space<vmem>>) dst(%dma_wait3A_210 : memref<10112x128xf32, #tpu.memory_space<vmem_shared>>)
          tpu.yield
        }) : () -> ()
        %add3A_179 = arith.constant 1 : i32
        %add3A_180 = arith.addi %scan3A_116, %add3A_179 : i32
        %mul3A_181 = arith.constant 3 : i32
        %mul3A_182 = arith.muli %add3A_180, %mul3A_181 : i32
        %add3A_183 = arith.constant 2 : i32
        %add3A_184 = arith.addi %mul3A_182, %add3A_183 : i32
        %mul3A_185 = arith.constant 128 : i32
        %mul3A_186 = arith.muli %add3A_184, %mul3A_185 : i32
        %add3A_187 = arith.addi %add3A_14, %mul3A_186 : i32
        %multiple_of3A_188 = tpu.assume_multiple %add3A_187, 128 : i32
        %run_scoped3A_189 = arith.constant 2 : i32
        "tpu.region"() ({
          %run_scoped3A_198 = tpu.sem_alloc : memref<!tpu.dma_semaphore, #tpu.memory_space<semaphore_mem>>
          %dma_start3A_199 = arith.constant 0 : i32
          %dma_start3A_200 = tpu.memref_slice %arg7[%run_scoped3A_189, %dma_start3A_199] : memref<3x128xi32, #tpu.memory_space<vmem>> -> memref<1x128xi32, #tpu.memory_space<vmem>>
          %dma_start3A_201 = tpu.memref_squeeze %dma_start3A_200 : memref<1x128xi32, #tpu.memory_space<vmem>> -> memref<128xi32, #tpu.memory_space<vmem>>
          %dma_start3A_202 = tpu.memref_slice %arg3[%multiple_of3A_188] : memref<323584xi32, #tpu.memory_space<hbm>> -> memref<128xi32, #tpu.memory_space<hbm>>
          %dma_start3A_203 = arith.constant 0 : i32
          %dma_start3A_204 = tpu.memref_slice %arg7[%run_scoped3A_189, %dma_start3A_203] : memref<3x128xi32, #tpu.memory_space<vmem>> -> memref<1x128xi32, #tpu.memory_space<vmem>>
          %dma_start3A_205 = tpu.memref_squeeze %dma_start3A_204 : memref<1x128xi32, #tpu.memory_space<vmem>> -> memref<128xi32, #tpu.memory_space<vmem>>
          %dma_start3A_206 = tpu.memref_slice %arg3[%multiple_of3A_188] : memref<323584xi32, #tpu.memory_space<hbm>> -> memref<128xi32, #tpu.memory_space<hbm>>
          tpu.enqueue_dma source(%dma_start3A_206 : memref<128xi32, #tpu.memory_space<hbm>>) target(%dma_start3A_205 : memref<128xi32, #tpu.memory_space<vmem>>) target_semaphore(%run_scoped3A_198 : memref<!tpu.dma_semaphore, #tpu.memory_space<semaphore_mem>>)
          %dma_wait3A_207 = arith.constant 0 : i32
          %dma_wait3A_208 = tpu.memref_slice %arg7[%run_scoped3A_189, %dma_wait3A_207] : memref<3x128xi32, #tpu.memory_space<vmem>> -> memref<1x128xi32, #tpu.memory_space<vmem>>
          %dma_wait3A_209 = tpu.memref_squeeze %dma_wait3A_208 : memref<1x128xi32, #tpu.memory_space<vmem>> -> memref<128xi32, #tpu.memory_space<vmem>>
          %dma_wait3A_210 = tpu.memref_slice %arg3[%multiple_of3A_188] : memref<323584xi32, #tpu.memory_space<hbm>> -> memref<128xi32, #tpu.memory_space<hbm>>
          %dma_wait3A_211 = arith.constant 0 : i32
          %dma_wait3A_212 = tpu.memref_slice %arg7[%run_scoped3A_189, %dma_wait3A_211] : memref<3x128xi32, #tpu.memory_space<vmem>> -> memref<1x128xi32, #tpu.memory_space<vmem>>
          %dma_wait3A_213 = tpu.memref_squeeze %dma_wait3A_212 : memref<1x128xi32, #tpu.memory_space<vmem>> -> memref<128xi32, #tpu.memory_space<vmem>>
          %dma_wait3A_214 = tpu.memref_slice %arg3[%multiple_of3A_188] : memref<323584xi32, #tpu.memory_space<hbm>> -> memref<128xi32, #tpu.memory_space<hbm>>
          tpu.wait_dma2 semaphore(%run_scoped3A_198 : memref<!tpu.dma_semaphore, #tpu.memory_space<semaphore_mem>>) src(%dma_wait3A_214 : memref<128xi32, #tpu.memory_space<hbm>>) dst(%dma_wait3A_213 : memref<128xi32, #tpu.memory_space<vmem>>)
          tpu.yield
        }) : () -> ()
        %dma_start3A_190 = arith.constant 2 : i32
        %dma_start3A_191 = arith.constant 0 : i32
        %dma_start3A_192 = tpu.memref_slice %arg7[%dma_start3A_190, %dma_start3A_191] : memref<3x128xi32, #tpu.memory_space<vmem>> -> memref<1x128xi32, #tpu.memory_space<vmem>>
        %dma_start3A_193 = tpu.memref_squeeze %dma_start3A_192 : memref<1x128xi32, #tpu.memory_space<vmem>> -> memref<128xi32, #tpu.memory_space<vmem>>
        %dma_start3A_194 = arith.constant 0 : i32
        %dma_start3A_195 = arith.constant 0 : i32
        %dma_start3A_196 = tpu.memref_slice %arg2[%dma_start3A_194, %dma_start3A_195] : memref<10000x128xf32, #tpu.memory_space<hbm>> -> memref<10000x128xf32, #tpu.memory_space<hbm>>
        tpu.enqueue_indirect_dma source(%dma_start3A_196 : memref<10000x128xf32, #tpu.memory_space<hbm>>) target(%arg11 : memref<128x128xf32, #tpu.memory_space<vmem>>) offsets(%dma_start3A_193 : memref<128xi32, #tpu.memory_space<vmem>>) semaphore(%arg15 : memref<!tpu.dma_semaphore, #tpu.memory_space<semaphore_mem>>)
        %run_scoped3A_197 = arith.constant 2 : i32
        "tpu.region"() ({
          %run_scoped3A_198 = tpu.sem_alloc : memref<!tpu.dma_semaphore, #tpu.memory_space<semaphore_mem>>
          %dma_start3A_199 = arith.constant 0 : i32
          %dma_start3A_200 = tpu.memref_slice %arg8[%run_scoped3A_197, %dma_start3A_199] : memref<3x128xi32, #tpu.memory_space<vmem>> -> memref<1x128xi32, #tpu.memory_space<vmem>>
          %dma_start3A_201 = tpu.memref_squeeze %dma_start3A_200 : memref<1x128xi32, #tpu.memory_space<vmem>> -> memref<128xi32, #tpu.memory_space<vmem>>
          %dma_start3A_202 = tpu.memref_slice %arg4[%multiple_of3A_188] : memref<323584xi32, #tpu.memory_space<hbm>> -> memref<128xi32, #tpu.memory_space<hbm>>
          %dma_start3A_203 = arith.constant 0 : i32
          %dma_start3A_204 = tpu.memref_slice %arg8[%run_scoped3A_197, %dma_start3A_203] : memref<3x128xi32, #tpu.memory_space<vmem>> -> memref<1x128xi32, #tpu.memory_space<vmem>>
          %dma_start3A_205 = tpu.memref_squeeze %dma_start3A_204 : memref<1x128xi32, #tpu.memory_space<vmem>> -> memref<128xi32, #tpu.memory_space<vmem>>
          %dma_start3A_206 = tpu.memref_slice %arg4[%multiple_of3A_188] : memref<323584xi32, #tpu.memory_space<hbm>> -> memref<128xi32, #tpu.memory_space<hbm>>
          tpu.enqueue_dma source(%dma_start3A_206 : memref<128xi32, #tpu.memory_space<hbm>>) target(%dma_start3A_205 : memref<128xi32, #tpu.memory_space<vmem>>) target_semaphore(%run_scoped3A_198 : memref<!tpu.dma_semaphore, #tpu.memory_space<semaphore_mem>>)
          %dma_wait3A_207 = arith.constant 0 : i32
          %dma_wait3A_208 = tpu.memref_slice %arg8[%run_scoped3A_197, %dma_wait3A_207] : memref<3x128xi32, #tpu.memory_space<vmem>> -> memref<1x128xi32, #tpu.memory_space<vmem>>
          %dma_wait3A_209 = tpu.memref_squeeze %dma_wait3A_208 : memref<1x128xi32, #tpu.memory_space<vmem>> -> memref<128xi32, #tpu.memory_space<vmem>>
          %dma_wait3A_210 = tpu.memref_slice %arg4[%multiple_of3A_188] : memref<323584xi32, #tpu.memory_space<hbm>> -> memref<128xi32, #tpu.memory_space<hbm>>
          %dma_wait3A_211 = arith.constant 0 : i32
          %dma_wait3A_212 = tpu.memref_slice %arg8[%run_scoped3A_197, %dma_wait3A_211] : memref<3x128xi32, #tpu.memory_space<vmem>> -> memref<1x128xi32, #tpu.memory_space<vmem>>
          %dma_wait3A_213 = tpu.memref_squeeze %dma_wait3A_212 : memref<1x128xi32, #tpu.memory_space<vmem>> -> memref<128xi32, #tpu.memory_space<vmem>>
          %dma_wait3A_214 = tpu.memref_slice %arg4[%multiple_of3A_188] : memref<323584xi32, #tpu.memory_space<hbm>> -> memref<128xi32, #tpu.memory_space<hbm>>
          tpu.wait_dma2 semaphore(%run_scoped3A_198 : memref<!tpu.dma_semaphore, #tpu.memory_space<semaphore_mem>>) src(%dma_wait3A_214 : memref<128xi32, #tpu.memory_space<hbm>>) dst(%dma_wait3A_213 : memref<128xi32, #tpu.memory_space<vmem>>)
          tpu.yield
        }) : () -> ()
      }
      %scan3A_52 = arith.constant 11 : i32
      %dma_wait3A = arith.constant 0 : i32
      %dma_wait3A_53 = arith.constant 0 : i32
      %dma_wait3A_54 = tpu.memref_slice %arg7[%dma_wait3A, %dma_wait3A_53] : memref<3x128xi32, #tpu.memory_space<vmem>> -> memref<1x128xi32, #tpu.memory_space<vmem>>
      %dma_wait3A_55 = tpu.memref_squeeze %dma_wait3A_54 : memref<1x128xi32, #tpu.memory_space<vmem>> -> memref<128xi32, #tpu.memory_space<vmem>>
      %dma_wait3A_56 = arith.constant 0 : i32
      %dma_wait3A_57 = arith.constant 0 : i32
      %dma_wait3A_58 = tpu.memref_slice %arg2[%dma_wait3A_56, %dma_wait3A_57] : memref<10000x128xf32, #tpu.memory_space<hbm>> -> memref<10000x128xf32, #tpu.memory_space<hbm>>
      tpu.wait_indirect_dma semaphore(%arg13 : memref<!tpu.dma_semaphore, #tpu.memory_space<semaphore_mem>>) src(%dma_wait3A_58 : memref<10000x128xf32, #tpu.memory_space<hbm>>) dst(%arg9 : memref<128x128xf32, #tpu.memory_space<vmem>>)
      %run_scoped3A_59 = arith.constant 0 : i32
      "tpu.region"() ({
        %run_scoped3A_116 = tpu.sem_alloc : memref<!tpu.dma_semaphore, #tpu.memory_space<semaphore_mem>>
        %dma_start3A_117 = arith.constant 0 : i32
        %dma_start3A_118 = tpu.memref_slice %arg8[%run_scoped3A_59, %dma_start3A_117] : memref<3x128xi32, #tpu.memory_space<vmem>> -> memref<1x128xi32, #tpu.memory_space<vmem>>
        %dma_start3A_119 = tpu.memref_squeeze %dma_start3A_118 : memref<1x128xi32, #tpu.memory_space<vmem>> -> memref<128xi32, #tpu.memory_space<vmem>>
        %dma_start3A_120 = arith.constant 0 : i32
        %dma_start3A_121 = arith.constant 0 : i32
        %dma_start3A_122 = tpu.memref_slice %arg12[%dma_start3A_120, %dma_start3A_121] : memref<10112x128xf32, #tpu.memory_space<vmem_shared>> -> memref<10112x128xf32, #tpu.memory_space<vmem_shared>>
        tpu.enqueue_indirect_dma source(%arg9 : memref<128x128xf32, #tpu.memory_space<vmem>>) target(%dma_start3A_122 : memref<10112x128xf32, #tpu.memory_space<vmem_shared>>) offsets(%dma_start3A_119 : memref<128xi32, #tpu.memory_space<vmem>>) semaphore(%run_scoped3A_116 : memref<!tpu.dma_semaphore, #tpu.memory_space<semaphore_mem>>) {add = true}
        %dma_wait3A_123 = arith.constant 0 : i32
        %dma_wait3A_124 = tpu.memref_slice %arg8[%run_scoped3A_59, %dma_wait3A_123] : memref<3x128xi32, #tpu.memory_space<vmem>> -> memref<1x128xi32, #tpu.memory_space<vmem>>
        %dma_wait3A_125 = tpu.memref_squeeze %dma_wait3A_124 : memref<1x128xi32, #tpu.memory_space<vmem>> -> memref<128xi32, #tpu.memory_space<vmem>>
        %dma_wait3A_126 = arith.constant 0 : i32
        %dma_wait3A_127 = arith.constant 0 : i32
        %dma_wait3A_128 = tpu.memref_slice %arg12[%dma_wait3A_126, %dma_wait3A_127] : memref<10112x128xf32, #tpu.memory_space<vmem_shared>> -> memref<10112x128xf32, #tpu.memory_space<vmem_shared>>
        tpu.wait_indirect_dma semaphore(%run_scoped3A_116 : memref<!tpu.dma_semaphore, #tpu.memory_space<semaphore_mem>>) src(%arg9 : memref<128x128xf32, #tpu.memory_space<vmem>>) dst(%dma_wait3A_128 : memref<10112x128xf32, #tpu.memory_space<vmem_shared>>)
        tpu.yield
      }) : () -> ()
      %dma_wait3A_60 = arith.constant 1 : i32
      %dma_wait3A_61 = arith.constant 0 : i32
      %dma_wait3A_62 = tpu.memref_slice %arg7[%dma_wait3A_60, %dma_wait3A_61] : memref<3x128xi32, #tpu.memory_space<vmem>> -> memref<1x128xi32, #tpu.memory_space<vmem>>
      %dma_wait3A_63 = tpu.memref_squeeze %dma_wait3A_62 : memref<1x128xi32, #tpu.memory_space<vmem>> -> memref<128xi32, #tpu.memory_space<vmem>>
      %dma_wait3A_64 = arith.constant 0 : i32
      %dma_wait3A_65 = arith.constant 0 : i32
      %dma_wait3A_66 = tpu.memref_slice %arg2[%dma_wait3A_64, %dma_wait3A_65] : memref<10000x128xf32, #tpu.memory_space<hbm>> -> memref<10000x128xf32, #tpu.memory_space<hbm>>
      tpu.wait_indirect_dma semaphore(%arg14 : memref<!tpu.dma_semaphore, #tpu.memory_space<semaphore_mem>>) src(%dma_wait3A_66 : memref<10000x128xf32, #tpu.memory_space<hbm>>) dst(%arg10 : memref<128x128xf32, #tpu.memory_space<vmem>>)
      %run_scoped3A_67 = arith.constant 1 : i32
      "tpu.region"() ({
        %run_scoped3A_116 = tpu.sem_alloc : memref<!tpu.dma_semaphore, #tpu.memory_space<semaphore_mem>>
        %dma_start3A_117 = arith.constant 0 : i32
        %dma_start3A_118 = tpu.memref_slice %arg8[%run_scoped3A_67, %dma_start3A_117] : memref<3x128xi32, #tpu.memory_space<vmem>> -> memref<1x128xi32, #tpu.memory_space<vmem>>
        %dma_start3A_119 = tpu.memref_squeeze %dma_start3A_118 : memref<1x128xi32, #tpu.memory_space<vmem>> -> memref<128xi32, #tpu.memory_space<vmem>>
        %dma_start3A_120 = arith.constant 0 : i32
        %dma_start3A_121 = arith.constant 0 : i32
        %dma_start3A_122 = tpu.memref_slice %arg12[%dma_start3A_120, %dma_start3A_121] : memref<10112x128xf32, #tpu.memory_space<vmem_shared>> -> memref<10112x128xf32, #tpu.memory_space<vmem_shared>>
        tpu.enqueue_indirect_dma source(%arg10 : memref<128x128xf32, #tpu.memory_space<vmem>>) target(%dma_start3A_122 : memref<10112x128xf32, #tpu.memory_space<vmem_shared>>) offsets(%dma_start3A_119 : memref<128xi32, #tpu.memory_space<vmem>>) semaphore(%run_scoped3A_116 : memref<!tpu.dma_semaphore, #tpu.memory_space<semaphore_mem>>) {add = true}
        %dma_wait3A_123 = arith.constant 0 : i32
        %dma_wait3A_124 = tpu.memref_slice %arg8[%run_scoped3A_67, %dma_wait3A_123] : memref<3x128xi32, #tpu.memory_space<vmem>> -> memref<1x128xi32, #tpu.memory_space<vmem>>
        %dma_wait3A_125 = tpu.memref_squeeze %dma_wait3A_124 : memref<1x128xi32, #tpu.memory_space<vmem>> -> memref<128xi32, #tpu.memory_space<vmem>>
        %dma_wait3A_126 = arith.constant 0 : i32
        %dma_wait3A_127 = arith.constant 0 : i32
        %dma_wait3A_128 = tpu.memref_slice %arg12[%dma_wait3A_126, %dma_wait3A_127] : memref<10112x128xf32, #tpu.memory_space<vmem_shared>> -> memref<10112x128xf32, #tpu.memory_space<vmem_shared>>
        tpu.wait_indirect_dma semaphore(%run_scoped3A_116 : memref<!tpu.dma_semaphore, #tpu.memory_space<semaphore_mem>>) src(%arg10 : memref<128x128xf32, #tpu.memory_space<vmem>>) dst(%dma_wait3A_128 : memref<10112x128xf32, #tpu.memory_space<vmem_shared>>)
        tpu.yield
      }) : () -> ()
      %dma_wait3A_68 = arith.constant 2 : i32
      %dma_wait3A_69 = arith.constant 0 : i32
      %dma_wait3A_70 = tpu.memref_slice %arg7[%dma_wait3A_68, %dma_wait3A_69] : memref<3x128xi32, #tpu.memory_space<vmem>> -> memref<1x128xi32, #tpu.memory_space<vmem>>
      %dma_wait3A_71 = tpu.memref_squeeze %dma_wait3A_70 : memref<1x128xi32, #tpu.memory_space<vmem>> -> memref<128xi32, #tpu.memory_space<vmem>>
      %dma_wait3A_72 = arith.constant 0 : i32
      %dma_wait3A_73 = arith.constant 0 : i32
      %dma_wait3A_74 = tpu.memref_slice %arg2[%dma_wait3A_72, %dma_wait3A_73] : memref<10000x128xf32, #tpu.memory_space<hbm>> -> memref<10000x128xf32, #tpu.memory_space<hbm>>
      tpu.wait_indirect_dma semaphore(%arg15 : memref<!tpu.dma_semaphore, #tpu.memory_space<semaphore_mem>>) src(%dma_wait3A_74 : memref<10000x128xf32, #tpu.memory_space<hbm>>) dst(%arg11 : memref<128x128xf32, #tpu.memory_space<vmem>>)
      %run_scoped3A_75 = arith.constant 2 : i32
      "tpu.region"() ({
        %run_scoped3A_116 = tpu.sem_alloc : memref<!tpu.dma_semaphore, #tpu.memory_space<semaphore_mem>>
        %dma_start3A_117 = arith.constant 0 : i32
        %dma_start3A_118 = tpu.memref_slice %arg8[%run_scoped3A_75, %dma_start3A_117] : memref<3x128xi32, #tpu.memory_space<vmem>> -> memref<1x128xi32, #tpu.memory_space<vmem>>
        %dma_start3A_119 = tpu.memref_squeeze %dma_start3A_118 : memref<1x128xi32, #tpu.memory_space<vmem>> -> memref<128xi32, #tpu.memory_space<vmem>>
        %dma_start3A_120 = arith.constant 0 : i32
        %dma_start3A_121 = arith.constant 0 : i32
        %dma_start3A_122 = tpu.memref_slice %arg12[%dma_start3A_120, %dma_start3A_121] : memref<10112x128xf32, #tpu.memory_space<vmem_shared>> -> memref<10112x128xf32, #tpu.memory_space<vmem_shared>>
        tpu.enqueue_indirect_dma source(%arg11 : memref<128x128xf32, #tpu.memory_space<vmem>>) target(%dma_start3A_122 : memref<10112x128xf32, #tpu.memory_space<vmem_shared>>) offsets(%dma_start3A_119 : memref<128xi32, #tpu.memory_space<vmem>>) semaphore(%run_scoped3A_116 : memref<!tpu.dma_semaphore, #tpu.memory_space<semaphore_mem>>) {add = true}
        %dma_wait3A_123 = arith.constant 0 : i32
        %dma_wait3A_124 = tpu.memref_slice %arg8[%run_scoped3A_75, %dma_wait3A_123] : memref<3x128xi32, #tpu.memory_space<vmem>> -> memref<1x128xi32, #tpu.memory_space<vmem>>
        %dma_wait3A_125 = tpu.memref_squeeze %dma_wait3A_124 : memref<1x128xi32, #tpu.memory_space<vmem>> -> memref<128xi32, #tpu.memory_space<vmem>>
        %dma_wait3A_126 = arith.constant 0 : i32
        %dma_wait3A_127 = arith.constant 0 : i32
        %dma_wait3A_128 = tpu.memref_slice %arg12[%dma_wait3A_126, %dma_wait3A_127] : memref<10112x128xf32, #tpu.memory_space<vmem_shared>> -> memref<10112x128xf32, #tpu.memory_space<vmem_shared>>
        tpu.wait_indirect_dma semaphore(%run_scoped3A_116 : memref<!tpu.dma_semaphore, #tpu.memory_space<semaphore_mem>>) src(%arg11 : memref<128x128xf32, #tpu.memory_space<vmem>>) dst(%dma_wait3A_128 : memref<10112x128xf32, #tpu.memory_space<vmem_shared>>)
        tpu.yield
      }) : () -> ()
      %add3A_76 = arith.constant 4608 : i32
      %add3A_77 = arith.addi %add3A_14, %add3A_76 : i32
      %multiple_of3A_78 = tpu.assume_multiple %add3A_77, 128 : i32
      %add3A_79 = arith.constant 4736 : i32
      %add3A_80 = arith.addi %add3A_14, %add3A_79 : i32
      %multiple_of3A_81 = tpu.assume_multiple %add3A_80, 128 : i32
      %run_scoped3A_82 = arith.constant 0 : i32
      "tpu.region"() ({
        %run_scoped3A_116 = tpu.sem_alloc : memref<!tpu.dma_semaphore, #tpu.memory_space<semaphore_mem>>
        %dma_start3A_117 = arith.constant 0 : i32
        %dma_start3A_118 = tpu.memref_slice %arg7[%run_scoped3A_82, %dma_start3A_117] : memref<3x128xi32, #tpu.memory_space<vmem>> -> memref<1x128xi32, #tpu.memory_space<vmem>>
        %dma_start3A_119 = tpu.memref_squeeze %dma_start3A_118 : memref<1x128xi32, #tpu.memory_space<vmem>> -> memref<128xi32, #tpu.memory_space<vmem>>
        %dma_start3A_120 = tpu.memref_slice %arg3[%multiple_of3A_78] : memref<323584xi32, #tpu.memory_space<hbm>> -> memref<128xi32, #tpu.memory_space<hbm>>
        %dma_start3A_121 = arith.constant 0 : i32
        %dma_start3A_122 = tpu.memref_slice %arg7[%run_scoped3A_82, %dma_start3A_121] : memref<3x128xi32, #tpu.memory_space<vmem>> -> memref<1x128xi32, #tpu.memory_space<vmem>>
        %dma_start3A_123 = tpu.memref_squeeze %dma_start3A_122 : memref<1x128xi32, #tpu.memory_space<vmem>> -> memref<128xi32, #tpu.memory_space<vmem>>
        %dma_start3A_124 = tpu.memref_slice %arg3[%multiple_of3A_78] : memref<323584xi32, #tpu.memory_space<hbm>> -> memref<128xi32, #tpu.memory_space<hbm>>
        tpu.enqueue_dma source(%dma_start3A_124 : memref<128xi32, #tpu.memory_space<hbm>>) target(%dma_start3A_123 : memref<128xi32, #tpu.memory_space<vmem>>) target_semaphore(%run_scoped3A_116 : memref<!tpu.dma_semaphore, #tpu.memory_space<semaphore_mem>>)
        %dma_wait3A_125 = arith.constant 0 : i32
        %dma_wait3A_126 = tpu.memref_slice %arg7[%run_scoped3A_82, %dma_wait3A_125] : memref<3x128xi32, #tpu.memory_space<vmem>> -> memref<1x128xi32, #tpu.memory_space<vmem>>
        %dma_wait3A_127 = tpu.memref_squeeze %dma_wait3A_126 : memref<1x128xi32, #tpu.memory_space<vmem>> -> memref<128xi32, #tpu.memory_space<vmem>>
        %dma_wait3A_128 = tpu.memref_slice %arg3[%multiple_of3A_78] : memref<323584xi32, #tpu.memory_space<hbm>> -> memref<128xi32, #tpu.memory_space<hbm>>
        %dma_wait3A_129 = arith.constant 0 : i32
        %dma_wait3A_130 = tpu.memref_slice %arg7[%run_scoped3A_82, %dma_wait3A_129] : memref<3x128xi32, #tpu.memory_space<vmem>> -> memref<1x128xi32, #tpu.memory_space<vmem>>
        %dma_wait3A_131 = tpu.memref_squeeze %dma_wait3A_130 : memref<1x128xi32, #tpu.memory_space<vmem>> -> memref<128xi32, #tpu.memory_space<vmem>>
        %dma_wait3A_132 = tpu.memref_slice %arg3[%multiple_of3A_78] : memref<323584xi32, #tpu.memory_space<hbm>> -> memref<128xi32, #tpu.memory_space<hbm>>
        tpu.wait_dma2 semaphore(%run_scoped3A_116 : memref<!tpu.dma_semaphore, #tpu.memory_space<semaphore_mem>>) src(%dma_wait3A_132 : memref<128xi32, #tpu.memory_space<hbm>>) dst(%dma_wait3A_131 : memref<128xi32, #tpu.memory_space<vmem>>)
        tpu.yield
      }) : () -> ()
      %dma_start3A_83 = arith.constant 0 : i32
      %dma_start3A_84 = arith.constant 0 : i32
      %dma_start3A_85 = tpu.memref_slice %arg7[%dma_start3A_83, %dma_start3A_84] : memref<3x128xi32, #tpu.memory_space<vmem>> -> memref<1x128xi32, #tpu.memory_space<vmem>>
      %dma_start3A_86 = tpu.memref_squeeze %dma_start3A_85 : memref<1x128xi32, #tpu.memory_space<vmem>> -> memref<128xi32, #tpu.memory_space<vmem>>
      %dma_start3A_87 = arith.constant 0 : i32
      %dma_start3A_88 = arith.constant 0 : i32
      %dma_start3A_89 = tpu.memref_slice %arg2[%dma_start3A_87, %dma_start3A_88] : memref<10000x128xf32, #tpu.memory_space<hbm>> -> memref<10000x128xf32, #tpu.memory_space<hbm>>
      tpu.enqueue_indirect_dma source(%dma_start3A_89 : memref<10000x128xf32, #tpu.memory_space<hbm>>) target(%arg9 : memref<128x128xf32, #tpu.memory_space<vmem>>) offsets(%dma_start3A_86 : memref<128xi32, #tpu.memory_space<vmem>>) semaphore(%arg13 : memref<!tpu.dma_semaphore, #tpu.memory_space<semaphore_mem>>)
      %run_scoped3A_90 = arith.constant 1 : i32
      "tpu.region"() ({
        %run_scoped3A_116 = tpu.sem_alloc : memref<!tpu.dma_semaphore, #tpu.memory_space<semaphore_mem>>
        %dma_start3A_117 = arith.constant 0 : i32
        %dma_start3A_118 = tpu.memref_slice %arg7[%run_scoped3A_90, %dma_start3A_117] : memref<3x128xi32, #tpu.memory_space<vmem>> -> memref<1x128xi32, #tpu.memory_space<vmem>>
        %dma_start3A_119 = tpu.memref_squeeze %dma_start3A_118 : memref<1x128xi32, #tpu.memory_space<vmem>> -> memref<128xi32, #tpu.memory_space<vmem>>
        %dma_start3A_120 = tpu.memref_slice %arg3[%multiple_of3A_81] : memref<323584xi32, #tpu.memory_space<hbm>> -> memref<128xi32, #tpu.memory_space<hbm>>
        %dma_start3A_121 = arith.constant 0 : i32
        %dma_start3A_122 = tpu.memref_slice %arg7[%run_scoped3A_90, %dma_start3A_121] : memref<3x128xi32, #tpu.memory_space<vmem>> -> memref<1x128xi32, #tpu.memory_space<vmem>>
        %dma_start3A_123 = tpu.memref_squeeze %dma_start3A_122 : memref<1x128xi32, #tpu.memory_space<vmem>> -> memref<128xi32, #tpu.memory_space<vmem>>
        %dma_start3A_124 = tpu.memref_slice %arg3[%multiple_of3A_81] : memref<323584xi32, #tpu.memory_space<hbm>> -> memref<128xi32, #tpu.memory_space<hbm>>
        tpu.enqueue_dma source(%dma_start3A_124 : memref<128xi32, #tpu.memory_space<hbm>>) target(%dma_start3A_123 : memref<128xi32, #tpu.memory_space<vmem>>) target_semaphore(%run_scoped3A_116 : memref<!tpu.dma_semaphore, #tpu.memory_space<semaphore_mem>>)
        %dma_wait3A_125 = arith.constant 0 : i32
        %dma_wait3A_126 = tpu.memref_slice %arg7[%run_scoped3A_90, %dma_wait3A_125] : memref<3x128xi32, #tpu.memory_space<vmem>> -> memref<1x128xi32, #tpu.memory_space<vmem>>
        %dma_wait3A_127 = tpu.memref_squeeze %dma_wait3A_126 : memref<1x128xi32, #tpu.memory_space<vmem>> -> memref<128xi32, #tpu.memory_space<vmem>>
        %dma_wait3A_128 = tpu.memref_slice %arg3[%multiple_of3A_81] : memref<323584xi32, #tpu.memory_space<hbm>> -> memref<128xi32, #tpu.memory_space<hbm>>
        %dma_wait3A_129 = arith.constant 0 : i32
        %dma_wait3A_130 = tpu.memref_slice %arg7[%run_scoped3A_90, %dma_wait3A_129] : memref<3x128xi32, #tpu.memory_space<vmem>> -> memref<1x128xi32, #tpu.memory_space<vmem>>
        %dma_wait3A_131 = tpu.memref_squeeze %dma_wait3A_130 : memref<1x128xi32, #tpu.memory_space<vmem>> -> memref<128xi32, #tpu.memory_space<vmem>>
        %dma_wait3A_132 = tpu.memref_slice %arg3[%multiple_of3A_81] : memref<323584xi32, #tpu.memory_space<hbm>> -> memref<128xi32, #tpu.memory_space<hbm>>
        tpu.wait_dma2 semaphore(%run_scoped3A_116 : memref<!tpu.dma_semaphore, #tpu.memory_space<semaphore_mem>>) src(%dma_wait3A_132 : memref<128xi32, #tpu.memory_space<hbm>>) dst(%dma_wait3A_131 : memref<128xi32, #tpu.memory_space<vmem>>)
        tpu.yield
      }) : () -> ()
      %dma_start3A_91 = arith.constant 1 : i32
      %dma_start3A_92 = arith.constant 0 : i32
      %dma_start3A_93 = tpu.memref_slice %arg7[%dma_start3A_91, %dma_start3A_92] : memref<3x128xi32, #tpu.memory_space<vmem>> -> memref<1x128xi32, #tpu.memory_space<vmem>>
      %dma_start3A_94 = tpu.memref_squeeze %dma_start3A_93 : memref<1x128xi32, #tpu.memory_space<vmem>> -> memref<128xi32, #tpu.memory_space<vmem>>
      %dma_start3A_95 = arith.constant 0 : i32
      %dma_start3A_96 = arith.constant 0 : i32
      %dma_start3A_97 = tpu.memref_slice %arg2[%dma_start3A_95, %dma_start3A_96] : memref<10000x128xf32, #tpu.memory_space<hbm>> -> memref<10000x128xf32, #tpu.memory_space<hbm>>
      tpu.enqueue_indirect_dma source(%dma_start3A_97 : memref<10000x128xf32, #tpu.memory_space<hbm>>) target(%arg10 : memref<128x128xf32, #tpu.memory_space<vmem>>) offsets(%dma_start3A_94 : memref<128xi32, #tpu.memory_space<vmem>>) semaphore(%arg14 : memref<!tpu.dma_semaphore, #tpu.memory_space<semaphore_mem>>)
      %run_scoped3A_98 = arith.constant 0 : i32
      "tpu.region"() ({
        %run_scoped3A_116 = tpu.sem_alloc : memref<!tpu.dma_semaphore, #tpu.memory_space<semaphore_mem>>
        %dma_start3A_117 = arith.constant 0 : i32
        %dma_start3A_118 = tpu.memref_slice %arg8[%run_scoped3A_98, %dma_start3A_117] : memref<3x128xi32, #tpu.memory_space<vmem>> -> memref<1x128xi32, #tpu.memory_space<vmem>>
        %dma_start3A_119 = tpu.memref_squeeze %dma_start3A_118 : memref<1x128xi32, #tpu.memory_space<vmem>> -> memref<128xi32, #tpu.memory_space<vmem>>
        %dma_start3A_120 = tpu.memref_slice %arg4[%multiple_of3A_78] : memref<323584xi32, #tpu.memory_space<hbm>> -> memref<128xi32, #tpu.memory_space<hbm>>
        %dma_start3A_121 = arith.constant 0 : i32
        %dma_start3A_122 = tpu.memref_slice %arg8[%run_scoped3A_98, %dma_start3A_121] : memref<3x128xi32, #tpu.memory_space<vmem>> -> memref<1x128xi32, #tpu.memory_space<vmem>>
        %dma_start3A_123 = tpu.memref_squeeze %dma_start3A_122 : memref<1x128xi32, #tpu.memory_space<vmem>> -> memref<128xi32, #tpu.memory_space<vmem>>
        %dma_start3A_124 = tpu.memref_slice %arg4[%multiple_of3A_78] : memref<323584xi32, #tpu.memory_space<hbm>> -> memref<128xi32, #tpu.memory_space<hbm>>
        tpu.enqueue_dma source(%dma_start3A_124 : memref<128xi32, #tpu.memory_space<hbm>>) target(%dma_start3A_123 : memref<128xi32, #tpu.memory_space<vmem>>) target_semaphore(%run_scoped3A_116 : memref<!tpu.dma_semaphore, #tpu.memory_space<semaphore_mem>>)
        %dma_wait3A_125 = arith.constant 0 : i32
        %dma_wait3A_126 = tpu.memref_slice %arg8[%run_scoped3A_98, %dma_wait3A_125] : memref<3x128xi32, #tpu.memory_space<vmem>> -> memref<1x128xi32, #tpu.memory_space<vmem>>
        %dma_wait3A_127 = tpu.memref_squeeze %dma_wait3A_126 : memref<1x128xi32, #tpu.memory_space<vmem>> -> memref<128xi32, #tpu.memory_space<vmem>>
        %dma_wait3A_128 = tpu.memref_slice %arg4[%multiple_of3A_78] : memref<323584xi32, #tpu.memory_space<hbm>> -> memref<128xi32, #tpu.memory_space<hbm>>
        %dma_wait3A_129 = arith.constant 0 : i32
        %dma_wait3A_130 = tpu.memref_slice %arg8[%run_scoped3A_98, %dma_wait3A_129] : memref<3x128xi32, #tpu.memory_space<vmem>> -> memref<1x128xi32, #tpu.memory_space<vmem>>
        %dma_wait3A_131 = tpu.memref_squeeze %dma_wait3A_130 : memref<1x128xi32, #tpu.memory_space<vmem>> -> memref<128xi32, #tpu.memory_space<vmem>>
        %dma_wait3A_132 = tpu.memref_slice %arg4[%multiple_of3A_78] : memref<323584xi32, #tpu.memory_space<hbm>> -> memref<128xi32, #tpu.memory_space<hbm>>
        tpu.wait_dma2 semaphore(%run_scoped3A_116 : memref<!tpu.dma_semaphore, #tpu.memory_space<semaphore_mem>>) src(%dma_wait3A_132 : memref<128xi32, #tpu.memory_space<hbm>>) dst(%dma_wait3A_131 : memref<128xi32, #tpu.memory_space<vmem>>)
        tpu.yield
      }) : () -> ()
      %run_scoped3A_99 = arith.constant 1 : i32
      "tpu.region"() ({
        %run_scoped3A_116 = tpu.sem_alloc : memref<!tpu.dma_semaphore, #tpu.memory_space<semaphore_mem>>
        %dma_start3A_117 = arith.constant 0 : i32
        %dma_start3A_118 = tpu.memref_slice %arg8[%run_scoped3A_99, %dma_start3A_117] : memref<3x128xi32, #tpu.memory_space<vmem>> -> memref<1x128xi32, #tpu.memory_space<vmem>>
        %dma_start3A_119 = tpu.memref_squeeze %dma_start3A_118 : memref<1x128xi32, #tpu.memory_space<vmem>> -> memref<128xi32, #tpu.memory_space<vmem>>
        %dma_start3A_120 = tpu.memref_slice %arg4[%multiple_of3A_81] : memref<323584xi32, #tpu.memory_space<hbm>> -> memref<128xi32, #tpu.memory_space<hbm>>
        %dma_start3A_121 = arith.constant 0 : i32
        %dma_start3A_122 = tpu.memref_slice %arg8[%run_scoped3A_99, %dma_start3A_121] : memref<3x128xi32, #tpu.memory_space<vmem>> -> memref<1x128xi32, #tpu.memory_space<vmem>>
        %dma_start3A_123 = tpu.memref_squeeze %dma_start3A_122 : memref<1x128xi32, #tpu.memory_space<vmem>> -> memref<128xi32, #tpu.memory_space<vmem>>
        %dma_start3A_124 = tpu.memref_slice %arg4[%multiple_of3A_81] : memref<323584xi32, #tpu.memory_space<hbm>> -> memref<128xi32, #tpu.memory_space<hbm>>
        tpu.enqueue_dma source(%dma_start3A_124 : memref<128xi32, #tpu.memory_space<hbm>>) target(%dma_start3A_123 : memref<128xi32, #tpu.memory_space<vmem>>) target_semaphore(%run_scoped3A_116 : memref<!tpu.dma_semaphore, #tpu.memory_space<semaphore_mem>>)
        %dma_wait3A_125 = arith.constant 0 : i32
        %dma_wait3A_126 = tpu.memref_slice %arg8[%run_scoped3A_99, %dma_wait3A_125] : memref<3x128xi32, #tpu.memory_space<vmem>> -> memref<1x128xi32, #tpu.memory_space<vmem>>
        %dma_wait3A_127 = tpu.memref_squeeze %dma_wait3A_126 : memref<1x128xi32, #tpu.memory_space<vmem>> -> memref<128xi32, #tpu.memory_space<vmem>>
        %dma_wait3A_128 = tpu.memref_slice %arg4[%multiple_of3A_81] : memref<323584xi32, #tpu.memory_space<hbm>> -> memref<128xi32, #tpu.memory_space<hbm>>
        %dma_wait3A_129 = arith.constant 0 : i32
        %dma_wait3A_130 = tpu.memref_slice %arg8[%run_scoped3A_99, %dma_wait3A_129] : memref<3x128xi32, #tpu.memory_space<vmem>> -> memref<1x128xi32, #tpu.memory_space<vmem>>
        %dma_wait3A_131 = tpu.memref_squeeze %dma_wait3A_130 : memref<1x128xi32, #tpu.memory_space<vmem>> -> memref<128xi32, #tpu.memory_space<vmem>>
        %dma_wait3A_132 = tpu.memref_slice %arg4[%multiple_of3A_81] : memref<323584xi32, #tpu.memory_space<hbm>> -> memref<128xi32, #tpu.memory_space<hbm>>
        tpu.wait_dma2 semaphore(%run_scoped3A_116 : memref<!tpu.dma_semaphore, #tpu.memory_space<semaphore_mem>>) src(%dma_wait3A_132 : memref<128xi32, #tpu.memory_space<hbm>>) dst(%dma_wait3A_131 : memref<128xi32, #tpu.memory_space<vmem>>)
        tpu.yield
      }) : () -> ()
      %dma_wait3A_100 = arith.constant 0 : i32
      %dma_wait3A_101 = arith.constant 0 : i32
      %dma_wait3A_102 = tpu.memref_slice %arg7[%dma_wait3A_100, %dma_wait3A_101] : memref<3x128xi32, #tpu.memory_space<vmem>> -> memref<1x128xi32, #tpu.memory_space<vmem>>
      %dma_wait3A_103 = tpu.memref_squeeze %dma_wait3A_102 : memref<1x128xi32, #tpu.memory_space<vmem>> -> memref<128xi32, #tpu.memory_space<vmem>>
      %dma_wait3A_104 = arith.constant 0 : i32
      %dma_wait3A_105 = arith.constant 0 : i32
      %dma_wait3A_106 = tpu.memref_slice %arg2[%dma_wait3A_104, %dma_wait3A_105] : memref<10000x128xf32, #tpu.memory_space<hbm>> -> memref<10000x128xf32, #tpu.memory_space<hbm>>
      tpu.wait_indirect_dma semaphore(%arg13 : memref<!tpu.dma_semaphore, #tpu.memory_space<semaphore_mem>>) src(%dma_wait3A_106 : memref<10000x128xf32, #tpu.memory_space<hbm>>) dst(%arg9 : memref<128x128xf32, #tpu.memory_space<vmem>>)
      %run_scoped3A_107 = arith.constant 0 : i32
      "tpu.region"() ({
        %run_scoped3A_116 = tpu.sem_alloc : memref<!tpu.dma_semaphore, #tpu.memory_space<semaphore_mem>>
        %dma_start3A_117 = arith.constant 0 : i32
        %dma_start3A_118 = tpu.memref_slice %arg8[%run_scoped3A_107, %dma_start3A_117] : memref<3x128xi32, #tpu.memory_space<vmem>> -> memref<1x128xi32, #tpu.memory_space<vmem>>
        %dma_start3A_119 = tpu.memref_squeeze %dma_start3A_118 : memref<1x128xi32, #tpu.memory_space<vmem>> -> memref<128xi32, #tpu.memory_space<vmem>>
        %dma_start3A_120 = arith.constant 0 : i32
        %dma_start3A_121 = arith.constant 0 : i32
        %dma_start3A_122 = tpu.memref_slice %arg12[%dma_start3A_120, %dma_start3A_121] : memref<10112x128xf32, #tpu.memory_space<vmem_shared>> -> memref<10112x128xf32, #tpu.memory_space<vmem_shared>>
        tpu.enqueue_indirect_dma source(%arg9 : memref<128x128xf32, #tpu.memory_space<vmem>>) target(%dma_start3A_122 : memref<10112x128xf32, #tpu.memory_space<vmem_shared>>) offsets(%dma_start3A_119 : memref<128xi32, #tpu.memory_space<vmem>>) semaphore(%run_scoped3A_116 : memref<!tpu.dma_semaphore, #tpu.memory_space<semaphore_mem>>) {add = true}
        %dma_wait3A_123 = arith.constant 0 : i32
        %dma_wait3A_124 = tpu.memref_slice %arg8[%run_scoped3A_107, %dma_wait3A_123] : memref<3x128xi32, #tpu.memory_space<vmem>> -> memref<1x128xi32, #tpu.memory_space<vmem>>
        %dma_wait3A_125 = tpu.memref_squeeze %dma_wait3A_124 : memref<1x128xi32, #tpu.memory_space<vmem>> -> memref<128xi32, #tpu.memory_space<vmem>>
        %dma_wait3A_126 = arith.constant 0 : i32
        %dma_wait3A_127 = arith.constant 0 : i32
        %dma_wait3A_128 = tpu.memref_slice %arg12[%dma_wait3A_126, %dma_wait3A_127] : memref<10112x128xf32, #tpu.memory_space<vmem_shared>> -> memref<10112x128xf32, #tpu.memory_space<vmem_shared>>
        tpu.wait_indirect_dma semaphore(%run_scoped3A_116 : memref<!tpu.dma_semaphore, #tpu.memory_space<semaphore_mem>>) src(%arg9 : memref<128x128xf32, #tpu.memory_space<vmem>>) dst(%dma_wait3A_128 : memref<10112x128xf32, #tpu.memory_space<vmem_shared>>)
        tpu.yield
      }) : () -> ()
      %dma_wait3A_108 = arith.constant 1 : i32
      %dma_wait3A_109 = arith.constant 0 : i32
      %dma_wait3A_110 = tpu.memref_slice %arg7[%dma_wait3A_108, %dma_wait3A_109] : memref<3x128xi32, #tpu.memory_space<vmem>> -> memref<1x128xi32, #tpu.memory_space<vmem>>
      %dma_wait3A_111 = tpu.memref_squeeze %dma_wait3A_110 : memref<1x128xi32, #tpu.memory_space<vmem>> -> memref<128xi32, #tpu.memory_space<vmem>>
      %dma_wait3A_112 = arith.constant 0 : i32
      %dma_wait3A_113 = arith.constant 0 : i32
      %dma_wait3A_114 = tpu.memref_slice %arg2[%dma_wait3A_112, %dma_wait3A_113] : memref<10000x128xf32, #tpu.memory_space<hbm>> -> memref<10000x128xf32, #tpu.memory_space<hbm>>
      tpu.wait_indirect_dma semaphore(%arg14 : memref<!tpu.dma_semaphore, #tpu.memory_space<semaphore_mem>>) src(%dma_wait3A_114 : memref<10000x128xf32, #tpu.memory_space<hbm>>) dst(%arg10 : memref<128x128xf32, #tpu.memory_space<vmem>>)
      %run_scoped3A_115 = arith.constant 1 : i32
      "tpu.region"() ({
        %run_scoped3A_116 = tpu.sem_alloc : memref<!tpu.dma_semaphore, #tpu.memory_space<semaphore_mem>>
        %dma_start3A_117 = arith.constant 0 : i32
        %dma_start3A_118 = tpu.memref_slice %arg8[%run_scoped3A_115, %dma_start3A_117] : memref<3x128xi32, #tpu.memory_space<vmem>> -> memref<1x128xi32, #tpu.memory_space<vmem>>
        %dma_start3A_119 = tpu.memref_squeeze %dma_start3A_118 : memref<1x128xi32, #tpu.memory_space<vmem>> -> memref<128xi32, #tpu.memory_space<vmem>>
        %dma_start3A_120 = arith.constant 0 : i32
        %dma_start3A_121 = arith.constant 0 : i32
        %dma_start3A_122 = tpu.memref_slice %arg12[%dma_start3A_120, %dma_start3A_121] : memref<10112x128xf32, #tpu.memory_space<vmem_shared>> -> memref<10112x128xf32, #tpu.memory_space<vmem_shared>>
        tpu.enqueue_indirect_dma source(%arg10 : memref<128x128xf32, #tpu.memory_space<vmem>>) target(%dma_start3A_122 : memref<10112x128xf32, #tpu.memory_space<vmem_shared>>) offsets(%dma_start3A_119 : memref<128xi32, #tpu.memory_space<vmem>>) semaphore(%run_scoped3A_116 : memref<!tpu.dma_semaphore, #tpu.memory_space<semaphore_mem>>) {add = true}
        %dma_wait3A_123 = arith.constant 0 : i32
        %dma_wait3A_124 = tpu.memref_slice %arg8[%run_scoped3A_115, %dma_wait3A_123] : memref<3x128xi32, #tpu.memory_space<vmem>> -> memref<1x128xi32, #tpu.memory_space<vmem>>
        %dma_wait3A_125 = tpu.memref_squeeze %dma_wait3A_124 : memref<1x128xi32, #tpu.memory_space<vmem>> -> memref<128xi32, #tpu.memory_space<vmem>>
        %dma_wait3A_126 = arith.constant 0 : i32
        %dma_wait3A_127 = arith.constant 0 : i32
        %dma_wait3A_128 = tpu.memref_slice %arg12[%dma_wait3A_126, %dma_wait3A_127] : memref<10112x128xf32, #tpu.memory_space<vmem_shared>> -> memref<10112x128xf32, #tpu.memory_space<vmem_shared>>
        tpu.wait_indirect_dma semaphore(%run_scoped3A_116 : memref<!tpu.dma_semaphore, #tpu.memory_space<semaphore_mem>>) src(%arg10 : memref<128x128xf32, #tpu.memory_space<vmem>>) dst(%dma_wait3A_128 : memref<10112x128xf32, #tpu.memory_space<vmem_shared>>)
        tpu.yield
      }) : () -> ()
    } else {
    }
    %barrier3A_10 = arith.constant 0 : index
    tpu.barrier barrier_id(%barrier3A_10)
    "tpu.region"() ({
      %run_scoped3A = tpu.sem_alloc : memref<!tpu.dma_semaphore, #tpu.memory_space<semaphore_mem>>
      %dma_start3A = arith.constant 0 : i32
      %dma_start3A_11 = tpu.memref_slice %arg6[%arg0, %mul3A_2, %dma_start3A] : memref<2x10112x128xf32, #tpu.memory_space<hbm>> -> memref<1x632x128xf32, #tpu.memory_space<hbm>>
      %dma_start3A_12 = tpu.memref_squeeze %dma_start3A_11 : memref<1x632x128xf32, #tpu.memory_space<hbm>> -> memref<632x128xf32, #tpu.memory_space<hbm>>
      %dma_start3A_13 = arith.constant 0 : i32
      %dma_start3A_14 = tpu.memref_slice %arg12[%mul3A_2, %dma_start3A_13] : memref<10112x128xf32, #tpu.memory_space<vmem_shared>> -> memref<632x128xf32, #tpu.memory_space<vmem_shared>>
      tpu.enqueue_dma source(%dma_start3A_14 : memref<632x128xf32, #tpu.memory_space<vmem_shared>>) target(%dma_start3A_12 : memref<632x128xf32, #tpu.memory_space<hbm>>) target_semaphore(%run_scoped3A : memref<!tpu.dma_semaphore, #tpu.memory_space<semaphore_mem>>)
      %dma_wait3A = arith.constant 0 : i32
      %dma_wait3A_15 = tpu.memref_slice %arg6[%arg0, %mul3A_2, %dma_wait3A] : memref<2x10112x128xf32, #tpu.memory_space<hbm>> -> memref<1x632x128xf32, #tpu.memory_space<hbm>>
      %dma_wait3A_16 = tpu.memref_squeeze %dma_wait3A_15 : memref<1x632x128xf32, #tpu.memory_space<hbm>> -> memref<632x128xf32, #tpu.memory_space<hbm>>
      %dma_wait3A_17 = arith.constant 0 : i32
      %dma_wait3A_18 = tpu.memref_slice %arg12[%mul3A_2, %dma_wait3A_17] : memref<10112x128xf32, #tpu.memory_space<vmem_shared>> -> memref<632x128xf32, #tpu.memory_space<vmem_shared>>
      tpu.wait_dma2 semaphore(%run_scoped3A : memref<!tpu.dma_semaphore, #tpu.memory_space<semaphore_mem>>) src(%dma_wait3A_18 : memref<632x128xf32, #tpu.memory_space<vmem_shared>>) dst(%dma_wait3A_16 : memref<632x128xf32, #tpu.memory_space<hbm>>)
      tpu.yield
    }) : () -> ()
    return
  }
}

#map = affine_map<(d0, d1) -> (0, 0)>
#map1 = affine_map<(d0, d1) -> (0)>
#map2 = affine_map<(d0, d1) -> (0, 0, 0)>
module attributes {stable_mosaic.version = 14 : i64} {
  func.func @_sc_scatter(%arg0: i32, %arg1: i32, %arg2: memref<10000x128xf32, #tpu.memory_space<hbm>>, %arg3: memref<323584xi32, #tpu.memory_space<hbm>>, %arg4: memref<323584xi32, #tpu.memory_space<hbm>>, %arg5: memref<10112x128xf32, #tpu.memory_space<hbm>>, %arg6: memref<2x10112x128xf32, #tpu.memory_space<hbm>>, %arg7: memref<3x128xi32, #tpu.memory_space<vmem>>, %arg8: memref<3x128xi32, #tpu.memory_space<vmem>>, %arg9: memref<128x128xf32, #tpu.memory_space<vmem>>, %arg10: memref<128x128xf32, #tpu.memory_space<vmem>>, %arg11: memref<128x128xf32, #tpu.memory_space<vmem>>, %arg12: memref<10112x128xf32, #tpu.memory_space<vmem_shared>>, %arg13: memref<!tpu.dma_semaphore, #tpu.memory_space<semaphore_mem>>, %arg14: memref<!tpu.dma_semaphore, #tpu.memory_space<semaphore_mem>>, %arg15: memref<!tpu.dma_semaphore, #tpu.memory_space<semaphore_mem>>) attributes {dimension_semantics = [#tpu.dimension_semantics<core_parallel>, #tpu.dimension_semantics<subcore_parallel>], iteration_bounds = array<i64: 2, 16>, scalar_prefetch = 0 : i64, scratch_operands = 9 : i64, tpu.core_type = #tpu.core_type<sc_vector_subcore>, window_params = [{transform_indices = #map}, {transform_indices = #map1}, {transform_indices = #map1}, {transform_indices = #map}, {transform_indices = #map2}]} {
    %mul3A = arith.constant 2 : i32
    %mul3A_0 = arith.muli %arg1, %mul3A : i32
    %add3A = arith.addi %mul3A_0, %arg0 : i32
    %mul3A_1 = arith.constant 632 : i32
    %mul3A_2 = arith.muli %arg1, %mul3A_1 : i32
    "tpu.region"() ({
      %run_scoped3A = tpu.sem_alloc : memref<!tpu.dma_semaphore, #tpu.memory_space<semaphore_mem>>
      %dma_start3A = arith.constant 0 : i32
      %dma_start3A_11 = tpu.memref_slice %arg12[%mul3A_2, %dma_start3A] : memref<10112x128xf32, #tpu.memory_space<vmem_shared>> -> memref<632x128xf32, #tpu.memory_space<vmem_shared>>
      %dma_start3A_12 = arith.constant 0 : i32
      %dma_start3A_13 = tpu.memref_slice %arg5[%mul3A_2, %dma_start3A_12] : memref<10112x128xf32, #tpu.memory_space<hbm>> -> memref<632x128xf32, #tpu.memory_space<hbm>>
      tpu.enqueue_dma source(%dma_start3A_13 : memref<632x128xf32, #tpu.memory_space<hbm>>) target(%dma_start3A_11 : memref<632x128xf32, #tpu.memory_space<vmem_shared>>) target_semaphore(%run_scoped3A : memref<!tpu.dma_semaphore, #tpu.memory_space<semaphore_mem>>)
      %dma_wait3A = arith.constant 0 : i32
      %dma_wait3A_14 = tpu.memref_slice %arg12[%mul3A_2, %dma_wait3A] : memref<10112x128xf32, #tpu.memory_space<vmem_shared>> -> memref<632x128xf32, #tpu.memory_space<vmem_shared>>
      %dma_wait3A_15 = arith.constant 0 : i32
      %dma_wait3A_16 = tpu.memref_slice %arg5[%mul3A_2, %dma_wait3A_15] : memref<10112x128xf32, #tpu.memory_space<hbm>> -> memref<632x128xf32, #tpu.memory_space<hbm>>
      tpu.wait_dma2 semaphore(%run_scoped3A : memref<!tpu.dma_semaphore, #tpu.memory_space<semaphore_mem>>) src(%dma_wait3A_16 : memref<632x128xf32, #tpu.memory_space<hbm>>) dst(%dma_wait3A_14 : memref<632x128xf32, #tpu.memory_space<vmem_shared>>)
      tpu.yield
    }) : () -> ()
    %barrier3A = arith.constant 0 : index
    tpu.barrier barrier_id(%barrier3A)
    %eq3A = arith.constant 0 : i32
    %eq3A_3 = arith.cmpi eq, %arg0, %eq3A : i32
    %convert_element_type3A = arith.extui %eq3A_3 : i1 to i32
    %cond3A = arith.constant 0 : i32
    %cond3A_4 = arith.cmpi ne, %convert_element_type3A, %cond3A : i32
    scf.if %cond3A_4 {
      %mul3A_11 = arith.constant 15360 : i32
      %mul3A_12 = arith.muli %arg1, %mul3A_11 : i32
      %add3A_13 = arith.constant 0 : i32
      %add3A_14 = arith.addi %mul3A_12, %add3A_13 : i32
      %multiple_of3A = tpu.assume_multiple %add3A_14, 128 : i32
      %run_scoped3A = arith.constant 0 : i32
      "tpu.region"() ({
        %run_scoped3A_74 = tpu.sem_alloc : memref<!tpu.dma_semaphore, #tpu.memory_space<semaphore_mem>>
        %dma_start3A_75 = arith.constant 0 : i32
        %dma_start3A_76 = tpu.memref_slice %arg7[%run_scoped3A, %dma_start3A_75] : memref<3x128xi32, #tpu.memory_space<vmem>> -> memref<1x128xi32, #tpu.memory_space<vmem>>
        %dma_start3A_77 = tpu.memref_squeeze %dma_start3A_76 : memref<1x128xi32, #tpu.memory_space<vmem>> -> memref<128xi32, #tpu.memory_space<vmem>>
        %dma_start3A_78 = tpu.memref_slice %arg3[%multiple_of3A] : memref<323584xi32, #tpu.memory_space<hbm>> -> memref<128xi32, #tpu.memory_space<hbm>>
        %dma_start3A_79 = arith.constant 0 : i32
        %dma_start3A_80 = tpu.memref_slice %arg7[%run_scoped3A, %dma_start3A_79] : memref<3x128xi32, #tpu.memory_space<vmem>> -> memref<1x128xi32, #tpu.memory_space<vmem>>
        %dma_start3A_81 = tpu.memref_squeeze %dma_start3A_80 : memref<1x128xi32, #tpu.memory_space<vmem>> -> memref<128xi32, #tpu.memory_space<vmem>>
        %dma_start3A_82 = tpu.memref_slice %arg3[%multiple_of3A] : memref<323584xi32, #tpu.memory_space<hbm>> -> memref<128xi32, #tpu.memory_space<hbm>>
        tpu.enqueue_dma source(%dma_start3A_82 : memref<128xi32, #tpu.memory_space<hbm>>) target(%dma_start3A_81 : memref<128xi32, #tpu.memory_space<vmem>>) target_semaphore(%run_scoped3A_74 : memref<!tpu.dma_semaphore, #tpu.memory_space<semaphore_mem>>)
        %dma_wait3A_83 = arith.constant 0 : i32
        %dma_wait3A_84 = tpu.memref_slice %arg7[%run_scoped3A, %dma_wait3A_83] : memref<3x128xi32, #tpu.memory_space<vmem>> -> memref<1x128xi32, #tpu.memory_space<vmem>>
        %dma_wait3A_85 = tpu.memref_squeeze %dma_wait3A_84 : memref<1x128xi32, #tpu.memory_space<vmem>> -> memref<128xi32, #tpu.memory_space<vmem>>
        %dma_wait3A_86 = tpu.memref_slice %arg3[%multiple_of3A] : memref<323584xi32, #tpu.memory_space<hbm>> -> memref<128xi32, #tpu.memory_space<hbm>>
        %dma_wait3A_87 = arith.constant 0 : i32
        %dma_wait3A_88 = tpu.memref_slice %arg7[%run_scoped3A, %dma_wait3A_87] : memref<3x128xi32, #tpu.memory_space<vmem>> -> memref<1x128xi32, #tpu.memory_space<vmem>>
        %dma_wait3A_89 = tpu.memref_squeeze %dma_wait3A_88 : memref<1x128xi32, #tpu.memory_space<vmem>> -> memref<128xi32, #tpu.memory_space<vmem>>
        %dma_wait3A_90 = tpu.memref_slice %arg3[%multiple_of3A] : memref<323584xi32, #tpu.memory_space<hbm>> -> memref<128xi32, #tpu.memory_space<hbm>>
        tpu.wait_dma2 semaphore(%run_scoped3A_74 : memref<!tpu.dma_semaphore, #tpu.memory_space<semaphore_mem>>) src(%dma_wait3A_90 : memref<128xi32, #tpu.memory_space<hbm>>) dst(%dma_wait3A_89 : memref<128xi32, #tpu.memory_space<vmem>>)
        tpu.yield
      }) : () -> ()
      %dma_start3A = arith.constant 0 : i32
      %dma_start3A_15 = arith.constant 0 : i32
      %dma_start3A_16 = tpu.memref_slice %arg7[%dma_start3A, %dma_start3A_15] : memref<3x128xi32, #tpu.memory_space<vmem>> -> memref<1x128xi32, #tpu.memory_space<vmem>>
      %dma_start3A_17 = tpu.memref_squeeze %dma_start3A_16 : memref<1x128xi32, #tpu.memory_space<vmem>> -> memref<128xi32, #tpu.memory_space<vmem>>
      %dma_start3A_18 = arith.constant 0 : i32
      %dma_start3A_19 = arith.constant 0 : i32
      %dma_start3A_20 = tpu.memref_slice %arg2[%dma_start3A_18, %dma_start3A_19] : memref<10000x128xf32, #tpu.memory_space<hbm>> -> memref<10000x128xf32, #tpu.memory_space<hbm>>
      tpu.enqueue_indirect_dma source(%dma_start3A_20 : memref<10000x128xf32, #tpu.memory_space<hbm>>) target(%arg9 : memref<128x128xf32, #tpu.memory_space<vmem>>) offsets(%dma_start3A_17 : memref<128xi32, #tpu.memory_space<vmem>>) semaphore(%arg13 : memref<!tpu.dma_semaphore, #tpu.memory_space<semaphore_mem>>)
      %run_scoped3A_21 = arith.constant 0 : i32
      "tpu.region"() ({
        %run_scoped3A_74 = tpu.sem_alloc : memref<!tpu.dma_semaphore, #tpu.memory_space<semaphore_mem>>
        %dma_start3A_75 = arith.constant 0 : i32
        %dma_start3A_76 = tpu.memref_slice %arg8[%run_scoped3A_21, %dma_start3A_75] : memref<3x128xi32, #tpu.memory_space<vmem>> -> memref<1x128xi32, #tpu.memory_space<vmem>>
        %dma_start3A_77 = tpu.memref_squeeze %dma_start3A_76 : memref<1x128xi32, #tpu.memory_space<vmem>> -> memref<128xi32, #tpu.memory_space<vmem>>
        %dma_start3A_78 = tpu.memref_slice %arg4[%multiple_of3A] : memref<323584xi32, #tpu.memory_space<hbm>> -> memref<128xi32, #tpu.memory_space<hbm>>
        %dma_start3A_79 = arith.constant 0 : i32
        %dma_start3A_80 = tpu.memref_slice %arg8[%run_scoped3A_21, %dma_start3A_79] : memref<3x128xi32, #tpu.memory_space<vmem>> -> memref<1x128xi32, #tpu.memory_space<vmem>>
        %dma_start3A_81 = tpu.memref_squeeze %dma_start3A_80 : memref<1x128xi32, #tpu.memory_space<vmem>> -> memref<128xi32, #tpu.memory_space<vmem>>
        %dma_start3A_82 = tpu.memref_slice %arg4[%multiple_of3A] : memref<323584xi32, #tpu.memory_space<hbm>> -> memref<128xi32, #tpu.memory_space<hbm>>
        tpu.enqueue_dma source(%dma_start3A_82 : memref<128xi32, #tpu.memory_space<hbm>>) target(%dma_start3A_81 : memref<128xi32, #tpu.memory_space<vmem>>) target_semaphore(%run_scoped3A_74 : memref<!tpu.dma_semaphore, #tpu.memory_space<semaphore_mem>>)
        %dma_wait3A_83 = arith.constant 0 : i32
        %dma_wait3A_84 = tpu.memref_slice %arg8[%run_scoped3A_21, %dma_wait3A_83] : memref<3x128xi32, #tpu.memory_space<vmem>> -> memref<1x128xi32, #tpu.memory_space<vmem>>
        %dma_wait3A_85 = tpu.memref_squeeze %dma_wait3A_84 : memref<1x128xi32, #tpu.memory_space<vmem>> -> memref<128xi32, #tpu.memory_space<vmem>>
        %dma_wait3A_86 = tpu.memref_slice %arg4[%multiple_of3A] : memref<323584xi32, #tpu.memory_space<hbm>> -> memref<128xi32, #tpu.memory_space<hbm>>
        %dma_wait3A_87 = arith.constant 0 : i32
        %dma_wait3A_88 = tpu.memref_slice %arg8[%run_scoped3A_21, %dma_wait3A_87] : memref<3x128xi32, #tpu.memory_space<vmem>> -> memref<1x128xi32, #tpu.memory_space<vmem>>
        %dma_wait3A_89 = tpu.memref_squeeze %dma_wait3A_88 : memref<1x128xi32, #tpu.memory_space<vmem>> -> memref<128xi32, #tpu.memory_space<vmem>>
        %dma_wait3A_90 = tpu.memref_slice %arg4[%multiple_of3A] : memref<323584xi32, #tpu.memory_space<hbm>> -> memref<128xi32, #tpu.memory_space<hbm>>
        tpu.wait_dma2 semaphore(%run_scoped3A_74 : memref<!tpu.dma_semaphore, #tpu.memory_space<semaphore_mem>>) src(%dma_wait3A_90 : memref<128xi32, #tpu.memory_space<hbm>>) dst(%dma_wait3A_89 : memref<128xi32, #tpu.memory_space<vmem>>)
        tpu.yield
      }) : () -> ()
      %add3A_22 = arith.constant 128 : i32
      %add3A_23 = arith.addi %mul3A_12, %add3A_22 : i32
      %multiple_of3A_24 = tpu.assume_multiple %add3A_23, 128 : i32
      %run_scoped3A_25 = arith.constant 1 : i32
      "tpu.region"() ({
        %run_scoped3A_74 = tpu.sem_alloc : memref<!tpu.dma_semaphore, #tpu.memory_space<semaphore_mem>>
        %dma_start3A_75 = arith.constant 0 : i32
        %dma_start3A_76 = tpu.memref_slice %arg7[%run_scoped3A_25, %dma_start3A_75] : memref<3x128xi32, #tpu.memory_space<vmem>> -> memref<1x128xi32, #tpu.memory_space<vmem>>
        %dma_start3A_77 = tpu.memref_squeeze %dma_start3A_76 : memref<1x128xi32, #tpu.memory_space<vmem>> -> memref<128xi32, #tpu.memory_space<vmem>>
        %dma_start3A_78 = tpu.memref_slice %arg3[%multiple_of3A_24] : memref<323584xi32, #tpu.memory_space<hbm>> -> memref<128xi32, #tpu.memory_space<hbm>>
        %dma_start3A_79 = arith.constant 0 : i32
        %dma_start3A_80 = tpu.memref_slice %arg7[%run_scoped3A_25, %dma_start3A_79] : memref<3x128xi32, #tpu.memory_space<vmem>> -> memref<1x128xi32, #tpu.memory_space<vmem>>
        %dma_start3A_81 = tpu.memref_squeeze %dma_start3A_80 : memref<1x128xi32, #tpu.memory_space<vmem>> -> memref<128xi32, #tpu.memory_space<vmem>>
        %dma_start3A_82 = tpu.memref_slice %arg3[%multiple_of3A_24] : memref<323584xi32, #tpu.memory_space<hbm>> -> memref<128xi32, #tpu.memory_space<hbm>>
        tpu.enqueue_dma source(%dma_start3A_82 : memref<128xi32, #tpu.memory_space<hbm>>) target(%dma_start3A_81 : memref<128xi32, #tpu.memory_space<vmem>>) target_semaphore(%run_scoped3A_74 : memref<!tpu.dma_semaphore, #tpu.memory_space<semaphore_mem>>)
        %dma_wait3A_83 = arith.constant 0 : i32
        %dma_wait3A_84 = tpu.memref_slice %arg7[%run_scoped3A_25, %dma_wait3A_83] : memref<3x128xi32, #tpu.memory_space<vmem>> -> memref<1x128xi32, #tpu.memory_space<vmem>>
        %dma_wait3A_85 = tpu.memref_squeeze %dma_wait3A_84 : memref<1x128xi32, #tpu.memory_space<vmem>> -> memref<128xi32, #tpu.memory_space<vmem>>
        %dma_wait3A_86 = tpu.memref_slice %arg3[%multiple_of3A_24] : memref<323584xi32, #tpu.memory_space<hbm>> -> memref<128xi32, #tpu.memory_space<hbm>>
        %dma_wait3A_87 = arith.constant 0 : i32
        %dma_wait3A_88 = tpu.memref_slice %arg7[%run_scoped3A_25, %dma_wait3A_87] : memref<3x128xi32, #tpu.memory_space<vmem>> -> memref<1x128xi32, #tpu.memory_space<vmem>>
        %dma_wait3A_89 = tpu.memref_squeeze %dma_wait3A_88 : memref<1x128xi32, #tpu.memory_space<vmem>> -> memref<128xi32, #tpu.memory_space<vmem>>
        %dma_wait3A_90 = tpu.memref_slice %arg3[%multiple_of3A_24] : memref<323584xi32, #tpu.memory_space<hbm>> -> memref<128xi32, #tpu.memory_space<hbm>>
        tpu.wait_dma2 semaphore(%run_scoped3A_74 : memref<!tpu.dma_semaphore, #tpu.memory_space<semaphore_mem>>) src(%dma_wait3A_90 : memref<128xi32, #tpu.memory_space<hbm>>) dst(%dma_wait3A_89 : memref<128xi32, #tpu.memory_space<vmem>>)
        tpu.yield
      }) : () -> ()
      %dma_start3A_26 = arith.constant 1 : i32
      %dma_start3A_27 = arith.constant 0 : i32
      %dma_start3A_28 = tpu.memref_slice %arg7[%dma_start3A_26, %dma_start3A_27] : memref<3x128xi32, #tpu.memory_space<vmem>> -> memref<1x128xi32, #tpu.memory_space<vmem>>
      %dma_start3A_29 = tpu.memref_squeeze %dma_start3A_28 : memref<1x128xi32, #tpu.memory_space<vmem>> -> memref<128xi32, #tpu.memory_space<vmem>>
      %dma_start3A_30 = arith.constant 0 : i32
      %dma_start3A_31 = arith.constant 0 : i32
      %dma_start3A_32 = tpu.memref_slice %arg2[%dma_start3A_30, %dma_start3A_31] : memref<10000x128xf32, #tpu.memory_space<hbm>> -> memref<10000x128xf32, #tpu.memory_space<hbm>>
      tpu.enqueue_indirect_dma source(%dma_start3A_32 : memref<10000x128xf32, #tpu.memory_space<hbm>>) target(%arg10 : memref<128x128xf32, #tpu.memory_space<vmem>>) offsets(%dma_start3A_29 : memref<128xi32, #tpu.memory_space<vmem>>) semaphore(%arg14 : memref<!tpu.dma_semaphore, #tpu.memory_space<semaphore_mem>>)
      %run_scoped3A_33 = arith.constant 1 : i32
      "tpu.region"() ({
        %run_scoped3A_74 = tpu.sem_alloc : memref<!tpu.dma_semaphore, #tpu.memory_space<semaphore_mem>>
        %dma_start3A_75 = arith.constant 0 : i32
        %dma_start3A_76 = tpu.memref_slice %arg8[%run_scoped3A_33, %dma_start3A_75] : memref<3x128xi32, #tpu.memory_space<vmem>> -> memref<1x128xi32, #tpu.memory_space<vmem>>
        %dma_start3A_77 = tpu.memref_squeeze %dma_start3A_76 : memref<1x128xi32, #tpu.memory_space<vmem>> -> memref<128xi32, #tpu.memory_space<vmem>>
        %dma_start3A_78 = tpu.memref_slice %arg4[%multiple_of3A_24] : memref<323584xi32, #tpu.memory_space<hbm>> -> memref<128xi32, #tpu.memory_space<hbm>>
        %dma_start3A_79 = arith.constant 0 : i32
        %dma_start3A_80 = tpu.memref_slice %arg8[%run_scoped3A_33, %dma_start3A_79] : memref<3x128xi32, #tpu.memory_space<vmem>> -> memref<1x128xi32, #tpu.memory_space<vmem>>
        %dma_start3A_81 = tpu.memref_squeeze %dma_start3A_80 : memref<1x128xi32, #tpu.memory_space<vmem>> -> memref<128xi32, #tpu.memory_space<vmem>>
        %dma_start3A_82 = tpu.memref_slice %arg4[%multiple_of3A_24] : memref<323584xi32, #tpu.memory_space<hbm>> -> memref<128xi32, #tpu.memory_space<hbm>>
        tpu.enqueue_dma source(%dma_start3A_82 : memref<128xi32, #tpu.memory_space<hbm>>) target(%dma_start3A_81 : memref<128xi32, #tpu.memory_space<vmem>>) target_semaphore(%run_scoped3A_74 : memref<!tpu.dma_semaphore, #tpu.memory_space<semaphore_mem>>)
        %dma_wait3A_83 = arith.constant 0 : i32
        %dma_wait3A_84 = tpu.memref_slice %arg8[%run_scoped3A_33, %dma_wait3A_83] : memref<3x128xi32, #tpu.memory_space<vmem>> -> memref<1x128xi32, #tpu.memory_space<vmem>>
        %dma_wait3A_85 = tpu.memref_squeeze %dma_wait3A_84 : memref<1x128xi32, #tpu.memory_space<vmem>> -> memref<128xi32, #tpu.memory_space<vmem>>
        %dma_wait3A_86 = tpu.memref_slice %arg4[%multiple_of3A_24] : memref<323584xi32, #tpu.memory_space<hbm>> -> memref<128xi32, #tpu.memory_space<hbm>>
        %dma_wait3A_87 = arith.constant 0 : i32
        %dma_wait3A_88 = tpu.memref_slice %arg8[%run_scoped3A_33, %dma_wait3A_87] : memref<3x128xi32, #tpu.memory_space<vmem>> -> memref<1x128xi32, #tpu.memory_space<vmem>>
        %dma_wait3A_89 = tpu.memref_squeeze %dma_wait3A_88 : memref<1x128xi32, #tpu.memory_space<vmem>> -> memref<128xi32, #tpu.memory_space<vmem>>
        %dma_wait3A_90 = tpu.memref_slice %arg4[%multiple_of3A_24] : memref<323584xi32, #tpu.memory_space<hbm>> -> memref<128xi32, #tpu.memory_space<hbm>>
        tpu.wait_dma2 semaphore(%run_scoped3A_74 : memref<!tpu.dma_semaphore, #tpu.memory_space<semaphore_mem>>) src(%dma_wait3A_90 : memref<128xi32, #tpu.memory_space<hbm>>) dst(%dma_wait3A_89 : memref<128xi32, #tpu.memory_space<vmem>>)
        tpu.yield
      }) : () -> ()
      %add3A_34 = arith.constant 256 : i32
      %add3A_35 = arith.addi %mul3A_12, %add3A_34 : i32
      %multiple_of3A_36 = tpu.assume_multiple %add3A_35, 128 : i32
      %run_scoped3A_37 = arith.constant 2 : i32
      "tpu.region"() ({
        %run_scoped3A_74 = tpu.sem_alloc : memref<!tpu.dma_semaphore, #tpu.memory_space<semaphore_mem>>
        %dma_start3A_75 = arith.constant 0 : i32
        %dma_start3A_76 = tpu.memref_slice %arg7[%run_scoped3A_37, %dma_start3A_75] : memref<3x128xi32, #tpu.memory_space<vmem>> -> memref<1x128xi32, #tpu.memory_space<vmem>>
        %dma_start3A_77 = tpu.memref_squeeze %dma_start3A_76 : memref<1x128xi32, #tpu.memory_space<vmem>> -> memref<128xi32, #tpu.memory_space<vmem>>
        %dma_start3A_78 = tpu.memref_slice %arg3[%multiple_of3A_36] : memref<323584xi32, #tpu.memory_space<hbm>> -> memref<128xi32, #tpu.memory_space<hbm>>
        %dma_start3A_79 = arith.constant 0 : i32
        %dma_start3A_80 = tpu.memref_slice %arg7[%run_scoped3A_37, %dma_start3A_79] : memref<3x128xi32, #tpu.memory_space<vmem>> -> memref<1x128xi32, #tpu.memory_space<vmem>>
        %dma_start3A_81 = tpu.memref_squeeze %dma_start3A_80 : memref<1x128xi32, #tpu.memory_space<vmem>> -> memref<128xi32, #tpu.memory_space<vmem>>
        %dma_start3A_82 = tpu.memref_slice %arg3[%multiple_of3A_36] : memref<323584xi32, #tpu.memory_space<hbm>> -> memref<128xi32, #tpu.memory_space<hbm>>
        tpu.enqueue_dma source(%dma_start3A_82 : memref<128xi32, #tpu.memory_space<hbm>>) target(%dma_start3A_81 : memref<128xi32, #tpu.memory_space<vmem>>) target_semaphore(%run_scoped3A_74 : memref<!tpu.dma_semaphore, #tpu.memory_space<semaphore_mem>>)
        %dma_wait3A_83 = arith.constant 0 : i32
        %dma_wait3A_84 = tpu.memref_slice %arg7[%run_scoped3A_37, %dma_wait3A_83] : memref<3x128xi32, #tpu.memory_space<vmem>> -> memref<1x128xi32, #tpu.memory_space<vmem>>
        %dma_wait3A_85 = tpu.memref_squeeze %dma_wait3A_84 : memref<1x128xi32, #tpu.memory_space<vmem>> -> memref<128xi32, #tpu.memory_space<vmem>>
        %dma_wait3A_86 = tpu.memref_slice %arg3[%multiple_of3A_36] : memref<323584xi32, #tpu.memory_space<hbm>> -> memref<128xi32, #tpu.memory_space<hbm>>
        %dma_wait3A_87 = arith.constant 0 : i32
        %dma_wait3A_88 = tpu.memref_slice %arg7[%run_scoped3A_37, %dma_wait3A_87] : memref<3x128xi32, #tpu.memory_space<vmem>> -> memref<1x128xi32, #tpu.memory_space<vmem>>
        %dma_wait3A_89 = tpu.memref_squeeze %dma_wait3A_88 : memref<1x128xi32, #tpu.memory_space<vmem>> -> memref<128xi32, #tpu.memory_space<vmem>>
        %dma_wait3A_90 = tpu.memref_slice %arg3[%multiple_of3A_36] : memref<323584xi32, #tpu.memory_space<hbm>> -> memref<128xi32, #tpu.memory_space<hbm>>
        tpu.wait_dma2 semaphore(%run_scoped3A_74 : memref<!tpu.dma_semaphore, #tpu.memory_space<semaphore_mem>>) src(%dma_wait3A_90 : memref<128xi32, #tpu.memory_space<hbm>>) dst(%dma_wait3A_89 : memref<128xi32, #tpu.memory_space<vmem>>)
        tpu.yield
      }) : () -> ()
      %dma_start3A_38 = arith.constant 2 : i32
      %dma_start3A_39 = arith.constant 0 : i32
      %dma_start3A_40 = tpu.memref_slice %arg7[%dma_start3A_38, %dma_start3A_39] : memref<3x128xi32, #tpu.memory_space<vmem>> -> memref<1x128xi32, #tpu.memory_space<vmem>>
      %dma_start3A_41 = tpu.memref_squeeze %dma_start3A_40 : memref<1x128xi32, #tpu.memory_space<vmem>> -> memref<128xi32, #tpu.memory_space<vmem>>
      %dma_start3A_42 = arith.constant 0 : i32
      %dma_start3A_43 = arith.constant 0 : i32
      %dma_start3A_44 = tpu.memref_slice %arg2[%dma_start3A_42, %dma_start3A_43] : memref<10000x128xf32, #tpu.memory_space<hbm>> -> memref<10000x128xf32, #tpu.memory_space<hbm>>
      tpu.enqueue_indirect_dma source(%dma_start3A_44 : memref<10000x128xf32, #tpu.memory_space<hbm>>) target(%arg11 : memref<128x128xf32, #tpu.memory_space<vmem>>) offsets(%dma_start3A_41 : memref<128xi32, #tpu.memory_space<vmem>>) semaphore(%arg15 : memref<!tpu.dma_semaphore, #tpu.memory_space<semaphore_mem>>)
      %run_scoped3A_45 = arith.constant 2 : i32
      "tpu.region"() ({
        %run_scoped3A_74 = tpu.sem_alloc : memref<!tpu.dma_semaphore, #tpu.memory_space<semaphore_mem>>
        %dma_start3A_75 = arith.constant 0 : i32
        %dma_start3A_76 = tpu.memref_slice %arg8[%run_scoped3A_45, %dma_start3A_75] : memref<3x128xi32, #tpu.memory_space<vmem>> -> memref<1x128xi32, #tpu.memory_space<vmem>>
        %dma_start3A_77 = tpu.memref_squeeze %dma_start3A_76 : memref<1x128xi32, #tpu.memory_space<vmem>> -> memref<128xi32, #tpu.memory_space<vmem>>
        %dma_start3A_78 = tpu.memref_slice %arg4[%multiple_of3A_36] : memref<323584xi32, #tpu.memory_space<hbm>> -> memref<128xi32, #tpu.memory_space<hbm>>
        %dma_start3A_79 = arith.constant 0 : i32
        %dma_start3A_80 = tpu.memref_slice %arg8[%run_scoped3A_45, %dma_start3A_79] : memref<3x128xi32, #tpu.memory_space<vmem>> -> memref<1x128xi32, #tpu.memory_space<vmem>>
        %dma_start3A_81 = tpu.memref_squeeze %dma_start3A_80 : memref<1x128xi32, #tpu.memory_space<vmem>> -> memref<128xi32, #tpu.memory_space<vmem>>
        %dma_start3A_82 = tpu.memref_slice %arg4[%multiple_of3A_36] : memref<323584xi32, #tpu.memory_space<hbm>> -> memref<128xi32, #tpu.memory_space<hbm>>
        tpu.enqueue_dma source(%dma_start3A_82 : memref<128xi32, #tpu.memory_space<hbm>>) target(%dma_start3A_81 : memref<128xi32, #tpu.memory_space<vmem>>) target_semaphore(%run_scoped3A_74 : memref<!tpu.dma_semaphore, #tpu.memory_space<semaphore_mem>>)
        %dma_wait3A_83 = arith.constant 0 : i32
        %dma_wait3A_84 = tpu.memref_slice %arg8[%run_scoped3A_45, %dma_wait3A_83] : memref<3x128xi32, #tpu.memory_space<vmem>> -> memref<1x128xi32, #tpu.memory_space<vmem>>
        %dma_wait3A_85 = tpu.memref_squeeze %dma_wait3A_84 : memref<1x128xi32, #tpu.memory_space<vmem>> -> memref<128xi32, #tpu.memory_space<vmem>>
        %dma_wait3A_86 = tpu.memref_slice %arg4[%multiple_of3A_36] : memref<323584xi32, #tpu.memory_space<hbm>> -> memref<128xi32, #tpu.memory_space<hbm>>
        %dma_wait3A_87 = arith.constant 0 : i32
        %dma_wait3A_88 = tpu.memref_slice %arg8[%run_scoped3A_45, %dma_wait3A_87] : memref<3x128xi32, #tpu.memory_space<vmem>> -> memref<1x128xi32, #tpu.memory_space<vmem>>
        %dma_wait3A_89 = tpu.memref_squeeze %dma_wait3A_88 : memref<1x128xi32, #tpu.memory_space<vmem>> -> memref<128xi32, #tpu.memory_space<vmem>>
        %dma_wait3A_90 = tpu.memref_slice %arg4[%multiple_of3A_36] : memref<323584xi32, #tpu.memory_space<hbm>> -> memref<128xi32, #tpu.memory_space<hbm>>
        tpu.wait_dma2 semaphore(%run_scoped3A_74 : memref<!tpu.dma_semaphore, #tpu.memory_space<semaphore_mem>>) src(%dma_wait3A_90 : memref<128xi32, #tpu.memory_space<hbm>>) dst(%dma_wait3A_89 : memref<128xi32, #tpu.memory_space<vmem>>)
        tpu.yield
      }) : () -> ()
      %scan3A = arith.constant 0 : i32
      %scan3A_46 = arith.constant 0 : i32
      %scan3A_47 = arith.constant 39 : i32
      %scan3A_48 = arith.addi %scan3A_46, %scan3A_47 : i32
      %scan3A_49 = arith.constant 1 : i32
      scf.for %scan3A_74 = %scan3A_46 to %scan3A_48 step %scan3A_49  : i32 {
        %dma_wait3A_75 = arith.constant 0 : i32
        %dma_wait3A_76 = arith.constant 0 : i32
        %dma_wait3A_77 = tpu.memref_slice %arg7[%dma_wait3A_75, %dma_wait3A_76] : memref<3x128xi32, #tpu.memory_space<vmem>> -> memref<1x128xi32, #tpu.memory_space<vmem>>
        %dma_wait3A_78 = tpu.memref_squeeze %dma_wait3A_77 : memref<1x128xi32, #tpu.memory_space<vmem>> -> memref<128xi32, #tpu.memory_space<vmem>>
        %dma_wait3A_79 = arith.constant 0 : i32
        %dma_wait3A_80 = arith.constant 0 : i32
        %dma_wait3A_81 = tpu.memref_slice %arg2[%dma_wait3A_79, %dma_wait3A_80] : memref<10000x128xf32, #tpu.memory_space<hbm>> -> memref<10000x128xf32, #tpu.memory_space<hbm>>
        tpu.wait_indirect_dma semaphore(%arg13 : memref<!tpu.dma_semaphore, #tpu.memory_space<semaphore_mem>>) src(%dma_wait3A_81 : memref<10000x128xf32, #tpu.memory_space<hbm>>) dst(%arg9 : memref<128x128xf32, #tpu.memory_space<vmem>>)
        %run_scoped3A_82 = arith.constant 0 : i32
        "tpu.region"() ({
          %run_scoped3A_156 = tpu.sem_alloc : memref<!tpu.dma_semaphore, #tpu.memory_space<semaphore_mem>>
          %dma_start3A_157 = arith.constant 0 : i32
          %dma_start3A_158 = tpu.memref_slice %arg8[%run_scoped3A_82, %dma_start3A_157] : memref<3x128xi32, #tpu.memory_space<vmem>> -> memref<1x128xi32, #tpu.memory_space<vmem>>
          %dma_start3A_159 = tpu.memref_squeeze %dma_start3A_158 : memref<1x128xi32, #tpu.memory_space<vmem>> -> memref<128xi32, #tpu.memory_space<vmem>>
          %dma_start3A_160 = arith.constant 0 : i32
          %dma_start3A_161 = arith.constant 0 : i32
          %dma_start3A_162 = tpu.memref_slice %arg12[%dma_start3A_160, %dma_start3A_161] : memref<10112x128xf32, #tpu.memory_space<vmem_shared>> -> memref<10112x128xf32, #tpu.memory_space<vmem_shared>>
          tpu.enqueue_indirect_dma source(%arg9 : memref<128x128xf32, #tpu.memory_space<vmem>>) target(%dma_start3A_162 : memref<10112x128xf32, #tpu.memory_space<vmem_shared>>) offsets(%dma_start3A_159 : memref<128xi32, #tpu.memory_space<vmem>>) semaphore(%run_scoped3A_156 : memref<!tpu.dma_semaphore, #tpu.memory_space<semaphore_mem>>) {add = true}
          %dma_wait3A_163 = arith.constant 0 : i32
          %dma_wait3A_164 = tpu.memref_slice %arg8[%run_scoped3A_82, %dma_wait3A_163] : memref<3x128xi32, #tpu.memory_space<vmem>> -> memref<1x128xi32, #tpu.memory_space<vmem>>
          %dma_wait3A_165 = tpu.memref_squeeze %dma_wait3A_164 : memref<1x128xi32, #tpu.memory_space<vmem>> -> memref<128xi32, #tpu.memory_space<vmem>>
          %dma_wait3A_166 = arith.constant 0 : i32
          %dma_wait3A_167 = arith.constant 0 : i32
          %dma_wait3A_168 = tpu.memref_slice %arg12[%dma_wait3A_166, %dma_wait3A_167] : memref<10112x128xf32, #tpu.memory_space<vmem_shared>> -> memref<10112x128xf32, #tpu.memory_space<vmem_shared>>
          tpu.wait_indirect_dma semaphore(%run_scoped3A_156 : memref<!tpu.dma_semaphore, #tpu.memory_space<semaphore_mem>>) src(%arg9 : memref<128x128xf32, #tpu.memory_space<vmem>>) dst(%dma_wait3A_168 : memref<10112x128xf32, #tpu.memory_space<vmem_shared>>)
          tpu.yield
        }) : () -> ()
        %add3A_83 = arith.constant 1 : i32
        %add3A_84 = arith.addi %scan3A_74, %add3A_83 : i32
        %mul3A_85 = arith.constant 3 : i32
        %mul3A_86 = arith.muli %add3A_84, %mul3A_85 : i32
        %add3A_87 = arith.constant 0 : i32
        %add3A_88 = arith.addi %mul3A_86, %add3A_87 : i32
        %mul3A_89 = arith.constant 128 : i32
        %mul3A_90 = arith.muli %add3A_88, %mul3A_89 : i32
        %add3A_91 = arith.addi %mul3A_12, %mul3A_90 : i32
        %multiple_of3A_92 = tpu.assume_multiple %add3A_91, 128 : i32
        %run_scoped3A_93 = arith.constant 0 : i32
        "tpu.region"() ({
          %run_scoped3A_156 = tpu.sem_alloc : memref<!tpu.dma_semaphore, #tpu.memory_space<semaphore_mem>>
          %dma_start3A_157 = arith.constant 0 : i32
          %dma_start3A_158 = tpu.memref_slice %arg7[%run_scoped3A_93, %dma_start3A_157] : memref<3x128xi32, #tpu.memory_space<vmem>> -> memref<1x128xi32, #tpu.memory_space<vmem>>
          %dma_start3A_159 = tpu.memref_squeeze %dma_start3A_158 : memref<1x128xi32, #tpu.memory_space<vmem>> -> memref<128xi32, #tpu.memory_space<vmem>>
          %dma_start3A_160 = tpu.memref_slice %arg3[%multiple_of3A_92] : memref<323584xi32, #tpu.memory_space<hbm>> -> memref<128xi32, #tpu.memory_space<hbm>>
          %dma_start3A_161 = arith.constant 0 : i32
          %dma_start3A_162 = tpu.memref_slice %arg7[%run_scoped3A_93, %dma_start3A_161] : memref<3x128xi32, #tpu.memory_space<vmem>> -> memref<1x128xi32, #tpu.memory_space<vmem>>
          %dma_start3A_163 = tpu.memref_squeeze %dma_start3A_162 : memref<1x128xi32, #tpu.memory_space<vmem>> -> memref<128xi32, #tpu.memory_space<vmem>>
          %dma_start3A_164 = tpu.memref_slice %arg3[%multiple_of3A_92] : memref<323584xi32, #tpu.memory_space<hbm>> -> memref<128xi32, #tpu.memory_space<hbm>>
          tpu.enqueue_dma source(%dma_start3A_164 : memref<128xi32, #tpu.memory_space<hbm>>) target(%dma_start3A_163 : memref<128xi32, #tpu.memory_space<vmem>>) target_semaphore(%run_scoped3A_156 : memref<!tpu.dma_semaphore, #tpu.memory_space<semaphore_mem>>)
          %dma_wait3A_165 = arith.constant 0 : i32
          %dma_wait3A_166 = tpu.memref_slice %arg7[%run_scoped3A_93, %dma_wait3A_165] : memref<3x128xi32, #tpu.memory_space<vmem>> -> memref<1x128xi32, #tpu.memory_space<vmem>>
          %dma_wait3A_167 = tpu.memref_squeeze %dma_wait3A_166 : memref<1x128xi32, #tpu.memory_space<vmem>> -> memref<128xi32, #tpu.memory_space<vmem>>
          %dma_wait3A_168 = tpu.memref_slice %arg3[%multiple_of3A_92] : memref<323584xi32, #tpu.memory_space<hbm>> -> memref<128xi32, #tpu.memory_space<hbm>>
          %dma_wait3A_169 = arith.constant 0 : i32
          %dma_wait3A_170 = tpu.memref_slice %arg7[%run_scoped3A_93, %dma_wait3A_169] : memref<3x128xi32, #tpu.memory_space<vmem>> -> memref<1x128xi32, #tpu.memory_space<vmem>>
          %dma_wait3A_171 = tpu.memref_squeeze %dma_wait3A_170 : memref<1x128xi32, #tpu.memory_space<vmem>> -> memref<128xi32, #tpu.memory_space<vmem>>
          %dma_wait3A_172 = tpu.memref_slice %arg3[%multiple_of3A_92] : memref<323584xi32, #tpu.memory_space<hbm>> -> memref<128xi32, #tpu.memory_space<hbm>>
          tpu.wait_dma2 semaphore(%run_scoped3A_156 : memref<!tpu.dma_semaphore, #tpu.memory_space<semaphore_mem>>) src(%dma_wait3A_172 : memref<128xi32, #tpu.memory_space<hbm>>) dst(%dma_wait3A_171 : memref<128xi32, #tpu.memory_space<vmem>>)
          tpu.yield
        }) : () -> ()
        %dma_start3A_94 = arith.constant 0 : i32
        %dma_start3A_95 = arith.constant 0 : i32
        %dma_start3A_96 = tpu.memref_slice %arg7[%dma_start3A_94, %dma_start3A_95] : memref<3x128xi32, #tpu.memory_space<vmem>> -> memref<1x128xi32, #tpu.memory_space<vmem>>
        %dma_start3A_97 = tpu.memref_squeeze %dma_start3A_96 : memref<1x128xi32, #tpu.memory_space<vmem>> -> memref<128xi32, #tpu.memory_space<vmem>>
        %dma_start3A_98 = arith.constant 0 : i32
        %dma_start3A_99 = arith.constant 0 : i32
        %dma_start3A_100 = tpu.memref_slice %arg2[%dma_start3A_98, %dma_start3A_99] : memref<10000x128xf32, #tpu.memory_space<hbm>> -> memref<10000x128xf32, #tpu.memory_space<hbm>>
        tpu.enqueue_indirect_dma source(%dma_start3A_100 : memref<10000x128xf32, #tpu.memory_space<hbm>>) target(%arg9 : memref<128x128xf32, #tpu.memory_space<vmem>>) offsets(%dma_start3A_97 : memref<128xi32, #tpu.memory_space<vmem>>) semaphore(%arg13 : memref<!tpu.dma_semaphore, #tpu.memory_space<semaphore_mem>>)
        %run_scoped3A_101 = arith.constant 0 : i32
        "tpu.region"() ({
          %run_scoped3A_156 = tpu.sem_alloc : memref<!tpu.dma_semaphore, #tpu.memory_space<semaphore_mem>>
          %dma_start3A_157 = arith.constant 0 : i32
          %dma_start3A_158 = tpu.memref_slice %arg8[%run_scoped3A_101, %dma_start3A_157] : memref<3x128xi32, #tpu.memory_space<vmem>> -> memref<1x128xi32, #tpu.memory_space<vmem>>
          %dma_start3A_159 = tpu.memref_squeeze %dma_start3A_158 : memref<1x128xi32, #tpu.memory_space<vmem>> -> memref<128xi32, #tpu.memory_space<vmem>>
          %dma_start3A_160 = tpu.memref_slice %arg4[%multiple_of3A_92] : memref<323584xi32, #tpu.memory_space<hbm>> -> memref<128xi32, #tpu.memory_space<hbm>>
          %dma_start3A_161 = arith.constant 0 : i32
          %dma_start3A_162 = tpu.memref_slice %arg8[%run_scoped3A_101, %dma_start3A_161] : memref<3x128xi32, #tpu.memory_space<vmem>> -> memref<1x128xi32, #tpu.memory_space<vmem>>
          %dma_start3A_163 = tpu.memref_squeeze %dma_start3A_162 : memref<1x128xi32, #tpu.memory_space<vmem>> -> memref<128xi32, #tpu.memory_space<vmem>>
          %dma_start3A_164 = tpu.memref_slice %arg4[%multiple_of3A_92] : memref<323584xi32, #tpu.memory_space<hbm>> -> memref<128xi32, #tpu.memory_space<hbm>>
          tpu.enqueue_dma source(%dma_start3A_164 : memref<128xi32, #tpu.memory_space<hbm>>) target(%dma_start3A_163 : memref<128xi32, #tpu.memory_space<vmem>>) target_semaphore(%run_scoped3A_156 : memref<!tpu.dma_semaphore, #tpu.memory_space<semaphore_mem>>)
          %dma_wait3A_165 = arith.constant 0 : i32
          %dma_wait3A_166 = tpu.memref_slice %arg8[%run_scoped3A_101, %dma_wait3A_165] : memref<3x128xi32, #tpu.memory_space<vmem>> -> memref<1x128xi32, #tpu.memory_space<vmem>>
          %dma_wait3A_167 = tpu.memref_squeeze %dma_wait3A_166 : memref<1x128xi32, #tpu.memory_space<vmem>> -> memref<128xi32, #tpu.memory_space<vmem>>
          %dma_wait3A_168 = tpu.memref_slice %arg4[%multiple_of3A_92] : memref<323584xi32, #tpu.memory_space<hbm>> -> memref<128xi32, #tpu.memory_space<hbm>>
          %dma_wait3A_169 = arith.constant 0 : i32
          %dma_wait3A_170 = tpu.memref_slice %arg8[%run_scoped3A_101, %dma_wait3A_169] : memref<3x128xi32, #tpu.memory_space<vmem>> -> memref<1x128xi32, #tpu.memory_space<vmem>>
          %dma_wait3A_171 = tpu.memref_squeeze %dma_wait3A_170 : memref<1x128xi32, #tpu.memory_space<vmem>> -> memref<128xi32, #tpu.memory_space<vmem>>
          %dma_wait3A_172 = tpu.memref_slice %arg4[%multiple_of3A_92] : memref<323584xi32, #tpu.memory_space<hbm>> -> memref<128xi32, #tpu.memory_space<hbm>>
          tpu.wait_dma2 semaphore(%run_scoped3A_156 : memref<!tpu.dma_semaphore, #tpu.memory_space<semaphore_mem>>) src(%dma_wait3A_172 : memref<128xi32, #tpu.memory_space<hbm>>) dst(%dma_wait3A_171 : memref<128xi32, #tpu.memory_space<vmem>>)
          tpu.yield
        }) : () -> ()
        %dma_wait3A_102 = arith.constant 1 : i32
        %dma_wait3A_103 = arith.constant 0 : i32
        %dma_wait3A_104 = tpu.memref_slice %arg7[%dma_wait3A_102, %dma_wait3A_103] : memref<3x128xi32, #tpu.memory_space<vmem>> -> memref<1x128xi32, #tpu.memory_space<vmem>>
        %dma_wait3A_105 = tpu.memref_squeeze %dma_wait3A_104 : memref<1x128xi32, #tpu.memory_space<vmem>> -> memref<128xi32, #tpu.memory_space<vmem>>
        %dma_wait3A_106 = arith.constant 0 : i32
        %dma_wait3A_107 = arith.constant 0 : i32
        %dma_wait3A_108 = tpu.memref_slice %arg2[%dma_wait3A_106, %dma_wait3A_107] : memref<10000x128xf32, #tpu.memory_space<hbm>> -> memref<10000x128xf32, #tpu.memory_space<hbm>>
        tpu.wait_indirect_dma semaphore(%arg14 : memref<!tpu.dma_semaphore, #tpu.memory_space<semaphore_mem>>) src(%dma_wait3A_108 : memref<10000x128xf32, #tpu.memory_space<hbm>>) dst(%arg10 : memref<128x128xf32, #tpu.memory_space<vmem>>)
        %run_scoped3A_109 = arith.constant 1 : i32
        "tpu.region"() ({
          %run_scoped3A_156 = tpu.sem_alloc : memref<!tpu.dma_semaphore, #tpu.memory_space<semaphore_mem>>
          %dma_start3A_157 = arith.constant 0 : i32
          %dma_start3A_158 = tpu.memref_slice %arg8[%run_scoped3A_109, %dma_start3A_157] : memref<3x128xi32, #tpu.memory_space<vmem>> -> memref<1x128xi32, #tpu.memory_space<vmem>>
          %dma_start3A_159 = tpu.memref_squeeze %dma_start3A_158 : memref<1x128xi32, #tpu.memory_space<vmem>> -> memref<128xi32, #tpu.memory_space<vmem>>
          %dma_start3A_160 = arith.constant 0 : i32
          %dma_start3A_161 = arith.constant 0 : i32
          %dma_start3A_162 = tpu.memref_slice %arg12[%dma_start3A_160, %dma_start3A_161] : memref<10112x128xf32, #tpu.memory_space<vmem_shared>> -> memref<10112x128xf32, #tpu.memory_space<vmem_shared>>
          tpu.enqueue_indirect_dma source(%arg10 : memref<128x128xf32, #tpu.memory_space<vmem>>) target(%dma_start3A_162 : memref<10112x128xf32, #tpu.memory_space<vmem_shared>>) offsets(%dma_start3A_159 : memref<128xi32, #tpu.memory_space<vmem>>) semaphore(%run_scoped3A_156 : memref<!tpu.dma_semaphore, #tpu.memory_space<semaphore_mem>>) {add = true}
          %dma_wait3A_163 = arith.constant 0 : i32
          %dma_wait3A_164 = tpu.memref_slice %arg8[%run_scoped3A_109, %dma_wait3A_163] : memref<3x128xi32, #tpu.memory_space<vmem>> -> memref<1x128xi32, #tpu.memory_space<vmem>>
          %dma_wait3A_165 = tpu.memref_squeeze %dma_wait3A_164 : memref<1x128xi32, #tpu.memory_space<vmem>> -> memref<128xi32, #tpu.memory_space<vmem>>
          %dma_wait3A_166 = arith.constant 0 : i32
          %dma_wait3A_167 = arith.constant 0 : i32
          %dma_wait3A_168 = tpu.memref_slice %arg12[%dma_wait3A_166, %dma_wait3A_167] : memref<10112x128xf32, #tpu.memory_space<vmem_shared>> -> memref<10112x128xf32, #tpu.memory_space<vmem_shared>>
          tpu.wait_indirect_dma semaphore(%run_scoped3A_156 : memref<!tpu.dma_semaphore, #tpu.memory_space<semaphore_mem>>) src(%arg10 : memref<128x128xf32, #tpu.memory_space<vmem>>) dst(%dma_wait3A_168 : memref<10112x128xf32, #tpu.memory_space<vmem_shared>>)
          tpu.yield
        }) : () -> ()
        %add3A_110 = arith.constant 1 : i32
        %add3A_111 = arith.addi %scan3A_74, %add3A_110 : i32
        %mul3A_112 = arith.constant 3 : i32
        %mul3A_113 = arith.muli %add3A_111, %mul3A_112 : i32
        %add3A_114 = arith.constant 1 : i32
        %add3A_115 = arith.addi %mul3A_113, %add3A_114 : i32
        %mul3A_116 = arith.constant 128 : i32
        %mul3A_117 = arith.muli %add3A_115, %mul3A_116 : i32
        %add3A_118 = arith.addi %mul3A_12, %mul3A_117 : i32
        %multiple_of3A_119 = tpu.assume_multiple %add3A_118, 128 : i32
        %run_scoped3A_120 = arith.constant 1 : i32
        "tpu.region"() ({
          %run_scoped3A_156 = tpu.sem_alloc : memref<!tpu.dma_semaphore, #tpu.memory_space<semaphore_mem>>
          %dma_start3A_157 = arith.constant 0 : i32
          %dma_start3A_158 = tpu.memref_slice %arg7[%run_scoped3A_120, %dma_start3A_157] : memref<3x128xi32, #tpu.memory_space<vmem>> -> memref<1x128xi32, #tpu.memory_space<vmem>>
          %dma_start3A_159 = tpu.memref_squeeze %dma_start3A_158 : memref<1x128xi32, #tpu.memory_space<vmem>> -> memref<128xi32, #tpu.memory_space<vmem>>
          %dma_start3A_160 = tpu.memref_slice %arg3[%multiple_of3A_119] : memref<323584xi32, #tpu.memory_space<hbm>> -> memref<128xi32, #tpu.memory_space<hbm>>
          %dma_start3A_161 = arith.constant 0 : i32
          %dma_start3A_162 = tpu.memref_slice %arg7[%run_scoped3A_120, %dma_start3A_161] : memref<3x128xi32, #tpu.memory_space<vmem>> -> memref<1x128xi32, #tpu.memory_space<vmem>>
          %dma_start3A_163 = tpu.memref_squeeze %dma_start3A_162 : memref<1x128xi32, #tpu.memory_space<vmem>> -> memref<128xi32, #tpu.memory_space<vmem>>
          %dma_start3A_164 = tpu.memref_slice %arg3[%multiple_of3A_119] : memref<323584xi32, #tpu.memory_space<hbm>> -> memref<128xi32, #tpu.memory_space<hbm>>
          tpu.enqueue_dma source(%dma_start3A_164 : memref<128xi32, #tpu.memory_space<hbm>>) target(%dma_start3A_163 : memref<128xi32, #tpu.memory_space<vmem>>) target_semaphore(%run_scoped3A_156 : memref<!tpu.dma_semaphore, #tpu.memory_space<semaphore_mem>>)
          %dma_wait3A_165 = arith.constant 0 : i32
          %dma_wait3A_166 = tpu.memref_slice %arg7[%run_scoped3A_120, %dma_wait3A_165] : memref<3x128xi32, #tpu.memory_space<vmem>> -> memref<1x128xi32, #tpu.memory_space<vmem>>
          %dma_wait3A_167 = tpu.memref_squeeze %dma_wait3A_166 : memref<1x128xi32, #tpu.memory_space<vmem>> -> memref<128xi32, #tpu.memory_space<vmem>>
          %dma_wait3A_168 = tpu.memref_slice %arg3[%multiple_of3A_119] : memref<323584xi32, #tpu.memory_space<hbm>> -> memref<128xi32, #tpu.memory_space<hbm>>
          %dma_wait3A_169 = arith.constant 0 : i32
          %dma_wait3A_170 = tpu.memref_slice %arg7[%run_scoped3A_120, %dma_wait3A_169] : memref<3x128xi32, #tpu.memory_space<vmem>> -> memref<1x128xi32, #tpu.memory_space<vmem>>
          %dma_wait3A_171 = tpu.memref_squeeze %dma_wait3A_170 : memref<1x128xi32, #tpu.memory_space<vmem>> -> memref<128xi32, #tpu.memory_space<vmem>>
          %dma_wait3A_172 = tpu.memref_slice %arg3[%multiple_of3A_119] : memref<323584xi32, #tpu.memory_space<hbm>> -> memref<128xi32, #tpu.memory_space<hbm>>
          tpu.wait_dma2 semaphore(%run_scoped3A_156 : memref<!tpu.dma_semaphore, #tpu.memory_space<semaphore_mem>>) src(%dma_wait3A_172 : memref<128xi32, #tpu.memory_space<hbm>>) dst(%dma_wait3A_171 : memref<128xi32, #tpu.memory_space<vmem>>)
          tpu.yield
        }) : () -> ()
        %dma_start3A_121 = arith.constant 1 : i32
        %dma_start3A_122 = arith.constant 0 : i32
        %dma_start3A_123 = tpu.memref_slice %arg7[%dma_start3A_121, %dma_start3A_122] : memref<3x128xi32, #tpu.memory_space<vmem>> -> memref<1x128xi32, #tpu.memory_space<vmem>>
        %dma_start3A_124 = tpu.memref_squeeze %dma_start3A_123 : memref<1x128xi32, #tpu.memory_space<vmem>> -> memref<128xi32, #tpu.memory_space<vmem>>
        %dma_start3A_125 = arith.constant 0 : i32
        %dma_start3A_126 = arith.constant 0 : i32
        %dma_start3A_127 = tpu.memref_slice %arg2[%dma_start3A_125, %dma_start3A_126] : memref<10000x128xf32, #tpu.memory_space<hbm>> -> memref<10000x128xf32, #tpu.memory_space<hbm>>
        tpu.enqueue_indirect_dma source(%dma_start3A_127 : memref<10000x128xf32, #tpu.memory_space<hbm>>) target(%arg10 : memref<128x128xf32, #tpu.memory_space<vmem>>) offsets(%dma_start3A_124 : memref<128xi32, #tpu.memory_space<vmem>>) semaphore(%arg14 : memref<!tpu.dma_semaphore, #tpu.memory_space<semaphore_mem>>)
        %run_scoped3A_128 = arith.constant 1 : i32
        "tpu.region"() ({
          %run_scoped3A_156 = tpu.sem_alloc : memref<!tpu.dma_semaphore, #tpu.memory_space<semaphore_mem>>
          %dma_start3A_157 = arith.constant 0 : i32
          %dma_start3A_158 = tpu.memref_slice %arg8[%run_scoped3A_128, %dma_start3A_157] : memref<3x128xi32, #tpu.memory_space<vmem>> -> memref<1x128xi32, #tpu.memory_space<vmem>>
          %dma_start3A_159 = tpu.memref_squeeze %dma_start3A_158 : memref<1x128xi32, #tpu.memory_space<vmem>> -> memref<128xi32, #tpu.memory_space<vmem>>
          %dma_start3A_160 = tpu.memref_slice %arg4[%multiple_of3A_119] : memref<323584xi32, #tpu.memory_space<hbm>> -> memref<128xi32, #tpu.memory_space<hbm>>
          %dma_start3A_161 = arith.constant 0 : i32
          %dma_start3A_162 = tpu.memref_slice %arg8[%run_scoped3A_128, %dma_start3A_161] : memref<3x128xi32, #tpu.memory_space<vmem>> -> memref<1x128xi32, #tpu.memory_space<vmem>>
          %dma_start3A_163 = tpu.memref_squeeze %dma_start3A_162 : memref<1x128xi32, #tpu.memory_space<vmem>> -> memref<128xi32, #tpu.memory_space<vmem>>
          %dma_start3A_164 = tpu.memref_slice %arg4[%multiple_of3A_119] : memref<323584xi32, #tpu.memory_space<hbm>> -> memref<128xi32, #tpu.memory_space<hbm>>
          tpu.enqueue_dma source(%dma_start3A_164 : memref<128xi32, #tpu.memory_space<hbm>>) target(%dma_start3A_163 : memref<128xi32, #tpu.memory_space<vmem>>) target_semaphore(%run_scoped3A_156 : memref<!tpu.dma_semaphore, #tpu.memory_space<semaphore_mem>>)
          %dma_wait3A_165 = arith.constant 0 : i32
          %dma_wait3A_166 = tpu.memref_slice %arg8[%run_scoped3A_128, %dma_wait3A_165] : memref<3x128xi32, #tpu.memory_space<vmem>> -> memref<1x128xi32, #tpu.memory_space<vmem>>
          %dma_wait3A_167 = tpu.memref_squeeze %dma_wait3A_166 : memref<1x128xi32, #tpu.memory_space<vmem>> -> memref<128xi32, #tpu.memory_space<vmem>>
          %dma_wait3A_168 = tpu.memref_slice %arg4[%multiple_of3A_119] : memref<323584xi32, #tpu.memory_space<hbm>> -> memref<128xi32, #tpu.memory_space<hbm>>
          %dma_wait3A_169 = arith.constant 0 : i32
          %dma_wait3A_170 = tpu.memref_slice %arg8[%run_scoped3A_128, %dma_wait3A_169] : memref<3x128xi32, #tpu.memory_space<vmem>> -> memref<1x128xi32, #tpu.memory_space<vmem>>
          %dma_wait3A_171 = tpu.memref_squeeze %dma_wait3A_170 : memref<1x128xi32, #tpu.memory_space<vmem>> -> memref<128xi32, #tpu.memory_space<vmem>>
          %dma_wait3A_172 = tpu.memref_slice %arg4[%multiple_of3A_119] : memref<323584xi32, #tpu.memory_space<hbm>> -> memref<128xi32, #tpu.memory_space<hbm>>
          tpu.wait_dma2 semaphore(%run_scoped3A_156 : memref<!tpu.dma_semaphore, #tpu.memory_space<semaphore_mem>>) src(%dma_wait3A_172 : memref<128xi32, #tpu.memory_space<hbm>>) dst(%dma_wait3A_171 : memref<128xi32, #tpu.memory_space<vmem>>)
          tpu.yield
        }) : () -> ()
        %dma_wait3A_129 = arith.constant 2 : i32
        %dma_wait3A_130 = arith.constant 0 : i32
        %dma_wait3A_131 = tpu.memref_slice %arg7[%dma_wait3A_129, %dma_wait3A_130] : memref<3x128xi32, #tpu.memory_space<vmem>> -> memref<1x128xi32, #tpu.memory_space<vmem>>
        %dma_wait3A_132 = tpu.memref_squeeze %dma_wait3A_131 : memref<1x128xi32, #tpu.memory_space<vmem>> -> memref<128xi32, #tpu.memory_space<vmem>>
        %dma_wait3A_133 = arith.constant 0 : i32
        %dma_wait3A_134 = arith.constant 0 : i32
        %dma_wait3A_135 = tpu.memref_slice %arg2[%dma_wait3A_133, %dma_wait3A_134] : memref<10000x128xf32, #tpu.memory_space<hbm>> -> memref<10000x128xf32, #tpu.memory_space<hbm>>
        tpu.wait_indirect_dma semaphore(%arg15 : memref<!tpu.dma_semaphore, #tpu.memory_space<semaphore_mem>>) src(%dma_wait3A_135 : memref<10000x128xf32, #tpu.memory_space<hbm>>) dst(%arg11 : memref<128x128xf32, #tpu.memory_space<vmem>>)
        %run_scoped3A_136 = arith.constant 2 : i32
        "tpu.region"() ({
          %run_scoped3A_156 = tpu.sem_alloc : memref<!tpu.dma_semaphore, #tpu.memory_space<semaphore_mem>>
          %dma_start3A_157 = arith.constant 0 : i32
          %dma_start3A_158 = tpu.memref_slice %arg8[%run_scoped3A_136, %dma_start3A_157] : memref<3x128xi32, #tpu.memory_space<vmem>> -> memref<1x128xi32, #tpu.memory_space<vmem>>
          %dma_start3A_159 = tpu.memref_squeeze %dma_start3A_158 : memref<1x128xi32, #tpu.memory_space<vmem>> -> memref<128xi32, #tpu.memory_space<vmem>>
          %dma_start3A_160 = arith.constant 0 : i32
          %dma_start3A_161 = arith.constant 0 : i32
          %dma_start3A_162 = tpu.memref_slice %arg12[%dma_start3A_160, %dma_start3A_161] : memref<10112x128xf32, #tpu.memory_space<vmem_shared>> -> memref<10112x128xf32, #tpu.memory_space<vmem_shared>>
          tpu.enqueue_indirect_dma source(%arg11 : memref<128x128xf32, #tpu.memory_space<vmem>>) target(%dma_start3A_162 : memref<10112x128xf32, #tpu.memory_space<vmem_shared>>) offsets(%dma_start3A_159 : memref<128xi32, #tpu.memory_space<vmem>>) semaphore(%run_scoped3A_156 : memref<!tpu.dma_semaphore, #tpu.memory_space<semaphore_mem>>) {add = true}
          %dma_wait3A_163 = arith.constant 0 : i32
          %dma_wait3A_164 = tpu.memref_slice %arg8[%run_scoped3A_136, %dma_wait3A_163] : memref<3x128xi32, #tpu.memory_space<vmem>> -> memref<1x128xi32, #tpu.memory_space<vmem>>
          %dma_wait3A_165 = tpu.memref_squeeze %dma_wait3A_164 : memref<1x128xi32, #tpu.memory_space<vmem>> -> memref<128xi32, #tpu.memory_space<vmem>>
          %dma_wait3A_166 = arith.constant 0 : i32
          %dma_wait3A_167 = arith.constant 0 : i32
          %dma_wait3A_168 = tpu.memref_slice %arg12[%dma_wait3A_166, %dma_wait3A_167] : memref<10112x128xf32, #tpu.memory_space<vmem_shared>> -> memref<10112x128xf32, #tpu.memory_space<vmem_shared>>
          tpu.wait_indirect_dma semaphore(%run_scoped3A_156 : memref<!tpu.dma_semaphore, #tpu.memory_space<semaphore_mem>>) src(%arg11 : memref<128x128xf32, #tpu.memory_space<vmem>>) dst(%dma_wait3A_168 : memref<10112x128xf32, #tpu.memory_space<vmem_shared>>)
          tpu.yield
        }) : () -> ()
        %add3A_137 = arith.constant 1 : i32
        %add3A_138 = arith.addi %scan3A_74, %add3A_137 : i32
        %mul3A_139 = arith.constant 3 : i32
        %mul3A_140 = arith.muli %add3A_138, %mul3A_139 : i32
        %add3A_141 = arith.constant 2 : i32
        %add3A_142 = arith.addi %mul3A_140, %add3A_141 : i32
        %mul3A_143 = arith.constant 128 : i32
        %mul3A_144 = arith.muli %add3A_142, %mul3A_143 : i32
        %add3A_145 = arith.addi %mul3A_12, %mul3A_144 : i32
        %multiple_of3A_146 = tpu.assume_multiple %add3A_145, 128 : i32
        %run_scoped3A_147 = arith.constant 2 : i32
        "tpu.region"() ({
          %run_scoped3A_156 = tpu.sem_alloc : memref<!tpu.dma_semaphore, #tpu.memory_space<semaphore_mem>>
          %dma_start3A_157 = arith.constant 0 : i32
          %dma_start3A_158 = tpu.memref_slice %arg7[%run_scoped3A_147, %dma_start3A_157] : memref<3x128xi32, #tpu.memory_space<vmem>> -> memref<1x128xi32, #tpu.memory_space<vmem>>
          %dma_start3A_159 = tpu.memref_squeeze %dma_start3A_158 : memref<1x128xi32, #tpu.memory_space<vmem>> -> memref<128xi32, #tpu.memory_space<vmem>>
          %dma_start3A_160 = tpu.memref_slice %arg3[%multiple_of3A_146] : memref<323584xi32, #tpu.memory_space<hbm>> -> memref<128xi32, #tpu.memory_space<hbm>>
          %dma_start3A_161 = arith.constant 0 : i32
          %dma_start3A_162 = tpu.memref_slice %arg7[%run_scoped3A_147, %dma_start3A_161] : memref<3x128xi32, #tpu.memory_space<vmem>> -> memref<1x128xi32, #tpu.memory_space<vmem>>
          %dma_start3A_163 = tpu.memref_squeeze %dma_start3A_162 : memref<1x128xi32, #tpu.memory_space<vmem>> -> memref<128xi32, #tpu.memory_space<vmem>>
          %dma_start3A_164 = tpu.memref_slice %arg3[%multiple_of3A_146] : memref<323584xi32, #tpu.memory_space<hbm>> -> memref<128xi32, #tpu.memory_space<hbm>>
          tpu.enqueue_dma source(%dma_start3A_164 : memref<128xi32, #tpu.memory_space<hbm>>) target(%dma_start3A_163 : memref<128xi32, #tpu.memory_space<vmem>>) target_semaphore(%run_scoped3A_156 : memref<!tpu.dma_semaphore, #tpu.memory_space<semaphore_mem>>)
          %dma_wait3A_165 = arith.constant 0 : i32
          %dma_wait3A_166 = tpu.memref_slice %arg7[%run_scoped3A_147, %dma_wait3A_165] : memref<3x128xi32, #tpu.memory_space<vmem>> -> memref<1x128xi32, #tpu.memory_space<vmem>>
          %dma_wait3A_167 = tpu.memref_squeeze %dma_wait3A_166 : memref<1x128xi32, #tpu.memory_space<vmem>> -> memref<128xi32, #tpu.memory_space<vmem>>
          %dma_wait3A_168 = tpu.memref_slice %arg3[%multiple_of3A_146] : memref<323584xi32, #tpu.memory_space<hbm>> -> memref<128xi32, #tpu.memory_space<hbm>>
          %dma_wait3A_169 = arith.constant 0 : i32
          %dma_wait3A_170 = tpu.memref_slice %arg7[%run_scoped3A_147, %dma_wait3A_169] : memref<3x128xi32, #tpu.memory_space<vmem>> -> memref<1x128xi32, #tpu.memory_space<vmem>>
          %dma_wait3A_171 = tpu.memref_squeeze %dma_wait3A_170 : memref<1x128xi32, #tpu.memory_space<vmem>> -> memref<128xi32, #tpu.memory_space<vmem>>
          %dma_wait3A_172 = tpu.memref_slice %arg3[%multiple_of3A_146] : memref<323584xi32, #tpu.memory_space<hbm>> -> memref<128xi32, #tpu.memory_space<hbm>>
          tpu.wait_dma2 semaphore(%run_scoped3A_156 : memref<!tpu.dma_semaphore, #tpu.memory_space<semaphore_mem>>) src(%dma_wait3A_172 : memref<128xi32, #tpu.memory_space<hbm>>) dst(%dma_wait3A_171 : memref<128xi32, #tpu.memory_space<vmem>>)
          tpu.yield
        }) : () -> ()
        %dma_start3A_148 = arith.constant 2 : i32
        %dma_start3A_149 = arith.constant 0 : i32
        %dma_start3A_150 = tpu.memref_slice %arg7[%dma_start3A_148, %dma_start3A_149] : memref<3x128xi32, #tpu.memory_space<vmem>> -> memref<1x128xi32, #tpu.memory_space<vmem>>
        %dma_start3A_151 = tpu.memref_squeeze %dma_start3A_150 : memref<1x128xi32, #tpu.memory_space<vmem>> -> memref<128xi32, #tpu.memory_space<vmem>>
        %dma_start3A_152 = arith.constant 0 : i32
        %dma_start3A_153 = arith.constant 0 : i32
        %dma_start3A_154 = tpu.memref_slice %arg2[%dma_start3A_152, %dma_start3A_153] : memref<10000x128xf32, #tpu.memory_space<hbm>> -> memref<10000x128xf32, #tpu.memory_space<hbm>>
        tpu.enqueue_indirect_dma source(%dma_start3A_154 : memref<10000x128xf32, #tpu.memory_space<hbm>>) target(%arg11 : memref<128x128xf32, #tpu.memory_space<vmem>>) offsets(%dma_start3A_151 : memref<128xi32, #tpu.memory_space<vmem>>) semaphore(%arg15 : memref<!tpu.dma_semaphore, #tpu.memory_space<semaphore_mem>>)
        %run_scoped3A_155 = arith.constant 2 : i32
        "tpu.region"() ({
          %run_scoped3A_156 = tpu.sem_alloc : memref<!tpu.dma_semaphore, #tpu.memory_space<semaphore_mem>>
          %dma_start3A_157 = arith.constant 0 : i32
          %dma_start3A_158 = tpu.memref_slice %arg8[%run_scoped3A_155, %dma_start3A_157] : memref<3x128xi32, #tpu.memory_space<vmem>> -> memref<1x128xi32, #tpu.memory_space<vmem>>
          %dma_start3A_159 = tpu.memref_squeeze %dma_start3A_158 : memref<1x128xi32, #tpu.memory_space<vmem>> -> memref<128xi32, #tpu.memory_space<vmem>>
          %dma_start3A_160 = tpu.memref_slice %arg4[%multiple_of3A_146] : memref<323584xi32, #tpu.memory_space<hbm>> -> memref<128xi32, #tpu.memory_space<hbm>>
          %dma_start3A_161 = arith.constant 0 : i32
          %dma_start3A_162 = tpu.memref_slice %arg8[%run_scoped3A_155, %dma_start3A_161] : memref<3x128xi32, #tpu.memory_space<vmem>> -> memref<1x128xi32, #tpu.memory_space<vmem>>
          %dma_start3A_163 = tpu.memref_squeeze %dma_start3A_162 : memref<1x128xi32, #tpu.memory_space<vmem>> -> memref<128xi32, #tpu.memory_space<vmem>>
          %dma_start3A_164 = tpu.memref_slice %arg4[%multiple_of3A_146] : memref<323584xi32, #tpu.memory_space<hbm>> -> memref<128xi32, #tpu.memory_space<hbm>>
          tpu.enqueue_dma source(%dma_start3A_164 : memref<128xi32, #tpu.memory_space<hbm>>) target(%dma_start3A_163 : memref<128xi32, #tpu.memory_space<vmem>>) target_semaphore(%run_scoped3A_156 : memref<!tpu.dma_semaphore, #tpu.memory_space<semaphore_mem>>)
          %dma_wait3A_165 = arith.constant 0 : i32
          %dma_wait3A_166 = tpu.memref_slice %arg8[%run_scoped3A_155, %dma_wait3A_165] : memref<3x128xi32, #tpu.memory_space<vmem>> -> memref<1x128xi32, #tpu.memory_space<vmem>>
          %dma_wait3A_167 = tpu.memref_squeeze %dma_wait3A_166 : memref<1x128xi32, #tpu.memory_space<vmem>> -> memref<128xi32, #tpu.memory_space<vmem>>
          %dma_wait3A_168 = tpu.memref_slice %arg4[%multiple_of3A_146] : memref<323584xi32, #tpu.memory_space<hbm>> -> memref<128xi32, #tpu.memory_space<hbm>>
          %dma_wait3A_169 = arith.constant 0 : i32
          %dma_wait3A_170 = tpu.memref_slice %arg8[%run_scoped3A_155, %dma_wait3A_169] : memref<3x128xi32, #tpu.memory_space<vmem>> -> memref<1x128xi32, #tpu.memory_space<vmem>>
          %dma_wait3A_171 = tpu.memref_squeeze %dma_wait3A_170 : memref<1x128xi32, #tpu.memory_space<vmem>> -> memref<128xi32, #tpu.memory_space<vmem>>
          %dma_wait3A_172 = tpu.memref_slice %arg4[%multiple_of3A_146] : memref<323584xi32, #tpu.memory_space<hbm>> -> memref<128xi32, #tpu.memory_space<hbm>>
          tpu.wait_dma2 semaphore(%run_scoped3A_156 : memref<!tpu.dma_semaphore, #tpu.memory_space<semaphore_mem>>) src(%dma_wait3A_172 : memref<128xi32, #tpu.memory_space<hbm>>) dst(%dma_wait3A_171 : memref<128xi32, #tpu.memory_space<vmem>>)
          tpu.yield
        }) : () -> ()
      }
      %scan3A_50 = arith.constant 39 : i32
      %dma_wait3A = arith.constant 0 : i32
      %dma_wait3A_51 = arith.constant 0 : i32
      %dma_wait3A_52 = tpu.memref_slice %arg7[%dma_wait3A, %dma_wait3A_51] : memref<3x128xi32, #tpu.memory_space<vmem>> -> memref<1x128xi32, #tpu.memory_space<vmem>>
      %dma_wait3A_53 = tpu.memref_squeeze %dma_wait3A_52 : memref<1x128xi32, #tpu.memory_space<vmem>> -> memref<128xi32, #tpu.memory_space<vmem>>
      %dma_wait3A_54 = arith.constant 0 : i32
      %dma_wait3A_55 = arith.constant 0 : i32
      %dma_wait3A_56 = tpu.memref_slice %arg2[%dma_wait3A_54, %dma_wait3A_55] : memref<10000x128xf32, #tpu.memory_space<hbm>> -> memref<10000x128xf32, #tpu.memory_space<hbm>>
      tpu.wait_indirect_dma semaphore(%arg13 : memref<!tpu.dma_semaphore, #tpu.memory_space<semaphore_mem>>) src(%dma_wait3A_56 : memref<10000x128xf32, #tpu.memory_space<hbm>>) dst(%arg9 : memref<128x128xf32, #tpu.memory_space<vmem>>)
      %run_scoped3A_57 = arith.constant 0 : i32
      "tpu.region"() ({
        %run_scoped3A_74 = tpu.sem_alloc : memref<!tpu.dma_semaphore, #tpu.memory_space<semaphore_mem>>
        %dma_start3A_75 = arith.constant 0 : i32
        %dma_start3A_76 = tpu.memref_slice %arg8[%run_scoped3A_57, %dma_start3A_75] : memref<3x128xi32, #tpu.memory_space<vmem>> -> memref<1x128xi32, #tpu.memory_space<vmem>>
        %dma_start3A_77 = tpu.memref_squeeze %dma_start3A_76 : memref<1x128xi32, #tpu.memory_space<vmem>> -> memref<128xi32, #tpu.memory_space<vmem>>
        %dma_start3A_78 = arith.constant 0 : i32
        %dma_start3A_79 = arith.constant 0 : i32
        %dma_start3A_80 = tpu.memref_slice %arg12[%dma_start3A_78, %dma_start3A_79] : memref<10112x128xf32, #tpu.memory_space<vmem_shared>> -> memref<10112x128xf32, #tpu.memory_space<vmem_shared>>
        tpu.enqueue_indirect_dma source(%arg9 : memref<128x128xf32, #tpu.memory_space<vmem>>) target(%dma_start3A_80 : memref<10112x128xf32, #tpu.memory_space<vmem_shared>>) offsets(%dma_start3A_77 : memref<128xi32, #tpu.memory_space<vmem>>) semaphore(%run_scoped3A_74 : memref<!tpu.dma_semaphore, #tpu.memory_space<semaphore_mem>>) {add = true}
        %dma_wait3A_81 = arith.constant 0 : i32
        %dma_wait3A_82 = tpu.memref_slice %arg8[%run_scoped3A_57, %dma_wait3A_81] : memref<3x128xi32, #tpu.memory_space<vmem>> -> memref<1x128xi32, #tpu.memory_space<vmem>>
        %dma_wait3A_83 = tpu.memref_squeeze %dma_wait3A_82 : memref<1x128xi32, #tpu.memory_space<vmem>> -> memref<128xi32, #tpu.memory_space<vmem>>
        %dma_wait3A_84 = arith.constant 0 : i32
        %dma_wait3A_85 = arith.constant 0 : i32
        %dma_wait3A_86 = tpu.memref_slice %arg12[%dma_wait3A_84, %dma_wait3A_85] : memref<10112x128xf32, #tpu.memory_space<vmem_shared>> -> memref<10112x128xf32, #tpu.memory_space<vmem_shared>>
        tpu.wait_indirect_dma semaphore(%run_scoped3A_74 : memref<!tpu.dma_semaphore, #tpu.memory_space<semaphore_mem>>) src(%arg9 : memref<128x128xf32, #tpu.memory_space<vmem>>) dst(%dma_wait3A_86 : memref<10112x128xf32, #tpu.memory_space<vmem_shared>>)
        tpu.yield
      }) : () -> ()
      %dma_wait3A_58 = arith.constant 1 : i32
      %dma_wait3A_59 = arith.constant 0 : i32
      %dma_wait3A_60 = tpu.memref_slice %arg7[%dma_wait3A_58, %dma_wait3A_59] : memref<3x128xi32, #tpu.memory_space<vmem>> -> memref<1x128xi32, #tpu.memory_space<vmem>>
      %dma_wait3A_61 = tpu.memref_squeeze %dma_wait3A_60 : memref<1x128xi32, #tpu.memory_space<vmem>> -> memref<128xi32, #tpu.memory_space<vmem>>
      %dma_wait3A_62 = arith.constant 0 : i32
      %dma_wait3A_63 = arith.constant 0 : i32
      %dma_wait3A_64 = tpu.memref_slice %arg2[%dma_wait3A_62, %dma_wait3A_63] : memref<10000x128xf32, #tpu.memory_space<hbm>> -> memref<10000x128xf32, #tpu.memory_space<hbm>>
      tpu.wait_indirect_dma semaphore(%arg14 : memref<!tpu.dma_semaphore, #tpu.memory_space<semaphore_mem>>) src(%dma_wait3A_64 : memref<10000x128xf32, #tpu.memory_space<hbm>>) dst(%arg10 : memref<128x128xf32, #tpu.memory_space<vmem>>)
      %run_scoped3A_65 = arith.constant 1 : i32
      "tpu.region"() ({
        %run_scoped3A_74 = tpu.sem_alloc : memref<!tpu.dma_semaphore, #tpu.memory_space<semaphore_mem>>
        %dma_start3A_75 = arith.constant 0 : i32
        %dma_start3A_76 = tpu.memref_slice %arg8[%run_scoped3A_65, %dma_start3A_75] : memref<3x128xi32, #tpu.memory_space<vmem>> -> memref<1x128xi32, #tpu.memory_space<vmem>>
        %dma_start3A_77 = tpu.memref_squeeze %dma_start3A_76 : memref<1x128xi32, #tpu.memory_space<vmem>> -> memref<128xi32, #tpu.memory_space<vmem>>
        %dma_start3A_78 = arith.constant 0 : i32
        %dma_start3A_79 = arith.constant 0 : i32
        %dma_start3A_80 = tpu.memref_slice %arg12[%dma_start3A_78, %dma_start3A_79] : memref<10112x128xf32, #tpu.memory_space<vmem_shared>> -> memref<10112x128xf32, #tpu.memory_space<vmem_shared>>
        tpu.enqueue_indirect_dma source(%arg10 : memref<128x128xf32, #tpu.memory_space<vmem>>) target(%dma_start3A_80 : memref<10112x128xf32, #tpu.memory_space<vmem_shared>>) offsets(%dma_start3A_77 : memref<128xi32, #tpu.memory_space<vmem>>) semaphore(%run_scoped3A_74 : memref<!tpu.dma_semaphore, #tpu.memory_space<semaphore_mem>>) {add = true}
        %dma_wait3A_81 = arith.constant 0 : i32
        %dma_wait3A_82 = tpu.memref_slice %arg8[%run_scoped3A_65, %dma_wait3A_81] : memref<3x128xi32, #tpu.memory_space<vmem>> -> memref<1x128xi32, #tpu.memory_space<vmem>>
        %dma_wait3A_83 = tpu.memref_squeeze %dma_wait3A_82 : memref<1x128xi32, #tpu.memory_space<vmem>> -> memref<128xi32, #tpu.memory_space<vmem>>
        %dma_wait3A_84 = arith.constant 0 : i32
        %dma_wait3A_85 = arith.constant 0 : i32
        %dma_wait3A_86 = tpu.memref_slice %arg12[%dma_wait3A_84, %dma_wait3A_85] : memref<10112x128xf32, #tpu.memory_space<vmem_shared>> -> memref<10112x128xf32, #tpu.memory_space<vmem_shared>>
        tpu.wait_indirect_dma semaphore(%run_scoped3A_74 : memref<!tpu.dma_semaphore, #tpu.memory_space<semaphore_mem>>) src(%arg10 : memref<128x128xf32, #tpu.memory_space<vmem>>) dst(%dma_wait3A_86 : memref<10112x128xf32, #tpu.memory_space<vmem_shared>>)
        tpu.yield
      }) : () -> ()
      %dma_wait3A_66 = arith.constant 2 : i32
      %dma_wait3A_67 = arith.constant 0 : i32
      %dma_wait3A_68 = tpu.memref_slice %arg7[%dma_wait3A_66, %dma_wait3A_67] : memref<3x128xi32, #tpu.memory_space<vmem>> -> memref<1x128xi32, #tpu.memory_space<vmem>>
      %dma_wait3A_69 = tpu.memref_squeeze %dma_wait3A_68 : memref<1x128xi32, #tpu.memory_space<vmem>> -> memref<128xi32, #tpu.memory_space<vmem>>
      %dma_wait3A_70 = arith.constant 0 : i32
      %dma_wait3A_71 = arith.constant 0 : i32
      %dma_wait3A_72 = tpu.memref_slice %arg2[%dma_wait3A_70, %dma_wait3A_71] : memref<10000x128xf32, #tpu.memory_space<hbm>> -> memref<10000x128xf32, #tpu.memory_space<hbm>>
      tpu.wait_indirect_dma semaphore(%arg15 : memref<!tpu.dma_semaphore, #tpu.memory_space<semaphore_mem>>) src(%dma_wait3A_72 : memref<10000x128xf32, #tpu.memory_space<hbm>>) dst(%arg11 : memref<128x128xf32, #tpu.memory_space<vmem>>)
      %run_scoped3A_73 = arith.constant 2 : i32
      "tpu.region"() ({
        %run_scoped3A_74 = tpu.sem_alloc : memref<!tpu.dma_semaphore, #tpu.memory_space<semaphore_mem>>
        %dma_start3A_75 = arith.constant 0 : i32
        %dma_start3A_76 = tpu.memref_slice %arg8[%run_scoped3A_73, %dma_start3A_75] : memref<3x128xi32, #tpu.memory_space<vmem>> -> memref<1x128xi32, #tpu.memory_space<vmem>>
        %dma_start3A_77 = tpu.memref_squeeze %dma_start3A_76 : memref<1x128xi32, #tpu.memory_space<vmem>> -> memref<128xi32, #tpu.memory_space<vmem>>
        %dma_start3A_78 = arith.constant 0 : i32
        %dma_start3A_79 = arith.constant 0 : i32
        %dma_start3A_80 = tpu.memref_slice %arg12[%dma_start3A_78, %dma_start3A_79] : memref<10112x128xf32, #tpu.memory_space<vmem_shared>> -> memref<10112x128xf32, #tpu.memory_space<vmem_shared>>
        tpu.enqueue_indirect_dma source(%arg11 : memref<128x128xf32, #tpu.memory_space<vmem>>) target(%dma_start3A_80 : memref<10112x128xf32, #tpu.memory_space<vmem_shared>>) offsets(%dma_start3A_77 : memref<128xi32, #tpu.memory_space<vmem>>) semaphore(%run_scoped3A_74 : memref<!tpu.dma_semaphore, #tpu.memory_space<semaphore_mem>>) {add = true}
        %dma_wait3A_81 = arith.constant 0 : i32
        %dma_wait3A_82 = tpu.memref_slice %arg8[%run_scoped3A_73, %dma_wait3A_81] : memref<3x128xi32, #tpu.memory_space<vmem>> -> memref<1x128xi32, #tpu.memory_space<vmem>>
        %dma_wait3A_83 = tpu.memref_squeeze %dma_wait3A_82 : memref<1x128xi32, #tpu.memory_space<vmem>> -> memref<128xi32, #tpu.memory_space<vmem>>
        %dma_wait3A_84 = arith.constant 0 : i32
        %dma_wait3A_85 = arith.constant 0 : i32
        %dma_wait3A_86 = tpu.memref_slice %arg12[%dma_wait3A_84, %dma_wait3A_85] : memref<10112x128xf32, #tpu.memory_space<vmem_shared>> -> memref<10112x128xf32, #tpu.memory_space<vmem_shared>>
        tpu.wait_indirect_dma semaphore(%run_scoped3A_74 : memref<!tpu.dma_semaphore, #tpu.memory_space<semaphore_mem>>) src(%arg11 : memref<128x128xf32, #tpu.memory_space<vmem>>) dst(%dma_wait3A_86 : memref<10112x128xf32, #tpu.memory_space<vmem_shared>>)
        tpu.yield
      }) : () -> ()
    } else {
    }
    %eq3A_5 = arith.constant 1 : i32
    %eq3A_6 = arith.cmpi eq, %arg0, %eq3A_5 : i32
    %convert_element_type3A_7 = arith.extui %eq3A_6 : i1 to i32
    %cond3A_8 = arith.constant 0 : i32
    %cond3A_9 = arith.cmpi ne, %convert_element_type3A_7, %cond3A_8 : i32
    scf.if %cond3A_9 {
      %mul3A_11 = arith.constant 4864 : i32
      %mul3A_12 = arith.muli %arg1, %mul3A_11 : i32
      %add3A_13 = arith.constant 245760 : i32
      %add3A_14 = arith.addi %add3A_13, %mul3A_12 : i32
      %add3A_15 = arith.constant 0 : i32
      %add3A_16 = arith.addi %add3A_14, %add3A_15 : i32
      %multiple_of3A = tpu.assume_multiple %add3A_16, 128 : i32
      %run_scoped3A = arith.constant 0 : i32
      "tpu.region"() ({
        %run_scoped3A_116 = tpu.sem_alloc : memref<!tpu.dma_semaphore, #tpu.memory_space<semaphore_mem>>
        %dma_start3A_117 = arith.constant 0 : i32
        %dma_start3A_118 = tpu.memref_slice %arg7[%run_scoped3A, %dma_start3A_117] : memref<3x128xi32, #tpu.memory_space<vmem>> -> memref<1x128xi32, #tpu.memory_space<vmem>>
        %dma_start3A_119 = tpu.memref_squeeze %dma_start3A_118 : memref<1x128xi32, #tpu.memory_space<vmem>> -> memref<128xi32, #tpu.memory_space<vmem>>
        %dma_start3A_120 = tpu.memref_slice %arg3[%multiple_of3A] : memref<323584xi32, #tpu.memory_space<hbm>> -> memref<128xi32, #tpu.memory_space<hbm>>
        %dma_start3A_121 = arith.constant 0 : i32
        %dma_start3A_122 = tpu.memref_slice %arg7[%run_scoped3A, %dma_start3A_121] : memref<3x128xi32, #tpu.memory_space<vmem>> -> memref<1x128xi32, #tpu.memory_space<vmem>>
        %dma_start3A_123 = tpu.memref_squeeze %dma_start3A_122 : memref<1x128xi32, #tpu.memory_space<vmem>> -> memref<128xi32, #tpu.memory_space<vmem>>
        %dma_start3A_124 = tpu.memref_slice %arg3[%multiple_of3A] : memref<323584xi32, #tpu.memory_space<hbm>> -> memref<128xi32, #tpu.memory_space<hbm>>
        tpu.enqueue_dma source(%dma_start3A_124 : memref<128xi32, #tpu.memory_space<hbm>>) target(%dma_start3A_123 : memref<128xi32, #tpu.memory_space<vmem>>) target_semaphore(%run_scoped3A_116 : memref<!tpu.dma_semaphore, #tpu.memory_space<semaphore_mem>>)
        %dma_wait3A_125 = arith.constant 0 : i32
        %dma_wait3A_126 = tpu.memref_slice %arg7[%run_scoped3A, %dma_wait3A_125] : memref<3x128xi32, #tpu.memory_space<vmem>> -> memref<1x128xi32, #tpu.memory_space<vmem>>
        %dma_wait3A_127 = tpu.memref_squeeze %dma_wait3A_126 : memref<1x128xi32, #tpu.memory_space<vmem>> -> memref<128xi32, #tpu.memory_space<vmem>>
        %dma_wait3A_128 = tpu.memref_slice %arg3[%multiple_of3A] : memref<323584xi32, #tpu.memory_space<hbm>> -> memref<128xi32, #tpu.memory_space<hbm>>
        %dma_wait3A_129 = arith.constant 0 : i32
        %dma_wait3A_130 = tpu.memref_slice %arg7[%run_scoped3A, %dma_wait3A_129] : memref<3x128xi32, #tpu.memory_space<vmem>> -> memref<1x128xi32, #tpu.memory_space<vmem>>
        %dma_wait3A_131 = tpu.memref_squeeze %dma_wait3A_130 : memref<1x128xi32, #tpu.memory_space<vmem>> -> memref<128xi32, #tpu.memory_space<vmem>>
        %dma_wait3A_132 = tpu.memref_slice %arg3[%multiple_of3A] : memref<323584xi32, #tpu.memory_space<hbm>> -> memref<128xi32, #tpu.memory_space<hbm>>
        tpu.wait_dma2 semaphore(%run_scoped3A_116 : memref<!tpu.dma_semaphore, #tpu.memory_space<semaphore_mem>>) src(%dma_wait3A_132 : memref<128xi32, #tpu.memory_space<hbm>>) dst(%dma_wait3A_131 : memref<128xi32, #tpu.memory_space<vmem>>)
        tpu.yield
      }) : () -> ()
      %dma_start3A = arith.constant 0 : i32
      %dma_start3A_17 = arith.constant 0 : i32
      %dma_start3A_18 = tpu.memref_slice %arg7[%dma_start3A, %dma_start3A_17] : memref<3x128xi32, #tpu.memory_space<vmem>> -> memref<1x128xi32, #tpu.memory_space<vmem>>
      %dma_start3A_19 = tpu.memref_squeeze %dma_start3A_18 : memref<1x128xi32, #tpu.memory_space<vmem>> -> memref<128xi32, #tpu.memory_space<vmem>>
      %dma_start3A_20 = arith.constant 0 : i32
      %dma_start3A_21 = arith.constant 0 : i32
      %dma_start3A_22 = tpu.memref_slice %arg2[%dma_start3A_20, %dma_start3A_21] : memref<10000x128xf32, #tpu.memory_space<hbm>> -> memref<10000x128xf32, #tpu.memory_space<hbm>>
      tpu.enqueue_indirect_dma source(%dma_start3A_22 : memref<10000x128xf32, #tpu.memory_space<hbm>>) target(%arg9 : memref<128x128xf32, #tpu.memory_space<vmem>>) offsets(%dma_start3A_19 : memref<128xi32, #tpu.memory_space<vmem>>) semaphore(%arg13 : memref<!tpu.dma_semaphore, #tpu.memory_space<semaphore_mem>>)
      %run_scoped3A_23 = arith.constant 0 : i32
      "tpu.region"() ({
        %run_scoped3A_116 = tpu.sem_alloc : memref<!tpu.dma_semaphore, #tpu.memory_space<semaphore_mem>>
        %dma_start3A_117 = arith.constant 0 : i32
        %dma_start3A_118 = tpu.memref_slice %arg8[%run_scoped3A_23, %dma_start3A_117] : memref<3x128xi32, #tpu.memory_space<vmem>> -> memref<1x128xi32, #tpu.memory_space<vmem>>
        %dma_start3A_119 = tpu.memref_squeeze %dma_start3A_118 : memref<1x128xi32, #tpu.memory_space<vmem>> -> memref<128xi32, #tpu.memory_space<vmem>>
        %dma_start3A_120 = tpu.memref_slice %arg4[%multiple_of3A] : memref<323584xi32, #tpu.memory_space<hbm>> -> memref<128xi32, #tpu.memory_space<hbm>>
        %dma_start3A_121 = arith.constant 0 : i32
        %dma_start3A_122 = tpu.memref_slice %arg8[%run_scoped3A_23, %dma_start3A_121] : memref<3x128xi32, #tpu.memory_space<vmem>> -> memref<1x128xi32, #tpu.memory_space<vmem>>
        %dma_start3A_123 = tpu.memref_squeeze %dma_start3A_122 : memref<1x128xi32, #tpu.memory_space<vmem>> -> memref<128xi32, #tpu.memory_space<vmem>>
        %dma_start3A_124 = tpu.memref_slice %arg4[%multiple_of3A] : memref<323584xi32, #tpu.memory_space<hbm>> -> memref<128xi32, #tpu.memory_space<hbm>>
        tpu.enqueue_dma source(%dma_start3A_124 : memref<128xi32, #tpu.memory_space<hbm>>) target(%dma_start3A_123 : memref<128xi32, #tpu.memory_space<vmem>>) target_semaphore(%run_scoped3A_116 : memref<!tpu.dma_semaphore, #tpu.memory_space<semaphore_mem>>)
        %dma_wait3A_125 = arith.constant 0 : i32
        %dma_wait3A_126 = tpu.memref_slice %arg8[%run_scoped3A_23, %dma_wait3A_125] : memref<3x128xi32, #tpu.memory_space<vmem>> -> memref<1x128xi32, #tpu.memory_space<vmem>>
        %dma_wait3A_127 = tpu.memref_squeeze %dma_wait3A_126 : memref<1x128xi32, #tpu.memory_space<vmem>> -> memref<128xi32, #tpu.memory_space<vmem>>
        %dma_wait3A_128 = tpu.memref_slice %arg4[%multiple_of3A] : memref<323584xi32, #tpu.memory_space<hbm>> -> memref<128xi32, #tpu.memory_space<hbm>>
        %dma_wait3A_129 = arith.constant 0 : i32
        %dma_wait3A_130 = tpu.memref_slice %arg8[%run_scoped3A_23, %dma_wait3A_129] : memref<3x128xi32, #tpu.memory_space<vmem>> -> memref<1x128xi32, #tpu.memory_space<vmem>>
        %dma_wait3A_131 = tpu.memref_squeeze %dma_wait3A_130 : memref<1x128xi32, #tpu.memory_space<vmem>> -> memref<128xi32, #tpu.memory_space<vmem>>
        %dma_wait3A_132 = tpu.memref_slice %arg4[%multiple_of3A] : memref<323584xi32, #tpu.memory_space<hbm>> -> memref<128xi32, #tpu.memory_space<hbm>>
        tpu.wait_dma2 semaphore(%run_scoped3A_116 : memref<!tpu.dma_semaphore, #tpu.memory_space<semaphore_mem>>) src(%dma_wait3A_132 : memref<128xi32, #tpu.memory_space<hbm>>) dst(%dma_wait3A_131 : memref<128xi32, #tpu.memory_space<vmem>>)
        tpu.yield
      }) : () -> ()
      %add3A_24 = arith.constant 128 : i32
      %add3A_25 = arith.addi %add3A_14, %add3A_24 : i32
      %multiple_of3A_26 = tpu.assume_multiple %add3A_25, 128 : i32
      %run_scoped3A_27 = arith.constant 1 : i32
      "tpu.region"() ({
        %run_scoped3A_116 = tpu.sem_alloc : memref<!tpu.dma_semaphore, #tpu.memory_space<semaphore_mem>>
        %dma_start3A_117 = arith.constant 0 : i32
        %dma_start3A_118 = tpu.memref_slice %arg7[%run_scoped3A_27, %dma_start3A_117] : memref<3x128xi32, #tpu.memory_space<vmem>> -> memref<1x128xi32, #tpu.memory_space<vmem>>
        %dma_start3A_119 = tpu.memref_squeeze %dma_start3A_118 : memref<1x128xi32, #tpu.memory_space<vmem>> -> memref<128xi32, #tpu.memory_space<vmem>>
        %dma_start3A_120 = tpu.memref_slice %arg3[%multiple_of3A_26] : memref<323584xi32, #tpu.memory_space<hbm>> -> memref<128xi32, #tpu.memory_space<hbm>>
        %dma_start3A_121 = arith.constant 0 : i32
        %dma_start3A_122 = tpu.memref_slice %arg7[%run_scoped3A_27, %dma_start3A_121] : memref<3x128xi32, #tpu.memory_space<vmem>> -> memref<1x128xi32, #tpu.memory_space<vmem>>
        %dma_start3A_123 = tpu.memref_squeeze %dma_start3A_122 : memref<1x128xi32, #tpu.memory_space<vmem>> -> memref<128xi32, #tpu.memory_space<vmem>>
        %dma_start3A_124 = tpu.memref_slice %arg3[%multiple_of3A_26] : memref<323584xi32, #tpu.memory_space<hbm>> -> memref<128xi32, #tpu.memory_space<hbm>>
        tpu.enqueue_dma source(%dma_start3A_124 : memref<128xi32, #tpu.memory_space<hbm>>) target(%dma_start3A_123 : memref<128xi32, #tpu.memory_space<vmem>>) target_semaphore(%run_scoped3A_116 : memref<!tpu.dma_semaphore, #tpu.memory_space<semaphore_mem>>)
        %dma_wait3A_125 = arith.constant 0 : i32
        %dma_wait3A_126 = tpu.memref_slice %arg7[%run_scoped3A_27, %dma_wait3A_125] : memref<3x128xi32, #tpu.memory_space<vmem>> -> memref<1x128xi32, #tpu.memory_space<vmem>>
        %dma_wait3A_127 = tpu.memref_squeeze %dma_wait3A_126 : memref<1x128xi32, #tpu.memory_space<vmem>> -> memref<128xi32, #tpu.memory_space<vmem>>
        %dma_wait3A_128 = tpu.memref_slice %arg3[%multiple_of3A_26] : memref<323584xi32, #tpu.memory_space<hbm>> -> memref<128xi32, #tpu.memory_space<hbm>>
        %dma_wait3A_129 = arith.constant 0 : i32
        %dma_wait3A_130 = tpu.memref_slice %arg7[%run_scoped3A_27, %dma_wait3A_129] : memref<3x128xi32, #tpu.memory_space<vmem>> -> memref<1x128xi32, #tpu.memory_space<vmem>>
        %dma_wait3A_131 = tpu.memref_squeeze %dma_wait3A_130 : memref<1x128xi32, #tpu.memory_space<vmem>> -> memref<128xi32, #tpu.memory_space<vmem>>
        %dma_wait3A_132 = tpu.memref_slice %arg3[%multiple_of3A_26] : memref<323584xi32, #tpu.memory_space<hbm>> -> memref<128xi32, #tpu.memory_space<hbm>>
        tpu.wait_dma2 semaphore(%run_scoped3A_116 : memref<!tpu.dma_semaphore, #tpu.memory_space<semaphore_mem>>) src(%dma_wait3A_132 : memref<128xi32, #tpu.memory_space<hbm>>) dst(%dma_wait3A_131 : memref<128xi32, #tpu.memory_space<vmem>>)
        tpu.yield
      }) : () -> ()
      %dma_start3A_28 = arith.constant 1 : i32
      %dma_start3A_29 = arith.constant 0 : i32
      %dma_start3A_30 = tpu.memref_slice %arg7[%dma_start3A_28, %dma_start3A_29] : memref<3x128xi32, #tpu.memory_space<vmem>> -> memref<1x128xi32, #tpu.memory_space<vmem>>
      %dma_start3A_31 = tpu.memref_squeeze %dma_start3A_30 : memref<1x128xi32, #tpu.memory_space<vmem>> -> memref<128xi32, #tpu.memory_space<vmem>>
      %dma_start3A_32 = arith.constant 0 : i32
      %dma_start3A_33 = arith.constant 0 : i32
      %dma_start3A_34 = tpu.memref_slice %arg2[%dma_start3A_32, %dma_start3A_33] : memref<10000x128xf32, #tpu.memory_space<hbm>> -> memref<10000x128xf32, #tpu.memory_space<hbm>>
      tpu.enqueue_indirect_dma source(%dma_start3A_34 : memref<10000x128xf32, #tpu.memory_space<hbm>>) target(%arg10 : memref<128x128xf32, #tpu.memory_space<vmem>>) offsets(%dma_start3A_31 : memref<128xi32, #tpu.memory_space<vmem>>) semaphore(%arg14 : memref<!tpu.dma_semaphore, #tpu.memory_space<semaphore_mem>>)
      %run_scoped3A_35 = arith.constant 1 : i32
      "tpu.region"() ({
        %run_scoped3A_116 = tpu.sem_alloc : memref<!tpu.dma_semaphore, #tpu.memory_space<semaphore_mem>>
        %dma_start3A_117 = arith.constant 0 : i32
        %dma_start3A_118 = tpu.memref_slice %arg8[%run_scoped3A_35, %dma_start3A_117] : memref<3x128xi32, #tpu.memory_space<vmem>> -> memref<1x128xi32, #tpu.memory_space<vmem>>
        %dma_start3A_119 = tpu.memref_squeeze %dma_start3A_118 : memref<1x128xi32, #tpu.memory_space<vmem>> -> memref<128xi32, #tpu.memory_space<vmem>>
        %dma_start3A_120 = tpu.memref_slice %arg4[%multiple_of3A_26] : memref<323584xi32, #tpu.memory_space<hbm>> -> memref<128xi32, #tpu.memory_space<hbm>>
        %dma_start3A_121 = arith.constant 0 : i32
        %dma_start3A_122 = tpu.memref_slice %arg8[%run_scoped3A_35, %dma_start3A_121] : memref<3x128xi32, #tpu.memory_space<vmem>> -> memref<1x128xi32, #tpu.memory_space<vmem>>
        %dma_start3A_123 = tpu.memref_squeeze %dma_start3A_122 : memref<1x128xi32, #tpu.memory_space<vmem>> -> memref<128xi32, #tpu.memory_space<vmem>>
        %dma_start3A_124 = tpu.memref_slice %arg4[%multiple_of3A_26] : memref<323584xi32, #tpu.memory_space<hbm>> -> memref<128xi32, #tpu.memory_space<hbm>>
        tpu.enqueue_dma source(%dma_start3A_124 : memref<128xi32, #tpu.memory_space<hbm>>) target(%dma_start3A_123 : memref<128xi32, #tpu.memory_space<vmem>>) target_semaphore(%run_scoped3A_116 : memref<!tpu.dma_semaphore, #tpu.memory_space<semaphore_mem>>)
        %dma_wait3A_125 = arith.constant 0 : i32
        %dma_wait3A_126 = tpu.memref_slice %arg8[%run_scoped3A_35, %dma_wait3A_125] : memref<3x128xi32, #tpu.memory_space<vmem>> -> memref<1x128xi32, #tpu.memory_space<vmem>>
        %dma_wait3A_127 = tpu.memref_squeeze %dma_wait3A_126 : memref<1x128xi32, #tpu.memory_space<vmem>> -> memref<128xi32, #tpu.memory_space<vmem>>
        %dma_wait3A_128 = tpu.memref_slice %arg4[%multiple_of3A_26] : memref<323584xi32, #tpu.memory_space<hbm>> -> memref<128xi32, #tpu.memory_space<hbm>>
        %dma_wait3A_129 = arith.constant 0 : i32
        %dma_wait3A_130 = tpu.memref_slice %arg8[%run_scoped3A_35, %dma_wait3A_129] : memref<3x128xi32, #tpu.memory_space<vmem>> -> memref<1x128xi32, #tpu.memory_space<vmem>>
        %dma_wait3A_131 = tpu.memref_squeeze %dma_wait3A_130 : memref<1x128xi32, #tpu.memory_space<vmem>> -> memref<128xi32, #tpu.memory_space<vmem>>
        %dma_wait3A_132 = tpu.memref_slice %arg4[%multiple_of3A_26] : memref<323584xi32, #tpu.memory_space<hbm>> -> memref<128xi32, #tpu.memory_space<hbm>>
        tpu.wait_dma2 semaphore(%run_scoped3A_116 : memref<!tpu.dma_semaphore, #tpu.memory_space<semaphore_mem>>) src(%dma_wait3A_132 : memref<128xi32, #tpu.memory_space<hbm>>) dst(%dma_wait3A_131 : memref<128xi32, #tpu.memory_space<vmem>>)
        tpu.yield
      }) : () -> ()
      %add3A_36 = arith.constant 256 : i32
      %add3A_37 = arith.addi %add3A_14, %add3A_36 : i32
      %multiple_of3A_38 = tpu.assume_multiple %add3A_37, 128 : i32
      %run_scoped3A_39 = arith.constant 2 : i32
      "tpu.region"() ({
        %run_scoped3A_116 = tpu.sem_alloc : memref<!tpu.dma_semaphore, #tpu.memory_space<semaphore_mem>>
        %dma_start3A_117 = arith.constant 0 : i32
        %dma_start3A_118 = tpu.memref_slice %arg7[%run_scoped3A_39, %dma_start3A_117] : memref<3x128xi32, #tpu.memory_space<vmem>> -> memref<1x128xi32, #tpu.memory_space<vmem>>
        %dma_start3A_119 = tpu.memref_squeeze %dma_start3A_118 : memref<1x128xi32, #tpu.memory_space<vmem>> -> memref<128xi32, #tpu.memory_space<vmem>>
        %dma_start3A_120 = tpu.memref_slice %arg3[%multiple_of3A_38] : memref<323584xi32, #tpu.memory_space<hbm>> -> memref<128xi32, #tpu.memory_space<hbm>>
        %dma_start3A_121 = arith.constant 0 : i32
        %dma_start3A_122 = tpu.memref_slice %arg7[%run_scoped3A_39, %dma_start3A_121] : memref<3x128xi32, #tpu.memory_space<vmem>> -> memref<1x128xi32, #tpu.memory_space<vmem>>
        %dma_start3A_123 = tpu.memref_squeeze %dma_start3A_122 : memref<1x128xi32, #tpu.memory_space<vmem>> -> memref<128xi32, #tpu.memory_space<vmem>>
        %dma_start3A_124 = tpu.memref_slice %arg3[%multiple_of3A_38] : memref<323584xi32, #tpu.memory_space<hbm>> -> memref<128xi32, #tpu.memory_space<hbm>>
        tpu.enqueue_dma source(%dma_start3A_124 : memref<128xi32, #tpu.memory_space<hbm>>) target(%dma_start3A_123 : memref<128xi32, #tpu.memory_space<vmem>>) target_semaphore(%run_scoped3A_116 : memref<!tpu.dma_semaphore, #tpu.memory_space<semaphore_mem>>)
        %dma_wait3A_125 = arith.constant 0 : i32
        %dma_wait3A_126 = tpu.memref_slice %arg7[%run_scoped3A_39, %dma_wait3A_125] : memref<3x128xi32, #tpu.memory_space<vmem>> -> memref<1x128xi32, #tpu.memory_space<vmem>>
        %dma_wait3A_127 = tpu.memref_squeeze %dma_wait3A_126 : memref<1x128xi32, #tpu.memory_space<vmem>> -> memref<128xi32, #tpu.memory_space<vmem>>
        %dma_wait3A_128 = tpu.memref_slice %arg3[%multiple_of3A_38] : memref<323584xi32, #tpu.memory_space<hbm>> -> memref<128xi32, #tpu.memory_space<hbm>>
        %dma_wait3A_129 = arith.constant 0 : i32
        %dma_wait3A_130 = tpu.memref_slice %arg7[%run_scoped3A_39, %dma_wait3A_129] : memref<3x128xi32, #tpu.memory_space<vmem>> -> memref<1x128xi32, #tpu.memory_space<vmem>>
        %dma_wait3A_131 = tpu.memref_squeeze %dma_wait3A_130 : memref<1x128xi32, #tpu.memory_space<vmem>> -> memref<128xi32, #tpu.memory_space<vmem>>
        %dma_wait3A_132 = tpu.memref_slice %arg3[%multiple_of3A_38] : memref<323584xi32, #tpu.memory_space<hbm>> -> memref<128xi32, #tpu.memory_space<hbm>>
        tpu.wait_dma2 semaphore(%run_scoped3A_116 : memref<!tpu.dma_semaphore, #tpu.memory_space<semaphore_mem>>) src(%dma_wait3A_132 : memref<128xi32, #tpu.memory_space<hbm>>) dst(%dma_wait3A_131 : memref<128xi32, #tpu.memory_space<vmem>>)
        tpu.yield
      }) : () -> ()
      %dma_start3A_40 = arith.constant 2 : i32
      %dma_start3A_41 = arith.constant 0 : i32
      %dma_start3A_42 = tpu.memref_slice %arg7[%dma_start3A_40, %dma_start3A_41] : memref<3x128xi32, #tpu.memory_space<vmem>> -> memref<1x128xi32, #tpu.memory_space<vmem>>
      %dma_start3A_43 = tpu.memref_squeeze %dma_start3A_42 : memref<1x128xi32, #tpu.memory_space<vmem>> -> memref<128xi32, #tpu.memory_space<vmem>>
      %dma_start3A_44 = arith.constant 0 : i32
      %dma_start3A_45 = arith.constant 0 : i32
      %dma_start3A_46 = tpu.memref_slice %arg2[%dma_start3A_44, %dma_start3A_45] : memref<10000x128xf32, #tpu.memory_space<hbm>> -> memref<10000x128xf32, #tpu.memory_space<hbm>>
      tpu.enqueue_indirect_dma source(%dma_start3A_46 : memref<10000x128xf32, #tpu.memory_space<hbm>>) target(%arg11 : memref<128x128xf32, #tpu.memory_space<vmem>>) offsets(%dma_start3A_43 : memref<128xi32, #tpu.memory_space<vmem>>) semaphore(%arg15 : memref<!tpu.dma_semaphore, #tpu.memory_space<semaphore_mem>>)
      %run_scoped3A_47 = arith.constant 2 : i32
      "tpu.region"() ({
        %run_scoped3A_116 = tpu.sem_alloc : memref<!tpu.dma_semaphore, #tpu.memory_space<semaphore_mem>>
        %dma_start3A_117 = arith.constant 0 : i32
        %dma_start3A_118 = tpu.memref_slice %arg8[%run_scoped3A_47, %dma_start3A_117] : memref<3x128xi32, #tpu.memory_space<vmem>> -> memref<1x128xi32, #tpu.memory_space<vmem>>
        %dma_start3A_119 = tpu.memref_squeeze %dma_start3A_118 : memref<1x128xi32, #tpu.memory_space<vmem>> -> memref<128xi32, #tpu.memory_space<vmem>>
        %dma_start3A_120 = tpu.memref_slice %arg4[%multiple_of3A_38] : memref<323584xi32, #tpu.memory_space<hbm>> -> memref<128xi32, #tpu.memory_space<hbm>>
        %dma_start3A_121 = arith.constant 0 : i32
        %dma_start3A_122 = tpu.memref_slice %arg8[%run_scoped3A_47, %dma_start3A_121] : memref<3x128xi32, #tpu.memory_space<vmem>> -> memref<1x128xi32, #tpu.memory_space<vmem>>
        %dma_start3A_123 = tpu.memref_squeeze %dma_start3A_122 : memref<1x128xi32, #tpu.memory_space<vmem>> -> memref<128xi32, #tpu.memory_space<vmem>>
        %dma_start3A_124 = tpu.memref_slice %arg4[%multiple_of3A_38] : memref<323584xi32, #tpu.memory_space<hbm>> -> memref<128xi32, #tpu.memory_space<hbm>>
        tpu.enqueue_dma source(%dma_start3A_124 : memref<128xi32, #tpu.memory_space<hbm>>) target(%dma_start3A_123 : memref<128xi32, #tpu.memory_space<vmem>>) target_semaphore(%run_scoped3A_116 : memref<!tpu.dma_semaphore, #tpu.memory_space<semaphore_mem>>)
        %dma_wait3A_125 = arith.constant 0 : i32
        %dma_wait3A_126 = tpu.memref_slice %arg8[%run_scoped3A_47, %dma_wait3A_125] : memref<3x128xi32, #tpu.memory_space<vmem>> -> memref<1x128xi32, #tpu.memory_space<vmem>>
        %dma_wait3A_127 = tpu.memref_squeeze %dma_wait3A_126 : memref<1x128xi32, #tpu.memory_space<vmem>> -> memref<128xi32, #tpu.memory_space<vmem>>
        %dma_wait3A_128 = tpu.memref_slice %arg4[%multiple_of3A_38] : memref<323584xi32, #tpu.memory_space<hbm>> -> memref<128xi32, #tpu.memory_space<hbm>>
        %dma_wait3A_129 = arith.constant 0 : i32
        %dma_wait3A_130 = tpu.memref_slice %arg8[%run_scoped3A_47, %dma_wait3A_129] : memref<3x128xi32, #tpu.memory_space<vmem>> -> memref<1x128xi32, #tpu.memory_space<vmem>>
        %dma_wait3A_131 = tpu.memref_squeeze %dma_wait3A_130 : memref<1x128xi32, #tpu.memory_space<vmem>> -> memref<128xi32, #tpu.memory_space<vmem>>
        %dma_wait3A_132 = tpu.memref_slice %arg4[%multiple_of3A_38] : memref<323584xi32, #tpu.memory_space<hbm>> -> memref<128xi32, #tpu.memory_space<hbm>>
        tpu.wait_dma2 semaphore(%run_scoped3A_116 : memref<!tpu.dma_semaphore, #tpu.memory_space<semaphore_mem>>) src(%dma_wait3A_132 : memref<128xi32, #tpu.memory_space<hbm>>) dst(%dma_wait3A_131 : memref<128xi32, #tpu.memory_space<vmem>>)
        tpu.yield
      }) : () -> ()
      %scan3A = arith.constant 0 : i32
      %scan3A_48 = arith.constant 0 : i32
      %scan3A_49 = arith.constant 11 : i32
      %scan3A_50 = arith.addi %scan3A_48, %scan3A_49 : i32
      %scan3A_51 = arith.constant 1 : i32
      scf.for %scan3A_116 = %scan3A_48 to %scan3A_50 step %scan3A_51  : i32 {
        %dma_wait3A_117 = arith.constant 0 : i32
        %dma_wait3A_118 = arith.constant 0 : i32
        %dma_wait3A_119 = tpu.memref_slice %arg7[%dma_wait3A_117, %dma_wait3A_118] : memref<3x128xi32, #tpu.memory_space<vmem>> -> memref<1x128xi32, #tpu.memory_space<vmem>>
        %dma_wait3A_120 = tpu.memref_squeeze %dma_wait3A_119 : memref<1x128xi32, #tpu.memory_space<vmem>> -> memref<128xi32, #tpu.memory_space<vmem>>
        %dma_wait3A_121 = arith.constant 0 : i32
        %dma_wait3A_122 = arith.constant 0 : i32
        %dma_wait3A_123 = tpu.memref_slice %arg2[%dma_wait3A_121, %dma_wait3A_122] : memref<10000x128xf32, #tpu.memory_space<hbm>> -> memref<10000x128xf32, #tpu.memory_space<hbm>>
        tpu.wait_indirect_dma semaphore(%arg13 : memref<!tpu.dma_semaphore, #tpu.memory_space<semaphore_mem>>) src(%dma_wait3A_123 : memref<10000x128xf32, #tpu.memory_space<hbm>>) dst(%arg9 : memref<128x128xf32, #tpu.memory_space<vmem>>)
        %run_scoped3A_124 = arith.constant 0 : i32
        "tpu.region"() ({
          %run_scoped3A_198 = tpu.sem_alloc : memref<!tpu.dma_semaphore, #tpu.memory_space<semaphore_mem>>
          %dma_start3A_199 = arith.constant 0 : i32
          %dma_start3A_200 = tpu.memref_slice %arg8[%run_scoped3A_124, %dma_start3A_199] : memref<3x128xi32, #tpu.memory_space<vmem>> -> memref<1x128xi32, #tpu.memory_space<vmem>>
          %dma_start3A_201 = tpu.memref_squeeze %dma_start3A_200 : memref<1x128xi32, #tpu.memory_space<vmem>> -> memref<128xi32, #tpu.memory_space<vmem>>
          %dma_start3A_202 = arith.constant 0 : i32
          %dma_start3A_203 = arith.constant 0 : i32
          %dma_start3A_204 = tpu.memref_slice %arg12[%dma_start3A_202, %dma_start3A_203] : memref<10112x128xf32, #tpu.memory_space<vmem_shared>> -> memref<10112x128xf32, #tpu.memory_space<vmem_shared>>
          tpu.enqueue_indirect_dma source(%arg9 : memref<128x128xf32, #tpu.memory_space<vmem>>) target(%dma_start3A_204 : memref<10112x128xf32, #tpu.memory_space<vmem_shared>>) offsets(%dma_start3A_201 : memref<128xi32, #tpu.memory_space<vmem>>) semaphore(%run_scoped3A_198 : memref<!tpu.dma_semaphore, #tpu.memory_space<semaphore_mem>>) {add = true}
          %dma_wait3A_205 = arith.constant 0 : i32
          %dma_wait3A_206 = tpu.memref_slice %arg8[%run_scoped3A_124, %dma_wait3A_205] : memref<3x128xi32, #tpu.memory_space<vmem>> -> memref<1x128xi32, #tpu.memory_space<vmem>>
          %dma_wait3A_207 = tpu.memref_squeeze %dma_wait3A_206 : memref<1x128xi32, #tpu.memory_space<vmem>> -> memref<128xi32, #tpu.memory_space<vmem>>
          %dma_wait3A_208 = arith.constant 0 : i32
          %dma_wait3A_209 = arith.constant 0 : i32
          %dma_wait3A_210 = tpu.memref_slice %arg12[%dma_wait3A_208, %dma_wait3A_209] : memref<10112x128xf32, #tpu.memory_space<vmem_shared>> -> memref<10112x128xf32, #tpu.memory_space<vmem_shared>>
          tpu.wait_indirect_dma semaphore(%run_scoped3A_198 : memref<!tpu.dma_semaphore, #tpu.memory_space<semaphore_mem>>) src(%arg9 : memref<128x128xf32, #tpu.memory_space<vmem>>) dst(%dma_wait3A_210 : memref<10112x128xf32, #tpu.memory_space<vmem_shared>>)
          tpu.yield
        }) : () -> ()
        %add3A_125 = arith.constant 1 : i32
        %add3A_126 = arith.addi %scan3A_116, %add3A_125 : i32
        %mul3A_127 = arith.constant 3 : i32
        %mul3A_128 = arith.muli %add3A_126, %mul3A_127 : i32
        %add3A_129 = arith.constant 0 : i32
        %add3A_130 = arith.addi %mul3A_128, %add3A_129 : i32
        %mul3A_131 = arith.constant 128 : i32
        %mul3A_132 = arith.muli %add3A_130, %mul3A_131 : i32
        %add3A_133 = arith.addi %add3A_14, %mul3A_132 : i32
        %multiple_of3A_134 = tpu.assume_multiple %add3A_133, 128 : i32
        %run_scoped3A_135 = arith.constant 0 : i32
        "tpu.region"() ({
          %run_scoped3A_198 = tpu.sem_alloc : memref<!tpu.dma_semaphore, #tpu.memory_space<semaphore_mem>>
          %dma_start3A_199 = arith.constant 0 : i32
          %dma_start3A_200 = tpu.memref_slice %arg7[%run_scoped3A_135, %dma_start3A_199] : memref<3x128xi32, #tpu.memory_space<vmem>> -> memref<1x128xi32, #tpu.memory_space<vmem>>
          %dma_start3A_201 = tpu.memref_squeeze %dma_start3A_200 : memref<1x128xi32, #tpu.memory_space<vmem>> -> memref<128xi32, #tpu.memory_space<vmem>>
          %dma_start3A_202 = tpu.memref_slice %arg3[%multiple_of3A_134] : memref<323584xi32, #tpu.memory_space<hbm>> -> memref<128xi32, #tpu.memory_space<hbm>>
          %dma_start3A_203 = arith.constant 0 : i32
          %dma_start3A_204 = tpu.memref_slice %arg7[%run_scoped3A_135, %dma_start3A_203] : memref<3x128xi32, #tpu.memory_space<vmem>> -> memref<1x128xi32, #tpu.memory_space<vmem>>
          %dma_start3A_205 = tpu.memref_squeeze %dma_start3A_204 : memref<1x128xi32, #tpu.memory_space<vmem>> -> memref<128xi32, #tpu.memory_space<vmem>>
          %dma_start3A_206 = tpu.memref_slice %arg3[%multiple_of3A_134] : memref<323584xi32, #tpu.memory_space<hbm>> -> memref<128xi32, #tpu.memory_space<hbm>>
          tpu.enqueue_dma source(%dma_start3A_206 : memref<128xi32, #tpu.memory_space<hbm>>) target(%dma_start3A_205 : memref<128xi32, #tpu.memory_space<vmem>>) target_semaphore(%run_scoped3A_198 : memref<!tpu.dma_semaphore, #tpu.memory_space<semaphore_mem>>)
          %dma_wait3A_207 = arith.constant 0 : i32
          %dma_wait3A_208 = tpu.memref_slice %arg7[%run_scoped3A_135, %dma_wait3A_207] : memref<3x128xi32, #tpu.memory_space<vmem>> -> memref<1x128xi32, #tpu.memory_space<vmem>>
          %dma_wait3A_209 = tpu.memref_squeeze %dma_wait3A_208 : memref<1x128xi32, #tpu.memory_space<vmem>> -> memref<128xi32, #tpu.memory_space<vmem>>
          %dma_wait3A_210 = tpu.memref_slice %arg3[%multiple_of3A_134] : memref<323584xi32, #tpu.memory_space<hbm>> -> memref<128xi32, #tpu.memory_space<hbm>>
          %dma_wait3A_211 = arith.constant 0 : i32
          %dma_wait3A_212 = tpu.memref_slice %arg7[%run_scoped3A_135, %dma_wait3A_211] : memref<3x128xi32, #tpu.memory_space<vmem>> -> memref<1x128xi32, #tpu.memory_space<vmem>>
          %dma_wait3A_213 = tpu.memref_squeeze %dma_wait3A_212 : memref<1x128xi32, #tpu.memory_space<vmem>> -> memref<128xi32, #tpu.memory_space<vmem>>
          %dma_wait3A_214 = tpu.memref_slice %arg3[%multiple_of3A_134] : memref<323584xi32, #tpu.memory_space<hbm>> -> memref<128xi32, #tpu.memory_space<hbm>>
          tpu.wait_dma2 semaphore(%run_scoped3A_198 : memref<!tpu.dma_semaphore, #tpu.memory_space<semaphore_mem>>) src(%dma_wait3A_214 : memref<128xi32, #tpu.memory_space<hbm>>) dst(%dma_wait3A_213 : memref<128xi32, #tpu.memory_space<vmem>>)
          tpu.yield
        }) : () -> ()
        %dma_start3A_136 = arith.constant 0 : i32
        %dma_start3A_137 = arith.constant 0 : i32
        %dma_start3A_138 = tpu.memref_slice %arg7[%dma_start3A_136, %dma_start3A_137] : memref<3x128xi32, #tpu.memory_space<vmem>> -> memref<1x128xi32, #tpu.memory_space<vmem>>
        %dma_start3A_139 = tpu.memref_squeeze %dma_start3A_138 : memref<1x128xi32, #tpu.memory_space<vmem>> -> memref<128xi32, #tpu.memory_space<vmem>>
        %dma_start3A_140 = arith.constant 0 : i32
        %dma_start3A_141 = arith.constant 0 : i32
        %dma_start3A_142 = tpu.memref_slice %arg2[%dma_start3A_140, %dma_start3A_141] : memref<10000x128xf32, #tpu.memory_space<hbm>> -> memref<10000x128xf32, #tpu.memory_space<hbm>>
        tpu.enqueue_indirect_dma source(%dma_start3A_142 : memref<10000x128xf32, #tpu.memory_space<hbm>>) target(%arg9 : memref<128x128xf32, #tpu.memory_space<vmem>>) offsets(%dma_start3A_139 : memref<128xi32, #tpu.memory_space<vmem>>) semaphore(%arg13 : memref<!tpu.dma_semaphore, #tpu.memory_space<semaphore_mem>>)
        %run_scoped3A_143 = arith.constant 0 : i32
        "tpu.region"() ({
          %run_scoped3A_198 = tpu.sem_alloc : memref<!tpu.dma_semaphore, #tpu.memory_space<semaphore_mem>>
          %dma_start3A_199 = arith.constant 0 : i32
          %dma_start3A_200 = tpu.memref_slice %arg8[%run_scoped3A_143, %dma_start3A_199] : memref<3x128xi32, #tpu.memory_space<vmem>> -> memref<1x128xi32, #tpu.memory_space<vmem>>
          %dma_start3A_201 = tpu.memref_squeeze %dma_start3A_200 : memref<1x128xi32, #tpu.memory_space<vmem>> -> memref<128xi32, #tpu.memory_space<vmem>>
          %dma_start3A_202 = tpu.memref_slice %arg4[%multiple_of3A_134] : memref<323584xi32, #tpu.memory_space<hbm>> -> memref<128xi32, #tpu.memory_space<hbm>>
          %dma_start3A_203 = arith.constant 0 : i32
          %dma_start3A_204 = tpu.memref_slice %arg8[%run_scoped3A_143, %dma_start3A_203] : memref<3x128xi32, #tpu.memory_space<vmem>> -> memref<1x128xi32, #tpu.memory_space<vmem>>
          %dma_start3A_205 = tpu.memref_squeeze %dma_start3A_204 : memref<1x128xi32, #tpu.memory_space<vmem>> -> memref<128xi32, #tpu.memory_space<vmem>>
          %dma_start3A_206 = tpu.memref_slice %arg4[%multiple_of3A_134] : memref<323584xi32, #tpu.memory_space<hbm>> -> memref<128xi32, #tpu.memory_space<hbm>>
          tpu.enqueue_dma source(%dma_start3A_206 : memref<128xi32, #tpu.memory_space<hbm>>) target(%dma_start3A_205 : memref<128xi32, #tpu.memory_space<vmem>>) target_semaphore(%run_scoped3A_198 : memref<!tpu.dma_semaphore, #tpu.memory_space<semaphore_mem>>)
          %dma_wait3A_207 = arith.constant 0 : i32
          %dma_wait3A_208 = tpu.memref_slice %arg8[%run_scoped3A_143, %dma_wait3A_207] : memref<3x128xi32, #tpu.memory_space<vmem>> -> memref<1x128xi32, #tpu.memory_space<vmem>>
          %dma_wait3A_209 = tpu.memref_squeeze %dma_wait3A_208 : memref<1x128xi32, #tpu.memory_space<vmem>> -> memref<128xi32, #tpu.memory_space<vmem>>
          %dma_wait3A_210 = tpu.memref_slice %arg4[%multiple_of3A_134] : memref<323584xi32, #tpu.memory_space<hbm>> -> memref<128xi32, #tpu.memory_space<hbm>>
          %dma_wait3A_211 = arith.constant 0 : i32
          %dma_wait3A_212 = tpu.memref_slice %arg8[%run_scoped3A_143, %dma_wait3A_211] : memref<3x128xi32, #tpu.memory_space<vmem>> -> memref<1x128xi32, #tpu.memory_space<vmem>>
          %dma_wait3A_213 = tpu.memref_squeeze %dma_wait3A_212 : memref<1x128xi32, #tpu.memory_space<vmem>> -> memref<128xi32, #tpu.memory_space<vmem>>
          %dma_wait3A_214 = tpu.memref_slice %arg4[%multiple_of3A_134] : memref<323584xi32, #tpu.memory_space<hbm>> -> memref<128xi32, #tpu.memory_space<hbm>>
          tpu.wait_dma2 semaphore(%run_scoped3A_198 : memref<!tpu.dma_semaphore, #tpu.memory_space<semaphore_mem>>) src(%dma_wait3A_214 : memref<128xi32, #tpu.memory_space<hbm>>) dst(%dma_wait3A_213 : memref<128xi32, #tpu.memory_space<vmem>>)
          tpu.yield
        }) : () -> ()
        %dma_wait3A_144 = arith.constant 1 : i32
        %dma_wait3A_145 = arith.constant 0 : i32
        %dma_wait3A_146 = tpu.memref_slice %arg7[%dma_wait3A_144, %dma_wait3A_145] : memref<3x128xi32, #tpu.memory_space<vmem>> -> memref<1x128xi32, #tpu.memory_space<vmem>>
        %dma_wait3A_147 = tpu.memref_squeeze %dma_wait3A_146 : memref<1x128xi32, #tpu.memory_space<vmem>> -> memref<128xi32, #tpu.memory_space<vmem>>
        %dma_wait3A_148 = arith.constant 0 : i32
        %dma_wait3A_149 = arith.constant 0 : i32
        %dma_wait3A_150 = tpu.memref_slice %arg2[%dma_wait3A_148, %dma_wait3A_149] : memref<10000x128xf32, #tpu.memory_space<hbm>> -> memref<10000x128xf32, #tpu.memory_space<hbm>>
        tpu.wait_indirect_dma semaphore(%arg14 : memref<!tpu.dma_semaphore, #tpu.memory_space<semaphore_mem>>) src(%dma_wait3A_150 : memref<10000x128xf32, #tpu.memory_space<hbm>>) dst(%arg10 : memref<128x128xf32, #tpu.memory_space<vmem>>)
        %run_scoped3A_151 = arith.constant 1 : i32
        "tpu.region"() ({
          %run_scoped3A_198 = tpu.sem_alloc : memref<!tpu.dma_semaphore, #tpu.memory_space<semaphore_mem>>
          %dma_start3A_199 = arith.constant 0 : i32
          %dma_start3A_200 = tpu.memref_slice %arg8[%run_scoped3A_151, %dma_start3A_199] : memref<3x128xi32, #tpu.memory_space<vmem>> -> memref<1x128xi32, #tpu.memory_space<vmem>>
          %dma_start3A_201 = tpu.memref_squeeze %dma_start3A_200 : memref<1x128xi32, #tpu.memory_space<vmem>> -> memref<128xi32, #tpu.memory_space<vmem>>
          %dma_start3A_202 = arith.constant 0 : i32
          %dma_start3A_203 = arith.constant 0 : i32
          %dma_start3A_204 = tpu.memref_slice %arg12[%dma_start3A_202, %dma_start3A_203] : memref<10112x128xf32, #tpu.memory_space<vmem_shared>> -> memref<10112x128xf32, #tpu.memory_space<vmem_shared>>
          tpu.enqueue_indirect_dma source(%arg10 : memref<128x128xf32, #tpu.memory_space<vmem>>) target(%dma_start3A_204 : memref<10112x128xf32, #tpu.memory_space<vmem_shared>>) offsets(%dma_start3A_201 : memref<128xi32, #tpu.memory_space<vmem>>) semaphore(%run_scoped3A_198 : memref<!tpu.dma_semaphore, #tpu.memory_space<semaphore_mem>>) {add = true}
          %dma_wait3A_205 = arith.constant 0 : i32
          %dma_wait3A_206 = tpu.memref_slice %arg8[%run_scoped3A_151, %dma_wait3A_205] : memref<3x128xi32, #tpu.memory_space<vmem>> -> memref<1x128xi32, #tpu.memory_space<vmem>>
          %dma_wait3A_207 = tpu.memref_squeeze %dma_wait3A_206 : memref<1x128xi32, #tpu.memory_space<vmem>> -> memref<128xi32, #tpu.memory_space<vmem>>
          %dma_wait3A_208 = arith.constant 0 : i32
          %dma_wait3A_209 = arith.constant 0 : i32
          %dma_wait3A_210 = tpu.memref_slice %arg12[%dma_wait3A_208, %dma_wait3A_209] : memref<10112x128xf32, #tpu.memory_space<vmem_shared>> -> memref<10112x128xf32, #tpu.memory_space<vmem_shared>>
          tpu.wait_indirect_dma semaphore(%run_scoped3A_198 : memref<!tpu.dma_semaphore, #tpu.memory_space<semaphore_mem>>) src(%arg10 : memref<128x128xf32, #tpu.memory_space<vmem>>) dst(%dma_wait3A_210 : memref<10112x128xf32, #tpu.memory_space<vmem_shared>>)
          tpu.yield
        }) : () -> ()
        %add3A_152 = arith.constant 1 : i32
        %add3A_153 = arith.addi %scan3A_116, %add3A_152 : i32
        %mul3A_154 = arith.constant 3 : i32
        %mul3A_155 = arith.muli %add3A_153, %mul3A_154 : i32
        %add3A_156 = arith.constant 1 : i32
        %add3A_157 = arith.addi %mul3A_155, %add3A_156 : i32
        %mul3A_158 = arith.constant 128 : i32
        %mul3A_159 = arith.muli %add3A_157, %mul3A_158 : i32
        %add3A_160 = arith.addi %add3A_14, %mul3A_159 : i32
        %multiple_of3A_161 = tpu.assume_multiple %add3A_160, 128 : i32
        %run_scoped3A_162 = arith.constant 1 : i32
        "tpu.region"() ({
          %run_scoped3A_198 = tpu.sem_alloc : memref<!tpu.dma_semaphore, #tpu.memory_space<semaphore_mem>>
          %dma_start3A_199 = arith.constant 0 : i32
          %dma_start3A_200 = tpu.memref_slice %arg7[%run_scoped3A_162, %dma_start3A_199] : memref<3x128xi32, #tpu.memory_space<vmem>> -> memref<1x128xi32, #tpu.memory_space<vmem>>
          %dma_start3A_201 = tpu.memref_squeeze %dma_start3A_200 : memref<1x128xi32, #tpu.memory_space<vmem>> -> memref<128xi32, #tpu.memory_space<vmem>>
          %dma_start3A_202 = tpu.memref_slice %arg3[%multiple_of3A_161] : memref<323584xi32, #tpu.memory_space<hbm>> -> memref<128xi32, #tpu.memory_space<hbm>>
          %dma_start3A_203 = arith.constant 0 : i32
          %dma_start3A_204 = tpu.memref_slice %arg7[%run_scoped3A_162, %dma_start3A_203] : memref<3x128xi32, #tpu.memory_space<vmem>> -> memref<1x128xi32, #tpu.memory_space<vmem>>
          %dma_start3A_205 = tpu.memref_squeeze %dma_start3A_204 : memref<1x128xi32, #tpu.memory_space<vmem>> -> memref<128xi32, #tpu.memory_space<vmem>>
          %dma_start3A_206 = tpu.memref_slice %arg3[%multiple_of3A_161] : memref<323584xi32, #tpu.memory_space<hbm>> -> memref<128xi32, #tpu.memory_space<hbm>>
          tpu.enqueue_dma source(%dma_start3A_206 : memref<128xi32, #tpu.memory_space<hbm>>) target(%dma_start3A_205 : memref<128xi32, #tpu.memory_space<vmem>>) target_semaphore(%run_scoped3A_198 : memref<!tpu.dma_semaphore, #tpu.memory_space<semaphore_mem>>)
          %dma_wait3A_207 = arith.constant 0 : i32
          %dma_wait3A_208 = tpu.memref_slice %arg7[%run_scoped3A_162, %dma_wait3A_207] : memref<3x128xi32, #tpu.memory_space<vmem>> -> memref<1x128xi32, #tpu.memory_space<vmem>>
          %dma_wait3A_209 = tpu.memref_squeeze %dma_wait3A_208 : memref<1x128xi32, #tpu.memory_space<vmem>> -> memref<128xi32, #tpu.memory_space<vmem>>
          %dma_wait3A_210 = tpu.memref_slice %arg3[%multiple_of3A_161] : memref<323584xi32, #tpu.memory_space<hbm>> -> memref<128xi32, #tpu.memory_space<hbm>>
          %dma_wait3A_211 = arith.constant 0 : i32
          %dma_wait3A_212 = tpu.memref_slice %arg7[%run_scoped3A_162, %dma_wait3A_211] : memref<3x128xi32, #tpu.memory_space<vmem>> -> memref<1x128xi32, #tpu.memory_space<vmem>>
          %dma_wait3A_213 = tpu.memref_squeeze %dma_wait3A_212 : memref<1x128xi32, #tpu.memory_space<vmem>> -> memref<128xi32, #tpu.memory_space<vmem>>
          %dma_wait3A_214 = tpu.memref_slice %arg3[%multiple_of3A_161] : memref<323584xi32, #tpu.memory_space<hbm>> -> memref<128xi32, #tpu.memory_space<hbm>>
          tpu.wait_dma2 semaphore(%run_scoped3A_198 : memref<!tpu.dma_semaphore, #tpu.memory_space<semaphore_mem>>) src(%dma_wait3A_214 : memref<128xi32, #tpu.memory_space<hbm>>) dst(%dma_wait3A_213 : memref<128xi32, #tpu.memory_space<vmem>>)
          tpu.yield
        }) : () -> ()
        %dma_start3A_163 = arith.constant 1 : i32
        %dma_start3A_164 = arith.constant 0 : i32
        %dma_start3A_165 = tpu.memref_slice %arg7[%dma_start3A_163, %dma_start3A_164] : memref<3x128xi32, #tpu.memory_space<vmem>> -> memref<1x128xi32, #tpu.memory_space<vmem>>
        %dma_start3A_166 = tpu.memref_squeeze %dma_start3A_165 : memref<1x128xi32, #tpu.memory_space<vmem>> -> memref<128xi32, #tpu.memory_space<vmem>>
        %dma_start3A_167 = arith.constant 0 : i32
        %dma_start3A_168 = arith.constant 0 : i32
        %dma_start3A_169 = tpu.memref_slice %arg2[%dma_start3A_167, %dma_start3A_168] : memref<10000x128xf32, #tpu.memory_space<hbm>> -> memref<10000x128xf32, #tpu.memory_space<hbm>>
        tpu.enqueue_indirect_dma source(%dma_start3A_169 : memref<10000x128xf32, #tpu.memory_space<hbm>>) target(%arg10 : memref<128x128xf32, #tpu.memory_space<vmem>>) offsets(%dma_start3A_166 : memref<128xi32, #tpu.memory_space<vmem>>) semaphore(%arg14 : memref<!tpu.dma_semaphore, #tpu.memory_space<semaphore_mem>>)
        %run_scoped3A_170 = arith.constant 1 : i32
        "tpu.region"() ({
          %run_scoped3A_198 = tpu.sem_alloc : memref<!tpu.dma_semaphore, #tpu.memory_space<semaphore_mem>>
          %dma_start3A_199 = arith.constant 0 : i32
          %dma_start3A_200 = tpu.memref_slice %arg8[%run_scoped3A_170, %dma_start3A_199] : memref<3x128xi32, #tpu.memory_space<vmem>> -> memref<1x128xi32, #tpu.memory_space<vmem>>
          %dma_start3A_201 = tpu.memref_squeeze %dma_start3A_200 : memref<1x128xi32, #tpu.memory_space<vmem>> -> memref<128xi32, #tpu.memory_space<vmem>>
          %dma_start3A_202 = tpu.memref_slice %arg4[%multiple_of3A_161] : memref<323584xi32, #tpu.memory_space<hbm>> -> memref<128xi32, #tpu.memory_space<hbm>>
          %dma_start3A_203 = arith.constant 0 : i32
          %dma_start3A_204 = tpu.memref_slice %arg8[%run_scoped3A_170, %dma_start3A_203] : memref<3x128xi32, #tpu.memory_space<vmem>> -> memref<1x128xi32, #tpu.memory_space<vmem>>
          %dma_start3A_205 = tpu.memref_squeeze %dma_start3A_204 : memref<1x128xi32, #tpu.memory_space<vmem>> -> memref<128xi32, #tpu.memory_space<vmem>>
          %dma_start3A_206 = tpu.memref_slice %arg4[%multiple_of3A_161] : memref<323584xi32, #tpu.memory_space<hbm>> -> memref<128xi32, #tpu.memory_space<hbm>>
          tpu.enqueue_dma source(%dma_start3A_206 : memref<128xi32, #tpu.memory_space<hbm>>) target(%dma_start3A_205 : memref<128xi32, #tpu.memory_space<vmem>>) target_semaphore(%run_scoped3A_198 : memref<!tpu.dma_semaphore, #tpu.memory_space<semaphore_mem>>)
          %dma_wait3A_207 = arith.constant 0 : i32
          %dma_wait3A_208 = tpu.memref_slice %arg8[%run_scoped3A_170, %dma_wait3A_207] : memref<3x128xi32, #tpu.memory_space<vmem>> -> memref<1x128xi32, #tpu.memory_space<vmem>>
          %dma_wait3A_209 = tpu.memref_squeeze %dma_wait3A_208 : memref<1x128xi32, #tpu.memory_space<vmem>> -> memref<128xi32, #tpu.memory_space<vmem>>
          %dma_wait3A_210 = tpu.memref_slice %arg4[%multiple_of3A_161] : memref<323584xi32, #tpu.memory_space<hbm>> -> memref<128xi32, #tpu.memory_space<hbm>>
          %dma_wait3A_211 = arith.constant 0 : i32
          %dma_wait3A_212 = tpu.memref_slice %arg8[%run_scoped3A_170, %dma_wait3A_211] : memref<3x128xi32, #tpu.memory_space<vmem>> -> memref<1x128xi32, #tpu.memory_space<vmem>>
          %dma_wait3A_213 = tpu.memref_squeeze %dma_wait3A_212 : memref<1x128xi32, #tpu.memory_space<vmem>> -> memref<128xi32, #tpu.memory_space<vmem>>
          %dma_wait3A_214 = tpu.memref_slice %arg4[%multiple_of3A_161] : memref<323584xi32, #tpu.memory_space<hbm>> -> memref<128xi32, #tpu.memory_space<hbm>>
          tpu.wait_dma2 semaphore(%run_scoped3A_198 : memref<!tpu.dma_semaphore, #tpu.memory_space<semaphore_mem>>) src(%dma_wait3A_214 : memref<128xi32, #tpu.memory_space<hbm>>) dst(%dma_wait3A_213 : memref<128xi32, #tpu.memory_space<vmem>>)
          tpu.yield
        }) : () -> ()
        %dma_wait3A_171 = arith.constant 2 : i32
        %dma_wait3A_172 = arith.constant 0 : i32
        %dma_wait3A_173 = tpu.memref_slice %arg7[%dma_wait3A_171, %dma_wait3A_172] : memref<3x128xi32, #tpu.memory_space<vmem>> -> memref<1x128xi32, #tpu.memory_space<vmem>>
        %dma_wait3A_174 = tpu.memref_squeeze %dma_wait3A_173 : memref<1x128xi32, #tpu.memory_space<vmem>> -> memref<128xi32, #tpu.memory_space<vmem>>
        %dma_wait3A_175 = arith.constant 0 : i32
        %dma_wait3A_176 = arith.constant 0 : i32
        %dma_wait3A_177 = tpu.memref_slice %arg2[%dma_wait3A_175, %dma_wait3A_176] : memref<10000x128xf32, #tpu.memory_space<hbm>> -> memref<10000x128xf32, #tpu.memory_space<hbm>>
        tpu.wait_indirect_dma semaphore(%arg15 : memref<!tpu.dma_semaphore, #tpu.memory_space<semaphore_mem>>) src(%dma_wait3A_177 : memref<10000x128xf32, #tpu.memory_space<hbm>>) dst(%arg11 : memref<128x128xf32, #tpu.memory_space<vmem>>)
        %run_scoped3A_178 = arith.constant 2 : i32
        "tpu.region"() ({
          %run_scoped3A_198 = tpu.sem_alloc : memref<!tpu.dma_semaphore, #tpu.memory_space<semaphore_mem>>
          %dma_start3A_199 = arith.constant 0 : i32
          %dma_start3A_200 = tpu.memref_slice %arg8[%run_scoped3A_178, %dma_start3A_199] : memref<3x128xi32, #tpu.memory_space<vmem>> -> memref<1x128xi32, #tpu.memory_space<vmem>>
          %dma_start3A_201 = tpu.memref_squeeze %dma_start3A_200 : memref<1x128xi32, #tpu.memory_space<vmem>> -> memref<128xi32, #tpu.memory_space<vmem>>
          %dma_start3A_202 = arith.constant 0 : i32
          %dma_start3A_203 = arith.constant 0 : i32
          %dma_start3A_204 = tpu.memref_slice %arg12[%dma_start3A_202, %dma_start3A_203] : memref<10112x128xf32, #tpu.memory_space<vmem_shared>> -> memref<10112x128xf32, #tpu.memory_space<vmem_shared>>
          tpu.enqueue_indirect_dma source(%arg11 : memref<128x128xf32, #tpu.memory_space<vmem>>) target(%dma_start3A_204 : memref<10112x128xf32, #tpu.memory_space<vmem_shared>>) offsets(%dma_start3A_201 : memref<128xi32, #tpu.memory_space<vmem>>) semaphore(%run_scoped3A_198 : memref<!tpu.dma_semaphore, #tpu.memory_space<semaphore_mem>>) {add = true}
          %dma_wait3A_205 = arith.constant 0 : i32
          %dma_wait3A_206 = tpu.memref_slice %arg8[%run_scoped3A_178, %dma_wait3A_205] : memref<3x128xi32, #tpu.memory_space<vmem>> -> memref<1x128xi32, #tpu.memory_space<vmem>>
          %dma_wait3A_207 = tpu.memref_squeeze %dma_wait3A_206 : memref<1x128xi32, #tpu.memory_space<vmem>> -> memref<128xi32, #tpu.memory_space<vmem>>
          %dma_wait3A_208 = arith.constant 0 : i32
          %dma_wait3A_209 = arith.constant 0 : i32
          %dma_wait3A_210 = tpu.memref_slice %arg12[%dma_wait3A_208, %dma_wait3A_209] : memref<10112x128xf32, #tpu.memory_space<vmem_shared>> -> memref<10112x128xf32, #tpu.memory_space<vmem_shared>>
          tpu.wait_indirect_dma semaphore(%run_scoped3A_198 : memref<!tpu.dma_semaphore, #tpu.memory_space<semaphore_mem>>) src(%arg11 : memref<128x128xf32, #tpu.memory_space<vmem>>) dst(%dma_wait3A_210 : memref<10112x128xf32, #tpu.memory_space<vmem_shared>>)
          tpu.yield
        }) : () -> ()
        %add3A_179 = arith.constant 1 : i32
        %add3A_180 = arith.addi %scan3A_116, %add3A_179 : i32
        %mul3A_181 = arith.constant 3 : i32
        %mul3A_182 = arith.muli %add3A_180, %mul3A_181 : i32
        %add3A_183 = arith.constant 2 : i32
        %add3A_184 = arith.addi %mul3A_182, %add3A_183 : i32
        %mul3A_185 = arith.constant 128 : i32
        %mul3A_186 = arith.muli %add3A_184, %mul3A_185 : i32
        %add3A_187 = arith.addi %add3A_14, %mul3A_186 : i32
        %multiple_of3A_188 = tpu.assume_multiple %add3A_187, 128 : i32
        %run_scoped3A_189 = arith.constant 2 : i32
        "tpu.region"() ({
          %run_scoped3A_198 = tpu.sem_alloc : memref<!tpu.dma_semaphore, #tpu.memory_space<semaphore_mem>>
          %dma_start3A_199 = arith.constant 0 : i32
          %dma_start3A_200 = tpu.memref_slice %arg7[%run_scoped3A_189, %dma_start3A_199] : memref<3x128xi32, #tpu.memory_space<vmem>> -> memref<1x128xi32, #tpu.memory_space<vmem>>
          %dma_start3A_201 = tpu.memref_squeeze %dma_start3A_200 : memref<1x128xi32, #tpu.memory_space<vmem>> -> memref<128xi32, #tpu.memory_space<vmem>>
          %dma_start3A_202 = tpu.memref_slice %arg3[%multiple_of3A_188] : memref<323584xi32, #tpu.memory_space<hbm>> -> memref<128xi32, #tpu.memory_space<hbm>>
          %dma_start3A_203 = arith.constant 0 : i32
          %dma_start3A_204 = tpu.memref_slice %arg7[%run_scoped3A_189, %dma_start3A_203] : memref<3x128xi32, #tpu.memory_space<vmem>> -> memref<1x128xi32, #tpu.memory_space<vmem>>
          %dma_start3A_205 = tpu.memref_squeeze %dma_start3A_204 : memref<1x128xi32, #tpu.memory_space<vmem>> -> memref<128xi32, #tpu.memory_space<vmem>>
          %dma_start3A_206 = tpu.memref_slice %arg3[%multiple_of3A_188] : memref<323584xi32, #tpu.memory_space<hbm>> -> memref<128xi32, #tpu.memory_space<hbm>>
          tpu.enqueue_dma source(%dma_start3A_206 : memref<128xi32, #tpu.memory_space<hbm>>) target(%dma_start3A_205 : memref<128xi32, #tpu.memory_space<vmem>>) target_semaphore(%run_scoped3A_198 : memref<!tpu.dma_semaphore, #tpu.memory_space<semaphore_mem>>)
          %dma_wait3A_207 = arith.constant 0 : i32
          %dma_wait3A_208 = tpu.memref_slice %arg7[%run_scoped3A_189, %dma_wait3A_207] : memref<3x128xi32, #tpu.memory_space<vmem>> -> memref<1x128xi32, #tpu.memory_space<vmem>>
          %dma_wait3A_209 = tpu.memref_squeeze %dma_wait3A_208 : memref<1x128xi32, #tpu.memory_space<vmem>> -> memref<128xi32, #tpu.memory_space<vmem>>
          %dma_wait3A_210 = tpu.memref_slice %arg3[%multiple_of3A_188] : memref<323584xi32, #tpu.memory_space<hbm>> -> memref<128xi32, #tpu.memory_space<hbm>>
          %dma_wait3A_211 = arith.constant 0 : i32
          %dma_wait3A_212 = tpu.memref_slice %arg7[%run_scoped3A_189, %dma_wait3A_211] : memref<3x128xi32, #tpu.memory_space<vmem>> -> memref<1x128xi32, #tpu.memory_space<vmem>>
          %dma_wait3A_213 = tpu.memref_squeeze %dma_wait3A_212 : memref<1x128xi32, #tpu.memory_space<vmem>> -> memref<128xi32, #tpu.memory_space<vmem>>
          %dma_wait3A_214 = tpu.memref_slice %arg3[%multiple_of3A_188] : memref<323584xi32, #tpu.memory_space<hbm>> -> memref<128xi32, #tpu.memory_space<hbm>>
          tpu.wait_dma2 semaphore(%run_scoped3A_198 : memref<!tpu.dma_semaphore, #tpu.memory_space<semaphore_mem>>) src(%dma_wait3A_214 : memref<128xi32, #tpu.memory_space<hbm>>) dst(%dma_wait3A_213 : memref<128xi32, #tpu.memory_space<vmem>>)
          tpu.yield
        }) : () -> ()
        %dma_start3A_190 = arith.constant 2 : i32
        %dma_start3A_191 = arith.constant 0 : i32
        %dma_start3A_192 = tpu.memref_slice %arg7[%dma_start3A_190, %dma_start3A_191] : memref<3x128xi32, #tpu.memory_space<vmem>> -> memref<1x128xi32, #tpu.memory_space<vmem>>
        %dma_start3A_193 = tpu.memref_squeeze %dma_start3A_192 : memref<1x128xi32, #tpu.memory_space<vmem>> -> memref<128xi32, #tpu.memory_space<vmem>>
        %dma_start3A_194 = arith.constant 0 : i32
        %dma_start3A_195 = arith.constant 0 : i32
        %dma_start3A_196 = tpu.memref_slice %arg2[%dma_start3A_194, %dma_start3A_195] : memref<10000x128xf32, #tpu.memory_space<hbm>> -> memref<10000x128xf32, #tpu.memory_space<hbm>>
        tpu.enqueue_indirect_dma source(%dma_start3A_196 : memref<10000x128xf32, #tpu.memory_space<hbm>>) target(%arg11 : memref<128x128xf32, #tpu.memory_space<vmem>>) offsets(%dma_start3A_193 : memref<128xi32, #tpu.memory_space<vmem>>) semaphore(%arg15 : memref<!tpu.dma_semaphore, #tpu.memory_space<semaphore_mem>>)
        %run_scoped3A_197 = arith.constant 2 : i32
        "tpu.region"() ({
          %run_scoped3A_198 = tpu.sem_alloc : memref<!tpu.dma_semaphore, #tpu.memory_space<semaphore_mem>>
          %dma_start3A_199 = arith.constant 0 : i32
          %dma_start3A_200 = tpu.memref_slice %arg8[%run_scoped3A_197, %dma_start3A_199] : memref<3x128xi32, #tpu.memory_space<vmem>> -> memref<1x128xi32, #tpu.memory_space<vmem>>
          %dma_start3A_201 = tpu.memref_squeeze %dma_start3A_200 : memref<1x128xi32, #tpu.memory_space<vmem>> -> memref<128xi32, #tpu.memory_space<vmem>>
          %dma_start3A_202 = tpu.memref_slice %arg4[%multiple_of3A_188] : memref<323584xi32, #tpu.memory_space<hbm>> -> memref<128xi32, #tpu.memory_space<hbm>>
          %dma_start3A_203 = arith.constant 0 : i32
          %dma_start3A_204 = tpu.memref_slice %arg8[%run_scoped3A_197, %dma_start3A_203] : memref<3x128xi32, #tpu.memory_space<vmem>> -> memref<1x128xi32, #tpu.memory_space<vmem>>
          %dma_start3A_205 = tpu.memref_squeeze %dma_start3A_204 : memref<1x128xi32, #tpu.memory_space<vmem>> -> memref<128xi32, #tpu.memory_space<vmem>>
          %dma_start3A_206 = tpu.memref_slice %arg4[%multiple_of3A_188] : memref<323584xi32, #tpu.memory_space<hbm>> -> memref<128xi32, #tpu.memory_space<hbm>>
          tpu.enqueue_dma source(%dma_start3A_206 : memref<128xi32, #tpu.memory_space<hbm>>) target(%dma_start3A_205 : memref<128xi32, #tpu.memory_space<vmem>>) target_semaphore(%run_scoped3A_198 : memref<!tpu.dma_semaphore, #tpu.memory_space<semaphore_mem>>)
          %dma_wait3A_207 = arith.constant 0 : i32
          %dma_wait3A_208 = tpu.memref_slice %arg8[%run_scoped3A_197, %dma_wait3A_207] : memref<3x128xi32, #tpu.memory_space<vmem>> -> memref<1x128xi32, #tpu.memory_space<vmem>>
          %dma_wait3A_209 = tpu.memref_squeeze %dma_wait3A_208 : memref<1x128xi32, #tpu.memory_space<vmem>> -> memref<128xi32, #tpu.memory_space<vmem>>
          %dma_wait3A_210 = tpu.memref_slice %arg4[%multiple_of3A_188] : memref<323584xi32, #tpu.memory_space<hbm>> -> memref<128xi32, #tpu.memory_space<hbm>>
          %dma_wait3A_211 = arith.constant 0 : i32
          %dma_wait3A_212 = tpu.memref_slice %arg8[%run_scoped3A_197, %dma_wait3A_211] : memref<3x128xi32, #tpu.memory_space<vmem>> -> memref<1x128xi32, #tpu.memory_space<vmem>>
          %dma_wait3A_213 = tpu.memref_squeeze %dma_wait3A_212 : memref<1x128xi32, #tpu.memory_space<vmem>> -> memref<128xi32, #tpu.memory_space<vmem>>
          %dma_wait3A_214 = tpu.memref_slice %arg4[%multiple_of3A_188] : memref<323584xi32, #tpu.memory_space<hbm>> -> memref<128xi32, #tpu.memory_space<hbm>>
          tpu.wait_dma2 semaphore(%run_scoped3A_198 : memref<!tpu.dma_semaphore, #tpu.memory_space<semaphore_mem>>) src(%dma_wait3A_214 : memref<128xi32, #tpu.memory_space<hbm>>) dst(%dma_wait3A_213 : memref<128xi32, #tpu.memory_space<vmem>>)
          tpu.yield
        }) : () -> ()
      }
      %scan3A_52 = arith.constant 11 : i32
      %dma_wait3A = arith.constant 0 : i32
      %dma_wait3A_53 = arith.constant 0 : i32
      %dma_wait3A_54 = tpu.memref_slice %arg7[%dma_wait3A, %dma_wait3A_53] : memref<3x128xi32, #tpu.memory_space<vmem>> -> memref<1x128xi32, #tpu.memory_space<vmem>>
      %dma_wait3A_55 = tpu.memref_squeeze %dma_wait3A_54 : memref<1x128xi32, #tpu.memory_space<vmem>> -> memref<128xi32, #tpu.memory_space<vmem>>
      %dma_wait3A_56 = arith.constant 0 : i32
      %dma_wait3A_57 = arith.constant 0 : i32
      %dma_wait3A_58 = tpu.memref_slice %arg2[%dma_wait3A_56, %dma_wait3A_57] : memref<10000x128xf32, #tpu.memory_space<hbm>> -> memref<10000x128xf32, #tpu.memory_space<hbm>>
      tpu.wait_indirect_dma semaphore(%arg13 : memref<!tpu.dma_semaphore, #tpu.memory_space<semaphore_mem>>) src(%dma_wait3A_58 : memref<10000x128xf32, #tpu.memory_space<hbm>>) dst(%arg9 : memref<128x128xf32, #tpu.memory_space<vmem>>)
      %run_scoped3A_59 = arith.constant 0 : i32
      "tpu.region"() ({
        %run_scoped3A_116 = tpu.sem_alloc : memref<!tpu.dma_semaphore, #tpu.memory_space<semaphore_mem>>
        %dma_start3A_117 = arith.constant 0 : i32
        %dma_start3A_118 = tpu.memref_slice %arg8[%run_scoped3A_59, %dma_start3A_117] : memref<3x128xi32, #tpu.memory_space<vmem>> -> memref<1x128xi32, #tpu.memory_space<vmem>>
        %dma_start3A_119 = tpu.memref_squeeze %dma_start3A_118 : memref<1x128xi32, #tpu.memory_space<vmem>> -> memref<128xi32, #tpu.memory_space<vmem>>
        %dma_start3A_120 = arith.constant 0 : i32
        %dma_start3A_121 = arith.constant 0 : i32
        %dma_start3A_122 = tpu.memref_slice %arg12[%dma_start3A_120, %dma_start3A_121] : memref<10112x128xf32, #tpu.memory_space<vmem_shared>> -> memref<10112x128xf32, #tpu.memory_space<vmem_shared>>
        tpu.enqueue_indirect_dma source(%arg9 : memref<128x128xf32, #tpu.memory_space<vmem>>) target(%dma_start3A_122 : memref<10112x128xf32, #tpu.memory_space<vmem_shared>>) offsets(%dma_start3A_119 : memref<128xi32, #tpu.memory_space<vmem>>) semaphore(%run_scoped3A_116 : memref<!tpu.dma_semaphore, #tpu.memory_space<semaphore_mem>>) {add = true}
        %dma_wait3A_123 = arith.constant 0 : i32
        %dma_wait3A_124 = tpu.memref_slice %arg8[%run_scoped3A_59, %dma_wait3A_123] : memref<3x128xi32, #tpu.memory_space<vmem>> -> memref<1x128xi32, #tpu.memory_space<vmem>>
        %dma_wait3A_125 = tpu.memref_squeeze %dma_wait3A_124 : memref<1x128xi32, #tpu.memory_space<vmem>> -> memref<128xi32, #tpu.memory_space<vmem>>
        %dma_wait3A_126 = arith.constant 0 : i32
        %dma_wait3A_127 = arith.constant 0 : i32
        %dma_wait3A_128 = tpu.memref_slice %arg12[%dma_wait3A_126, %dma_wait3A_127] : memref<10112x128xf32, #tpu.memory_space<vmem_shared>> -> memref<10112x128xf32, #tpu.memory_space<vmem_shared>>
        tpu.wait_indirect_dma semaphore(%run_scoped3A_116 : memref<!tpu.dma_semaphore, #tpu.memory_space<semaphore_mem>>) src(%arg9 : memref<128x128xf32, #tpu.memory_space<vmem>>) dst(%dma_wait3A_128 : memref<10112x128xf32, #tpu.memory_space<vmem_shared>>)
        tpu.yield
      }) : () -> ()
      %dma_wait3A_60 = arith.constant 1 : i32
      %dma_wait3A_61 = arith.constant 0 : i32
      %dma_wait3A_62 = tpu.memref_slice %arg7[%dma_wait3A_60, %dma_wait3A_61] : memref<3x128xi32, #tpu.memory_space<vmem>> -> memref<1x128xi32, #tpu.memory_space<vmem>>
      %dma_wait3A_63 = tpu.memref_squeeze %dma_wait3A_62 : memref<1x128xi32, #tpu.memory_space<vmem>> -> memref<128xi32, #tpu.memory_space<vmem>>
      %dma_wait3A_64 = arith.constant 0 : i32
      %dma_wait3A_65 = arith.constant 0 : i32
      %dma_wait3A_66 = tpu.memref_slice %arg2[%dma_wait3A_64, %dma_wait3A_65] : memref<10000x128xf32, #tpu.memory_space<hbm>> -> memref<10000x128xf32, #tpu.memory_space<hbm>>
      tpu.wait_indirect_dma semaphore(%arg14 : memref<!tpu.dma_semaphore, #tpu.memory_space<semaphore_mem>>) src(%dma_wait3A_66 : memref<10000x128xf32, #tpu.memory_space<hbm>>) dst(%arg10 : memref<128x128xf32, #tpu.memory_space<vmem>>)
      %run_scoped3A_67 = arith.constant 1 : i32
      "tpu.region"() ({
        %run_scoped3A_116 = tpu.sem_alloc : memref<!tpu.dma_semaphore, #tpu.memory_space<semaphore_mem>>
        %dma_start3A_117 = arith.constant 0 : i32
        %dma_start3A_118 = tpu.memref_slice %arg8[%run_scoped3A_67, %dma_start3A_117] : memref<3x128xi32, #tpu.memory_space<vmem>> -> memref<1x128xi32, #tpu.memory_space<vmem>>
        %dma_start3A_119 = tpu.memref_squeeze %dma_start3A_118 : memref<1x128xi32, #tpu.memory_space<vmem>> -> memref<128xi32, #tpu.memory_space<vmem>>
        %dma_start3A_120 = arith.constant 0 : i32
        %dma_start3A_121 = arith.constant 0 : i32
        %dma_start3A_122 = tpu.memref_slice %arg12[%dma_start3A_120, %dma_start3A_121] : memref<10112x128xf32, #tpu.memory_space<vmem_shared>> -> memref<10112x128xf32, #tpu.memory_space<vmem_shared>>
        tpu.enqueue_indirect_dma source(%arg10 : memref<128x128xf32, #tpu.memory_space<vmem>>) target(%dma_start3A_122 : memref<10112x128xf32, #tpu.memory_space<vmem_shared>>) offsets(%dma_start3A_119 : memref<128xi32, #tpu.memory_space<vmem>>) semaphore(%run_scoped3A_116 : memref<!tpu.dma_semaphore, #tpu.memory_space<semaphore_mem>>) {add = true}
        %dma_wait3A_123 = arith.constant 0 : i32
        %dma_wait3A_124 = tpu.memref_slice %arg8[%run_scoped3A_67, %dma_wait3A_123] : memref<3x128xi32, #tpu.memory_space<vmem>> -> memref<1x128xi32, #tpu.memory_space<vmem>>
        %dma_wait3A_125 = tpu.memref_squeeze %dma_wait3A_124 : memref<1x128xi32, #tpu.memory_space<vmem>> -> memref<128xi32, #tpu.memory_space<vmem>>
        %dma_wait3A_126 = arith.constant 0 : i32
        %dma_wait3A_127 = arith.constant 0 : i32
        %dma_wait3A_128 = tpu.memref_slice %arg12[%dma_wait3A_126, %dma_wait3A_127] : memref<10112x128xf32, #tpu.memory_space<vmem_shared>> -> memref<10112x128xf32, #tpu.memory_space<vmem_shared>>
        tpu.wait_indirect_dma semaphore(%run_scoped3A_116 : memref<!tpu.dma_semaphore, #tpu.memory_space<semaphore_mem>>) src(%arg10 : memref<128x128xf32, #tpu.memory_space<vmem>>) dst(%dma_wait3A_128 : memref<10112x128xf32, #tpu.memory_space<vmem_shared>>)
        tpu.yield
      }) : () -> ()
      %dma_wait3A_68 = arith.constant 2 : i32
      %dma_wait3A_69 = arith.constant 0 : i32
      %dma_wait3A_70 = tpu.memref_slice %arg7[%dma_wait3A_68, %dma_wait3A_69] : memref<3x128xi32, #tpu.memory_space<vmem>> -> memref<1x128xi32, #tpu.memory_space<vmem>>
      %dma_wait3A_71 = tpu.memref_squeeze %dma_wait3A_70 : memref<1x128xi32, #tpu.memory_space<vmem>> -> memref<128xi32, #tpu.memory_space<vmem>>
      %dma_wait3A_72 = arith.constant 0 : i32
      %dma_wait3A_73 = arith.constant 0 : i32
      %dma_wait3A_74 = tpu.memref_slice %arg2[%dma_wait3A_72, %dma_wait3A_73] : memref<10000x128xf32, #tpu.memory_space<hbm>> -> memref<10000x128xf32, #tpu.memory_space<hbm>>
      tpu.wait_indirect_dma semaphore(%arg15 : memref<!tpu.dma_semaphore, #tpu.memory_space<semaphore_mem>>) src(%dma_wait3A_74 : memref<10000x128xf32, #tpu.memory_space<hbm>>) dst(%arg11 : memref<128x128xf32, #tpu.memory_space<vmem>>)
      %run_scoped3A_75 = arith.constant 2 : i32
      "tpu.region"() ({
        %run_scoped3A_116 = tpu.sem_alloc : memref<!tpu.dma_semaphore, #tpu.memory_space<semaphore_mem>>
        %dma_start3A_117 = arith.constant 0 : i32
        %dma_start3A_118 = tpu.memref_slice %arg8[%run_scoped3A_75, %dma_start3A_117] : memref<3x128xi32, #tpu.memory_space<vmem>> -> memref<1x128xi32, #tpu.memory_space<vmem>>
        %dma_start3A_119 = tpu.memref_squeeze %dma_start3A_118 : memref<1x128xi32, #tpu.memory_space<vmem>> -> memref<128xi32, #tpu.memory_space<vmem>>
        %dma_start3A_120 = arith.constant 0 : i32
        %dma_start3A_121 = arith.constant 0 : i32
        %dma_start3A_122 = tpu.memref_slice %arg12[%dma_start3A_120, %dma_start3A_121] : memref<10112x128xf32, #tpu.memory_space<vmem_shared>> -> memref<10112x128xf32, #tpu.memory_space<vmem_shared>>
        tpu.enqueue_indirect_dma source(%arg11 : memref<128x128xf32, #tpu.memory_space<vmem>>) target(%dma_start3A_122 : memref<10112x128xf32, #tpu.memory_space<vmem_shared>>) offsets(%dma_start3A_119 : memref<128xi32, #tpu.memory_space<vmem>>) semaphore(%run_scoped3A_116 : memref<!tpu.dma_semaphore, #tpu.memory_space<semaphore_mem>>) {add = true}
        %dma_wait3A_123 = arith.constant 0 : i32
        %dma_wait3A_124 = tpu.memref_slice %arg8[%run_scoped3A_75, %dma_wait3A_123] : memref<3x128xi32, #tpu.memory_space<vmem>> -> memref<1x128xi32, #tpu.memory_space<vmem>>
        %dma_wait3A_125 = tpu.memref_squeeze %dma_wait3A_124 : memref<1x128xi32, #tpu.memory_space<vmem>> -> memref<128xi32, #tpu.memory_space<vmem>>
        %dma_wait3A_126 = arith.constant 0 : i32
        %dma_wait3A_127 = arith.constant 0 : i32
        %dma_wait3A_128 = tpu.memref_slice %arg12[%dma_wait3A_126, %dma_wait3A_127] : memref<10112x128xf32, #tpu.memory_space<vmem_shared>> -> memref<10112x128xf32, #tpu.memory_space<vmem_shared>>
        tpu.wait_indirect_dma semaphore(%run_scoped3A_116 : memref<!tpu.dma_semaphore, #tpu.memory_space<semaphore_mem>>) src(%arg11 : memref<128x128xf32, #tpu.memory_space<vmem>>) dst(%dma_wait3A_128 : memref<10112x128xf32, #tpu.memory_space<vmem_shared>>)
        tpu.yield
      }) : () -> ()
      %add3A_76 = arith.constant 4608 : i32
      %add3A_77 = arith.addi %add3A_14, %add3A_76 : i32
      %multiple_of3A_78 = tpu.assume_multiple %add3A_77, 128 : i32
      %add3A_79 = arith.constant 4736 : i32
      %add3A_80 = arith.addi %add3A_14, %add3A_79 : i32
      %multiple_of3A_81 = tpu.assume_multiple %add3A_80, 128 : i32
      %run_scoped3A_82 = arith.constant 0 : i32
      "tpu.region"() ({
        %run_scoped3A_116 = tpu.sem_alloc : memref<!tpu.dma_semaphore, #tpu.memory_space<semaphore_mem>>
        %dma_start3A_117 = arith.constant 0 : i32
        %dma_start3A_118 = tpu.memref_slice %arg7[%run_scoped3A_82, %dma_start3A_117] : memref<3x128xi32, #tpu.memory_space<vmem>> -> memref<1x128xi32, #tpu.memory_space<vmem>>
        %dma_start3A_119 = tpu.memref_squeeze %dma_start3A_118 : memref<1x128xi32, #tpu.memory_space<vmem>> -> memref<128xi32, #tpu.memory_space<vmem>>
        %dma_start3A_120 = tpu.memref_slice %arg3[%multiple_of3A_78] : memref<323584xi32, #tpu.memory_space<hbm>> -> memref<128xi32, #tpu.memory_space<hbm>>
        %dma_start3A_121 = arith.constant 0 : i32
        %dma_start3A_122 = tpu.memref_slice %arg7[%run_scoped3A_82, %dma_start3A_121] : memref<3x128xi32, #tpu.memory_space<vmem>> -> memref<1x128xi32, #tpu.memory_space<vmem>>
        %dma_start3A_123 = tpu.memref_squeeze %dma_start3A_122 : memref<1x128xi32, #tpu.memory_space<vmem>> -> memref<128xi32, #tpu.memory_space<vmem>>
        %dma_start3A_124 = tpu.memref_slice %arg3[%multiple_of3A_78] : memref<323584xi32, #tpu.memory_space<hbm>> -> memref<128xi32, #tpu.memory_space<hbm>>
        tpu.enqueue_dma source(%dma_start3A_124 : memref<128xi32, #tpu.memory_space<hbm>>) target(%dma_start3A_123 : memref<128xi32, #tpu.memory_space<vmem>>) target_semaphore(%run_scoped3A_116 : memref<!tpu.dma_semaphore, #tpu.memory_space<semaphore_mem>>)
        %dma_wait3A_125 = arith.constant 0 : i32
        %dma_wait3A_126 = tpu.memref_slice %arg7[%run_scoped3A_82, %dma_wait3A_125] : memref<3x128xi32, #tpu.memory_space<vmem>> -> memref<1x128xi32, #tpu.memory_space<vmem>>
        %dma_wait3A_127 = tpu.memref_squeeze %dma_wait3A_126 : memref<1x128xi32, #tpu.memory_space<vmem>> -> memref<128xi32, #tpu.memory_space<vmem>>
        %dma_wait3A_128 = tpu.memref_slice %arg3[%multiple_of3A_78] : memref<323584xi32, #tpu.memory_space<hbm>> -> memref<128xi32, #tpu.memory_space<hbm>>
        %dma_wait3A_129 = arith.constant 0 : i32
        %dma_wait3A_130 = tpu.memref_slice %arg7[%run_scoped3A_82, %dma_wait3A_129] : memref<3x128xi32, #tpu.memory_space<vmem>> -> memref<1x128xi32, #tpu.memory_space<vmem>>
        %dma_wait3A_131 = tpu.memref_squeeze %dma_wait3A_130 : memref<1x128xi32, #tpu.memory_space<vmem>> -> memref<128xi32, #tpu.memory_space<vmem>>
        %dma_wait3A_132 = tpu.memref_slice %arg3[%multiple_of3A_78] : memref<323584xi32, #tpu.memory_space<hbm>> -> memref<128xi32, #tpu.memory_space<hbm>>
        tpu.wait_dma2 semaphore(%run_scoped3A_116 : memref<!tpu.dma_semaphore, #tpu.memory_space<semaphore_mem>>) src(%dma_wait3A_132 : memref<128xi32, #tpu.memory_space<hbm>>) dst(%dma_wait3A_131 : memref<128xi32, #tpu.memory_space<vmem>>)
        tpu.yield
      }) : () -> ()
      %dma_start3A_83 = arith.constant 0 : i32
      %dma_start3A_84 = arith.constant 0 : i32
      %dma_start3A_85 = tpu.memref_slice %arg7[%dma_start3A_83, %dma_start3A_84] : memref<3x128xi32, #tpu.memory_space<vmem>> -> memref<1x128xi32, #tpu.memory_space<vmem>>
      %dma_start3A_86 = tpu.memref_squeeze %dma_start3A_85 : memref<1x128xi32, #tpu.memory_space<vmem>> -> memref<128xi32, #tpu.memory_space<vmem>>
      %dma_start3A_87 = arith.constant 0 : i32
      %dma_start3A_88 = arith.constant 0 : i32
      %dma_start3A_89 = tpu.memref_slice %arg2[%dma_start3A_87, %dma_start3A_88] : memref<10000x128xf32, #tpu.memory_space<hbm>> -> memref<10000x128xf32, #tpu.memory_space<hbm>>
      tpu.enqueue_indirect_dma source(%dma_start3A_89 : memref<10000x128xf32, #tpu.memory_space<hbm>>) target(%arg9 : memref<128x128xf32, #tpu.memory_space<vmem>>) offsets(%dma_start3A_86 : memref<128xi32, #tpu.memory_space<vmem>>) semaphore(%arg13 : memref<!tpu.dma_semaphore, #tpu.memory_space<semaphore_mem>>)
      %run_scoped3A_90 = arith.constant 1 : i32
      "tpu.region"() ({
        %run_scoped3A_116 = tpu.sem_alloc : memref<!tpu.dma_semaphore, #tpu.memory_space<semaphore_mem>>
        %dma_start3A_117 = arith.constant 0 : i32
        %dma_start3A_118 = tpu.memref_slice %arg7[%run_scoped3A_90, %dma_start3A_117] : memref<3x128xi32, #tpu.memory_space<vmem>> -> memref<1x128xi32, #tpu.memory_space<vmem>>
        %dma_start3A_119 = tpu.memref_squeeze %dma_start3A_118 : memref<1x128xi32, #tpu.memory_space<vmem>> -> memref<128xi32, #tpu.memory_space<vmem>>
        %dma_start3A_120 = tpu.memref_slice %arg3[%multiple_of3A_81] : memref<323584xi32, #tpu.memory_space<hbm>> -> memref<128xi32, #tpu.memory_space<hbm>>
        %dma_start3A_121 = arith.constant 0 : i32
        %dma_start3A_122 = tpu.memref_slice %arg7[%run_scoped3A_90, %dma_start3A_121] : memref<3x128xi32, #tpu.memory_space<vmem>> -> memref<1x128xi32, #tpu.memory_space<vmem>>
        %dma_start3A_123 = tpu.memref_squeeze %dma_start3A_122 : memref<1x128xi32, #tpu.memory_space<vmem>> -> memref<128xi32, #tpu.memory_space<vmem>>
        %dma_start3A_124 = tpu.memref_slice %arg3[%multiple_of3A_81] : memref<323584xi32, #tpu.memory_space<hbm>> -> memref<128xi32, #tpu.memory_space<hbm>>
        tpu.enqueue_dma source(%dma_start3A_124 : memref<128xi32, #tpu.memory_space<hbm>>) target(%dma_start3A_123 : memref<128xi32, #tpu.memory_space<vmem>>) target_semaphore(%run_scoped3A_116 : memref<!tpu.dma_semaphore, #tpu.memory_space<semaphore_mem>>)
        %dma_wait3A_125 = arith.constant 0 : i32
        %dma_wait3A_126 = tpu.memref_slice %arg7[%run_scoped3A_90, %dma_wait3A_125] : memref<3x128xi32, #tpu.memory_space<vmem>> -> memref<1x128xi32, #tpu.memory_space<vmem>>
        %dma_wait3A_127 = tpu.memref_squeeze %dma_wait3A_126 : memref<1x128xi32, #tpu.memory_space<vmem>> -> memref<128xi32, #tpu.memory_space<vmem>>
        %dma_wait3A_128 = tpu.memref_slice %arg3[%multiple_of3A_81] : memref<323584xi32, #tpu.memory_space<hbm>> -> memref<128xi32, #tpu.memory_space<hbm>>
        %dma_wait3A_129 = arith.constant 0 : i32
        %dma_wait3A_130 = tpu.memref_slice %arg7[%run_scoped3A_90, %dma_wait3A_129] : memref<3x128xi32, #tpu.memory_space<vmem>> -> memref<1x128xi32, #tpu.memory_space<vmem>>
        %dma_wait3A_131 = tpu.memref_squeeze %dma_wait3A_130 : memref<1x128xi32, #tpu.memory_space<vmem>> -> memref<128xi32, #tpu.memory_space<vmem>>
        %dma_wait3A_132 = tpu.memref_slice %arg3[%multiple_of3A_81] : memref<323584xi32, #tpu.memory_space<hbm>> -> memref<128xi32, #tpu.memory_space<hbm>>
        tpu.wait_dma2 semaphore(%run_scoped3A_116 : memref<!tpu.dma_semaphore, #tpu.memory_space<semaphore_mem>>) src(%dma_wait3A_132 : memref<128xi32, #tpu.memory_space<hbm>>) dst(%dma_wait3A_131 : memref<128xi32, #tpu.memory_space<vmem>>)
        tpu.yield
      }) : () -> ()
      %dma_start3A_91 = arith.constant 1 : i32
      %dma_start3A_92 = arith.constant 0 : i32
      %dma_start3A_93 = tpu.memref_slice %arg7[%dma_start3A_91, %dma_start3A_92] : memref<3x128xi32, #tpu.memory_space<vmem>> -> memref<1x128xi32, #tpu.memory_space<vmem>>
      %dma_start3A_94 = tpu.memref_squeeze %dma_start3A_93 : memref<1x128xi32, #tpu.memory_space<vmem>> -> memref<128xi32, #tpu.memory_space<vmem>>
      %dma_start3A_95 = arith.constant 0 : i32
      %dma_start3A_96 = arith.constant 0 : i32
      %dma_start3A_97 = tpu.memref_slice %arg2[%dma_start3A_95, %dma_start3A_96] : memref<10000x128xf32, #tpu.memory_space<hbm>> -> memref<10000x128xf32, #tpu.memory_space<hbm>>
      tpu.enqueue_indirect_dma source(%dma_start3A_97 : memref<10000x128xf32, #tpu.memory_space<hbm>>) target(%arg10 : memref<128x128xf32, #tpu.memory_space<vmem>>) offsets(%dma_start3A_94 : memref<128xi32, #tpu.memory_space<vmem>>) semaphore(%arg14 : memref<!tpu.dma_semaphore, #tpu.memory_space<semaphore_mem>>)
      %run_scoped3A_98 = arith.constant 0 : i32
      "tpu.region"() ({
        %run_scoped3A_116 = tpu.sem_alloc : memref<!tpu.dma_semaphore, #tpu.memory_space<semaphore_mem>>
        %dma_start3A_117 = arith.constant 0 : i32
        %dma_start3A_118 = tpu.memref_slice %arg8[%run_scoped3A_98, %dma_start3A_117] : memref<3x128xi32, #tpu.memory_space<vmem>> -> memref<1x128xi32, #tpu.memory_space<vmem>>
        %dma_start3A_119 = tpu.memref_squeeze %dma_start3A_118 : memref<1x128xi32, #tpu.memory_space<vmem>> -> memref<128xi32, #tpu.memory_space<vmem>>
        %dma_start3A_120 = tpu.memref_slice %arg4[%multiple_of3A_78] : memref<323584xi32, #tpu.memory_space<hbm>> -> memref<128xi32, #tpu.memory_space<hbm>>
        %dma_start3A_121 = arith.constant 0 : i32
        %dma_start3A_122 = tpu.memref_slice %arg8[%run_scoped3A_98, %dma_start3A_121] : memref<3x128xi32, #tpu.memory_space<vmem>> -> memref<1x128xi32, #tpu.memory_space<vmem>>
        %dma_start3A_123 = tpu.memref_squeeze %dma_start3A_122 : memref<1x128xi32, #tpu.memory_space<vmem>> -> memref<128xi32, #tpu.memory_space<vmem>>
        %dma_start3A_124 = tpu.memref_slice %arg4[%multiple_of3A_78] : memref<323584xi32, #tpu.memory_space<hbm>> -> memref<128xi32, #tpu.memory_space<hbm>>
        tpu.enqueue_dma source(%dma_start3A_124 : memref<128xi32, #tpu.memory_space<hbm>>) target(%dma_start3A_123 : memref<128xi32, #tpu.memory_space<vmem>>) target_semaphore(%run_scoped3A_116 : memref<!tpu.dma_semaphore, #tpu.memory_space<semaphore_mem>>)
        %dma_wait3A_125 = arith.constant 0 : i32
        %dma_wait3A_126 = tpu.memref_slice %arg8[%run_scoped3A_98, %dma_wait3A_125] : memref<3x128xi32, #tpu.memory_space<vmem>> -> memref<1x128xi32, #tpu.memory_space<vmem>>
        %dma_wait3A_127 = tpu.memref_squeeze %dma_wait3A_126 : memref<1x128xi32, #tpu.memory_space<vmem>> -> memref<128xi32, #tpu.memory_space<vmem>>
        %dma_wait3A_128 = tpu.memref_slice %arg4[%multiple_of3A_78] : memref<323584xi32, #tpu.memory_space<hbm>> -> memref<128xi32, #tpu.memory_space<hbm>>
        %dma_wait3A_129 = arith.constant 0 : i32
        %dma_wait3A_130 = tpu.memref_slice %arg8[%run_scoped3A_98, %dma_wait3A_129] : memref<3x128xi32, #tpu.memory_space<vmem>> -> memref<1x128xi32, #tpu.memory_space<vmem>>
        %dma_wait3A_131 = tpu.memref_squeeze %dma_wait3A_130 : memref<1x128xi32, #tpu.memory_space<vmem>> -> memref<128xi32, #tpu.memory_space<vmem>>
        %dma_wait3A_132 = tpu.memref_slice %arg4[%multiple_of3A_78] : memref<323584xi32, #tpu.memory_space<hbm>> -> memref<128xi32, #tpu.memory_space<hbm>>
        tpu.wait_dma2 semaphore(%run_scoped3A_116 : memref<!tpu.dma_semaphore, #tpu.memory_space<semaphore_mem>>) src(%dma_wait3A_132 : memref<128xi32, #tpu.memory_space<hbm>>) dst(%dma_wait3A_131 : memref<128xi32, #tpu.memory_space<vmem>>)
        tpu.yield
      }) : () -> ()
      %run_scoped3A_99 = arith.constant 1 : i32
      "tpu.region"() ({
        %run_scoped3A_116 = tpu.sem_alloc : memref<!tpu.dma_semaphore, #tpu.memory_space<semaphore_mem>>
        %dma_start3A_117 = arith.constant 0 : i32
        %dma_start3A_118 = tpu.memref_slice %arg8[%run_scoped3A_99, %dma_start3A_117] : memref<3x128xi32, #tpu.memory_space<vmem>> -> memref<1x128xi32, #tpu.memory_space<vmem>>
        %dma_start3A_119 = tpu.memref_squeeze %dma_start3A_118 : memref<1x128xi32, #tpu.memory_space<vmem>> -> memref<128xi32, #tpu.memory_space<vmem>>
        %dma_start3A_120 = tpu.memref_slice %arg4[%multiple_of3A_81] : memref<323584xi32, #tpu.memory_space<hbm>> -> memref<128xi32, #tpu.memory_space<hbm>>
        %dma_start3A_121 = arith.constant 0 : i32
        %dma_start3A_122 = tpu.memref_slice %arg8[%run_scoped3A_99, %dma_start3A_121] : memref<3x128xi32, #tpu.memory_space<vmem>> -> memref<1x128xi32, #tpu.memory_space<vmem>>
        %dma_start3A_123 = tpu.memref_squeeze %dma_start3A_122 : memref<1x128xi32, #tpu.memory_space<vmem>> -> memref<128xi32, #tpu.memory_space<vmem>>
        %dma_start3A_124 = tpu.memref_slice %arg4[%multiple_of3A_81] : memref<323584xi32, #tpu.memory_space<hbm>> -> memref<128xi32, #tpu.memory_space<hbm>>
        tpu.enqueue_dma source(%dma_start3A_124 : memref<128xi32, #tpu.memory_space<hbm>>) target(%dma_start3A_123 : memref<128xi32, #tpu.memory_space<vmem>>) target_semaphore(%run_scoped3A_116 : memref<!tpu.dma_semaphore, #tpu.memory_space<semaphore_mem>>)
        %dma_wait3A_125 = arith.constant 0 : i32
        %dma_wait3A_126 = tpu.memref_slice %arg8[%run_scoped3A_99, %dma_wait3A_125] : memref<3x128xi32, #tpu.memory_space<vmem>> -> memref<1x128xi32, #tpu.memory_space<vmem>>
        %dma_wait3A_127 = tpu.memref_squeeze %dma_wait3A_126 : memref<1x128xi32, #tpu.memory_space<vmem>> -> memref<128xi32, #tpu.memory_space<vmem>>
        %dma_wait3A_128 = tpu.memref_slice %arg4[%multiple_of3A_81] : memref<323584xi32, #tpu.memory_space<hbm>> -> memref<128xi32, #tpu.memory_space<hbm>>
        %dma_wait3A_129 = arith.constant 0 : i32
        %dma_wait3A_130 = tpu.memref_slice %arg8[%run_scoped3A_99, %dma_wait3A_129] : memref<3x128xi32, #tpu.memory_space<vmem>> -> memref<1x128xi32, #tpu.memory_space<vmem>>
        %dma_wait3A_131 = tpu.memref_squeeze %dma_wait3A_130 : memref<1x128xi32, #tpu.memory_space<vmem>> -> memref<128xi32, #tpu.memory_space<vmem>>
        %dma_wait3A_132 = tpu.memref_slice %arg4[%multiple_of3A_81] : memref<323584xi32, #tpu.memory_space<hbm>> -> memref<128xi32, #tpu.memory_space<hbm>>
        tpu.wait_dma2 semaphore(%run_scoped3A_116 : memref<!tpu.dma_semaphore, #tpu.memory_space<semaphore_mem>>) src(%dma_wait3A_132 : memref<128xi32, #tpu.memory_space<hbm>>) dst(%dma_wait3A_131 : memref<128xi32, #tpu.memory_space<vmem>>)
        tpu.yield
      }) : () -> ()
      %dma_wait3A_100 = arith.constant 0 : i32
      %dma_wait3A_101 = arith.constant 0 : i32
      %dma_wait3A_102 = tpu.memref_slice %arg7[%dma_wait3A_100, %dma_wait3A_101] : memref<3x128xi32, #tpu.memory_space<vmem>> -> memref<1x128xi32, #tpu.memory_space<vmem>>
      %dma_wait3A_103 = tpu.memref_squeeze %dma_wait3A_102 : memref<1x128xi32, #tpu.memory_space<vmem>> -> memref<128xi32, #tpu.memory_space<vmem>>
      %dma_wait3A_104 = arith.constant 0 : i32
      %dma_wait3A_105 = arith.constant 0 : i32
      %dma_wait3A_106 = tpu.memref_slice %arg2[%dma_wait3A_104, %dma_wait3A_105] : memref<10000x128xf32, #tpu.memory_space<hbm>> -> memref<10000x128xf32, #tpu.memory_space<hbm>>
      tpu.wait_indirect_dma semaphore(%arg13 : memref<!tpu.dma_semaphore, #tpu.memory_space<semaphore_mem>>) src(%dma_wait3A_106 : memref<10000x128xf32, #tpu.memory_space<hbm>>) dst(%arg9 : memref<128x128xf32, #tpu.memory_space<vmem>>)
      %run_scoped3A_107 = arith.constant 0 : i32
      "tpu.region"() ({
        %run_scoped3A_116 = tpu.sem_alloc : memref<!tpu.dma_semaphore, #tpu.memory_space<semaphore_mem>>
        %dma_start3A_117 = arith.constant 0 : i32
        %dma_start3A_118 = tpu.memref_slice %arg8[%run_scoped3A_107, %dma_start3A_117] : memref<3x128xi32, #tpu.memory_space<vmem>> -> memref<1x128xi32, #tpu.memory_space<vmem>>
        %dma_start3A_119 = tpu.memref_squeeze %dma_start3A_118 : memref<1x128xi32, #tpu.memory_space<vmem>> -> memref<128xi32, #tpu.memory_space<vmem>>
        %dma_start3A_120 = arith.constant 0 : i32
        %dma_start3A_121 = arith.constant 0 : i32
        %dma_start3A_122 = tpu.memref_slice %arg12[%dma_start3A_120, %dma_start3A_121] : memref<10112x128xf32, #tpu.memory_space<vmem_shared>> -> memref<10112x128xf32, #tpu.memory_space<vmem_shared>>
        tpu.enqueue_indirect_dma source(%arg9 : memref<128x128xf32, #tpu.memory_space<vmem>>) target(%dma_start3A_122 : memref<10112x128xf32, #tpu.memory_space<vmem_shared>>) offsets(%dma_start3A_119 : memref<128xi32, #tpu.memory_space<vmem>>) semaphore(%run_scoped3A_116 : memref<!tpu.dma_semaphore, #tpu.memory_space<semaphore_mem>>) {add = true}
        %dma_wait3A_123 = arith.constant 0 : i32
        %dma_wait3A_124 = tpu.memref_slice %arg8[%run_scoped3A_107, %dma_wait3A_123] : memref<3x128xi32, #tpu.memory_space<vmem>> -> memref<1x128xi32, #tpu.memory_space<vmem>>
        %dma_wait3A_125 = tpu.memref_squeeze %dma_wait3A_124 : memref<1x128xi32, #tpu.memory_space<vmem>> -> memref<128xi32, #tpu.memory_space<vmem>>
        %dma_wait3A_126 = arith.constant 0 : i32
        %dma_wait3A_127 = arith.constant 0 : i32
        %dma_wait3A_128 = tpu.memref_slice %arg12[%dma_wait3A_126, %dma_wait3A_127] : memref<10112x128xf32, #tpu.memory_space<vmem_shared>> -> memref<10112x128xf32, #tpu.memory_space<vmem_shared>>
        tpu.wait_indirect_dma semaphore(%run_scoped3A_116 : memref<!tpu.dma_semaphore, #tpu.memory_space<semaphore_mem>>) src(%arg9 : memref<128x128xf32, #tpu.memory_space<vmem>>) dst(%dma_wait3A_128 : memref<10112x128xf32, #tpu.memory_space<vmem_shared>>)
        tpu.yield
      }) : () -> ()
      %dma_wait3A_108 = arith.constant 1 : i32
      %dma_wait3A_109 = arith.constant 0 : i32
      %dma_wait3A_110 = tpu.memref_slice %arg7[%dma_wait3A_108, %dma_wait3A_109] : memref<3x128xi32, #tpu.memory_space<vmem>> -> memref<1x128xi32, #tpu.memory_space<vmem>>
      %dma_wait3A_111 = tpu.memref_squeeze %dma_wait3A_110 : memref<1x128xi32, #tpu.memory_space<vmem>> -> memref<128xi32, #tpu.memory_space<vmem>>
      %dma_wait3A_112 = arith.constant 0 : i32
      %dma_wait3A_113 = arith.constant 0 : i32
      %dma_wait3A_114 = tpu.memref_slice %arg2[%dma_wait3A_112, %dma_wait3A_113] : memref<10000x128xf32, #tpu.memory_space<hbm>> -> memref<10000x128xf32, #tpu.memory_space<hbm>>
      tpu.wait_indirect_dma semaphore(%arg14 : memref<!tpu.dma_semaphore, #tpu.memory_space<semaphore_mem>>) src(%dma_wait3A_114 : memref<10000x128xf32, #tpu.memory_space<hbm>>) dst(%arg10 : memref<128x128xf32, #tpu.memory_space<vmem>>)
      %run_scoped3A_115 = arith.constant 1 : i32
      "tpu.region"() ({
        %run_scoped3A_116 = tpu.sem_alloc : memref<!tpu.dma_semaphore, #tpu.memory_space<semaphore_mem>>
        %dma_start3A_117 = arith.constant 0 : i32
        %dma_start3A_118 = tpu.memref_slice %arg8[%run_scoped3A_115, %dma_start3A_117] : memref<3x128xi32, #tpu.memory_space<vmem>> -> memref<1x128xi32, #tpu.memory_space<vmem>>
        %dma_start3A_119 = tpu.memref_squeeze %dma_start3A_118 : memref<1x128xi32, #tpu.memory_space<vmem>> -> memref<128xi32, #tpu.memory_space<vmem>>
        %dma_start3A_120 = arith.constant 0 : i32
        %dma_start3A_121 = arith.constant 0 : i32
        %dma_start3A_122 = tpu.memref_slice %arg12[%dma_start3A_120, %dma_start3A_121] : memref<10112x128xf32, #tpu.memory_space<vmem_shared>> -> memref<10112x128xf32, #tpu.memory_space<vmem_shared>>
        tpu.enqueue_indirect_dma source(%arg10 : memref<128x128xf32, #tpu.memory_space<vmem>>) target(%dma_start3A_122 : memref<10112x128xf32, #tpu.memory_space<vmem_shared>>) offsets(%dma_start3A_119 : memref<128xi32, #tpu.memory_space<vmem>>) semaphore(%run_scoped3A_116 : memref<!tpu.dma_semaphore, #tpu.memory_space<semaphore_mem>>) {add = true}
        %dma_wait3A_123 = arith.constant 0 : i32
        %dma_wait3A_124 = tpu.memref_slice %arg8[%run_scoped3A_115, %dma_wait3A_123] : memref<3x128xi32, #tpu.memory_space<vmem>> -> memref<1x128xi32, #tpu.memory_space<vmem>>
        %dma_wait3A_125 = tpu.memref_squeeze %dma_wait3A_124 : memref<1x128xi32, #tpu.memory_space<vmem>> -> memref<128xi32, #tpu.memory_space<vmem>>
        %dma_wait3A_126 = arith.constant 0 : i32
        %dma_wait3A_127 = arith.constant 0 : i32
        %dma_wait3A_128 = tpu.memref_slice %arg12[%dma_wait3A_126, %dma_wait3A_127] : memref<10112x128xf32, #tpu.memory_space<vmem_shared>> -> memref<10112x128xf32, #tpu.memory_space<vmem_shared>>
        tpu.wait_indirect_dma semaphore(%run_scoped3A_116 : memref<!tpu.dma_semaphore, #tpu.memory_space<semaphore_mem>>) src(%arg10 : memref<128x128xf32, #tpu.memory_space<vmem>>) dst(%dma_wait3A_128 : memref<10112x128xf32, #tpu.memory_space<vmem_shared>>)
        tpu.yield
      }) : () -> ()
    } else {
    }
    %barrier3A_10 = arith.constant 0 : index
    tpu.barrier barrier_id(%barrier3A_10)
    "tpu.region"() ({
      %run_scoped3A = tpu.sem_alloc : memref<!tpu.dma_semaphore, #tpu.memory_space<semaphore_mem>>
      %dma_start3A = arith.constant 0 : i32
      %dma_start3A_11 = tpu.memref_slice %arg6[%arg0, %mul3A_2, %dma_start3A] : memref<2x10112x128xf32, #tpu.memory_space<hbm>> -> memref<1x632x128xf32, #tpu.memory_space<hbm>>
      %dma_start3A_12 = tpu.memref_squeeze %dma_start3A_11 : memref<1x632x128xf32, #tpu.memory_space<hbm>> -> memref<632x128xf32, #tpu.memory_space<hbm>>
      %dma_start3A_13 = arith.constant 0 : i32
      %dma_start3A_14 = tpu.memref_slice %arg12[%mul3A_2, %dma_start3A_13] : memref<10112x128xf32, #tpu.memory_space<vmem_shared>> -> memref<632x128xf32, #tpu.memory_space<vmem_shared>>
      tpu.enqueue_dma source(%dma_start3A_14 : memref<632x128xf32, #tpu.memory_space<vmem_shared>>) target(%dma_start3A_12 : memref<632x128xf32, #tpu.memory_space<hbm>>) target_semaphore(%run_scoped3A : memref<!tpu.dma_semaphore, #tpu.memory_space<semaphore_mem>>)
      %dma_wait3A = arith.constant 0 : i32
      %dma_wait3A_15 = tpu.memref_slice %arg6[%arg0, %mul3A_2, %dma_wait3A] : memref<2x10112x128xf32, #tpu.memory_space<hbm>> -> memref<1x632x128xf32, #tpu.memory_space<hbm>>
      %dma_wait3A_16 = tpu.memref_squeeze %dma_wait3A_15 : memref<1x632x128xf32, #tpu.memory_space<hbm>> -> memref<632x128xf32, #tpu.memory_space<hbm>>
      %dma_wait3A_17 = arith.constant 0 : i32
      %dma_wait3A_18 = tpu.memref_slice %arg12[%mul3A_2, %dma_wait3A_17] : memref<10112x128xf32, #tpu.memory_space<vmem_shared>> -> memref<632x128xf32, #tpu.memory_space<vmem_shared>>
      tpu.wait_dma2 semaphore(%run_scoped3A : memref<!tpu.dma_semaphore, #tpu.memory_space<semaphore_mem>>) src(%dma_wait3A_18 : memref<632x128xf32, #tpu.memory_space<vmem_shared>>) dst(%dma_wait3A_16 : memref<632x128xf32, #tpu.memory_space<hbm>>)
      tpu.yield
    }) : () -> ()
    return
  }
}

module attributes {stable_mosaic.version = 14 : i64} {
  func.func @_tc_dis_body(%arg0: memref<32x10240xf32, #tpu.memory_space<vmem>>, %arg1: memref<1x10240xf32, #tpu.memory_space<vmem>>) attributes {dimension_semantics = [], scalar_prefetch = 0 : i64, scratch_operands = 0 : i64, tpu.core_type = #tpu.core_type<tc>} {
    %get3A = arith.constant 0 : index
    %get3A_0 = arith.constant 0 : index
    %get3A_1 = vector.load %arg0[%get3A, %get3A_0] : memref<32x10240xf32, #tpu.memory_space<vmem>>, vector<32x10240xf32>
    %reduce_sum3A = arith.constant dense<0.000000e+00> : vector<10240xf32>
    %reduce_sum3A_2 = vector.multi_reduction <add>, %get3A_1, %reduce_sum3A [0] : vector<32x10240xf32> to vector<10240xf32>
    %broadcast_in_dim3A = vector.shape_cast %reduce_sum3A_2 : vector<10240xf32> to vector<1x10240xf32>
    %gt3A = arith.constant 0.000000e+00 : f32
    %gt3A_3 = vector.broadcast %gt3A : f32 to vector<1x10240xf32>
    %gt3A_4 = arith.cmpf ogt, %broadcast_in_dim3A, %gt3A_3 : vector<1x10240xf32>
    %max3A = arith.constant 9.99999996E-13 : f32
    %max3A_5 = vector.broadcast %max3A : f32 to vector<1x10240xf32>
    %max3A_6 = arith.maximumf %broadcast_in_dim3A, %max3A_5 : vector<1x10240xf32>
    %rsqrt3A = math.rsqrt %max3A_6 : vector<1x10240xf32>
    %jit3A = arith.constant 0.000000e+00 : f32
    %broadcast_in_dim3A_7 = vector.broadcast %jit3A : f32 to vector<1x10240xf32>
    %select_n3A = arith.select %gt3A_4, %rsqrt3A, %broadcast_in_dim3A_7 : vector<1x10240xi1>, vector<1x10240xf32>
    %swap3A = arith.constant 0 : index
    %swap3A_8 = arith.constant 0 : index
    %swap3A_9 = vector.load %arg1[%swap3A, %swap3A_8] : memref<1x10240xf32, #tpu.memory_space<vmem>>, vector<1x10240xf32>
    tpu.vector_store %arg1[%swap3A, %swap3A_8], %select_n3A {strides = array<i32>} : memref<1x10240xf32, #tpu.memory_space<vmem>>, vector<1x10240xf32>,
    return
  }
}

module attributes {stable_mosaic.version = 14 : i64} {
  func.func @_tc_l1_body(%arg0: i32, %arg1: memref<1000x128xf32, #tpu.memory_space<vmem>>, %arg2: memref<1000x1xf32, #tpu.memory_space<vmem>>, %arg3: memref<128x128xf32, #tpu.memory_space<vmem>>, %arg4: memref<128x128xf32, #tpu.memory_space<vmem>>, %arg5: memref<1x128xf32, #tpu.memory_space<vmem>>, %arg6: memref<1000x128xf32, #tpu.memory_space<vmem>>, %arg7: memref<1000x128xf32, #tpu.memory_space<vmem>>) attributes {dimension_semantics = [#tpu.dimension_semantics<arbitrary>], iteration_bounds = array<i64: 10>, scalar_prefetch = 0 : i64, scratch_operands = 0 : i64, tpu.core_type = #tpu.core_type<tc>, window_params = [{transform_indices = @transform_0, window_bounds = array<i64: 1000, 128>}, {transform_indices = @transform_1, window_bounds = array<i64: 1000, 1>}, {pipeline_mode = #tpu.pipeline_mode<synchronous>, transform_indices = @transform_2, window_bounds = array<i64: 128, 128>}, {pipeline_mode = #tpu.pipeline_mode<synchronous>, transform_indices = @transform_3, window_bounds = array<i64: 128, 128>}, {pipeline_mode = #tpu.pipeline_mode<synchronous>, transform_indices = @transform_4, window_bounds = array<i64: 1, 128>}, {transform_indices = @transform_5, window_bounds = array<i64: 1000, 128>}, {transform_indices = @transform_6, window_bounds = array<i64: 1000, 128>}]} {
    %get3A = arith.constant 0 : index
    %get3A_0 = arith.constant 0 : index
    %get3A_1 = vector.load %arg1[%get3A, %get3A_0] : memref<1000x128xf32, #tpu.memory_space<vmem>>, vector<1000x128xf32>
    %get3A_2 = arith.constant 0 : index
    %get3A_3 = arith.constant 0 : index
    %get3A_4 = vector.load %arg2[%get3A_2, %get3A_3] : memref<1000x1xf32, #tpu.memory_space<vmem>>, vector<1000x1xf32>
    %get3A_5 = arith.constant 0 : index
    %get3A_6 = arith.constant 0 : index
    %get3A_7 = vector.load %arg3[%get3A_5, %get3A_6] : memref<128x128xf32, #tpu.memory_space<vmem>>, vector<128x128xf32>
    %dot_general3A = arith.constant dense<0.000000e+00> : vector<1000x128xf32>
    %dot_general3A_8 = tpu.matmul %get3A_1, %get3A_7, %dot_general3A {dimension_numbers = #tpu.dot_dimension_numbers<[1], [0], [0], [1], [0, 0, 1, 1], [], []>, transpose_lhs_hint = false} : vector<1000x128xf32>, vector<128x128xf32>, vector<1000x128xf32> -> vector<1000x128xf32>
    %mul3A = vector.broadcast %get3A_4 : vector<1000x1xf32> to vector<1000x128xf32>
    %mul3A_9 = arith.mulf %dot_general3A_8, %mul3A : vector<1000x128xf32>
    %swap3A = arith.constant 0 : index
    %swap3A_10 = arith.constant 0 : index
    %swap3A_11 = vector.load %arg6[%swap3A, %swap3A_10] : memref<1000x128xf32, #tpu.memory_space<vmem>>, vector<1000x128xf32>
    tpu.vector_store %arg6[%swap3A, %swap3A_10], %mul3A_9 {strides = array<i32>} : memref<1000x128xf32, #tpu.memory_space<vmem>>, vector<1000x128xf32>,
    %get3A_12 = arith.constant 0 : index
    %get3A_13 = arith.constant 0 : index
    %get3A_14 = vector.load %arg4[%get3A_12, %get3A_13] : memref<128x128xf32, #tpu.memory_space<vmem>>, vector<128x128xf32>
    %dot_general3A_15 = arith.constant dense<0.000000e+00> : vector<1000x128xf32>
    %dot_general3A_16 = tpu.matmul %get3A_1, %get3A_14, %dot_general3A_15 {dimension_numbers = #tpu.dot_dimension_numbers<[1], [0], [0], [1], [0, 0, 1, 1], [], []>, transpose_lhs_hint = false} : vector<1000x128xf32>, vector<128x128xf32>, vector<1000x128xf32> -> vector<1000x128xf32>
    %get3A_17 = arith.constant 0 : index
    %get3A_18 = arith.constant 0 : index
    %get3A_19 = vector.load %arg5[%get3A_17, %get3A_18] : memref<1x128xf32, #tpu.memory_space<vmem>>, vector<1x128xf32>
    %add3A = vector.broadcast %get3A_19 : vector<1x128xf32> to vector<1000x128xf32>
    %add3A_20 = arith.addf %dot_general3A_16, %add3A : vector<1000x128xf32>
    %swap3A_21 = arith.constant 0 : index
    %swap3A_22 = arith.constant 0 : index
    %swap3A_23 = vector.load %arg7[%swap3A_21, %swap3A_22] : memref<1000x128xf32, #tpu.memory_space<vmem>>, vector<1000x128xf32>
    tpu.vector_store %arg7[%swap3A_21, %swap3A_22], %add3A_20 {strides = array<i32>} : memref<1000x128xf32, #tpu.memory_space<vmem>>, vector<1000x128xf32>,
    return
  }
  func.func @transform_0(%arg0: i32) -> (i32, i32) {
    %c0_i32 = arith.constant 0 : i32
    %c0_i32_0 = arith.constant 0 : i32
    return %arg0, %c0_i32 : i32, i32
  }
  func.func @transform_1(%arg0: i32) -> (i32, i32) {
    %c0_i32 = arith.constant 0 : i32
    %c0_i32_0 = arith.constant 0 : i32
    return %arg0, %c0_i32 : i32, i32
  }
  func.func @transform_2(%arg0: i32) -> (i32, i32) {
    %c0_i32 = arith.constant 0 : i32
    %c0_i32_0 = arith.constant 0 : i32
    %c0_i32_1 = arith.constant 0 : i32
    return %c0_i32, %c0_i32_0 : i32, i32
  }
  func.func @transform_3(%arg0: i32) -> (i32, i32) {
    %c0_i32 = arith.constant 0 : i32
    %c0_i32_0 = arith.constant 0 : i32
    %c0_i32_1 = arith.constant 0 : i32
    return %c0_i32, %c0_i32_0 : i32, i32
  }
  func.func @transform_4(%arg0: i32) -> (i32, i32) {
    %c0_i32 = arith.constant 0 : i32
    %c0_i32_0 = arith.constant 0 : i32
    %c0_i32_1 = arith.constant 0 : i32
    return %c0_i32, %c0_i32_0 : i32, i32
  }
  func.func @transform_5(%arg0: i32) -> (i32, i32) {
    %c0_i32 = arith.constant 0 : i32
    %c0_i32_0 = arith.constant 0 : i32
    return %arg0, %c0_i32 : i32, i32
  }
  func.func @transform_6(%arg0: i32) -> (i32, i32) {
    %c0_i32 = arith.constant 0 : i32
    %c0_i32_0 = arith.constant 0 : i32
    return %arg0, %c0_i32 : i32, i32
  }
}

module attributes {stable_mosaic.version = 14 : i64} {
  func.func @_tc_mid_body(%arg0: i32, %arg1: memref<2x1000x128xf32, #tpu.memory_space<vmem>>, %arg2: memref<1000x128xf32, #tpu.memory_space<vmem>>, %arg3: memref<1000x1xf32, #tpu.memory_space<vmem>>, %arg4: memref<128x128xf32, #tpu.memory_space<vmem>>, %arg5: memref<128x128xf32, #tpu.memory_space<vmem>>, %arg6: memref<1x128xf32, #tpu.memory_space<vmem>>, %arg7: memref<1000x128xf32, #tpu.memory_space<vmem>>, %arg8: memref<1000x128xf32, #tpu.memory_space<vmem>>) attributes {dimension_semantics = [#tpu.dimension_semantics<arbitrary>], iteration_bounds = array<i64: 10>, scalar_prefetch = 0 : i64, scratch_operands = 0 : i64, tpu.core_type = #tpu.core_type<tc>, window_params = [{transform_indices = @transform_0, window_bounds = array<i64: 2, 1000, 128>}, {transform_indices = @transform_1, window_bounds = array<i64: 1000, 128>}, {transform_indices = @transform_2, window_bounds = array<i64: 1000, 1>}, {pipeline_mode = #tpu.pipeline_mode<synchronous>, transform_indices = @transform_3, window_bounds = array<i64: 128, 128>}, {pipeline_mode = #tpu.pipeline_mode<synchronous>, transform_indices = @transform_4, window_bounds = array<i64: 128, 128>}, {pipeline_mode = #tpu.pipeline_mode<synchronous>, transform_indices = @transform_5, window_bounds = array<i64: 1, 128>}, {transform_indices = @transform_6, window_bounds = array<i64: 1000, 128>}, {transform_indices = @transform_7, window_bounds = array<i64: 1000, 128>}]} {
    %get3A = arith.constant 0 : index
    %get3A_0 = arith.constant 0 : index
    %get3A_1 = vector.load %arg3[%get3A, %get3A_0] : memref<1000x1xf32, #tpu.memory_space<vmem>>, vector<1000x1xf32>
    %get3A_2 = arith.constant 0 : index
    %get3A_3 = arith.constant 0 : index
    %get3A_4 = arith.constant 0 : index
    %get3A_5 = vector.load %arg1[%get3A_2, %get3A_3, %get3A_4] : memref<2x1000x128xf32, #tpu.memory_space<vmem>>, vector<1x1000x128xf32>
    %get3A_6 = vector.shape_cast %get3A_5 : vector<1x1000x128xf32> to vector<1000x128xf32>
    %get3A_7 = arith.constant 1 : index
    %get3A_8 = arith.constant 0 : index
    %get3A_9 = arith.constant 0 : index
    %get3A_10 = vector.load %arg1[%get3A_7, %get3A_8, %get3A_9] : memref<2x1000x128xf32, #tpu.memory_space<vmem>>, vector<1x1000x128xf32>
    %get3A_11 = vector.shape_cast %get3A_10 : vector<1x1000x128xf32> to vector<1000x128xf32>
    %add3A = arith.addf %get3A_6, %get3A_11 : vector<1000x128xf32>
    %mul3A = vector.broadcast %get3A_1 : vector<1000x1xf32> to vector<1000x128xf32>
    %mul3A_12 = arith.mulf %mul3A, %add3A : vector<1000x128xf32>
    %get3A_13 = arith.constant 0 : index
    %get3A_14 = arith.constant 0 : index
    %get3A_15 = vector.load %arg2[%get3A_13, %get3A_14] : memref<1000x128xf32, #tpu.memory_space<vmem>>, vector<1000x128xf32>
    %add3A_16 = arith.addf %mul3A_12, %get3A_15 : vector<1000x128xf32>
    %max3A = arith.constant 0.000000e+00 : f32
    %max3A_17 = vector.broadcast %max3A : f32 to vector<1000x128xf32>
    %max3A_18 = arith.maximumf %add3A_16, %max3A_17 : vector<1000x128xf32>
    %get3A_19 = arith.constant 0 : index
    %get3A_20 = arith.constant 0 : index
    %get3A_21 = vector.load %arg4[%get3A_19, %get3A_20] : memref<128x128xf32, #tpu.memory_space<vmem>>, vector<128x128xf32>
    %dot_general3A = arith.constant dense<0.000000e+00> : vector<1000x128xf32>
    %dot_general3A_22 = tpu.matmul %max3A_18, %get3A_21, %dot_general3A {dimension_numbers = #tpu.dot_dimension_numbers<[1], [0], [0], [1], [0, 0, 1, 1], [], []>, transpose_lhs_hint = false} : vector<1000x128xf32>, vector<128x128xf32>, vector<1000x128xf32> -> vector<1000x128xf32>
    %mul3A_23 = vector.broadcast %get3A_1 : vector<1000x1xf32> to vector<1000x128xf32>
    %mul3A_24 = arith.mulf %dot_general3A_22, %mul3A_23 : vector<1000x128xf32>
    %swap3A = arith.constant 0 : index
    %swap3A_25 = arith.constant 0 : index
    %swap3A_26 = vector.load %arg7[%swap3A, %swap3A_25] : memref<1000x128xf32, #tpu.memory_space<vmem>>, vector<1000x128xf32>
    tpu.vector_store %arg7[%swap3A, %swap3A_25], %mul3A_24 {strides = array<i32>} : memref<1000x128xf32, #tpu.memory_space<vmem>>, vector<1000x128xf32>,
    %get3A_27 = arith.constant 0 : index
    %get3A_28 = arith.constant 0 : index
    %get3A_29 = vector.load %arg5[%get3A_27, %get3A_28] : memref<128x128xf32, #tpu.memory_space<vmem>>, vector<128x128xf32>
    %dot_general3A_30 = arith.constant dense<0.000000e+00> : vector<1000x128xf32>
    %dot_general3A_31 = tpu.matmul %max3A_18, %get3A_29, %dot_general3A_30 {dimension_numbers = #tpu.dot_dimension_numbers<[1], [0], [0], [1], [0, 0, 1, 1], [], []>, transpose_lhs_hint = false} : vector<1000x128xf32>, vector<128x128xf32>, vector<1000x128xf32> -> vector<1000x128xf32>
    %get3A_32 = arith.constant 0 : index
    %get3A_33 = arith.constant 0 : index
    %get3A_34 = vector.load %arg6[%get3A_32, %get3A_33] : memref<1x128xf32, #tpu.memory_space<vmem>>, vector<1x128xf32>
    %add3A_35 = vector.broadcast %get3A_34 : vector<1x128xf32> to vector<1000x128xf32>
    %add3A_36 = arith.addf %dot_general3A_31, %add3A_35 : vector<1000x128xf32>
    %swap3A_37 = arith.constant 0 : index
    %swap3A_38 = arith.constant 0 : index
    %swap3A_39 = vector.load %arg8[%swap3A_37, %swap3A_38] : memref<1000x128xf32, #tpu.memory_space<vmem>>, vector<1000x128xf32>
    tpu.vector_store %arg8[%swap3A_37, %swap3A_38], %add3A_36 {strides = array<i32>} : memref<1000x128xf32, #tpu.memory_space<vmem>>, vector<1000x128xf32>,
    return
  }
  func.func @transform_0(%arg0: i32) -> (i32, i32, i32) {
    %c0_i32 = arith.constant 0 : i32
    %c0_i32_0 = arith.constant 0 : i32
    %c0_i32_1 = arith.constant 0 : i32
    return %c0_i32, %arg0, %c0_i32_0 : i32, i32, i32
  }
  func.func @transform_1(%arg0: i32) -> (i32, i32) {
    %c0_i32 = arith.constant 0 : i32
    %c0_i32_0 = arith.constant 0 : i32
    return %arg0, %c0_i32 : i32, i32
  }
  func.func @transform_2(%arg0: i32) -> (i32, i32) {
    %c0_i32 = arith.constant 0 : i32
    %c0_i32_0 = arith.constant 0 : i32
    return %arg0, %c0_i32 : i32, i32
  }
  func.func @transform_3(%arg0: i32) -> (i32, i32) {
    %c0_i32 = arith.constant 0 : i32
    %c0_i32_0 = arith.constant 0 : i32
    %c0_i32_1 = arith.constant 0 : i32
    return %c0_i32, %c0_i32_0 : i32, i32
  }
  func.func @transform_4(%arg0: i32) -> (i32, i32) {
    %c0_i32 = arith.constant 0 : i32
    %c0_i32_0 = arith.constant 0 : i32
    %c0_i32_1 = arith.constant 0 : i32
    return %c0_i32, %c0_i32_0 : i32, i32
  }
  func.func @transform_5(%arg0: i32) -> (i32, i32) {
    %c0_i32 = arith.constant 0 : i32
    %c0_i32_0 = arith.constant 0 : i32
    %c0_i32_1 = arith.constant 0 : i32
    return %c0_i32, %c0_i32_0 : i32, i32
  }
  func.func @transform_6(%arg0: i32) -> (i32, i32) {
    %c0_i32 = arith.constant 0 : i32
    %c0_i32_0 = arith.constant 0 : i32
    return %arg0, %c0_i32 : i32, i32
  }
  func.func @transform_7(%arg0: i32) -> (i32, i32) {
    %c0_i32 = arith.constant 0 : i32
    %c0_i32_0 = arith.constant 0 : i32
    return %arg0, %c0_i32 : i32, i32
  }
}

module attributes {stable_mosaic.version = 14 : i64} {
  func.func @_tc_pool_body(%arg0: i32, %arg1: memref<2x1000x128xf32, #tpu.memory_space<vmem>>, %arg2: memref<1000x128xf32, #tpu.memory_space<vmem>>, %arg3: memref<1000x1xf32, #tpu.memory_space<vmem>>, %arg4: memref<1000x1xi32, #tpu.memory_space<vmem>>, %arg5: memref<128x64xf32, #tpu.memory_space<vmem>>, %arg6: memref<1x64xf32, #tpu.memory_space<vmem>>, %arg7: memref<16x64xf32, #tpu.memory_space<vmem>>, %arg8: memref<16x128xf32, #tpu.memory_space<vmem>>, %arg9: memref<16x128xf32, #tpu.memory_space<vmem>>) attributes {dimension_semantics = [#tpu.dimension_semantics<arbitrary>], iteration_bounds = array<i64: 10>, scalar_prefetch = 0 : i64, scratch_operands = 2 : i64, tpu.core_type = #tpu.core_type<tc>, window_params = [{transform_indices = @transform_0, window_bounds = array<i64: 2, 1000, 128>}, {transform_indices = @transform_1, window_bounds = array<i64: 1000, 128>}, {transform_indices = @transform_2, window_bounds = array<i64: 1000, 1>}, {transform_indices = @transform_3, window_bounds = array<i64: 1000, 1>}, {pipeline_mode = #tpu.pipeline_mode<synchronous>, transform_indices = @transform_4, window_bounds = array<i64: 128, 64>}, {pipeline_mode = #tpu.pipeline_mode<synchronous>, transform_indices = @transform_5, window_bounds = array<i64: 1, 64>}, {pipeline_mode = #tpu.pipeline_mode<synchronous>, transform_indices = @transform_6, window_bounds = array<i64: 16, 64>}]} {
    %eq3A = arith.constant 0 : i32
    %eq3A_0 = arith.cmpi eq, %arg0, %eq3A : i32
    %convert_element_type3A = arith.extui %eq3A_0 : i1 to i32
    %cond3A = arith.constant 0 : i32
    %cond3A_1 = arith.cmpi ne, %convert_element_type3A, %cond3A : i32
    scf.if %cond3A_1 {
      %broadcast_in_dim3A_50 = arith.constant 0.000000e+00 : f32
      %broadcast_in_dim3A_51 = vector.broadcast %broadcast_in_dim3A_50 : f32 to vector<16x128xf32>
      %swap3A_52 = arith.constant 0 : index
      %swap3A_53 = arith.constant 0 : index
      %swap3A_54 = vector.load %arg8[%swap3A_52, %swap3A_53] : memref<16x128xf32, #tpu.memory_space<vmem>>, vector<16x128xf32>
      tpu.vector_store %arg8[%swap3A_52, %swap3A_53], %broadcast_in_dim3A_51 {strides = array<i32>} : memref<16x128xf32, #tpu.memory_space<vmem>>, vector<16x128xf32>,
      %broadcast_in_dim3A_55 = arith.constant 0.000000e+00 : f32
      %broadcast_in_dim3A_56 = vector.broadcast %broadcast_in_dim3A_55 : f32 to vector<16x128xf32>
      %swap3A_57 = arith.constant 0 : index
      %swap3A_58 = arith.constant 0 : index
      %swap3A_59 = vector.load %arg9[%swap3A_57, %swap3A_58] : memref<16x128xf32, #tpu.memory_space<vmem>>, vector<16x128xf32>
      tpu.vector_store %arg9[%swap3A_57, %swap3A_58], %broadcast_in_dim3A_56 {strides = array<i32>} : memref<16x128xf32, #tpu.memory_space<vmem>>, vector<16x128xf32>,
    } else {
    }
    %get3A = arith.constant 0 : index
    %get3A_2 = arith.constant 0 : index
    %get3A_3 = vector.load %arg3[%get3A, %get3A_2] : memref<1000x1xf32, #tpu.memory_space<vmem>>, vector<1000x1xf32>
    %get3A_4 = arith.constant 0 : index
    %get3A_5 = arith.constant 0 : index
    %get3A_6 = arith.constant 0 : index
    %get3A_7 = vector.load %arg1[%get3A_4, %get3A_5, %get3A_6] : memref<2x1000x128xf32, #tpu.memory_space<vmem>>, vector<1x1000x128xf32>
    %get3A_8 = vector.shape_cast %get3A_7 : vector<1x1000x128xf32> to vector<1000x128xf32>
    %get3A_9 = arith.constant 1 : index
    %get3A_10 = arith.constant 0 : index
    %get3A_11 = arith.constant 0 : index
    %get3A_12 = vector.load %arg1[%get3A_9, %get3A_10, %get3A_11] : memref<2x1000x128xf32, #tpu.memory_space<vmem>>, vector<1x1000x128xf32>
    %get3A_13 = vector.shape_cast %get3A_12 : vector<1x1000x128xf32> to vector<1000x128xf32>
    %add3A = arith.addf %get3A_8, %get3A_13 : vector<1000x128xf32>
    %mul3A = vector.broadcast %get3A_3 : vector<1000x1xf32> to vector<1000x128xf32>
    %mul3A_14 = arith.mulf %mul3A, %add3A : vector<1000x128xf32>
    %get3A_15 = arith.constant 0 : index
    %get3A_16 = arith.constant 0 : index
    %get3A_17 = vector.load %arg2[%get3A_15, %get3A_16] : memref<1000x128xf32, #tpu.memory_space<vmem>>, vector<1000x128xf32>
    %add3A_18 = arith.addf %mul3A_14, %get3A_17 : vector<1000x128xf32>
    %max3A = arith.constant 0.000000e+00 : f32
    %max3A_19 = vector.broadcast %max3A : f32 to vector<1000x128xf32>
    %max3A_20 = arith.maximumf %add3A_18, %max3A_19 : vector<1000x128xf32>
    %get3A_21 = arith.constant 0 : index
    %get3A_22 = arith.constant 0 : index
    %get3A_23 = vector.load %arg4[%get3A_21, %get3A_22] : memref<1000x1xi32, #tpu.memory_space<vmem>>, vector<1000x1xi32>
    %iota3A = tpu.iota {dimensions = array<i32: 1>} : vector<1000x16xi32>
    %eq3A_24 = vector.broadcast %get3A_23 : vector<1000x1xi32> to vector<1000x16xi32>
    %eq3A_25 = arith.cmpi eq, %eq3A_24, %iota3A : vector<1000x16xi32>
    %convert_element_type3A_26 = arith.extui %eq3A_25 : vector<1000x16xi1> to vector<1000x16xi32>
    %convert_element_type3A_27 = arith.sitofp %convert_element_type3A_26 : vector<1000x16xi32> to vector<1000x16xf32>
    %get3A_28 = arith.constant 0 : index
    %get3A_29 = arith.constant 0 : index
    %get3A_30 = vector.load %arg8[%get3A_28, %get3A_29] : memref<16x128xf32, #tpu.memory_space<vmem>>, vector<16x128xf32>
    %dot_general3A = arith.constant dense<0.000000e+00> : vector<16x128xf32>
    %dot_general3A_31 = tpu.matmul %convert_element_type3A_27, %max3A_20, %dot_general3A {dimension_numbers = #tpu.dot_dimension_numbers<[0], [0], [1], [1], [0, 1, 1, 1], [], []>, transpose_lhs_hint = false} : vector<1000x16xf32>, vector<1000x128xf32>, vector<16x128xf32> -> vector<16x128xf32>
    %add3A_32 = arith.addf %get3A_30, %dot_general3A_31 : vector<16x128xf32>
    %swap3A = arith.constant 0 : index
    %swap3A_33 = arith.constant 0 : index
    %swap3A_34 = vector.load %arg8[%swap3A, %swap3A_33] : memref<16x128xf32, #tpu.memory_space<vmem>>, vector<16x128xf32>
    tpu.vector_store %arg8[%swap3A, %swap3A_33], %add3A_32 {strides = array<i32>} : memref<16x128xf32, #tpu.memory_space<vmem>>, vector<16x128xf32>,
    %get3A_35 = arith.constant 0 : index
    %get3A_36 = arith.constant 0 : index
    %get3A_37 = vector.load %arg9[%get3A_35, %get3A_36] : memref<16x128xf32, #tpu.memory_space<vmem>>, vector<16x128xf32>
    %broadcast_in_dim3A = arith.constant 1.000000e+00 : f32
    %broadcast_in_dim3A_38 = vector.broadcast %broadcast_in_dim3A : f32 to vector<1000x128xf32>
    %dot_general3A_39 = arith.constant dense<0.000000e+00> : vector<16x128xf32>
    %dot_general3A_40 = tpu.matmul %convert_element_type3A_27, %broadcast_in_dim3A_38, %dot_general3A_39 {dimension_numbers = #tpu.dot_dimension_numbers<[0], [0], [1], [1], [0, 1, 1, 1], [], []>, transpose_lhs_hint = false} : vector<1000x16xf32>, vector<1000x128xf32>, vector<16x128xf32> -> vector<16x128xf32>
    %add3A_41 = arith.addf %get3A_37, %dot_general3A_40 : vector<16x128xf32>
    %swap3A_42 = arith.constant 0 : index
    %swap3A_43 = arith.constant 0 : index
    %swap3A_44 = vector.load %arg9[%swap3A_42, %swap3A_43] : memref<16x128xf32, #tpu.memory_space<vmem>>, vector<16x128xf32>
    tpu.vector_store %arg9[%swap3A_42, %swap3A_43], %add3A_41 {strides = array<i32>} : memref<16x128xf32, #tpu.memory_space<vmem>>, vector<16x128xf32>,
    %eq3A_45 = arith.constant 9 : i32
    %eq3A_46 = arith.cmpi eq, %arg0, %eq3A_45 : i32
    %convert_element_type3A_47 = arith.extui %eq3A_46 : i1 to i32
    %cond3A_48 = arith.constant 0 : i32
    %cond3A_49 = arith.cmpi ne, %convert_element_type3A_47, %cond3A_48 : i32
    scf.if %cond3A_49 {
      %get3A_50 = arith.constant 0 : index
      %get3A_51 = arith.constant 0 : index
      %get3A_52 = vector.load %arg8[%get3A_50, %get3A_51] : memref<16x128xf32, #tpu.memory_space<vmem>>, vector<16x128xf32>
      %get3A_53 = arith.constant 0 : index
      %get3A_54 = arith.constant 0 : index
      %get3A_55 = vector.load %arg9[%get3A_53, %get3A_54] : memref<16x128xf32, #tpu.memory_space<vmem>>, vector<16x128xf32>
      %max3A_56 = arith.constant 1.000000e+00 : f32
      %max3A_57 = vector.broadcast %max3A_56 : f32 to vector<16x128xf32>
      %max3A_58 = arith.maximumf %get3A_55, %max3A_57 : vector<16x128xf32>
      %div3A = arith.divf %get3A_52, %max3A_58 : vector<16x128xf32>
      %get3A_59 = arith.constant 0 : index
      %get3A_60 = arith.constant 0 : index
      %get3A_61 = vector.load %arg5[%get3A_59, %get3A_60] : memref<128x64xf32, #tpu.memory_space<vmem>>, vector<128x64xf32>
      %dot_general3A_62 = arith.constant dense<0.000000e+00> : vector<16x64xf32>
      %dot_general3A_63 = tpu.matmul %div3A, %get3A_61, %dot_general3A_62 {dimension_numbers = #tpu.dot_dimension_numbers<[1], [0], [0], [1], [0, 0, 1, 1], [], []>, transpose_lhs_hint = false} : vector<16x128xf32>, vector<128x64xf32>, vector<16x64xf32> -> vector<16x64xf32>
      %get3A_64 = arith.constant 0 : index
      %get3A_65 = arith.constant 0 : index
      %get3A_66 = vector.load %arg6[%get3A_64, %get3A_65] : memref<1x64xf32, #tpu.memory_space<vmem>>, vector<1x64xf32>
      %add3A_67 = vector.broadcast %get3A_66 : vector<1x64xf32> to vector<16x64xf32>
      %add3A_68 = arith.addf %dot_general3A_63, %add3A_67 : vector<16x64xf32>
      %swap3A_69 = arith.constant 0 : index
      %swap3A_70 = arith.constant 0 : index
      %swap3A_71 = vector.load %arg7[%swap3A_69, %swap3A_70] : memref<16x64xf32, #tpu.memory_space<vmem>>, vector<16x64xf32>
      tpu.vector_store %arg7[%swap3A_69, %swap3A_70], %add3A_68 {strides = array<i32>} : memref<16x64xf32, #tpu.memory_space<vmem>>, vector<16x64xf32>,
    } else {
    }
    return
  }
  func.func @transform_0(%arg0: i32) -> (i32, i32, i32) {
    %c0_i32 = arith.constant 0 : i32
    %c0_i32_0 = arith.constant 0 : i32
    %c0_i32_1 = arith.constant 0 : i32
    return %c0_i32, %arg0, %c0_i32_0 : i32, i32, i32
  }
  func.func @transform_1(%arg0: i32) -> (i32, i32) {
    %c0_i32 = arith.constant 0 : i32
    %c0_i32_0 = arith.constant 0 : i32
    return %arg0, %c0_i32 : i32, i32
  }
  func.func @transform_2(%arg0: i32) -> (i32, i32) {
    %c0_i32 = arith.constant 0 : i32
    %c0_i32_0 = arith.constant 0 : i32
    return %arg0, %c0_i32 : i32, i32
  }
  func.func @transform_3(%arg0: i32) -> (i32, i32) {
    %c0_i32 = arith.constant 0 : i32
    %c0_i32_0 = arith.constant 0 : i32
    return %arg0, %c0_i32 : i32, i32
  }
  func.func @transform_4(%arg0: i32) -> (i32, i32) {
    %c0_i32 = arith.constant 0 : i32
    %c0_i32_0 = arith.constant 0 : i32
    %c0_i32_1 = arith.constant 0 : i32
    return %c0_i32, %c0_i32_0 : i32, i32
  }
  func.func @transform_5(%arg0: i32) -> (i32, i32) {
    %c0_i32 = arith.constant 0 : i32
    %c0_i32_0 = arith.constant 0 : i32
    %c0_i32_1 = arith.constant 0 : i32
    return %c0_i32, %c0_i32_0 : i32, i32
  }
  func.func @transform_6(%arg0: i32) -> (i32, i32) {
    %c0_i32 = arith.constant 0 : i32
    %c0_i32_0 = arith.constant 0 : i32
    %c0_i32_1 = arith.constant 0 : i32
    return %c0_i32, %c0_i32_0 : i32, i32
  }
}

</mosaic_0001>

<sc_bundles>
// kernel: kernel.12.cloned.1.call-start
scs
__scs_entry_jumppad:
0x0: {  	(pc) =	sbr.rel $0x88, $3  }
0x1: {  	(tag) =	ssettag $0x0;
	lr =	simm.s32 $0x1  }
0x2: {  	[smem:$0x3F96] =	sst lr;
	_ =	strace $0xD0000000  }
0x3: {  	_ = 	snop  }
0x4: {  	_ = 	snop  }
0x5: {  	_ = 	snop  }
0x6: {  	_ = 	snop  }
0x7: {  	_ = 	snop  }
__scs_overlays_trampoline_lowered:
0x8: {  	[smem:$0x3FA5] =	sst s0  }
0x9: {  	[smem:$0x3FA6] =	sst s1  }
0xa: {  	[smem:$0x3FA7] =	sst s2  }
0xb: {  	[smem:$0x3FA8] =	sst s3  }
0xc: {  	[smem:$0x3FA9] =	sst s4  }
0xd: {  	[smem:$0x3FAA] =	sst s5  }
0xe: {  	[smem:$0x3FAB] =	sst s6  }
0xf: {  	[smem:$0x3FAC] =	sst s7  }
0x10: {  	[smem:$0x3FAD] =	sst s8  }
0x11: {  	[smem:$0x3FAE] =	sst s9;
	s0 =	simm.s32 @!p0 $0x0  }
0x12: {  	s1 =	sld [smem:$0x3F94];
	s0 =	simm.s32 @p0 $0x1  }
0x13: {  	[smem:$0x3FAF] =	sst s0;
	s0 =	simm.s32 @!p1 $0x0  }
0x14: {  	s2 =	sld [smem:$0x3F93];
	s0 =	simm.s32 @p1 $0x1  }
0x15: {  	[smem:$0x3FB0] =	sst s0;
	s0 =	simm.s32 @!p2 $0x0  }
0x16: {  	s3 =	sld [smem:$0x3FDB];
	s0 =	simm.s32 @p2 $0x1  }
0x17: {  	s4 =	simm.s32 $0x1BF5;
	[smem:$0x3FB2] =	sst s0  }
0x18: {  	s0 =	sld [smem:$0x3F95];
	_ =	swait.ge [sflag:s4], $0x0  }
0x19: {  	s7 =	sld [smem:$0x3F96]  }
0x1a: {  	s8 =	sadd.s32 $0xFFFFE003, lr  }
0x1b: {  	s9 =	sadd.s32 $0xFFFFFEF7, lr;
	s5 =	simm.s32 $0xFFFFFFFF;
	p2 =	slt.u32 s8, $0xFFFFF086  }
0x1c: {  	p1 =	slt.u32 s9, $0xF7A;
	s5 =	simm.s32 @!p2 $0x0  }
0x1d: {  	s5 =	simm.s32 @p1 $0x1;
	p0 =	seq.s32 s7, s2  }
0x1e: {  	s7 =	smul.u32 @!p0 $0xF7A, s2;
	p2 =	seq.s32 @!p0 s5, $0x0  }
0x1f: {  	s9 =	smul.u32 $0xF7A, s1;
	s8 =	simm.s32 @!p0 $0x1BF5;
	p2 =	por !p2, p0  }
0x20: {  	[sflag:s8] =	ssyncset.s32 @!p0 $0xFFFFF086;
	s6 =	sadd.s32 @!p0 s3, s7;
	s7 =	simm.s32 @!p0 $0x108  }
0x21: {  	s3 =	sadd.s32 s3, s9;
	s6 =	sadd.s32 @!p0 $0x88, s6;
	s7 =	simm.s32 @p2 $0x1082  }
0x22: {  	[simem:s7], [sflag:s8] =	dma.local @!p0 [hbm:s6], $0xF7A  }
0x23: {  	s9 =	sor.u32 $0xD0000000, s2;
	s6 =	simm.s32 $0x108;
	_ =	swait.ge @!p0 [sflag:s8], $0x0  }
0x24: {  	s3 =	sadd.s32 $0x88, s3;
	s6 =	simm.s32 @!p1 $0x1082;
	[sflag:s4] =	ssyncset.s32 $0xFFFFF086  }
0x25: {  	[simem:s6], [sflag:s4] =	dma.local [hbm:s3], $0xF7A  }
0x26: {  	[smem:$0x3F96] =	sst s1;
	(tag) =	ssettag s2;
	_ =	strace s9  }
0x27: {  	s1 =	sld [smem:$0x3FA6]  }
0x28: {  	s2 =	sld [smem:$0x3FA7]  }
0x29: {  	s4 =	sld [smem:$0x3FA9]  }
0x2a: {  	p0 =	seq.s32 s5, $0x0;
	s5 =	sld [smem:$0x3FAA]  }
0x2b: {  	s6 =	sld [smem:$0x3FAB]  }
0x2c: {  	s7 =	sld [smem:$0x3FAC]  }
0x2d: {  	s3 =	simm.s32 $0x108;
	s8 =	sld [smem:$0x3FAD]  }
0x2e: {  	s3 =	simm.s32 @!p0 $0x1082;
	s9 =	sld [smem:$0x3FAE]  }
0x2f: {  	lr =	sadd.s32 s0, s3;
	s0 =	sld [smem:$0x3FA5]  }
0x30: {  	s3 =	sld [smem:$0x3FA8]  }
0x31: {  	[smem:$0x3FB1] =	sst s10  }
0x32: {  	s10 =	sld [smem:$0x3FAF];
	_ =	sdelay $0x3  }
0x33: {  	p0 =	seq.s32 s10, $0x1;
	s10 =	sld [smem:$0x3FB1];
	_ =	sdelay $0x3  }
0x34: {  	[smem:$0x3FB1] =	sst s10  }
0x35: {  	s10 =	sld [smem:$0x3FB0];
	_ =	sdelay $0x3  }
0x36: {  	p1 =	seq.s32 s10, $0x1;
	s10 =	sld [smem:$0x3FB1];
	_ =	sdelay $0x3  }
0x37: {  	[smem:$0x3FB1] =	sst s10  }
0x38: {  	s10 =	sld [smem:$0x3FB2]  }
0x39: {  	_ = 	snop;
	(pc) =	sbr.ind lr, $3  }
0x3a: {  	_ = 	snop  }
0x3b: {  	_ = 	snop  }
0x3c: {  	p2 =	seq.s32 s10, $0x1;
	s10 =	sld [smem:$0x3FB1]  }
0x3d: {  	_ =	shalt  }
0x3e: {  	_ =	shalt  }
0x3f: {  	_ =	shalt  }
0x40: {  	_ =	shalt  }
0x41: {  	_ =	shalt  }
0x42: {  	_ =	shalt  }
0x43: {  	_ =	shalt  }
0x44: {  	_ =	shalt  }
0x45: {  	_ =	shalt  }
0x46: {  	_ =	shalt  }
0x47: {  	_ =	shalt  }
0x48: {  	_ =	shalt  }
0x49: {  	_ =	shalt  }
0x4a: {  	_ =	shalt  }
0x4b: {  	_ =	shalt  }
0x4c: {  	_ =	shalt  }
0x4d: {  	_ =	shalt  }
0x4e: {  	_ =	shalt  }
0x4f: {  	_ =	shalt  }
0x50: {  	_ =	shalt  }
0x51: {  	_ =	shalt  }
0x52: {  	_ =	shalt  }
0x53: {  	_ =	shalt  }
0x54: {  	_ =	shalt  }
0x55: {  	_ =	shalt  }
0x56: {  	_ =	shalt  }
0x57: {  	_ =	shalt  }
0x58: {  	_ =	shalt  }
0x59: {  	_ =	shalt  }
0x5a: {  	_ =	shalt  }
0x5b: {  	_ =	shalt  }
0x5c: {  	_ =	shalt  }
0x5d: {  	_ =	shalt  }
0x5e: {  	_ =	shalt  }
0x5f: {  	_ =	shalt  }
0x60: {  	_ =	shalt  }
0x61: {  	_ =	shalt  }
0x62: {  	_ =	shalt  }
0x63: {  	_ =	shalt  }
0x64: {  	_ =	shalt  }
0x65: {  	_ =	shalt  }
0x66: {  	_ =	shalt  }
0x67: {  	_ =	shalt  }
0x68: {  	_ =	shalt  }
0x69: {  	_ =	shalt  }
0x6a: {  	_ =	shalt  }
0x6b: {  	_ =	shalt  }
0x6c: {  	_ =	shalt  }
0x6d: {  	_ =	shalt  }
0x6e: {  	_ =	shalt  }
0x6f: {  	_ =	shalt  }
0x70: {  	_ =	shalt  }
0x71: {  	_ =	shalt  }
0x72: {  	_ =	shalt  }
0x73: {  	_ =	shalt  }
0x74: {  	_ =	shalt  }
0x75: {  	_ =	shalt  }
0x76: {  	_ =	shalt  }
0x77: {  	_ =	shalt  }
0x78: {  	_ =	shalt  }
0x79: {  	_ =	shalt  }
0x7a: {  	_ =	shalt  }
0x7b: {  	_ =	shalt  }
0x7c: {  	_ =	shalt  }
0x7d: {  	_ =	shalt  }
0x7e: {  	_ =	shalt  }
0x7f: {  	_ =	shalt  }
0x80: {  	_ =	shalt  }
0x81: {  	_ =	shalt  }
0x82: {  	_ =	shalt  }
0x83: {  	_ =	shalt  }
0x84: {  	_ =	shalt  }
0x85: {  	_ =	shalt  }
0x86: {  	_ =	shalt  }
0x87: {  	_ =	shalt  }
.Lfunc_end0:
.L_simem_size_0:
called_computation.1_lowered:
.L_overlay_start_0:
0x88: {  	s2 =	sld [smem:$0x3FD9]  }
0x89: {  	s3 =	sld [smem:$0x3FFE];
	_ =	sdelay $0x1  }
0x8a: {  	s1 =	srdreg.scid  }
0x8b: {  	s0 =	sand.u32 $0x1, s1  }
0x8c: {  	s16 =	sshll.u32 s0, $0xA;
	s2 =	sadd.s32 s3, s2  }
0x8d: {  	s2 =	sadd.s32 s2, s16  }
0x8e: {  	[smem:$0x3FBD] =	sst s2  }
0x8f: {  	_ = 	snop  }
0x90: {  	(tm) =	ssettm $0x1  }
0x91: {  	s17 =	sld [smem:$0x3FFB];
	_ =	sdelay $0x3  }
0x92: {  	_ =	strace s17  }
0x93: {  	s2 =	sld [smem:$0x3FFC];
	_ =	sdelay $0x3  }
0x94: {  	_ =	strace s2  }
0x95: {  	s2 =	sld [smem:$0x3FFD];
	_ =	sdelay $0x3  }
0x96: {  	_ =	strace s2  }
0x97: {  	_ =	strace $0x8FFFFFFF  }
0x98: {  	s18 =	sld [smem:$0x3FDB];
	_ =	sdelay $0x1  }
0x99: {  	s19 =	simm.s32 $_scs_section_size  }
0x9a: {  	s4 =	simm.s32 $_size__tile_overlayer_lowered;
	s5 =	simm.s32 $_tile_overlayer_lowered  }
0x9b: {  	s22 =	simm.s32 $0x1BFF;
	s21 =	sshll.u32 s5, $0x1;
	s2 =	sadd.s32 s19, s18  }
0x9c: {  	s6 =	simm.s32 $0x0;
	s20 =	sshll.u32 s4, $0x1;
	s4 =	sadd.s32 s21, s2  }
0x9d: {  	[timem:s6], [sflag:s22] =	dma.local [hbm:s4], s20  }
0x9e: {  	_ =	swait.ge [sflag:s22], s20  }
0x9f: {  	s3 =	ssub.s32 $0x0, s20;
	[sflag:s22] =	ssyncset.done $0x0  }
0xa0: {  	[sflag:s22] =	ssyncadd.s32 s3;
	_ =	sdelay $0x1  }
0xa1: {  	s23 =	simm.s32 $0x1B8B  }
0xa2: {  	_ =	swait.ge [sflag:s23], $0x1  }
0xa3: {  	[sflag:s23] =	ssyncset.done $0x0  }
0xa4: {  	s25 =	simm.s32 $0x1B8E;
	s24 =	sld [smem:$0x3FFE];
	[sflag:s23] =	ssyncadd.s32 $0xFFFFFFFF  }
0xa5: {  	s26 =	simm.s32 $execute0_lowered;
	[smem:$0x3FD2] =	sst s25  }
0xa6: {  	s4 =	sshll.u32 s26, $0x1;
	_ =	strace $0x80000049;
	[dreg:$0x1] =	wrdreg $0xFFFFFFFF  }
0xa7: {  	s28 =	simm.s32 $_size_execute0_lowered;
	s2 =	sadd.s32 s2, s4;
	[dreg:$0x0] =	wrdreg $0x0  }
0xa8: {  	s4 =	sshll.u32 s28, $0x1;
	[dreg:$0x2] =	wrdreg s2  }
0xa9: {  	[dreg:$0x3] =	wrdreg s4  }
0xaa: {  	[dreg:$0x4] =	wrdreg $0xC0  }
0xab: {  	_ =	task [dreg:s6], $0x5FFFF  }
0xac: {  	[dreg:$0x1] =	wrdreg $0xFFFFFFFF  }
0xad: {  	[dreg:$0x0] =	wrdreg $0x60  }
0xae: {  	[dreg:$0x2] =	wrdreg s24  }
0xaf: {  	[dreg:$0x3] =	wrdreg $0xC4000  }
0xb0: {  	[dreg:$0x4] =	wrdreg $0x9  }
0xb1: {  	_ =	task.clear_ibuf [dreg:s6], $0x5FFFF;
	_ =	strace $0x90000049  }
0xb2: {  	s29 =	simm.s32 $0x9;
	_ =	strace $0x8000004B  }
0xb3: {  	_ =	swait.ge [sflag:s29], $0x1  }
0xb4: {  	[sflag:s29] =	ssyncadd.s32 $0xFFFFFFFF  }
0xb5: {  	_ =	strace $0x9000004B  }
0xb6: {  	_ =	sfence  }
0xb7: {  	s30 =	sld [smem:$0x0];
	_ =	sdelay $0x2  }
0xb8: {  	s31 =	sshll.u32 s1, $0xD;
	s1 =	sshrl.u32 s1, $0x2  }
0xb9: {  	s3 =	sand.u32 $0x4000, s31;
	s1 =	sadd.s32 s1, s30  }
0xba: {  	s0 =	sor.u32 s3, s0;
	s1 =	sshll.u32 s1, $0x11  }
0xbb: {  	s0 =	sor.u32 s1, s0  }
0xbc: {  	s0 =	sadd.s32 $0x8F2B, s0  }
0xbd: {  	[sflag:s0] =	ssyncadd.remote.s32 $0x1  }
0xbe: {  	_ =	sfence.sel $0xFFFF  }
0xbf: {  	[dreg:$0x0] =	wrdreg $0xFFFFFFFF;
	(pc) =	sbr.abs _section_cstart, $3  }
0xc0: {  	[dreg:$0x1] =	wrdreg $0xFFFFFFFF  }
0xc1: {  	_ =	task.clear_ibuf [dreg:s6], $0x2FFFF;
	_ =	strace $0x9FFFFFFF  }
0xc2: {  	(tm) =	ssettm $0x7FFFFFFF  }
0xc3: {  	_ =	shalt  }
tec
execute0_lowered:
.L_overlay_start_1:
0x0: {  	(tag) =	ssettag $0x1  }
0x1: {  	s0 =	rddreg [dreg:$0x0];
	s2 =	srdreg.scid  }
0x2: {  	s1 =	simm.s32 $0x0;
	s9 =	stileid.u32;
	s31 =	simm.s32 $0x4  }
0x3: {  	s2 =	sand.u32 $0x1, s2;
	s3 =	sadd.s32 $0x16A00, s0;
	s5 =	smul.u32 $0x3C00, s9  }
0x4: {  	s6 =	sadd.s32 $0x2600, s0;
	s26 =	smul.u32 $0x1300, s9;
	s4 =	ssub.s32 $0x2, s2  }
0x5: {  	[smem:$0x7FF] =	sst s1;
	s7 =	smul.u32 $0x13C000, s2;
	s8 =	sshrl.u32 s4, $0x1  }
0x6: {  	p0 =	seq.s32 s2, $0x1;
	s5 =	sshrl.u32 s5, $0x3;
	s4 =	ssub.s32 s4, s8  }
0x7: {  	s10 =	sadd.s32 s3, s5;
	s11 =	sor.u32 $0x10, s5;
	s8 =	sshrl.u32 s26, $0x3  }
0x8: {  	s13 =	sor.u32 $0x20, s5;
	[dreg:$0x3] =	wrdreg s10;
	s10 =	sadd.s32 s6, s5  }
0x9: {  	s12 =	sadd.s32 s3, s11;
	s2 =	sadd.s32 s6, s11;
	s14 =	sadd.s32 $0x7800, s8  }
0xa: {  	s15 =	sadd.s32 s3, s13;
	s18 =	sadd.s32 $0x7810, s8;
	[dreg:$0x4] =	wrdreg s10  }
0xb: {  	s19 =	sadd.s32 $0x7820, s8;
	s23 =	sadd.s32 $0x7A40, s8;
	[dreg:$0x5] =	wrdreg s12  }
0xc: {  	s24 =	sadd.s32 $0x7A50, s8;
	s11 =	smul.u32 $0x260, s9;
	[dreg:$0x6] =	wrdreg s2  }
0xd: {  	s30 =	smax.u32 s4, $0x1;
	[dreg:$0x7] =	wrdreg s15;
	s2 =	sadd.s32 s6, s13  }
0xe: {  	s4 =	simm.s32 $0x280;
	s16 =	sadd.s32 s3, s14;
	[dreg:$0x8] =	wrdreg s2  }
0xf: {  	s5 =	simm.s32 $0x100;
	s17 =	sadd.s32 s6, s14;
	[dreg:$0x9] =	wrdreg s16  }
0x10: {  	s8 =	simm.s32 $0x1;
	s20 =	sadd.s32 s3, s18;
	[dreg:$0xa] =	wrdreg s17  }
0x11: {  	s21 =	sadd.s32 s3, s19;
	s22 =	sadd.s32 s6, s19;
	[dreg:$0xb] =	wrdreg s20  }
0x12: {  	s25 =	sadd.s32 s3, s23;
	s10 =	smul.u32 $0x780, s9;
	[dreg:$0xd] =	wrdreg s21  }
0x13: {  	s26 =	sadd.s32 s3, s24;
	s12 =	smul.u32 $0x13C00, s9;
	[dreg:$0xe] =	wrdreg s22  }
0x14: {  	s15 =	smul.u32 $0x4F000, s9;
	s2 =	sadd.s32 s6, s18;
	[dreg:$0xf] =	wrdreg s25  }
0x15: {  	[dreg:$0x10] =	wrdreg s26;
	s17 =	sadd.s32 s6, s24;
	s20 =	sadd.s32 s11, s6  }
0x16: {  	s22 =	sadd.s32 s11, s3;
	s24 =	sadd.s32 $0x20800, s0;
	s21 =	sshll.u32 s9, $0x6  }
0x17: {  	s9 =	simm.s32 $0x2;
	s11 =	simm.s32 $0x0;
	[dreg:$0xc] =	wrdreg s2  }
0x18: {  	s2 =	sadd.s32 s6, s23;
	s18 =	sadd.s32 s10, s6;
	s19 =	sadd.s32 s10, s3  }
0x19: {  	s13 =	sadd.s32 s12, s7;
	s14 =	sshrl.u32 s12, $0x3;
	s23 =	rddreg [dreg:$0x1]  }
0x1a: {  	s16 =	sshrl.u32 s15, $0x2;
	s28 =	sor.u32 $0x1C04, s21;
	s21 =	simm.s32 $0x80  }
.Ltmp0:
0x1b: {  	s6 =	simm.s32 $0x8400;
	s7 =	simm.s32 $0x300;
	(pc) =	sbr.rel .LBB2_1-.Ltmp0, $4  }
0x1c: {  	s10 =	simm.s32 $0x3;
	[dreg:$0x11] =	wrdreg s2;
	s2 =	sshrl.u32 s13, $0x3  }
0x1d: {  	s3 =	sadd.s32 s14, s0;
	s25 =	sadd.s32 s16, s23;
	_ =	strace $0x8000004A  }
0x1e: {  	s2 =	sadd.s32 s2, s0;
	s26 =	sadd.s32 $0x47A00, s3;
	s0 =	simm.s32 $0x400  }
0x1f: {  	s3 =	simm.s32 $0x4400;
	s29 =	sadd.s32 $0x6F200, s2;
	s2 =	simm.s32 $0x200  }
.LBB2_7:
0x20: {  	[sflag:s31] =	ssyncadd.s32 $0xFFFFFF80  }
0x21: {  	_ =	swait.ge [sflag:s8], $0x4000  }
0x22: {  	[sflag:s8] =	ssyncset.done $0x0  }
0x23: {  	[sflag:s8] =	ssyncadd.s32 $0xFFFFC000  }
0x24: {  	[spmem:s23] =	stream.indirect.scatter.add.f32 [tilespmem:s0], [sflag:$0x4], $0x80, s2, s21, $0xb8;
	v63 =	vld [tilespmem:$0x0]  }
0x25: {  	_ =	swait.ge [sflag:s31], $0x4000  }
0x26: {  	[sflag:s31] =	ssyncset.done $0x0  }
0x27: {  	[sflag:s31] =	ssyncadd.s32 $0xFFFFC000  }
0x28: {  	_ =	swait.ge [sflag:s9], $0x4000  }
0x29: {  	[sflag:s9] =	ssyncset.done $0x0  }
0x2a: {  	[sflag:s9] =	ssyncadd.s32 $0xFFFFC000  }
0x2b: {  	[spmem:s23] =	stream.indirect.scatter.add.f32 [tilespmem:s3], [sflag:$0x4], $0x80, s4, s21, $0xb8;
	v63 =	vld [tilespmem:$0x0]  }
0x2c: {  	_ =	swait.ge [sflag:s31], $0x4000  }
0x2d: {  	[sflag:s31] =	ssyncset.done $0x0  }
0x2e: {  	[sflag:s31] =	ssyncadd.s32 $0xFFFFC000  }
0x2f: {  	_ =	swait.ge [sflag:s10], $0x4000  }
0x30: {  	[sflag:s10] =	ssyncset.done $0x0  }
0x31: {  	[sflag:s10] =	ssyncadd.s32 $0xFFFFC000  }
0x32: {  	[spmem:s23] =	stream.indirect.scatter.add.f32 [tilespmem:s6], [sflag:$0x4], $0x80, s7, s21, $0xb8;
	v63 =	vld [tilespmem:$0x0]  }
0x33: {  	_ =	swait.ge [sflag:s31], $0x4000  }
0x34: {  	[sflag:s31] =	ssyncset.done $0x0  }
0x35: {  	s13 =	rddreg [dreg:$0xf];
	[sflag:s31] =	ssyncadd.s32 $0xFFFFC000  }
0x36: {  	[tilespmem:s1], [sflag:$0x4] =	stream.linear.gather [hbm4b:s13+s1], $0x80, $0x38;
	v63 =	vld [tilespmem:$0x0]  }
0x37: {  	_ =	swait.ge [sflag:s31], $0x80  }
0x38: {  	[sflag:s31] =	ssyncset.done $0x0  }
0x39: {  	[sflag:s31] =	ssyncadd.s32 $0xFFFFFF80  }
0x3a: {  	[tilespmem:s0], [sflag:$0x1] =	stream.indirect.gather [hbm4b:s24+s21], $0x80, s1, s21, $0xb8;
	v63 =	vld [tilespmem:$0x0]  }
0x3b: {  	s15 =	rddreg [dreg:$0x10]  }
0x3c: {  	[tilespmem:s21], [sflag:$0x4] =	stream.linear.gather [hbm4b:s15+s1], $0x80, $0x38;
	v63 =	vld [tilespmem:$0x0]  }
0x3d: {  	_ =	swait.ge [sflag:s31], $0x80  }
0x3e: {  	[sflag:s31] =	ssyncset.done $0x0  }
0x3f: {  	[sflag:s31] =	ssyncadd.s32 $0xFFFFFF80  }
0x40: {  	[tilespmem:s3], [sflag:$0x2] =	stream.indirect.gather [hbm4b:s24+s21], $0x80, s21, s21, $0xb8;
	v63 =	vld [tilespmem:$0x0]  }
0x41: {  	s16 =	rddreg [dreg:$0x11]  }
0x42: {  	[tilespmem:s2], [sflag:$0x4] =	stream.linear.gather [hbm4b:s16+s1], $0x80, $0x38;
	v63 =	vld [tilespmem:$0x0]  }
0x43: {  	_ =	swait.ge [sflag:s31], $0x80  }
0x44: {  	[sflag:s31] =	ssyncset.done $0x0  }
0x45: {  	[sflag:s31] =	ssyncadd.s32 $0xFFFFFF80  }
0x46: {  	[tilespmem:s4], [sflag:$0x4] =	stream.linear.gather [hbm4b:s17+s1], $0x80, $0x38;
	v63 =	vld [tilespmem:$0x0]  }
0x47: {  	_ =	swait.ge [sflag:s31], $0x80  }
0x48: {  	[sflag:s31] =	ssyncset.done $0x0  }
0x49: {  	[sflag:s31] =	ssyncadd.s32 $0xFFFFFF80  }
0x4a: {  	_ =	swait.ge [sflag:s8], $0x4000  }
0x4b: {  	[sflag:s8] =	ssyncset.done $0x0  }
0x4c: {  	[sflag:s8] =	ssyncadd.s32 $0xFFFFC000  }
0x4d: {  	[spmem:s23] =	stream.indirect.scatter.add.f32 [tilespmem:s0], [sflag:$0x4], $0x80, s2, s21, $0xb8;
	v63 =	vld [tilespmem:$0x0]  }
0x4e: {  	_ =	swait.ge [sflag:s31], $0x4000  }
0x4f: {  	[sflag:s31] =	ssyncset.done $0x0  }
0x50: {  	[sflag:s31] =	ssyncadd.s32 $0xFFFFC000  }
0x51: {  	_ =	swait.ge [sflag:s9], $0x4000  }
0x52: {  	[sflag:s9] =	ssyncset.done $0x0  }
0x53: {  	[sflag:s9] =	ssyncadd.s32 $0xFFFFC000  }
0x54: {  	[spmem:s23] =	stream.indirect.scatter.add.f32 [tilespmem:s3], [sflag:$0x4], $0x80, s4, s21, $0xb8;
	v63 =	vld [tilespmem:$0x0]  }
.LBB2_8:
0x55: {  	_ =	swait.ge [sflag:s31], $0x4000  }
0x56: {  	s11 =	sadd.s32 $0x1, s11;
	[sflag:s31] =	ssyncset.done $0x0  }
0x57: {  	p1 =	sne.s32 s11, s30;
	[sflag:s31] =	ssyncadd.s32 $0xFFFFC000  }
.Ltmp1:
0x58: {  	[bflag:$0x0] =	sbarrier.arrive $0xFFFF;
	(pc) =	sbr.rel @!p1 .LBB2_9-.Ltmp1, $4  }
0x59: {  	[hbm:s29], [sflag:s28] =	dma.local [spmem:s12], $0x2780  }
0x5a: {  	_ =	swait.ge [sflag:s31], $0x2780  }
0x5b: {  	[sflag:s31] =	ssyncset.done $0x0  }
0x5c: {  	[sflag:s31] =	ssyncadd.s32 $0xFFFFD880  }
.LBB2_1:
0x5d: {  	s12 =	sshrl.u32 s25, $0x3  }
0x5e: {  	[spmem:s12], [sflag:s28] =	dma.local [hbm:s26], $0x2780  }
.Ltmp2:
0x5f: {  	_ =	swait.ge [sflag:s31], $0x2780;
	(pc) =	sbr.rel @!p0 .LBB2_2-.Ltmp2, $4  }
0x60: {  	[sflag:s31] =	ssyncset.done $0x0  }
0x61: {  	[sflag:s31] =	ssyncadd.s32 $0xFFFFD880  }
0x62: {  	[bflag:$0x0] =	sbarrier.arrive $0xFFFF  }
0x63: {  	s13 =	simm.s32 $0x0  }
0x64: {  	s14 =	rddreg [dreg:$0x9]  }
0x65: {  	[tilespmem:s13], [sflag:$0x4] =	stream.linear.gather [hbm4b:s14+s13], $0x80, $0x38;
	v63 =	vld [tilespmem:$0x0]  }
0x66: {  	_ =	swait.ge [sflag:s31], $0x80  }
0x67: {  	[sflag:s31] =	ssyncset.done $0x0  }
0x68: {  	[sflag:s31] =	ssyncadd.s32 $0xFFFFFF80  }
0x69: {  	[tilespmem:s0], [sflag:$0x1] =	stream.indirect.gather [hbm4b:s24+s21], $0x80, s13, s21, $0xb8;
	v63 =	vld [tilespmem:$0x0]  }
0x6a: {  	s16 =	rddreg [dreg:$0xa]  }
0x6b: {  	[tilespmem:s2], [sflag:$0x4] =	stream.linear.gather [hbm4b:s16+s13], $0x80, $0x38;
	v63 =	vld [tilespmem:$0x0]  }
0x6c: {  	_ =	swait.ge [sflag:s31], $0x80  }
0x6d: {  	[sflag:s31] =	ssyncset.done $0x0  }
0x6e: {  	s15 =	rddreg [dreg:$0xb];
	[sflag:s31] =	ssyncadd.s32 $0xFFFFFF80  }
0x6f: {  	[tilespmem:s21], [sflag:$0x4] =	stream.linear.gather [hbm4b:s15+s13], $0x80, $0x38;
	v63 =	vld [tilespmem:$0x0]  }
0x70: {  	_ =	swait.ge [sflag:s31], $0x80  }
0x71: {  	[sflag:s31] =	ssyncset.done $0x0  }
0x72: {  	[sflag:s31] =	ssyncadd.s32 $0xFFFFFF80  }
0x73: {  	[tilespmem:s3], [sflag:$0x2] =	stream.indirect.gather [hbm4b:s24+s21], $0x80, s21, s21, $0xb8;
	v63 =	vld [tilespmem:$0x0]  }
0x74: {  	s16 =	rddreg [dreg:$0xc]  }
0x75: {  	[tilespmem:s4], [sflag:$0x4] =	stream.linear.gather [hbm4b:s16+s13], $0x80, $0x38;
	v63 =	vld [tilespmem:$0x0]  }
0x76: {  	_ =	swait.ge [sflag:s31], $0x80  }
0x77: {  	[sflag:s31] =	ssyncset.done $0x0  }
0x78: {  	s15 =	rddreg [dreg:$0xd];
	[sflag:s31] =	ssyncadd.s32 $0xFFFFFF80  }
0x79: {  	[tilespmem:s5], [sflag:$0x4] =	stream.linear.gather [hbm4b:s15+s13], $0x80, $0x38;
	v63 =	vld [tilespmem:$0x0]  }
0x7a: {  	_ =	swait.ge [sflag:s31], $0x80  }
0x7b: {  	[sflag:s31] =	ssyncset.done $0x0  }
0x7c: {  	[sflag:s31] =	ssyncadd.s32 $0xFFFFFF80  }
0x7d: {  	[tilespmem:s6], [sflag:$0x3] =	stream.indirect.gather [hbm4b:s24+s21], $0x80, s5, s21, $0xb8;
	v63 =	vld [tilespmem:$0x0]  }
0x7e: {  	s16 =	rddreg [dreg:$0xe]  }
0x7f: {  	[tilespmem:s7], [sflag:$0x4] =	stream.linear.gather [hbm4b:s16+s13], $0x80, $0x38;
	v63 =	vld [tilespmem:$0x0]  }
0x80: {  	_ =	swait.ge [sflag:s31], $0x80  }
0x81: {  	[sflag:s31] =	ssyncset.done $0x0  }
0x82: {  	[sflag:s31] =	ssyncadd.s32 $0xFFFFFF80  }
0x83: {  	_ =	swait.ge [sflag:s8], $0x4000  }
0x84: {  	[sflag:s8] =	ssyncset.done $0x0  }
0x85: {  	[sflag:s8] =	ssyncadd.s32 $0xFFFFC000  }
0x86: {  	[spmem:s23] =	stream.indirect.scatter.add.f32 [tilespmem:s0], [sflag:$0x4], $0x80, s2, s21, $0xb8;
	v63 =	vld [tilespmem:$0x0]  }
0x87: {  	_ =	swait.ge [sflag:s31], $0x4000  }
0x88: {  	s13 =	sadd.s32 $0x0, s22;
	[sflag:s31] =	ssyncset.done $0x0  }
0x89: {  	s15 =	sadd.s32 $0x7830, s13;
	[sflag:s31] =	ssyncadd.s32 $0xFFFFC000  }
0x8a: {  	[tilespmem:s1], [sflag:$0x4] =	stream.linear.gather [hbm4b:s15+s1], $0x80, $0x38;
	v63 =	vld [tilespmem:$0x0]  }
0x8b: {  	_ =	swait.ge [sflag:s31], $0x80  }
0x8c: {  	[sflag:s31] =	ssyncset.done $0x0  }
0x8d: {  	s14 =	sadd.s32 $0x0, s20;
	[sflag:s31] =	ssyncadd.s32 $0xFFFFFF80  }
0x8e: {  	[tilespmem:s0], [sflag:$0x1] =	stream.indirect.gather [hbm4b:s24+s21], $0x80, s1, s21, $0xb8;
	v63 =	vld [tilespmem:$0x0]  }
0x8f: {  	s15 =	sadd.s32 $0x7830, s14  }
0x90: {  	[tilespmem:s2], [sflag:$0x4] =	stream.linear.gather [hbm4b:s15+s1], $0x80, $0x38;
	v63 =	vld [tilespmem:$0x0]  }
0x91: {  	_ =	swait.ge [sflag:s31], $0x80  }
0x92: {  	[sflag:s31] =	ssyncset.done $0x0  }
0x93: {  	[sflag:s31] =	ssyncadd.s32 $0xFFFFFF80  }
0x94: {  	_ =	swait.ge [sflag:s9], $0x4000  }
0x95: {  	[sflag:s9] =	ssyncset.done $0x0  }
0x96: {  	[sflag:s9] =	ssyncadd.s32 $0xFFFFC000  }
0x97: {  	[spmem:s23] =	stream.indirect.scatter.add.f32 [tilespmem:s3], [sflag:$0x4], $0x80, s4, s21, $0xb8;
	v63 =	vld [tilespmem:$0x0]  }
0x98: {  	_ =	swait.ge [sflag:s31], $0x4000  }
0x99: {  	[sflag:s31] =	ssyncset.done $0x0  }
0x9a: {  	s16 =	sadd.s32 $0x7840, s13;
	[sflag:s31] =	ssyncadd.s32 $0xFFFFC000  }
0x9b: {  	[tilespmem:s21], [sflag:$0x4] =	stream.linear.gather [hbm4b:s16+s1], $0x80, $0x38;
	v63 =	vld [tilespmem:$0x0]  }
0x9c: {  	_ =	swait.ge [sflag:s31], $0x80  }
0x9d: {  	[sflag:s31] =	ssyncset.done $0x0  }
0x9e: {  	[sflag:s31] =	ssyncadd.s32 $0xFFFFFF80  }
0x9f: {  	[tilespmem:s3], [sflag:$0x2] =	stream.indirect.gather [hbm4b:s24+s21], $0x80, s21, s21, $0xb8;
	v63 =	vld [tilespmem:$0x0]  }
0xa0: {  	s16 =	sadd.s32 $0x7840, s14  }
0xa1: {  	[tilespmem:s4], [sflag:$0x4] =	stream.linear.gather [hbm4b:s16+s1], $0x80, $0x38;
	v63 =	vld [tilespmem:$0x0]  }
0xa2: {  	_ =	swait.ge [sflag:s31], $0x80  }
0xa3: {  	[sflag:s31] =	ssyncset.done $0x0  }
0xa4: {  	[sflag:s31] =	ssyncadd.s32 $0xFFFFFF80  }
0xa5: {  	_ =	swait.ge [sflag:s10], $0x4000  }
0xa6: {  	[sflag:s10] =	ssyncset.done $0x0  }
0xa7: {  	[sflag:s10] =	ssyncadd.s32 $0xFFFFC000  }
0xa8: {  	[spmem:s23] =	stream.indirect.scatter.add.f32 [tilespmem:s6], [sflag:$0x4], $0x80, s7, s21, $0xb8;
	v63 =	vld [tilespmem:$0x0]  }
0xa9: {  	_ =	swait.ge [sflag:s31], $0x4000  }
0xaa: {  	[sflag:s31] =	ssyncset.done $0x0  }
0xab: {  	s13 =	sadd.s32 $0x7850, s13;
	[sflag:s31] =	ssyncadd.s32 $0xFFFFC000  }
0xac: {  	[tilespmem:s5], [sflag:$0x4] =	stream.linear.gather [hbm4b:s13+s1], $0x80, $0x38;
	v63 =	vld [tilespmem:$0x0]  }
0xad: {  	_ =	swait.ge [sflag:s31], $0x80  }
0xae: {  	[sflag:s31] =	ssyncset.done $0x0  }
0xaf: {  	[sflag:s31] =	ssyncadd.s32 $0xFFFFFF80  }
0xb0: {  	[tilespmem:s6], [sflag:$0x3] =	stream.indirect.gather [hbm4b:s24+s21], $0x80, s5, s21, $0xb8;
	v63 =	vld [tilespmem:$0x0]  }
0xb1: {  	s16 =	sadd.s32 $0x7850, s14  }
0xb2: {  	[tilespmem:s7], [sflag:$0x4] =	stream.linear.gather [hbm4b:s16+s1], $0x80, $0x38;
	v63 =	vld [tilespmem:$0x0]  }
0xb3: {  	_ =	swait.ge [sflag:s31], $0x80  }
0xb4: {  	s13 =	simm.s32 $0x30;
	[sflag:s31] =	ssyncset.done $0x0  }
.LBB2_6:
0xb5: {  	p1 =	sne.s32 s13, $0x1E0  }
0xb6: {  	[sflag:s31] =	ssyncadd.s32 $0xFFFFFF80;
	s15 =	smov.u32 s13;
	s13 =	sadd.s32 $0x30, s13  }
0xb7: {  	_ = 	snop  }
0xb8: {  	_ =	swait.ge [sflag:s8], $0x4000  }
0xb9: {  	[sflag:s8] =	ssyncset.done $0x0  }
0xba: {  	[sflag:s8] =	ssyncadd.s32 $0xFFFFC000  }
0xbb: {  	[spmem:s23] =	stream.indirect.scatter.add.f32 [tilespmem:s0], [sflag:$0x4], $0x80, s2, s21, $0xb8;
	v63 =	vld [tilespmem:$0x0]  }
0xbc: {  	_ =	swait.ge [sflag:s31], $0x4000  }
0xbd: {  	s14 =	sadd.s32 s15, s22;
	[sflag:s31] =	ssyncset.done $0x0  }
0xbe: {  	s16 =	sadd.s32 $0x7830, s14;
	[sflag:s31] =	ssyncadd.s32 $0xFFFFC000  }
0xbf: {  	[tilespmem:s1], [sflag:$0x4] =	stream.linear.gather [hbm4b:s16+s1], $0x80, $0x38;
	v63 =	vld [tilespmem:$0x0]  }
0xc0: {  	_ =	swait.ge [sflag:s31], $0x80  }
0xc1: {  	[sflag:s31] =	ssyncset.done $0x0  }
0xc2: {  	s15 =	sadd.s32 s15, s20;
	[sflag:s31] =	ssyncadd.s32 $0xFFFFFF80  }
0xc3: {  	[tilespmem:s0], [sflag:$0x1] =	stream.indirect.gather [hbm4b:s24+s21], $0x80, s1, s21, $0xb8;
	v63 =	vld [tilespmem:$0x0]  }
0xc4: {  	s16 =	sadd.s32 $0x7830, s15  }
0xc5: {  	[tilespmem:s2], [sflag:$0x4] =	stream.linear.gather [hbm4b:s16+s1], $0x80, $0x38;
	v63 =	vld [tilespmem:$0x0]  }
0xc6: {  	_ =	swait.ge [sflag:s31], $0x80  }
0xc7: {  	[sflag:s31] =	ssyncset.done $0x0  }
0xc8: {  	[sflag:s31] =	ssyncadd.s32 $0xFFFFFF80  }
0xc9: {  	_ =	swait.ge [sflag:s9], $0x4000  }
0xca: {  	[sflag:s9] =	ssyncset.done $0x0  }
0xcb: {  	[sflag:s9] =	ssyncadd.s32 $0xFFFFC000  }
0xcc: {  	[spmem:s23] =	stream.indirect.scatter.add.f32 [tilespmem:s3], [sflag:$0x4], $0x80, s4, s21, $0xb8;
	v63 =	vld [tilespmem:$0x0]  }
0xcd: {  	_ =	swait.ge [sflag:s31], $0x4000  }
0xce: {  	[sflag:s31] =	ssyncset.done $0x0  }
0xcf: {  	s16 =	sadd.s32 $0x7840, s14;
	[sflag:s31] =	ssyncadd.s32 $0xFFFFC000  }
0xd0: {  	[tilespmem:s21], [sflag:$0x4] =	stream.linear.gather [hbm4b:s16+s1], $0x80, $0x38;
	v63 =	vld [tilespmem:$0x0]  }
0xd1: {  	_ =	swait.ge [sflag:s31], $0x80  }
0xd2: {  	[sflag:s31] =	ssyncset.done $0x0  }
0xd3: {  	[sflag:s31] =	ssyncadd.s32 $0xFFFFFF80  }
0xd4: {  	[tilespmem:s3], [sflag:$0x2] =	stream.indirect.gather [hbm4b:s24+s21], $0x80, s21, s21, $0xb8;
	v63 =	vld [tilespmem:$0x0]  }
0xd5: {  	s16 =	sadd.s32 $0x7840, s15  }
0xd6: {  	[tilespmem:s4], [sflag:$0x4] =	stream.linear.gather [hbm4b:s16+s1], $0x80, $0x38;
	v63 =	vld [tilespmem:$0x0]  }
0xd7: {  	_ =	swait.ge [sflag:s31], $0x80  }
0xd8: {  	[sflag:s31] =	ssyncset.done $0x0  }
0xd9: {  	[sflag:s31] =	ssyncadd.s32 $0xFFFFFF80  }
0xda: {  	_ =	swait.ge [sflag:s10], $0x4000  }
0xdb: {  	[sflag:s10] =	ssyncset.done $0x0  }
0xdc: {  	[sflag:s10] =	ssyncadd.s32 $0xFFFFC000  }
0xdd: {  	[spmem:s23] =	stream.indirect.scatter.add.f32 [tilespmem:s6], [sflag:$0x4], $0x80, s7, s21, $0xb8;
	v63 =	vld [tilespmem:$0x0]  }
0xde: {  	_ =	swait.ge [sflag:s31], $0x4000  }
0xdf: {  	[sflag:s31] =	ssyncset.done $0x0  }
0xe0: {  	s14 =	sadd.s32 $0x7850, s14;
	[sflag:s31] =	ssyncadd.s32 $0xFFFFC000  }
0xe1: {  	[tilespmem:s5], [sflag:$0x4] =	stream.linear.gather [hbm4b:s14+s1], $0x80, $0x38;
	v63 =	vld [tilespmem:$0x0]  }
0xe2: {  	_ =	swait.ge [sflag:s31], $0x80  }
0xe3: {  	[sflag:s31] =	ssyncset.done $0x0  }
0xe4: {  	[sflag:s31] =	ssyncadd.s32 $0xFFFFFF80  }
0xe5: {  	[tilespmem:s6], [sflag:$0x3] =	stream.indirect.gather [hbm4b:s24+s21], $0x80, s5, s21, $0xb8;
	v63 =	vld [tilespmem:$0x0]  }
.Ltmp3:
0xe6: {  	_ = 	snop;
	(pc) =	sbr.rel @p1 .LBB2_6-.Ltmp3, $4  }
0xe7: {  	s14 =	sadd.s32 $0x7850, s15  }
0xe8: {  	[tilespmem:s7], [sflag:$0x4] =	stream.linear.gather [hbm4b:s14+s1], $0x80, $0x38;
	v63 =	vld [tilespmem:$0x0]  }
0xe9: {  	_ =	swait.ge [sflag:s31], $0x80  }
0xea: {  	[sflag:s31] =	ssyncset.done $0x0  }
.Ltmp4:
0xeb: {  	_ = 	snop;
	(pc) =	sbr.rel .LBB2_7-.Ltmp4, $1  }
0xec: {  	_ =	sdelay $0x3  }
.LBB2_2:
0xed: {  	s14 =	rddreg [dreg:$0x3]  }
0xee: {  	[tilespmem:s13], [sflag:$0x4] =	stream.linear.gather [hbm4b:s14+s13], $0x80, $0x38;
	v63 =	vld [tilespmem:$0x0]  }
0xef: {  	_ =	swait.ge [sflag:s31], $0x80  }
0xf0: {  	[sflag:s31] =	ssyncset.done $0x0  }
0xf1: {  	[sflag:s31] =	ssyncadd.s32 $0xFFFFFF80  }
0xf2: {  	[tilespmem:s0], [sflag:$0x1] =	stream.indirect.gather [hbm4b:s24+s21], $0x80, s13, s21, $0xb8;
	v63 =	vld [tilespmem:$0x0]  }
0xf3: {  	s16 =	rddreg [dreg:$0x4]  }
0xf4: {  	[tilespmem:s2], [sflag:$0x4] =	stream.linear.gather [hbm4b:s16+s13], $0x80, $0x38;
	v63 =	vld [tilespmem:$0x0]  }
0xf5: {  	_ =	swait.ge [sflag:s31], $0x80  }
0xf6: {  	[sflag:s31] =	ssyncset.done $0x0  }
0xf7: {  	s15 =	rddreg [dreg:$0x5];
	[sflag:s31] =	ssyncadd.s32 $0xFFFFFF80  }
0xf8: {  	[tilespmem:s21], [sflag:$0x4] =	stream.linear.gather [hbm4b:s15+s13], $0x80, $0x38;
	v63 =	vld [tilespmem:$0x0]  }
0xf9: {  	_ =	swait.ge [sflag:s31], $0x80  }
0xfa: {  	[sflag:s31] =	ssyncset.done $0x0  }
0xfb: {  	[sflag:s31] =	ssyncadd.s32 $0xFFFFFF80  }
0xfc: {  	[tilespmem:s3], [sflag:$0x2] =	stream.indirect.gather [hbm4b:s24+s21], $0x80, s21, s21, $0xb8;
	v63 =	vld [tilespmem:$0x0]  }
0xfd: {  	s16 =	rddreg [dreg:$0x6]  }
0xfe: {  	[tilespmem:s4], [sflag:$0x4] =	stream.linear.gather [hbm4b:s16+s13], $0x80, $0x38;
	v63 =	vld [tilespmem:$0x0]  }
0xff: {  	_ =	swait.ge [sflag:s31], $0x80  }
0x100: {  	[sflag:s31] =	ssyncset.done $0x0  }
0x101: {  	s15 =	rddreg [dreg:$0x7];
	[sflag:s31] =	ssyncadd.s32 $0xFFFFFF80  }
0x102: {  	[tilespmem:s5], [sflag:$0x4] =	stream.linear.gather [hbm4b:s15+s13], $0x80, $0x38;
	v63 =	vld [tilespmem:$0x0]  }
0x103: {  	_ =	swait.ge [sflag:s31], $0x80  }
0x104: {  	[sflag:s31] =	ssyncset.done $0x0  }
0x105: {  	[sflag:s31] =	ssyncadd.s32 $0xFFFFFF80  }
0x106: {  	[tilespmem:s6], [sflag:$0x3] =	stream.indirect.gather [hbm4b:s24+s21], $0x80, s5, s21, $0xb8;
	v63 =	vld [tilespmem:$0x0]  }
0x107: {  	s16 =	rddreg [dreg:$0x8]  }
0x108: {  	[tilespmem:s7], [sflag:$0x4] =	stream.linear.gather [hbm4b:s16+s13], $0x80, $0x38;
	v63 =	vld [tilespmem:$0x0]  }
0x109: {  	_ =	swait.ge [sflag:s31], $0x80  }
0x10a: {  	[sflag:s31] =	ssyncset.done $0x0  }
0x10b: {  	[sflag:s31] =	ssyncadd.s32 $0xFFFFFF80  }
0x10c: {  	_ =	swait.ge [sflag:s8], $0x4000  }
0x10d: {  	[sflag:s8] =	ssyncset.done $0x0  }
0x10e: {  	[sflag:s8] =	ssyncadd.s32 $0xFFFFC000  }
0x10f: {  	[spmem:s23] =	stream.indirect.scatter.add.f32 [tilespmem:s0], [sflag:$0x4], $0x80, s2, s21, $0xb8;
	v63 =	vld [tilespmem:$0x0]  }
0x110: {  	_ =	swait.ge [sflag:s31], $0x4000  }
0x111: {  	s13 =	sadd.s32 $0x0, s19;
	[sflag:s31] =	ssyncset.done $0x0  }
0x112: {  	s15 =	sadd.s32 $0x30, s13;
	[sflag:s31] =	ssyncadd.s32 $0xFFFFC000  }
0x113: {  	[tilespmem:s1], [sflag:$0x4] =	stream.linear.gather [hbm4b:s15+s1], $0x80, $0x38;
	v63 =	vld [tilespmem:$0x0]  }
0x114: {  	_ =	swait.ge [sflag:s31], $0x80  }
0x115: {  	[sflag:s31] =	ssyncset.done $0x0  }
0x116: {  	s14 =	sadd.s32 $0x0, s18;
	[sflag:s31] =	ssyncadd.s32 $0xFFFFFF80  }
0x117: {  	[tilespmem:s0], [sflag:$0x1] =	stream.indirect.gather [hbm4b:s24+s21], $0x80, s1, s21, $0xb8;
	v63 =	vld [tilespmem:$0x0]  }
0x118: {  	s15 =	sadd.s32 $0x30, s14  }
0x119: {  	[tilespmem:s2], [sflag:$0x4] =	stream.linear.gather [hbm4b:s15+s1], $0x80, $0x38;
	v63 =	vld [tilespmem:$0x0]  }
0x11a: {  	_ =	swait.ge [sflag:s31], $0x80  }
0x11b: {  	[sflag:s31] =	ssyncset.done $0x0  }
0x11c: {  	[sflag:s31] =	ssyncadd.s32 $0xFFFFFF80  }
0x11d: {  	_ =	swait.ge [sflag:s9], $0x4000  }
0x11e: {  	[sflag:s9] =	ssyncset.done $0x0  }
0x11f: {  	[sflag:s9] =	ssyncadd.s32 $0xFFFFC000  }
0x120: {  	[spmem:s23] =	stream.indirect.scatter.add.f32 [tilespmem:s3], [sflag:$0x4], $0x80, s4, s21, $0xb8;
	v63 =	vld [tilespmem:$0x0]  }
0x121: {  	_ =	swait.ge [sflag:s31], $0x4000  }
0x122: {  	[sflag:s31] =	ssyncset.done $0x0  }
0x123: {  	s16 =	sadd.s32 $0x40, s13;
	[sflag:s31] =	ssyncadd.s32 $0xFFFFC000  }
0x124: {  	[tilespmem:s21], [sflag:$0x4] =	stream.linear.gather [hbm4b:s16+s1], $0x80, $0x38;
	v63 =	vld [tilespmem:$0x0]  }
0x125: {  	_ =	swait.ge [sflag:s31], $0x80  }
0x126: {  	[sflag:s31] =	ssyncset.done $0x0  }
0x127: {  	[sflag:s31] =	ssyncadd.s32 $0xFFFFFF80  }
0x128: {  	[tilespmem:s3], [sflag:$0x2] =	stream.indirect.gather [hbm4b:s24+s21], $0x80, s21, s21, $0xb8;
	v63 =	vld [tilespmem:$0x0]  }
0x129: {  	s16 =	sadd.s32 $0x40, s14  }
0x12a: {  	[tilespmem:s4], [sflag:$0x4] =	stream.linear.gather [hbm4b:s16+s1], $0x80, $0x38;
	v63 =	vld [tilespmem:$0x0]  }
0x12b: {  	_ =	swait.ge [sflag:s31], $0x80  }
0x12c: {  	[sflag:s31] =	ssyncset.done $0x0  }
0x12d: {  	[sflag:s31] =	ssyncadd.s32 $0xFFFFFF80  }
0x12e: {  	_ =	swait.ge [sflag:s10], $0x4000  }
0x12f: {  	[sflag:s10] =	ssyncset.done $0x0  }
0x130: {  	[sflag:s10] =	ssyncadd.s32 $0xFFFFC000  }
0x131: {  	[spmem:s23] =	stream.indirect.scatter.add.f32 [tilespmem:s6], [sflag:$0x4], $0x80, s7, s21, $0xb8;
	v63 =	vld [tilespmem:$0x0]  }
0x132: {  	_ =	swait.ge [sflag:s31], $0x4000  }
0x133: {  	[sflag:s31] =	ssyncset.done $0x0  }
0x134: {  	s13 =	sadd.s32 $0x50, s13;
	[sflag:s31] =	ssyncadd.s32 $0xFFFFC000  }
0x135: {  	[tilespmem:s5], [sflag:$0x4] =	stream.linear.gather [hbm4b:s13+s1], $0x80, $0x38;
	v63 =	vld [tilespmem:$0x0]  }
0x136: {  	_ =	swait.ge [sflag:s31], $0x80  }
0x137: {  	[sflag:s31] =	ssyncset.done $0x0  }
0x138: {  	[sflag:s31] =	ssyncadd.s32 $0xFFFFFF80  }
0x139: {  	[tilespmem:s6], [sflag:$0x3] =	stream.indirect.gather [hbm4b:s24+s21], $0x80, s5, s21, $0xb8;
	v63 =	vld [tilespmem:$0x0]  }
0x13a: {  	s16 =	sadd.s32 $0x50, s14  }
0x13b: {  	[tilespmem:s7], [sflag:$0x4] =	stream.linear.gather [hbm4b:s16+s1], $0x80, $0x38;
	v63 =	vld [tilespmem:$0x0]  }
0x13c: {  	_ =	swait.ge [sflag:s31], $0x80  }
0x13d: {  	s13 =	simm.s32 $0x30;
	[sflag:s31] =	ssyncset.done $0x0  }
.LBB2_3:
0x13e: {  	p1 =	sne.s32 s13, $0x720  }
0x13f: {  	[sflag:s31] =	ssyncadd.s32 $0xFFFFFF80;
	s15 =	smov.u32 s13;
	s13 =	sadd.s32 $0x30, s13  }
0x140: {  	_ = 	snop  }
0x141: {  	_ =	swait.ge [sflag:s8], $0x4000  }
0x142: {  	[sflag:s8] =	ssyncset.done $0x0  }
0x143: {  	[sflag:s8] =	ssyncadd.s32 $0xFFFFC000  }
0x144: {  	[spmem:s23] =	stream.indirect.scatter.add.f32 [tilespmem:s0], [sflag:$0x4], $0x80, s2, s21, $0xb8;
	v63 =	vld [tilespmem:$0x0]  }
0x145: {  	_ =	swait.ge [sflag:s31], $0x4000  }
0x146: {  	s14 =	sadd.s32 s15, s19;
	[sflag:s31] =	ssyncset.done $0x0  }
0x147: {  	s16 =	sadd.s32 $0x30, s14;
	[sflag:s31] =	ssyncadd.s32 $0xFFFFC000  }
0x148: {  	[tilespmem:s1], [sflag:$0x4] =	stream.linear.gather [hbm4b:s16+s1], $0x80, $0x38;
	v63 =	vld [tilespmem:$0x0]  }
0x149: {  	_ =	swait.ge [sflag:s31], $0x80  }
0x14a: {  	[sflag:s31] =	ssyncset.done $0x0  }
0x14b: {  	s15 =	sadd.s32 s15, s18;
	[sflag:s31] =	ssyncadd.s32 $0xFFFFFF80  }
0x14c: {  	[tilespmem:s0], [sflag:$0x1] =	stream.indirect.gather [hbm4b:s24+s21], $0x80, s1, s21, $0xb8;
	v63 =	vld [tilespmem:$0x0]  }
0x14d: {  	s16 =	sadd.s32 $0x30, s15  }
0x14e: {  	[tilespmem:s2], [sflag:$0x4] =	stream.linear.gather [hbm4b:s16+s1], $0x80, $0x38;
	v63 =	vld [tilespmem:$0x0]  }
0x14f: {  	_ =	swait.ge [sflag:s31], $0x80  }
0x150: {  	[sflag:s31] =	ssyncset.done $0x0  }
0x151: {  	[sflag:s31] =	ssyncadd.s32 $0xFFFFFF80  }
0x152: {  	_ =	swait.ge [sflag:s9], $0x4000  }
0x153: {  	[sflag:s9] =	ssyncset.done $0x0  }
0x154: {  	[sflag:s9] =	ssyncadd.s32 $0xFFFFC000  }
0x155: {  	[spmem:s23] =	stream.indirect.scatter.add.f32 [tilespmem:s3], [sflag:$0x4], $0x80, s4, s21, $0xb8;
	v63 =	vld [tilespmem:$0x0]  }
0x156: {  	_ =	swait.ge [sflag:s31], $0x4000  }
0x157: {  	[sflag:s31] =	ssyncset.done $0x0  }
0x158: {  	s16 =	sadd.s32 $0x40, s14;
	[sflag:s31] =	ssyncadd.s32 $0xFFFFC000  }
0x159: {  	[tilespmem:s21], [sflag:$0x4] =	stream.linear.gather [hbm4b:s16+s1], $0x80, $0x38;
	v63 =	vld [tilespmem:$0x0]  }
0x15a: {  	_ =	swait.ge [sflag:s31], $0x80  }
0x15b: {  	[sflag:s31] =	ssyncset.done $0x0  }
0x15c: {  	[sflag:s31] =	ssyncadd.s32 $0xFFFFFF80  }
0x15d: {  	[tilespmem:s3], [sflag:$0x2] =	stream.indirect.gather [hbm4b:s24+s21], $0x80, s21, s21, $0xb8;
	v63 =	vld [tilespmem:$0x0]  }
0x15e: {  	s16 =	sadd.s32 $0x40, s15  }
0x15f: {  	[tilespmem:s4], [sflag:$0x4] =	stream.linear.gather [hbm4b:s16+s1], $0x80, $0x38;
	v63 =	vld [tilespmem:$0x0]  }
0x160: {  	_ =	swait.ge [sflag:s31], $0x80  }
0x161: {  	[sflag:s31] =	ssyncset.done $0x0  }
0x162: {  	[sflag:s31] =	ssyncadd.s32 $0xFFFFFF80  }
0x163: {  	_ =	swait.ge [sflag:s10], $0x4000  }
0x164: {  	[sflag:s10] =	ssyncset.done $0x0  }
0x165: {  	[sflag:s10] =	ssyncadd.s32 $0xFFFFC000  }
0x166: {  	[spmem:s23] =	stream.indirect.scatter.add.f32 [tilespmem:s6], [sflag:$0x4], $0x80, s7, s21, $0xb8;
	v63 =	vld [tilespmem:$0x0]  }
0x167: {  	_ =	swait.ge [sflag:s31], $0x4000  }
0x168: {  	[sflag:s31] =	ssyncset.done $0x0  }
0x169: {  	s14 =	sadd.s32 $0x50, s14;
	[sflag:s31] =	ssyncadd.s32 $0xFFFFC000  }
0x16a: {  	[tilespmem:s5], [sflag:$0x4] =	stream.linear.gather [hbm4b:s14+s1], $0x80, $0x38;
	v63 =	vld [tilespmem:$0x0]  }
0x16b: {  	_ =	swait.ge [sflag:s31], $0x80  }
0x16c: {  	[sflag:s31] =	ssyncset.done $0x0  }
0x16d: {  	[sflag:s31] =	ssyncadd.s32 $0xFFFFFF80  }
0x16e: {  	[tilespmem:s6], [sflag:$0x3] =	stream.indirect.gather [hbm4b:s24+s21], $0x80, s5, s21, $0xb8;
	v63 =	vld [tilespmem:$0x0]  }
.Ltmp5:
0x16f: {  	_ = 	snop;
	(pc) =	sbr.rel @p1 .LBB2_3-.Ltmp5, $4  }
0x170: {  	s14 =	sadd.s32 $0x50, s15  }
0x171: {  	[tilespmem:s7], [sflag:$0x4] =	stream.linear.gather [hbm4b:s14+s1], $0x80, $0x38;
	v63 =	vld [tilespmem:$0x0]  }
0x172: {  	_ =	swait.ge [sflag:s31], $0x80  }
0x173: {  	[sflag:s31] =	ssyncset.done $0x0  }
0x174: {  	[sflag:s31] =	ssyncadd.s32 $0xFFFFFF80  }
0x175: {  	_ =	swait.ge [sflag:s8], $0x4000  }
0x176: {  	[sflag:s8] =	ssyncset.done $0x0  }
0x177: {  	[sflag:s8] =	ssyncadd.s32 $0xFFFFC000  }
0x178: {  	[spmem:s23] =	stream.indirect.scatter.add.f32 [tilespmem:s0], [sflag:$0x4], $0x80, s2, s21, $0xb8;
	v63 =	vld [tilespmem:$0x0]  }
0x179: {  	_ =	swait.ge [sflag:s31], $0x4000  }
0x17a: {  	[sflag:s31] =	ssyncset.done $0x0  }
0x17b: {  	[sflag:s31] =	ssyncadd.s32 $0xFFFFC000  }
0x17c: {  	_ =	swait.ge [sflag:s9], $0x4000  }
0x17d: {  	[sflag:s9] =	ssyncset.done $0x0  }
0x17e: {  	[sflag:s9] =	ssyncadd.s32 $0xFFFFC000  }
0x17f: {  	[spmem:s23] =	stream.indirect.scatter.add.f32 [tilespmem:s3], [sflag:$0x4], $0x80, s4, s21, $0xb8;
	v63 =	vld [tilespmem:$0x0]  }
0x180: {  	_ =	swait.ge [sflag:s31], $0x4000  }
0x181: {  	[sflag:s31] =	ssyncset.done $0x0  }
.Ltmp6:
0x182: {  	[sflag:s31] =	ssyncadd.s32 $0xFFFFC000;
	(pc) =	sbr.rel .LBB2_8-.Ltmp6, $4  }
0x183: {  	_ =	swait.ge [sflag:s10], $0x4000  }
0x184: {  	[sflag:s10] =	ssyncset.done $0x0  }
0x185: {  	[sflag:s10] =	ssyncadd.s32 $0xFFFFC000  }
0x186: {  	[spmem:s23] =	stream.indirect.scatter.add.f32 [tilespmem:s6], [sflag:$0x4], $0x80, s7, s21, $0xb8;
	v63 =	vld [tilespmem:$0x0]  }
.LBB2_9:
0x187: {  	_ =	sfence.sel $0x180000  }
0x188: {  	[bflag:$0x0] =	sbarrier.arrive $0xFFFF  }
0x189: {  	_ =	strace $0x9000004A  }
0x18a: {  	s0 =	stileid.u32;
	[bflag:$0x2] =	sbarrier.arrive $0xFFFF  }
0x18b: {  	p0 =	sne.s32 s0, $0x0;
	s0 =	rddreg [dreg:$0x2]  }
0x18c: {  	s0 =	sadd.s32 @!p0 $0x100000, s0  }
0x18d: {  	[sflag:s0] =	ssyncadd.tile.s32 @!p0 $0x1;
	_ =	shalt  }
.Lfunc_end2:
_tile_overlayer_lowered:
.L_overlay_start_2:
0x18e: {  	(tag) =	ssettag $0x2  }
0x18f: {  	s0 =	rddreg [dreg:$0x0];
	s2 =	stileid.u32  }
0x190: {  	s1 =	rddreg [dreg:$0x1];
	p0 =	sne.s32 s2, $0x0  }
0x191: {  	s3 =	rddreg [dreg:$0x2];
	[bflag:$0x3] =	sbarrier.arrive $0xFFFF;
	s2 =	simm.s32 @!p0 $0x1C04  }
0x192: {  	[timem:s3], [sflag:s2] =	dma.local @!p0 [hbm:s0], s1  }
0x193: {  	s0 =	simm.s32 @!p0 $0x4  }
0x194: {  	_ =	swait.ge @!p0 [sflag:s0], s1  }
0x195: {  	s1 =	ssub.s32 @!p0 $0x0, s1;
	[sflag:s0] =	ssyncset.done @!p0 $0x0  }
0x196: {  	[sflag:s0] =	ssyncadd.s32 @!p0 s1  }
0x197: {  	[bflag:$0x3] =	sbarrier.arrive $0xFFFF  }
0x198: {  	_ =	shalt  }

// kernel: kernel.15.cloned.1.call-start
scs
__scs_entry_jumppad:
0x0: {  	(pc) =	sbr.rel $0x88, $3  }
0x1: {  	(tag) =	ssettag $0x0;
	lr =	simm.s32 $0x1  }
0x2: {  	[smem:$0x3F96] =	sst lr;
	_ =	strace $0xD0000000  }
0x3: {  	_ = 	snop  }
0x4: {  	_ = 	snop  }
0x5: {  	_ = 	snop  }
0x6: {  	_ = 	snop  }
0x7: {  	_ = 	snop  }
__scs_overlays_trampoline_lowered:
0x8: {  	[smem:$0x3FA5] =	sst s0  }
0x9: {  	[smem:$0x3FA6] =	sst s1  }
0xa: {  	[smem:$0x3FA7] =	sst s2  }
0xb: {  	[smem:$0x3FA8] =	sst s3  }
0xc: {  	[smem:$0x3FA9] =	sst s4  }
0xd: {  	[smem:$0x3FAA] =	sst s5  }
0xe: {  	[smem:$0x3FAB] =	sst s6  }
0xf: {  	[smem:$0x3FAC] =	sst s7  }
0x10: {  	[smem:$0x3FAD] =	sst s8  }
0x11: {  	[smem:$0x3FAE] =	sst s9;
	s0 =	simm.s32 @!p0 $0x0  }
0x12: {  	s1 =	sld [smem:$0x3F94];
	s0 =	simm.s32 @p0 $0x1  }
0x13: {  	[smem:$0x3FAF] =	sst s0;
	s0 =	simm.s32 @!p1 $0x0  }
0x14: {  	s2 =	sld [smem:$0x3F93];
	s0 =	simm.s32 @p1 $0x1  }
0x15: {  	[smem:$0x3FB0] =	sst s0;
	s0 =	simm.s32 @!p2 $0x0  }
0x16: {  	s3 =	sld [smem:$0x3FDB];
	s0 =	simm.s32 @p2 $0x1  }
0x17: {  	s4 =	simm.s32 $0x1BF5;
	[smem:$0x3FB2] =	sst s0  }
0x18: {  	s0 =	sld [smem:$0x3F95];
	_ =	swait.ge [sflag:s4], $0x0  }
0x19: {  	s7 =	sld [smem:$0x3F96]  }
0x1a: {  	s8 =	sadd.s32 $0xFFFFE003, lr  }
0x1b: {  	s9 =	sadd.s32 $0xFFFFFEF7, lr;
	s5 =	simm.s32 $0xFFFFFFFF;
	p2 =	slt.u32 s8, $0xFFFFF086  }
0x1c: {  	p1 =	slt.u32 s9, $0xF7A;
	s5 =	simm.s32 @!p2 $0x0  }
0x1d: {  	s5 =	simm.s32 @p1 $0x1;
	p0 =	seq.s32 s7, s2  }
0x1e: {  	s7 =	smul.u32 @!p0 $0xF7A, s2;
	p2 =	seq.s32 @!p0 s5, $0x0  }
0x1f: {  	s9 =	smul.u32 $0xF7A, s1;
	s8 =	simm.s32 @!p0 $0x1BF5;
	p2 =	por !p2, p0  }
0x20: {  	[sflag:s8] =	ssyncset.s32 @!p0 $0xFFFFF086;
	s6 =	sadd.s32 @!p0 s3, s7;
	s7 =	simm.s32 @!p0 $0x108  }
0x21: {  	s3 =	sadd.s32 s3, s9;
	s6 =	sadd.s32 @!p0 $0x88, s6;
	s7 =	simm.s32 @p2 $0x1082  }
0x22: {  	[simem:s7], [sflag:s8] =	dma.local @!p0 [hbm:s6], $0xF7A  }
0x23: {  	s9 =	sor.u32 $0xD0000000, s2;
	s6 =	simm.s32 $0x108;
	_ =	swait.ge @!p0 [sflag:s8], $0x0  }
0x24: {  	s3 =	sadd.s32 $0x88, s3;
	s6 =	simm.s32 @!p1 $0x1082;
	[sflag:s4] =	ssyncset.s32 $0xFFFFF086  }
0x25: {  	[simem:s6], [sflag:s4] =	dma.local [hbm:s3], $0xF7A  }
0x26: {  	[smem:$0x3F96] =	sst s1;
	(tag) =	ssettag s2;
	_ =	strace s9  }
0x27: {  	s1 =	sld [smem:$0x3FA6]  }
0x28: {  	s2 =	sld [smem:$0x3FA7]  }
0x29: {  	s4 =	sld [smem:$0x3FA9]  }
0x2a: {  	p0 =	seq.s32 s5, $0x0;
	s5 =	sld [smem:$0x3FAA]  }
0x2b: {  	s6 =	sld [smem:$0x3FAB]  }
0x2c: {  	s7 =	sld [smem:$0x3FAC]  }
0x2d: {  	s3 =	simm.s32 $0x108;
	s8 =	sld [smem:$0x3FAD]  }
0x2e: {  	s3 =	simm.s32 @!p0 $0x1082;
	s9 =	sld [smem:$0x3FAE]  }
0x2f: {  	lr =	sadd.s32 s0, s3;
	s0 =	sld [smem:$0x3FA5]  }
0x30: {  	s3 =	sld [smem:$0x3FA8]  }
0x31: {  	[smem:$0x3FB1] =	sst s10  }
0x32: {  	s10 =	sld [smem:$0x3FAF];
	_ =	sdelay $0x3  }
0x33: {  	p0 =	seq.s32 s10, $0x1;
	s10 =	sld [smem:$0x3FB1];
	_ =	sdelay $0x3  }
0x34: {  	[smem:$0x3FB1] =	sst s10  }
0x35: {  	s10 =	sld [smem:$0x3FB0];
	_ =	sdelay $0x3  }
0x36: {  	p1 =	seq.s32 s10, $0x1;
	s10 =	sld [smem:$0x3FB1];
	_ =	sdelay $0x3  }
0x37: {  	[smem:$0x3FB1] =	sst s10  }
0x38: {  	s10 =	sld [smem:$0x3FB2]  }
0x39: {  	_ = 	snop;
	(pc) =	sbr.ind lr, $3  }
0x3a: {  	_ = 	snop  }
0x3b: {  	_ = 	snop  }
0x3c: {  	p2 =	seq.s32 s10, $0x1;
	s10 =	sld [smem:$0x3FB1]  }
0x3d: {  	_ =	shalt  }
0x3e: {  	_ =	shalt  }
0x3f: {  	_ =	shalt  }
0x40: {  	_ =	shalt  }
0x41: {  	_ =	shalt  }
0x42: {  	_ =	shalt  }
0x43: {  	_ =	shalt  }
0x44: {  	_ =	shalt  }
0x45: {  	_ =	shalt  }
0x46: {  	_ =	shalt  }
0x47: {  	_ =	shalt  }
0x48: {  	_ =	shalt  }
0x49: {  	_ =	shalt  }
0x4a: {  	_ =	shalt  }
0x4b: {  	_ =	shalt  }
0x4c: {  	_ =	shalt  }
0x4d: {  	_ =	shalt  }
0x4e: {  	_ =	shalt  }
0x4f: {  	_ =	shalt  }
0x50: {  	_ =	shalt  }
0x51: {  	_ =	shalt  }
0x52: {  	_ =	shalt  }
0x53: {  	_ =	shalt  }
0x54: {  	_ =	shalt  }
0x55: {  	_ =	shalt  }
0x56: {  	_ =	shalt  }
0x57: {  	_ =	shalt  }
0x58: {  	_ =	shalt  }
0x59: {  	_ =	shalt  }
0x5a: {  	_ =	shalt  }
0x5b: {  	_ =	shalt  }
0x5c: {  	_ =	shalt  }
0x5d: {  	_ =	shalt  }
0x5e: {  	_ =	shalt  }
0x5f: {  	_ =	shalt  }
0x60: {  	_ =	shalt  }
0x61: {  	_ =	shalt  }
0x62: {  	_ =	shalt  }
0x63: {  	_ =	shalt  }
0x64: {  	_ =	shalt  }
0x65: {  	_ =	shalt  }
0x66: {  	_ =	shalt  }
0x67: {  	_ =	shalt  }
0x68: {  	_ =	shalt  }
0x69: {  	_ =	shalt  }
0x6a: {  	_ =	shalt  }
0x6b: {  	_ =	shalt  }
0x6c: {  	_ =	shalt  }
0x6d: {  	_ =	shalt  }
0x6e: {  	_ =	shalt  }
0x6f: {  	_ =	shalt  }
0x70: {  	_ =	shalt  }
0x71: {  	_ =	shalt  }
0x72: {  	_ =	shalt  }
0x73: {  	_ =	shalt  }
0x74: {  	_ =	shalt  }
0x75: {  	_ =	shalt  }
0x76: {  	_ =	shalt  }
0x77: {  	_ =	shalt  }
0x78: {  	_ =	shalt  }
0x79: {  	_ =	shalt  }
0x7a: {  	_ =	shalt  }
0x7b: {  	_ =	shalt  }
0x7c: {  	_ =	shalt  }
0x7d: {  	_ =	shalt  }
0x7e: {  	_ =	shalt  }
0x7f: {  	_ =	shalt  }
0x80: {  	_ =	shalt  }
0x81: {  	_ =	shalt  }
0x82: {  	_ =	shalt  }
0x83: {  	_ =	shalt  }
0x84: {  	_ =	shalt  }
0x85: {  	_ =	shalt  }
0x86: {  	_ =	shalt  }
0x87: {  	_ =	shalt  }
.Lfunc_end0:
.L_simem_size_0:
called_computation.2_lowered:
.L_overlay_start_0:
0x88: {  	s2 =	sld [smem:$0x3FD9]  }
0x89: {  	s3 =	sld [smem:$0x3FFE];
	_ =	sdelay $0x1  }
0x8a: {  	s1 =	srdreg.scid  }
0x8b: {  	s0 =	sand.u32 $0x1, s1  }
0x8c: {  	s16 =	sshll.u32 s0, $0xA;
	s2 =	sadd.s32 s3, s2  }
0x8d: {  	s2 =	sadd.s32 s2, s16  }
0x8e: {  	[smem:$0x3FBD] =	sst s2  }
0x8f: {  	_ = 	snop  }
0x90: {  	(tm) =	ssettm $0x1  }
0x91: {  	s17 =	sld [smem:$0x3FFB];
	_ =	sdelay $0x3  }
0x92: {  	_ =	strace s17  }
0x93: {  	s2 =	sld [smem:$0x3FFC];
	_ =	sdelay $0x3  }
0x94: {  	_ =	strace s2  }
0x95: {  	s2 =	sld [smem:$0x3FFD];
	_ =	sdelay $0x3  }
0x96: {  	_ =	strace s2  }
0x97: {  	_ =	strace $0x8FFFFFFF  }
0x98: {  	s18 =	sld [smem:$0x3FDB];
	_ =	sdelay $0x1  }
0x99: {  	s19 =	simm.s32 $_scs_section_size  }
0x9a: {  	s4 =	simm.s32 $_size__tile_overlayer_lowered;
	s5 =	simm.s32 $_tile_overlayer_lowered  }
0x9b: {  	s22 =	simm.s32 $0x1BFF;
	s21 =	sshll.u32 s5, $0x1;
	s2 =	sadd.s32 s19, s18  }
0x9c: {  	s6 =	simm.s32 $0x0;
	s20 =	sshll.u32 s4, $0x1;
	s4 =	sadd.s32 s21, s2  }
0x9d: {  	[timem:s6], [sflag:s22] =	dma.local [hbm:s4], s20  }
0x9e: {  	_ =	swait.ge [sflag:s22], s20  }
0x9f: {  	s3 =	ssub.s32 $0x0, s20;
	[sflag:s22] =	ssyncset.done $0x0  }
0xa0: {  	[sflag:s22] =	ssyncadd.s32 s3;
	_ =	sdelay $0x1  }
0xa1: {  	s23 =	simm.s32 $0x1B8B  }
0xa2: {  	_ =	swait.ge [sflag:s23], $0x1  }
0xa3: {  	[sflag:s23] =	ssyncset.done $0x0  }
0xa4: {  	s25 =	simm.s32 $0x1B8E;
	s24 =	sld [smem:$0x3FFE];
	[sflag:s23] =	ssyncadd.s32 $0xFFFFFFFF  }
0xa5: {  	s26 =	simm.s32 $execute0_lowered;
	[smem:$0x3FD2] =	sst s25  }
0xa6: {  	s4 =	sshll.u32 s26, $0x1;
	_ =	strace $0x8000004C;
	[dreg:$0x1] =	wrdreg $0xFFFFFFFF  }
0xa7: {  	s28 =	simm.s32 $_size_execute0_lowered;
	s2 =	sadd.s32 s2, s4;
	[dreg:$0x0] =	wrdreg $0x0  }
0xa8: {  	s4 =	sshll.u32 s28, $0x1;
	[dreg:$0x2] =	wrdreg s2  }
0xa9: {  	[dreg:$0x3] =	wrdreg s4  }
0xaa: {  	[dreg:$0x4] =	wrdreg $0xC0  }
0xab: {  	_ =	task [dreg:s6], $0x5FFFF  }
0xac: {  	[dreg:$0x1] =	wrdreg $0xFFFFFFFF  }
0xad: {  	[dreg:$0x0] =	wrdreg $0x60  }
0xae: {  	[dreg:$0x2] =	wrdreg s24  }
0xaf: {  	[dreg:$0x3] =	wrdreg $0xC4000  }
0xb0: {  	[dreg:$0x4] =	wrdreg $0x9  }
0xb1: {  	_ =	task.clear_ibuf [dreg:s6], $0x5FFFF;
	_ =	strace $0x9000004C  }
0xb2: {  	s29 =	simm.s32 $0x9;
	_ =	strace $0x8000004E  }
0xb3: {  	_ =	swait.ge [sflag:s29], $0x1  }
0xb4: {  	[sflag:s29] =	ssyncadd.s32 $0xFFFFFFFF  }
0xb5: {  	_ =	strace $0x9000004E  }
0xb6: {  	_ =	sfence  }
0xb7: {  	s30 =	sld [smem:$0x0];
	_ =	sdelay $0x2  }
0xb8: {  	s31 =	sshll.u32 s1, $0xD;
	s1 =	sshrl.u32 s1, $0x2  }
0xb9: {  	s3 =	sand.u32 $0x4000, s31;
	s1 =	sadd.s32 s1, s30  }
0xba: {  	s0 =	sor.u32 s3, s0;
	s1 =	sshll.u32 s1, $0x11  }
0xbb: {  	s0 =	sor.u32 s1, s0  }
0xbc: {  	s0 =	sadd.s32 $0x8F2B, s0  }
0xbd: {  	[sflag:s0] =	ssyncadd.remote.s32 $0x1  }
0xbe: {  	_ =	sfence.sel $0xFFFF  }
0xbf: {  	[dreg:$0x0] =	wrdreg $0xFFFFFFFF;
	(pc) =	sbr.abs _section_cstart, $3  }
0xc0: {  	[dreg:$0x1] =	wrdreg $0xFFFFFFFF  }
0xc1: {  	_ =	task.clear_ibuf [dreg:s6], $0x2FFFF;
	_ =	strace $0x9FFFFFFF  }
0xc2: {  	(tm) =	ssettm $0x7FFFFFFF  }
0xc3: {  	_ =	shalt  }
tec
execute0_lowered:
.L_overlay_start_1:
0x0: {  	(tag) =	ssettag $0x1  }
0x1: {  	s0 =	rddreg [dreg:$0x0];
	s2 =	srdreg.scid  }
0x2: {  	s1 =	simm.s32 $0x0;
	s9 =	stileid.u32;
	s31 =	simm.s32 $0x4  }
0x3: {  	s2 =	sand.u32 $0x1, s2;
	s3 =	sadd.s32 $0x16A00, s0;
	s5 =	smul.u32 $0x3C00, s9  }
0x4: {  	s6 =	sadd.s32 $0x2600, s0;
	s26 =	smul.u32 $0x1300, s9;
	s4 =	ssub.s32 $0x2, s2  }
0x5: {  	[smem:$0x7FF] =	sst s1;
	s7 =	smul.u32 $0x13C000, s2;
	s8 =	sshrl.u32 s4, $0x1  }
0x6: {  	p0 =	seq.s32 s2, $0x1;
	s5 =	sshrl.u32 s5, $0x3;
	s4 =	ssub.s32 s4, s8  }
0x7: {  	s10 =	sadd.s32 s3, s5;
	s11 =	sor.u32 $0x10, s5;
	s8 =	sshrl.u32 s26, $0x3  }
0x8: {  	s13 =	sor.u32 $0x20, s5;
	[dreg:$0x3] =	wrdreg s10;
	s10 =	sadd.s32 s6, s5  }
0x9: {  	s12 =	sadd.s32 s3, s11;
	s2 =	sadd.s32 s6, s11;
	s14 =	sadd.s32 $0x7800, s8  }
0xa: {  	s15 =	sadd.s32 s3, s13;
	s18 =	sadd.s32 $0x7810, s8;
	[dreg:$0x4] =	wrdreg s10  }
0xb: {  	s19 =	sadd.s32 $0x7820, s8;
	s23 =	sadd.s32 $0x7A40, s8;
	[dreg:$0x5] =	wrdreg s12  }
0xc: {  	s24 =	sadd.s32 $0x7A50, s8;
	s11 =	smul.u32 $0x260, s9;
	[dreg:$0x6] =	wrdreg s2  }
0xd: {  	s30 =	smax.u32 s4, $0x1;
	[dreg:$0x7] =	wrdreg s15;
	s2 =	sadd.s32 s6, s13  }
0xe: {  	s4 =	simm.s32 $0x280;
	s16 =	sadd.s32 s3, s14;
	[dreg:$0x8] =	wrdreg s2  }
0xf: {  	s5 =	simm.s32 $0x100;
	s17 =	sadd.s32 s6, s14;
	[dreg:$0x9] =	wrdreg s16  }
0x10: {  	s8 =	simm.s32 $0x1;
	s20 =	sadd.s32 s3, s18;
	[dreg:$0xa] =	wrdreg s17  }
0x11: {  	s21 =	sadd.s32 s3, s19;
	s22 =	sadd.s32 s6, s19;
	[dreg:$0xb] =	wrdreg s20  }
0x12: {  	s25 =	sadd.s32 s3, s23;
	s10 =	smul.u32 $0x780, s9;
	[dreg:$0xd] =	wrdreg s21  }
0x13: {  	s26 =	sadd.s32 s3, s24;
	s12 =	smul.u32 $0x13C00, s9;
	[dreg:$0xe] =	wrdreg s22  }
0x14: {  	s15 =	smul.u32 $0x4F000, s9;
	s2 =	sadd.s32 s6, s18;
	[dreg:$0xf] =	wrdreg s25  }
0x15: {  	[dreg:$0x10] =	wrdreg s26;
	s17 =	sadd.s32 s6, s24;
	s20 =	sadd.s32 s11, s6  }
0x16: {  	s22 =	sadd.s32 s11, s3;
	s24 =	sadd.s32 $0x20800, s0;
	s21 =	sshll.u32 s9, $0x6  }
0x17: {  	s9 =	simm.s32 $0x2;
	s11 =	simm.s32 $0x0;
	[dreg:$0xc] =	wrdreg s2  }
0x18: {  	s2 =	sadd.s32 s6, s23;
	s18 =	sadd.s32 s10, s6;
	s19 =	sadd.s32 s10, s3  }
0x19: {  	s13 =	sadd.s32 s12, s7;
	s14 =	sshrl.u32 s12, $0x3;
	s23 =	rddreg [dreg:$0x1]  }
0x1a: {  	s16 =	sshrl.u32 s15, $0x2;
	s28 =	sor.u32 $0x1C04, s21;
	s21 =	simm.s32 $0x80  }
.Ltmp0:
0x1b: {  	s6 =	simm.s32 $0x8400;
	s7 =	simm.s32 $0x300;
	(pc) =	sbr.rel .LBB2_1-.Ltmp0, $4  }
0x1c: {  	s10 =	simm.s32 $0x3;
	[dreg:$0x11] =	wrdreg s2;
	s2 =	sshrl.u32 s13, $0x3  }
0x1d: {  	s3 =	sadd.s32 s14, s0;
	s25 =	sadd.s32 s16, s23;
	_ =	strace $0x8000004D  }
0x1e: {  	s2 =	sadd.s32 s2, s0;
	s26 =	sadd.s32 $0x47A00, s3;
	s0 =	simm.s32 $0x400  }
0x1f: {  	s3 =	simm.s32 $0x4400;
	s29 =	sadd.s32 $0x6F200, s2;
	s2 =	simm.s32 $0x200  }
.LBB2_7:
0x20: {  	[sflag:s31] =	ssyncadd.s32 $0xFFFFFF80  }
0x21: {  	_ =	swait.ge [sflag:s8], $0x4000  }
0x22: {  	[sflag:s8] =	ssyncset.done $0x0  }
0x23: {  	[sflag:s8] =	ssyncadd.s32 $0xFFFFC000  }
0x24: {  	[spmem:s23] =	stream.indirect.scatter.add.f32 [tilespmem:s0], [sflag:$0x4], $0x80, s2, s21, $0xb8;
	v63 =	vld [tilespmem:$0x0]  }
0x25: {  	_ =	swait.ge [sflag:s31], $0x4000  }
0x26: {  	[sflag:s31] =	ssyncset.done $0x0  }
0x27: {  	[sflag:s31] =	ssyncadd.s32 $0xFFFFC000  }
0x28: {  	_ =	swait.ge [sflag:s9], $0x4000  }
0x29: {  	[sflag:s9] =	ssyncset.done $0x0  }
0x2a: {  	[sflag:s9] =	ssyncadd.s32 $0xFFFFC000  }
0x2b: {  	[spmem:s23] =	stream.indirect.scatter.add.f32 [tilespmem:s3], [sflag:$0x4], $0x80, s4, s21, $0xb8;
	v63 =	vld [tilespmem:$0x0]  }
0x2c: {  	_ =	swait.ge [sflag:s31], $0x4000  }
0x2d: {  	[sflag:s31] =	ssyncset.done $0x0  }
0x2e: {  	[sflag:s31] =	ssyncadd.s32 $0xFFFFC000  }
0x2f: {  	_ =	swait.ge [sflag:s10], $0x4000  }
0x30: {  	[sflag:s10] =	ssyncset.done $0x0  }
0x31: {  	[sflag:s10] =	ssyncadd.s32 $0xFFFFC000  }
0x32: {  	[spmem:s23] =	stream.indirect.scatter.add.f32 [tilespmem:s6], [sflag:$0x4], $0x80, s7, s21, $0xb8;
	v63 =	vld [tilespmem:$0x0]  }
0x33: {  	_ =	swait.ge [sflag:s31], $0x4000  }
0x34: {  	[sflag:s31] =	ssyncset.done $0x0  }
0x35: {  	s13 =	rddreg [dreg:$0xf];
	[sflag:s31] =	ssyncadd.s32 $0xFFFFC000  }
0x36: {  	[tilespmem:s1], [sflag:$0x4] =	stream.linear.gather [hbm4b:s13+s1], $0x80, $0x38;
	v63 =	vld [tilespmem:$0x0]  }
0x37: {  	_ =	swait.ge [sflag:s31], $0x80  }
0x38: {  	[sflag:s31] =	ssyncset.done $0x0  }
0x39: {  	[sflag:s31] =	ssyncadd.s32 $0xFFFFFF80  }
0x3a: {  	[tilespmem:s0], [sflag:$0x1] =	stream.indirect.gather [hbm4b:s24+s21], $0x80, s1, s21, $0xb8;
	v63 =	vld [tilespmem:$0x0]  }
0x3b: {  	s15 =	rddreg [dreg:$0x10]  }
0x3c: {  	[tilespmem:s21], [sflag:$0x4] =	stream.linear.gather [hbm4b:s15+s1], $0x80, $0x38;
	v63 =	vld [tilespmem:$0x0]  }
0x3d: {  	_ =	swait.ge [sflag:s31], $0x80  }
0x3e: {  	[sflag:s31] =	ssyncset.done $0x0  }
0x3f: {  	[sflag:s31] =	ssyncadd.s32 $0xFFFFFF80  }
0x40: {  	[tilespmem:s3], [sflag:$0x2] =	stream.indirect.gather [hbm4b:s24+s21], $0x80, s21, s21, $0xb8;
	v63 =	vld [tilespmem:$0x0]  }
0x41: {  	s16 =	rddreg [dreg:$0x11]  }
0x42: {  	[tilespmem:s2], [sflag:$0x4] =	stream.linear.gather [hbm4b:s16+s1], $0x80, $0x38;
	v63 =	vld [tilespmem:$0x0]  }
0x43: {  	_ =	swait.ge [sflag:s31], $0x80  }
0x44: {  	[sflag:s31] =	ssyncset.done $0x0  }
0x45: {  	[sflag:s31] =	ssyncadd.s32 $0xFFFFFF80  }
0x46: {  	[tilespmem:s4], [sflag:$0x4] =	stream.linear.gather [hbm4b:s17+s1], $0x80, $0x38;
	v63 =	vld [tilespmem:$0x0]  }
0x47: {  	_ =	swait.ge [sflag:s31], $0x80  }
0x48: {  	[sflag:s31] =	ssyncset.done $0x0  }
0x49: {  	[sflag:s31] =	ssyncadd.s32 $0xFFFFFF80  }
0x4a: {  	_ =	swait.ge [sflag:s8], $0x4000  }
0x4b: {  	[sflag:s8] =	ssyncset.done $0x0  }
0x4c: {  	[sflag:s8] =	ssyncadd.s32 $0xFFFFC000  }
0x4d: {  	[spmem:s23] =	stream.indirect.scatter.add.f32 [tilespmem:s0], [sflag:$0x4], $0x80, s2, s21, $0xb8;
	v63 =	vld [tilespmem:$0x0]  }
0x4e: {  	_ =	swait.ge [sflag:s31], $0x4000  }
0x4f: {  	[sflag:s31] =	ssyncset.done $0x0  }
0x50: {  	[sflag:s31] =	ssyncadd.s32 $0xFFFFC000  }
0x51: {  	_ =	swait.ge [sflag:s9], $0x4000  }
0x52: {  	[sflag:s9] =	ssyncset.done $0x0  }
0x53: {  	[sflag:s9] =	ssyncadd.s32 $0xFFFFC000  }
0x54: {  	[spmem:s23] =	stream.indirect.scatter.add.f32 [tilespmem:s3], [sflag:$0x4], $0x80, s4, s21, $0xb8;
	v63 =	vld [tilespmem:$0x0]  }
.LBB2_8:
0x55: {  	_ =	swait.ge [sflag:s31], $0x4000  }
0x56: {  	s11 =	sadd.s32 $0x1, s11;
	[sflag:s31] =	ssyncset.done $0x0  }
0x57: {  	p1 =	sne.s32 s11, s30;
	[sflag:s31] =	ssyncadd.s32 $0xFFFFC000  }
.Ltmp1:
0x58: {  	[bflag:$0x0] =	sbarrier.arrive $0xFFFF;
	(pc) =	sbr.rel @!p1 .LBB2_9-.Ltmp1, $4  }
0x59: {  	[hbm:s29], [sflag:s28] =	dma.local [spmem:s12], $0x2780  }
0x5a: {  	_ =	swait.ge [sflag:s31], $0x2780  }
0x5b: {  	[sflag:s31] =	ssyncset.done $0x0  }
0x5c: {  	[sflag:s31] =	ssyncadd.s32 $0xFFFFD880  }
.LBB2_1:
0x5d: {  	s12 =	sshrl.u32 s25, $0x3  }
0x5e: {  	[spmem:s12], [sflag:s28] =	dma.local [hbm:s26], $0x2780  }
.Ltmp2:
0x5f: {  	_ =	swait.ge [sflag:s31], $0x2780;
	(pc) =	sbr.rel @!p0 .LBB2_2-.Ltmp2, $4  }
0x60: {  	[sflag:s31] =	ssyncset.done $0x0  }
0x61: {  	[sflag:s31] =	ssyncadd.s32 $0xFFFFD880  }
0x62: {  	[bflag:$0x0] =	sbarrier.arrive $0xFFFF  }
0x63: {  	s13 =	simm.s32 $0x0  }
0x64: {  	s14 =	rddreg [dreg:$0x9]  }
0x65: {  	[tilespmem:s13], [sflag:$0x4] =	stream.linear.gather [hbm4b:s14+s13], $0x80, $0x38;
	v63 =	vld [tilespmem:$0x0]  }
0x66: {  	_ =	swait.ge [sflag:s31], $0x80  }
0x67: {  	[sflag:s31] =	ssyncset.done $0x0  }
0x68: {  	[sflag:s31] =	ssyncadd.s32 $0xFFFFFF80  }
0x69: {  	[tilespmem:s0], [sflag:$0x1] =	stream.indirect.gather [hbm4b:s24+s21], $0x80, s13, s21, $0xb8;
	v63 =	vld [tilespmem:$0x0]  }
0x6a: {  	s16 =	rddreg [dreg:$0xa]  }
0x6b: {  	[tilespmem:s2], [sflag:$0x4] =	stream.linear.gather [hbm4b:s16+s13], $0x80, $0x38;
	v63 =	vld [tilespmem:$0x0]  }
0x6c: {  	_ =	swait.ge [sflag:s31], $0x80  }
0x6d: {  	[sflag:s31] =	ssyncset.done $0x0  }
0x6e: {  	s15 =	rddreg [dreg:$0xb];
	[sflag:s31] =	ssyncadd.s32 $0xFFFFFF80  }
0x6f: {  	[tilespmem:s21], [sflag:$0x4] =	stream.linear.gather [hbm4b:s15+s13], $0x80, $0x38;
	v63 =	vld [tilespmem:$0x0]  }
0x70: {  	_ =	swait.ge [sflag:s31], $0x80  }
0x71: {  	[sflag:s31] =	ssyncset.done $0x0  }
0x72: {  	[sflag:s31] =	ssyncadd.s32 $0xFFFFFF80  }
0x73: {  	[tilespmem:s3], [sflag:$0x2] =	stream.indirect.gather [hbm4b:s24+s21], $0x80, s21, s21, $0xb8;
	v63 =	vld [tilespmem:$0x0]  }
0x74: {  	s16 =	rddreg [dreg:$0xc]  }
0x75: {  	[tilespmem:s4], [sflag:$0x4] =	stream.linear.gather [hbm4b:s16+s13], $0x80, $0x38;
	v63 =	vld [tilespmem:$0x0]  }
0x76: {  	_ =	swait.ge [sflag:s31], $0x80  }
0x77: {  	[sflag:s31] =	ssyncset.done $0x0  }
0x78: {  	s15 =	rddreg [dreg:$0xd];
	[sflag:s31] =	ssyncadd.s32 $0xFFFFFF80  }
0x79: {  	[tilespmem:s5], [sflag:$0x4] =	stream.linear.gather [hbm4b:s15+s13], $0x80, $0x38;
	v63 =	vld [tilespmem:$0x0]  }
0x7a: {  	_ =	swait.ge [sflag:s31], $0x80  }
0x7b: {  	[sflag:s31] =	ssyncset.done $0x0  }
0x7c: {  	[sflag:s31] =	ssyncadd.s32 $0xFFFFFF80  }
0x7d: {  	[tilespmem:s6], [sflag:$0x3] =	stream.indirect.gather [hbm4b:s24+s21], $0x80, s5, s21, $0xb8;
	v63 =	vld [tilespmem:$0x0]  }
0x7e: {  	s16 =	rddreg [dreg:$0xe]  }
0x7f: {  	[tilespmem:s7], [sflag:$0x4] =	stream.linear.gather [hbm4b:s16+s13], $0x80, $0x38;
	v63 =	vld [tilespmem:$0x0]  }
0x80: {  	_ =	swait.ge [sflag:s31], $0x80  }
0x81: {  	[sflag:s31] =	ssyncset.done $0x0  }
0x82: {  	[sflag:s31] =	ssyncadd.s32 $0xFFFFFF80  }
0x83: {  	_ =	swait.ge [sflag:s8], $0x4000  }
0x84: {  	[sflag:s8] =	ssyncset.done $0x0  }
0x85: {  	[sflag:s8] =	ssyncadd.s32 $0xFFFFC000  }
0x86: {  	[spmem:s23] =	stream.indirect.scatter.add.f32 [tilespmem:s0], [sflag:$0x4], $0x80, s2, s21, $0xb8;
	v63 =	vld [tilespmem:$0x0]  }
0x87: {  	_ =	swait.ge [sflag:s31], $0x4000  }
0x88: {  	s13 =	sadd.s32 $0x0, s22;
	[sflag:s31] =	ssyncset.done $0x0  }
0x89: {  	s15 =	sadd.s32 $0x7830, s13;
	[sflag:s31] =	ssyncadd.s32 $0xFFFFC000  }
0x8a: {  	[tilespmem:s1], [sflag:$0x4] =	stream.linear.gather [hbm4b:s15+s1], $0x80, $0x38;
	v63 =	vld [tilespmem:$0x0]  }
0x8b: {  	_ =	swait.ge [sflag:s31], $0x80  }
0x8c: {  	[sflag:s31] =	ssyncset.done $0x0  }
0x8d: {  	s14 =	sadd.s32 $0x0, s20;
	[sflag:s31] =	ssyncadd.s32 $0xFFFFFF80  }
0x8e: {  	[tilespmem:s0], [sflag:$0x1] =	stream.indirect.gather [hbm4b:s24+s21], $0x80, s1, s21, $0xb8;
	v63 =	vld [tilespmem:$0x0]  }
0x8f: {  	s15 =	sadd.s32 $0x7830, s14  }
0x90: {  	[tilespmem:s2], [sflag:$0x4] =	stream.linear.gather [hbm4b:s15+s1], $0x80, $0x38;
	v63 =	vld [tilespmem:$0x0]  }
0x91: {  	_ =	swait.ge [sflag:s31], $0x80  }
0x92: {  	[sflag:s31] =	ssyncset.done $0x0  }
0x93: {  	[sflag:s31] =	ssyncadd.s32 $0xFFFFFF80  }
0x94: {  	_ =	swait.ge [sflag:s9], $0x4000  }
0x95: {  	[sflag:s9] =	ssyncset.done $0x0  }
0x96: {  	[sflag:s9] =	ssyncadd.s32 $0xFFFFC000  }
0x97: {  	[spmem:s23] =	stream.indirect.scatter.add.f32 [tilespmem:s3], [sflag:$0x4], $0x80, s4, s21, $0xb8;
	v63 =	vld [tilespmem:$0x0]  }
0x98: {  	_ =	swait.ge [sflag:s31], $0x4000  }
0x99: {  	[sflag:s31] =	ssyncset.done $0x0  }
0x9a: {  	s16 =	sadd.s32 $0x7840, s13;
	[sflag:s31] =	ssyncadd.s32 $0xFFFFC000  }
0x9b: {  	[tilespmem:s21], [sflag:$0x4] =	stream.linear.gather [hbm4b:s16+s1], $0x80, $0x38;
	v63 =	vld [tilespmem:$0x0]  }
0x9c: {  	_ =	swait.ge [sflag:s31], $0x80  }
0x9d: {  	[sflag:s31] =	ssyncset.done $0x0  }
0x9e: {  	[sflag:s31] =	ssyncadd.s32 $0xFFFFFF80  }
0x9f: {  	[tilespmem:s3], [sflag:$0x2] =	stream.indirect.gather [hbm4b:s24+s21], $0x80, s21, s21, $0xb8;
	v63 =	vld [tilespmem:$0x0]  }
0xa0: {  	s16 =	sadd.s32 $0x7840, s14  }
0xa1: {  	[tilespmem:s4], [sflag:$0x4] =	stream.linear.gather [hbm4b:s16+s1], $0x80, $0x38;
	v63 =	vld [tilespmem:$0x0]  }
0xa2: {  	_ =	swait.ge [sflag:s31], $0x80  }
0xa3: {  	[sflag:s31] =	ssyncset.done $0x0  }
0xa4: {  	[sflag:s31] =	ssyncadd.s32 $0xFFFFFF80  }
0xa5: {  	_ =	swait.ge [sflag:s10], $0x4000  }
0xa6: {  	[sflag:s10] =	ssyncset.done $0x0  }
0xa7: {  	[sflag:s10] =	ssyncadd.s32 $0xFFFFC000  }
0xa8: {  	[spmem:s23] =	stream.indirect.scatter.add.f32 [tilespmem:s6], [sflag:$0x4], $0x80, s7, s21, $0xb8;
	v63 =	vld [tilespmem:$0x0]  }
0xa9: {  	_ =	swait.ge [sflag:s31], $0x4000  }
0xaa: {  	[sflag:s31] =	ssyncset.done $0x0  }
0xab: {  	s13 =	sadd.s32 $0x7850, s13;
	[sflag:s31] =	ssyncadd.s32 $0xFFFFC000  }
0xac: {  	[tilespmem:s5], [sflag:$0x4] =	stream.linear.gather [hbm4b:s13+s1], $0x80, $0x38;
	v63 =	vld [tilespmem:$0x0]  }
0xad: {  	_ =	swait.ge [sflag:s31], $0x80  }
0xae: {  	[sflag:s31] =	ssyncset.done $0x0  }
0xaf: {  	[sflag:s31] =	ssyncadd.s32 $0xFFFFFF80  }
0xb0: {  	[tilespmem:s6], [sflag:$0x3] =	stream.indirect.gather [hbm4b:s24+s21], $0x80, s5, s21, $0xb8;
	v63 =	vld [tilespmem:$0x0]  }
0xb1: {  	s16 =	sadd.s32 $0x7850, s14  }
0xb2: {  	[tilespmem:s7], [sflag:$0x4] =	stream.linear.gather [hbm4b:s16+s1], $0x80, $0x38;
	v63 =	vld [tilespmem:$0x0]  }
0xb3: {  	_ =	swait.ge [sflag:s31], $0x80  }
0xb4: {  	s13 =	simm.s32 $0x30;
	[sflag:s31] =	ssyncset.done $0x0  }
.LBB2_6:
0xb5: {  	p1 =	sne.s32 s13, $0x1E0  }
0xb6: {  	[sflag:s31] =	ssyncadd.s32 $0xFFFFFF80;
	s15 =	smov.u32 s13;
	s13 =	sadd.s32 $0x30, s13  }
0xb7: {  	_ = 	snop  }
0xb8: {  	_ =	swait.ge [sflag:s8], $0x4000  }
0xb9: {  	[sflag:s8] =	ssyncset.done $0x0  }
0xba: {  	[sflag:s8] =	ssyncadd.s32 $0xFFFFC000  }
0xbb: {  	[spmem:s23] =	stream.indirect.scatter.add.f32 [tilespmem:s0], [sflag:$0x4], $0x80, s2, s21, $0xb8;
	v63 =	vld [tilespmem:$0x0]  }
0xbc: {  	_ =	swait.ge [sflag:s31], $0x4000  }
0xbd: {  	s14 =	sadd.s32 s15, s22;
	[sflag:s31] =	ssyncset.done $0x0  }
0xbe: {  	s16 =	sadd.s32 $0x7830, s14;
	[sflag:s31] =	ssyncadd.s32 $0xFFFFC000  }
0xbf: {  	[tilespmem:s1], [sflag:$0x4] =	stream.linear.gather [hbm4b:s16+s1], $0x80, $0x38;
	v63 =	vld [tilespmem:$0x0]  }
0xc0: {  	_ =	swait.ge [sflag:s31], $0x80  }
0xc1: {  	[sflag:s31] =	ssyncset.done $0x0  }
0xc2: {  	s15 =	sadd.s32 s15, s20;
	[sflag:s31] =	ssyncadd.s32 $0xFFFFFF80  }
0xc3: {  	[tilespmem:s0], [sflag:$0x1] =	stream.indirect.gather [hbm4b:s24+s21], $0x80, s1, s21, $0xb8;
	v63 =	vld [tilespmem:$0x0]  }
0xc4: {  	s16 =	sadd.s32 $0x7830, s15  }
0xc5: {  	[tilespmem:s2], [sflag:$0x4] =	stream.linear.gather [hbm4b:s16+s1], $0x80, $0x38;
	v63 =	vld [tilespmem:$0x0]  }
0xc6: {  	_ =	swait.ge [sflag:s31], $0x80  }
0xc7: {  	[sflag:s31] =	ssyncset.done $0x0  }
0xc8: {  	[sflag:s31] =	ssyncadd.s32 $0xFFFFFF80  }
0xc9: {  	_ =	swait.ge [sflag:s9], $0x4000  }
0xca: {  	[sflag:s9] =	ssyncset.done $0x0  }
0xcb: {  	[sflag:s9] =	ssyncadd.s32 $0xFFFFC000  }
0xcc: {  	[spmem:s23] =	stream.indirect.scatter.add.f32 [tilespmem:s3], [sflag:$0x4], $0x80, s4, s21, $0xb8;
	v63 =	vld [tilespmem:$0x0]  }
0xcd: {  	_ =	swait.ge [sflag:s31], $0x4000  }
0xce: {  	[sflag:s31] =	ssyncset.done $0x0  }
0xcf: {  	s16 =	sadd.s32 $0x7840, s14;
	[sflag:s31] =	ssyncadd.s32 $0xFFFFC000  }
0xd0: {  	[tilespmem:s21], [sflag:$0x4] =	stream.linear.gather [hbm4b:s16+s1], $0x80, $0x38;
	v63 =	vld [tilespmem:$0x0]  }
0xd1: {  	_ =	swait.ge [sflag:s31], $0x80  }
0xd2: {  	[sflag:s31] =	ssyncset.done $0x0  }
0xd3: {  	[sflag:s31] =	ssyncadd.s32 $0xFFFFFF80  }
0xd4: {  	[tilespmem:s3], [sflag:$0x2] =	stream.indirect.gather [hbm4b:s24+s21], $0x80, s21, s21, $0xb8;
	v63 =	vld [tilespmem:$0x0]  }
0xd5: {  	s16 =	sadd.s32 $0x7840, s15  }
0xd6: {  	[tilespmem:s4], [sflag:$0x4] =	stream.linear.gather [hbm4b:s16+s1], $0x80, $0x38;
	v63 =	vld [tilespmem:$0x0]  }
0xd7: {  	_ =	swait.ge [sflag:s31], $0x80  }
0xd8: {  	[sflag:s31] =	ssyncset.done $0x0  }
0xd9: {  	[sflag:s31] =	ssyncadd.s32 $0xFFFFFF80  }
0xda: {  	_ =	swait.ge [sflag:s10], $0x4000  }
0xdb: {  	[sflag:s10] =	ssyncset.done $0x0  }
0xdc: {  	[sflag:s10] =	ssyncadd.s32 $0xFFFFC000  }
0xdd: {  	[spmem:s23] =	stream.indirect.scatter.add.f32 [tilespmem:s6], [sflag:$0x4], $0x80, s7, s21, $0xb8;
	v63 =	vld [tilespmem:$0x0]  }
0xde: {  	_ =	swait.ge [sflag:s31], $0x4000  }
0xdf: {  	[sflag:s31] =	ssyncset.done $0x0  }
0xe0: {  	s14 =	sadd.s32 $0x7850, s14;
	[sflag:s31] =	ssyncadd.s32 $0xFFFFC000  }
0xe1: {  	[tilespmem:s5], [sflag:$0x4] =	stream.linear.gather [hbm4b:s14+s1], $0x80, $0x38;
	v63 =	vld [tilespmem:$0x0]  }
0xe2: {  	_ =	swait.ge [sflag:s31], $0x80  }
0xe3: {  	[sflag:s31] =	ssyncset.done $0x0  }
0xe4: {  	[sflag:s31] =	ssyncadd.s32 $0xFFFFFF80  }
0xe5: {  	[tilespmem:s6], [sflag:$0x3] =	stream.indirect.gather [hbm4b:s24+s21], $0x80, s5, s21, $0xb8;
	v63 =	vld [tilespmem:$0x0]  }
.Ltmp3:
0xe6: {  	_ = 	snop;
	(pc) =	sbr.rel @p1 .LBB2_6-.Ltmp3, $4  }
0xe7: {  	s14 =	sadd.s32 $0x7850, s15  }
0xe8: {  	[tilespmem:s7], [sflag:$0x4] =	stream.linear.gather [hbm4b:s14+s1], $0x80, $0x38;
	v63 =	vld [tilespmem:$0x0]  }
0xe9: {  	_ =	swait.ge [sflag:s31], $0x80  }
0xea: {  	[sflag:s31] =	ssyncset.done $0x0  }
.Ltmp4:
0xeb: {  	_ = 	snop;
	(pc) =	sbr.rel .LBB2_7-.Ltmp4, $1  }
0xec: {  	_ =	sdelay $0x3  }
.LBB2_2:
0xed: {  	s14 =	rddreg [dreg:$0x3]  }
0xee: {  	[tilespmem:s13], [sflag:$0x4] =	stream.linear.gather [hbm4b:s14+s13], $0x80, $0x38;
	v63 =	vld [tilespmem:$0x0]  }
0xef: {  	_ =	swait.ge [sflag:s31], $0x80  }
0xf0: {  	[sflag:s31] =	ssyncset.done $0x0  }
0xf1: {  	[sflag:s31] =	ssyncadd.s32 $0xFFFFFF80  }
0xf2: {  	[tilespmem:s0], [sflag:$0x1] =	stream.indirect.gather [hbm4b:s24+s21], $0x80, s13, s21, $0xb8;
	v63 =	vld [tilespmem:$0x0]  }
0xf3: {  	s16 =	rddreg [dreg:$0x4]  }
0xf4: {  	[tilespmem:s2], [sflag:$0x4] =	stream.linear.gather [hbm4b:s16+s13], $0x80, $0x38;
	v63 =	vld [tilespmem:$0x0]  }
0xf5: {  	_ =	swait.ge [sflag:s31], $0x80  }
0xf6: {  	[sflag:s31] =	ssyncset.done $0x0  }
0xf7: {  	s15 =	rddreg [dreg:$0x5];
	[sflag:s31] =	ssyncadd.s32 $0xFFFFFF80  }
0xf8: {  	[tilespmem:s21], [sflag:$0x4] =	stream.linear.gather [hbm4b:s15+s13], $0x80, $0x38;
	v63 =	vld [tilespmem:$0x0]  }
0xf9: {  	_ =	swait.ge [sflag:s31], $0x80  }
0xfa: {  	[sflag:s31] =	ssyncset.done $0x0  }
0xfb: {  	[sflag:s31] =	ssyncadd.s32 $0xFFFFFF80  }
0xfc: {  	[tilespmem:s3], [sflag:$0x2] =	stream.indirect.gather [hbm4b:s24+s21], $0x80, s21, s21, $0xb8;
	v63 =	vld [tilespmem:$0x0]  }
0xfd: {  	s16 =	rddreg [dreg:$0x6]  }
0xfe: {  	[tilespmem:s4], [sflag:$0x4] =	stream.linear.gather [hbm4b:s16+s13], $0x80, $0x38;
	v63 =	vld [tilespmem:$0x0]  }
0xff: {  	_ =	swait.ge [sflag:s31], $0x80  }
0x100: {  	[sflag:s31] =	ssyncset.done $0x0  }
0x101: {  	s15 =	rddreg [dreg:$0x7];
	[sflag:s31] =	ssyncadd.s32 $0xFFFFFF80  }
0x102: {  	[tilespmem:s5], [sflag:$0x4] =	stream.linear.gather [hbm4b:s15+s13], $0x80, $0x38;
	v63 =	vld [tilespmem:$0x0]  }
0x103: {  	_ =	swait.ge [sflag:s31], $0x80  }
0x104: {  	[sflag:s31] =	ssyncset.done $0x0  }
0x105: {  	[sflag:s31] =	ssyncadd.s32 $0xFFFFFF80  }
0x106: {  	[tilespmem:s6], [sflag:$0x3] =	stream.indirect.gather [hbm4b:s24+s21], $0x80, s5, s21, $0xb8;
	v63 =	vld [tilespmem:$0x0]  }
0x107: {  	s16 =	rddreg [dreg:$0x8]  }
0x108: {  	[tilespmem:s7], [sflag:$0x4] =	stream.linear.gather [hbm4b:s16+s13], $0x80, $0x38;
	v63 =	vld [tilespmem:$0x0]  }
0x109: {  	_ =	swait.ge [sflag:s31], $0x80  }
0x10a: {  	[sflag:s31] =	ssyncset.done $0x0  }
0x10b: {  	[sflag:s31] =	ssyncadd.s32 $0xFFFFFF80  }
0x10c: {  	_ =	swait.ge [sflag:s8], $0x4000  }
0x10d: {  	[sflag:s8] =	ssyncset.done $0x0  }
0x10e: {  	[sflag:s8] =	ssyncadd.s32 $0xFFFFC000  }
0x10f: {  	[spmem:s23] =	stream.indirect.scatter.add.f32 [tilespmem:s0], [sflag:$0x4], $0x80, s2, s21, $0xb8;
	v63 =	vld [tilespmem:$0x0]  }
0x110: {  	_ =	swait.ge [sflag:s31], $0x4000  }
0x111: {  	s13 =	sadd.s32 $0x0, s19;
	[sflag:s31] =	ssyncset.done $0x0  }
0x112: {  	s15 =	sadd.s32 $0x30, s13;
	[sflag:s31] =	ssyncadd.s32 $0xFFFFC000  }
0x113: {  	[tilespmem:s1], [sflag:$0x4] =	stream.linear.gather [hbm4b:s15+s1], $0x80, $0x38;
	v63 =	vld [tilespmem:$0x0]  }
0x114: {  	_ =	swait.ge [sflag:s31], $0x80  }
0x115: {  	[sflag:s31] =	ssyncset.done $0x0  }
0x116: {  	s14 =	sadd.s32 $0x0, s18;
	[sflag:s31] =	ssyncadd.s32 $0xFFFFFF80  }
0x117: {  	[tilespmem:s0], [sflag:$0x1] =	stream.indirect.gather [hbm4b:s24+s21], $0x80, s1, s21, $0xb8;
	v63 =	vld [tilespmem:$0x0]  }
0x118: {  	s15 =	sadd.s32 $0x30, s14  }
0x119: {  	[tilespmem:s2], [sflag:$0x4] =	stream.linear.gather [hbm4b:s15+s1], $0x80, $0x38;
	v63 =	vld [tilespmem:$0x0]  }
0x11a: {  	_ =	swait.ge [sflag:s31], $0x80  }
0x11b: {  	[sflag:s31] =	ssyncset.done $0x0  }
0x11c: {  	[sflag:s31] =	ssyncadd.s32 $0xFFFFFF80  }
0x11d: {  	_ =	swait.ge [sflag:s9], $0x4000  }
0x11e: {  	[sflag:s9] =	ssyncset.done $0x0  }
0x11f: {  	[sflag:s9] =	ssyncadd.s32 $0xFFFFC000  }
0x120: {  	[spmem:s23] =	stream.indirect.scatter.add.f32 [tilespmem:s3], [sflag:$0x4], $0x80, s4, s21, $0xb8;
	v63 =	vld [tilespmem:$0x0]  }
0x121: {  	_ =	swait.ge [sflag:s31], $0x4000  }
0x122: {  	[sflag:s31] =	ssyncset.done $0x0  }
0x123: {  	s16 =	sadd.s32 $0x40, s13;
	[sflag:s31] =	ssyncadd.s32 $0xFFFFC000  }
0x124: {  	[tilespmem:s21], [sflag:$0x4] =	stream.linear.gather [hbm4b:s16+s1], $0x80, $0x38;
	v63 =	vld [tilespmem:$0x0]  }
0x125: {  	_ =	swait.ge [sflag:s31], $0x80  }
0x126: {  	[sflag:s31] =	ssyncset.done $0x0  }
0x127: {  	[sflag:s31] =	ssyncadd.s32 $0xFFFFFF80  }
0x128: {  	[tilespmem:s3], [sflag:$0x2] =	stream.indirect.gather [hbm4b:s24+s21], $0x80, s21, s21, $0xb8;
	v63 =	vld [tilespmem:$0x0]  }
0x129: {  	s16 =	sadd.s32 $0x40, s14  }
0x12a: {  	[tilespmem:s4], [sflag:$0x4] =	stream.linear.gather [hbm4b:s16+s1], $0x80, $0x38;
	v63 =	vld [tilespmem:$0x0]  }
0x12b: {  	_ =	swait.ge [sflag:s31], $0x80  }
0x12c: {  	[sflag:s31] =	ssyncset.done $0x0  }
0x12d: {  	[sflag:s31] =	ssyncadd.s32 $0xFFFFFF80  }
0x12e: {  	_ =	swait.ge [sflag:s10], $0x4000  }
0x12f: {  	[sflag:s10] =	ssyncset.done $0x0  }
0x130: {  	[sflag:s10] =	ssyncadd.s32 $0xFFFFC000  }
0x131: {  	[spmem:s23] =	stream.indirect.scatter.add.f32 [tilespmem:s6], [sflag:$0x4], $0x80, s7, s21, $0xb8;
	v63 =	vld [tilespmem:$0x0]  }
0x132: {  	_ =	swait.ge [sflag:s31], $0x4000  }
0x133: {  	[sflag:s31] =	ssyncset.done $0x0  }
0x134: {  	s13 =	sadd.s32 $0x50, s13;
	[sflag:s31] =	ssyncadd.s32 $0xFFFFC000  }
0x135: {  	[tilespmem:s5], [sflag:$0x4] =	stream.linear.gather [hbm4b:s13+s1], $0x80, $0x38;
	v63 =	vld [tilespmem:$0x0]  }
0x136: {  	_ =	swait.ge [sflag:s31], $0x80  }
0x137: {  	[sflag:s31] =	ssyncset.done $0x0  }
0x138: {  	[sflag:s31] =	ssyncadd.s32 $0xFFFFFF80  }
0x139: {  	[tilespmem:s6], [sflag:$0x3] =	stream.indirect.gather [hbm4b:s24+s21], $0x80, s5, s21, $0xb8;
	v63 =	vld [tilespmem:$0x0]  }
0x13a: {  	s16 =	sadd.s32 $0x50, s14  }
0x13b: {  	[tilespmem:s7], [sflag:$0x4] =	stream.linear.gather [hbm4b:s16+s1], $0x80, $0x38;
	v63 =	vld [tilespmem:$0x0]  }
0x13c: {  	_ =	swait.ge [sflag:s31], $0x80  }
0x13d: {  	s13 =	simm.s32 $0x30;
	[sflag:s31] =	ssyncset.done $0x0  }
.LBB2_3:
0x13e: {  	p1 =	sne.s32 s13, $0x720  }
0x13f: {  	[sflag:s31] =	ssyncadd.s32 $0xFFFFFF80;
	s15 =	smov.u32 s13;
	s13 =	sadd.s32 $0x30, s13  }
0x140: {  	_ = 	snop  }
0x141: {  	_ =	swait.ge [sflag:s8], $0x4000  }
0x142: {  	[sflag:s8] =	ssyncset.done $0x0  }
0x143: {  	[sflag:s8] =	ssyncadd.s32 $0xFFFFC000  }
0x144: {  	[spmem:s23] =	stream.indirect.scatter.add.f32 [tilespmem:s0], [sflag:$0x4], $0x80, s2, s21, $0xb8;
	v63 =	vld [tilespmem:$0x0]  }
0x145: {  	_ =	swait.ge [sflag:s31], $0x4000  }
0x146: {  	s14 =	sadd.s32 s15, s19;
	[sflag:s31] =	ssyncset.done $0x0  }
0x147: {  	s16 =	sadd.s32 $0x30, s14;
	[sflag:s31] =	ssyncadd.s32 $0xFFFFC000  }
0x148: {  	[tilespmem:s1], [sflag:$0x4] =	stream.linear.gather [hbm4b:s16+s1], $0x80, $0x38;
	v63 =	vld [tilespmem:$0x0]  }
0x149: {  	_ =	swait.ge [sflag:s31], $0x80  }
0x14a: {  	[sflag:s31] =	ssyncset.done $0x0  }
0x14b: {  	s15 =	sadd.s32 s15, s18;
	[sflag:s31] =	ssyncadd.s32 $0xFFFFFF80  }
0x14c: {  	[tilespmem:s0], [sflag:$0x1] =	stream.indirect.gather [hbm4b:s24+s21], $0x80, s1, s21, $0xb8;
	v63 =	vld [tilespmem:$0x0]  }
0x14d: {  	s16 =	sadd.s32 $0x30, s15  }
0x14e: {  	[tilespmem:s2], [sflag:$0x4] =	stream.linear.gather [hbm4b:s16+s1], $0x80, $0x38;
	v63 =	vld [tilespmem:$0x0]  }
0x14f: {  	_ =	swait.ge [sflag:s31], $0x80  }
0x150: {  	[sflag:s31] =	ssyncset.done $0x0  }
0x151: {  	[sflag:s31] =	ssyncadd.s32 $0xFFFFFF80  }
0x152: {  	_ =	swait.ge [sflag:s9], $0x4000  }
0x153: {  	[sflag:s9] =	ssyncset.done $0x0  }
0x154: {  	[sflag:s9] =	ssyncadd.s32 $0xFFFFC000  }
0x155: {  	[spmem:s23] =	stream.indirect.scatter.add.f32 [tilespmem:s3], [sflag:$0x4], $0x80, s4, s21, $0xb8;
	v63 =	vld [tilespmem:$0x0]  }
0x156: {  	_ =	swait.ge [sflag:s31], $0x4000  }
0x157: {  	[sflag:s31] =	ssyncset.done $0x0  }
0x158: {  	s16 =	sadd.s32 $0x40, s14;
	[sflag:s31] =	ssyncadd.s32 $0xFFFFC000  }
0x159: {  	[tilespmem:s21], [sflag:$0x4] =	stream.linear.gather [hbm4b:s16+s1], $0x80, $0x38;
	v63 =	vld [tilespmem:$0x0]  }
0x15a: {  	_ =	swait.ge [sflag:s31], $0x80  }
0x15b: {  	[sflag:s31] =	ssyncset.done $0x0  }
0x15c: {  	[sflag:s31] =	ssyncadd.s32 $0xFFFFFF80  }
0x15d: {  	[tilespmem:s3], [sflag:$0x2] =	stream.indirect.gather [hbm4b:s24+s21], $0x80, s21, s21, $0xb8;
	v63 =	vld [tilespmem:$0x0]  }
0x15e: {  	s16 =	sadd.s32 $0x40, s15  }
0x15f: {  	[tilespmem:s4], [sflag:$0x4] =	stream.linear.gather [hbm4b:s16+s1], $0x80, $0x38;
	v63 =	vld [tilespmem:$0x0]  }
0x160: {  	_ =	swait.ge [sflag:s31], $0x80  }
0x161: {  	[sflag:s31] =	ssyncset.done $0x0  }
0x162: {  	[sflag:s31] =	ssyncadd.s32 $0xFFFFFF80  }
0x163: {  	_ =	swait.ge [sflag:s10], $0x4000  }
0x164: {  	[sflag:s10] =	ssyncset.done $0x0  }
0x165: {  	[sflag:s10] =	ssyncadd.s32 $0xFFFFC000  }
0x166: {  	[spmem:s23] =	stream.indirect.scatter.add.f32 [tilespmem:s6], [sflag:$0x4], $0x80, s7, s21, $0xb8;
	v63 =	vld [tilespmem:$0x0]  }
0x167: {  	_ =	swait.ge [sflag:s31], $0x4000  }
0x168: {  	[sflag:s31] =	ssyncset.done $0x0  }
0x169: {  	s14 =	sadd.s32 $0x50, s14;
	[sflag:s31] =	ssyncadd.s32 $0xFFFFC000  }
0x16a: {  	[tilespmem:s5], [sflag:$0x4] =	stream.linear.gather [hbm4b:s14+s1], $0x80, $0x38;
	v63 =	vld [tilespmem:$0x0]  }
0x16b: {  	_ =	swait.ge [sflag:s31], $0x80  }
0x16c: {  	[sflag:s31] =	ssyncset.done $0x0  }
0x16d: {  	[sflag:s31] =	ssyncadd.s32 $0xFFFFFF80  }
0x16e: {  	[tilespmem:s6], [sflag:$0x3] =	stream.indirect.gather [hbm4b:s24+s21], $0x80, s5, s21, $0xb8;
	v63 =	vld [tilespmem:$0x0]  }
.Ltmp5:
0x16f: {  	_ = 	snop;
	(pc) =	sbr.rel @p1 .LBB2_3-.Ltmp5, $4  }
0x170: {  	s14 =	sadd.s32 $0x50, s15  }
0x171: {  	[tilespmem:s7], [sflag:$0x4] =	stream.linear.gather [hbm4b:s14+s1], $0x80, $0x38;
	v63 =	vld [tilespmem:$0x0]  }
0x172: {  	_ =	swait.ge [sflag:s31], $0x80  }
0x173: {  	[sflag:s31] =	ssyncset.done $0x0  }
0x174: {  	[sflag:s31] =	ssyncadd.s32 $0xFFFFFF80  }
0x175: {  	_ =	swait.ge [sflag:s8], $0x4000  }
0x176: {  	[sflag:s8] =	ssyncset.done $0x0  }
0x177: {  	[sflag:s8] =	ssyncadd.s32 $0xFFFFC000  }
0x178: {  	[spmem:s23] =	stream.indirect.scatter.add.f32 [tilespmem:s0], [sflag:$0x4], $0x80, s2, s21, $0xb8;
	v63 =	vld [tilespmem:$0x0]  }
0x179: {  	_ =	swait.ge [sflag:s31], $0x4000  }
0x17a: {  	[sflag:s31] =	ssyncset.done $0x0  }
0x17b: {  	[sflag:s31] =	ssyncadd.s32 $0xFFFFC000  }
0x17c: {  	_ =	swait.ge [sflag:s9], $0x4000  }
0x17d: {  	[sflag:s9] =	ssyncset.done $0x0  }
0x17e: {  	[sflag:s9] =	ssyncadd.s32 $0xFFFFC000  }
0x17f: {  	[spmem:s23] =	stream.indirect.scatter.add.f32 [tilespmem:s3], [sflag:$0x4], $0x80, s4, s21, $0xb8;
	v63 =	vld [tilespmem:$0x0]  }
0x180: {  	_ =	swait.ge [sflag:s31], $0x4000  }
0x181: {  	[sflag:s31] =	ssyncset.done $0x0  }
.Ltmp6:
0x182: {  	[sflag:s31] =	ssyncadd.s32 $0xFFFFC000;
	(pc) =	sbr.rel .LBB2_8-.Ltmp6, $4  }
0x183: {  	_ =	swait.ge [sflag:s10], $0x4000  }
0x184: {  	[sflag:s10] =	ssyncset.done $0x0  }
0x185: {  	[sflag:s10] =	ssyncadd.s32 $0xFFFFC000  }
0x186: {  	[spmem:s23] =	stream.indirect.scatter.add.f32 [tilespmem:s6], [sflag:$0x4], $0x80, s7, s21, $0xb8;
	v63 =	vld [tilespmem:$0x0]  }
.LBB2_9:
0x187: {  	_ =	sfence.sel $0x180000  }
0x188: {  	[bflag:$0x0] =	sbarrier.arrive $0xFFFF  }
0x189: {  	_ =	strace $0x9000004D  }
0x18a: {  	s0 =	stileid.u32;
	[bflag:$0x2] =	sbarrier.arrive $0xFFFF  }
0x18b: {  	p0 =	sne.s32 s0, $0x0;
	s0 =	rddreg [dreg:$0x2]  }
0x18c: {  	s0 =	sadd.s32 @!p0 $0x100000, s0  }
0x18d: {  	[sflag:s0] =	ssyncadd.tile.s32 @!p0 $0x1;
	_ =	shalt  }
.Lfunc_end2:
_tile_overlayer_lowered:
.L_overlay_start_2:
0x18e: {  	(tag) =	ssettag $0x2  }
0x18f: {  	s0 =	rddreg [dreg:$0x0];
	s2 =	stileid.u32  }
0x190: {  	s1 =	rddreg [dreg:$0x1];
	p0 =	sne.s32 s2, $0x0  }
0x191: {  	s3 =	rddreg [dreg:$0x2];
	[bflag:$0x3] =	sbarrier.arrive $0xFFFF;
	s2 =	simm.s32 @!p0 $0x1C04  }
0x192: {  	[timem:s3], [sflag:s2] =	dma.local @!p0 [hbm:s0], s1  }
0x193: {  	s0 =	simm.s32 @!p0 $0x4  }
0x194: {  	_ =	swait.ge @!p0 [sflag:s0], s1  }
0x195: {  	s1 =	ssub.s32 @!p0 $0x0, s1;
	[sflag:s0] =	ssyncset.done @!p0 $0x0  }
0x196: {  	[sflag:s0] =	ssyncadd.s32 @!p0 s1  }
0x197: {  	[bflag:$0x3] =	sbarrier.arrive $0xFFFF  }
0x198: {  	_ =	shalt  }

// kernel: kernel.9.cloned.1.call-start
scs
__scs_entry_jumppad:
0x0: {  	(pc) =	sbr.rel $0x88, $3  }
0x1: {  	(tag) =	ssettag $0x0;
	lr =	simm.s32 $0x1  }
0x2: {  	[smem:$0x3F96] =	sst lr;
	_ =	strace $0xD0000000  }
0x3: {  	_ = 	snop  }
0x4: {  	_ = 	snop  }
0x5: {  	_ = 	snop  }
0x6: {  	_ = 	snop  }
0x7: {  	_ = 	snop  }
__scs_overlays_trampoline_lowered:
0x8: {  	[smem:$0x3FA5] =	sst s0  }
0x9: {  	[smem:$0x3FA6] =	sst s1  }
0xa: {  	[smem:$0x3FA7] =	sst s2  }
0xb: {  	[smem:$0x3FA8] =	sst s3  }
0xc: {  	[smem:$0x3FA9] =	sst s4  }
0xd: {  	[smem:$0x3FAA] =	sst s5  }
0xe: {  	[smem:$0x3FAB] =	sst s6  }
0xf: {  	[smem:$0x3FAC] =	sst s7  }
0x10: {  	[smem:$0x3FAD] =	sst s8  }
0x11: {  	[smem:$0x3FAE] =	sst s9;
	s0 =	simm.s32 @!p0 $0x0  }
0x12: {  	s1 =	sld [smem:$0x3F94];
	s0 =	simm.s32 @p0 $0x1  }
0x13: {  	[smem:$0x3FAF] =	sst s0;
	s0 =	simm.s32 @!p1 $0x0  }
0x14: {  	s2 =	sld [smem:$0x3F93];
	s0 =	simm.s32 @p1 $0x1  }
0x15: {  	[smem:$0x3FB0] =	sst s0;
	s0 =	simm.s32 @!p2 $0x0  }
0x16: {  	s3 =	sld [smem:$0x3FDB];
	s0 =	simm.s32 @p2 $0x1  }
0x17: {  	s4 =	simm.s32 $0x1BF5;
	[smem:$0x3FB2] =	sst s0  }
0x18: {  	s0 =	sld [smem:$0x3F95];
	_ =	swait.ge [sflag:s4], $0x0  }
0x19: {  	s7 =	sld [smem:$0x3F96]  }
0x1a: {  	s8 =	sadd.s32 $0xFFFFE003, lr  }
0x1b: {  	s9 =	sadd.s32 $0xFFFFFEF7, lr;
	s5 =	simm.s32 $0xFFFFFFFF;
	p2 =	slt.u32 s8, $0xFFFFF086  }
0x1c: {  	p1 =	slt.u32 s9, $0xF7A;
	s5 =	simm.s32 @!p2 $0x0  }
0x1d: {  	s5 =	simm.s32 @p1 $0x1;
	p0 =	seq.s32 s7, s2  }
0x1e: {  	s7 =	smul.u32 @!p0 $0xF7A, s2;
	p2 =	seq.s32 @!p0 s5, $0x0  }
0x1f: {  	s9 =	smul.u32 $0xF7A, s1;
	s8 =	simm.s32 @!p0 $0x1BF5;
	p2 =	por !p2, p0  }
0x20: {  	[sflag:s8] =	ssyncset.s32 @!p0 $0xFFFFF086;
	s6 =	sadd.s32 @!p0 s3, s7;
	s7 =	simm.s32 @!p0 $0x108  }
0x21: {  	s3 =	sadd.s32 s3, s9;
	s6 =	sadd.s32 @!p0 $0x88, s6;
	s7 =	simm.s32 @p2 $0x1082  }
0x22: {  	[simem:s7], [sflag:s8] =	dma.local @!p0 [hbm:s6], $0xF7A  }
0x23: {  	s9 =	sor.u32 $0xD0000000, s2;
	s6 =	simm.s32 $0x108;
	_ =	swait.ge @!p0 [sflag:s8], $0x0  }
0x24: {  	s3 =	sadd.s32 $0x88, s3;
	s6 =	simm.s32 @!p1 $0x1082;
	[sflag:s4] =	ssyncset.s32 $0xFFFFF086  }
0x25: {  	[simem:s6], [sflag:s4] =	dma.local [hbm:s3], $0xF7A  }
0x26: {  	[smem:$0x3F96] =	sst s1;
	(tag) =	ssettag s2;
	_ =	strace s9  }
0x27: {  	s1 =	sld [smem:$0x3FA6]  }
0x28: {  	s2 =	sld [smem:$0x3FA7]  }
0x29: {  	s4 =	sld [smem:$0x3FA9]  }
0x2a: {  	p0 =	seq.s32 s5, $0x0;
	s5 =	sld [smem:$0x3FAA]  }
0x2b: {  	s6 =	sld [smem:$0x3FAB]  }
0x2c: {  	s7 =	sld [smem:$0x3FAC]  }
0x2d: {  	s3 =	simm.s32 $0x108;
	s8 =	sld [smem:$0x3FAD]  }
0x2e: {  	s3 =	simm.s32 @!p0 $0x1082;
	s9 =	sld [smem:$0x3FAE]  }
0x2f: {  	lr =	sadd.s32 s0, s3;
	s0 =	sld [smem:$0x3FA5]  }
0x30: {  	s3 =	sld [smem:$0x3FA8]  }
0x31: {  	[smem:$0x3FB1] =	sst s10  }
0x32: {  	s10 =	sld [smem:$0x3FAF];
	_ =	sdelay $0x3  }
0x33: {  	p0 =	seq.s32 s10, $0x1;
	s10 =	sld [smem:$0x3FB1];
	_ =	sdelay $0x3  }
0x34: {  	[smem:$0x3FB1] =	sst s10  }
0x35: {  	s10 =	sld [smem:$0x3FB0];
	_ =	sdelay $0x3  }
0x36: {  	p1 =	seq.s32 s10, $0x1;
	s10 =	sld [smem:$0x3FB1];
	_ =	sdelay $0x3  }
0x37: {  	[smem:$0x3FB1] =	sst s10  }
0x38: {  	s10 =	sld [smem:$0x3FB2]  }
0x39: {  	_ = 	snop;
	(pc) =	sbr.ind lr, $3  }
0x3a: {  	_ = 	snop  }
0x3b: {  	_ = 	snop  }
0x3c: {  	p2 =	seq.s32 s10, $0x1;
	s10 =	sld [smem:$0x3FB1]  }
0x3d: {  	_ =	shalt  }
0x3e: {  	_ =	shalt  }
0x3f: {  	_ =	shalt  }
0x40: {  	_ =	shalt  }
0x41: {  	_ =	shalt  }
0x42: {  	_ =	shalt  }
0x43: {  	_ =	shalt  }
0x44: {  	_ =	shalt  }
0x45: {  	_ =	shalt  }
0x46: {  	_ =	shalt  }
0x47: {  	_ =	shalt  }
0x48: {  	_ =	shalt  }
0x49: {  	_ =	shalt  }
0x4a: {  	_ =	shalt  }
0x4b: {  	_ =	shalt  }
0x4c: {  	_ =	shalt  }
0x4d: {  	_ =	shalt  }
0x4e: {  	_ =	shalt  }
0x4f: {  	_ =	shalt  }
0x50: {  	_ =	shalt  }
0x51: {  	_ =	shalt  }
0x52: {  	_ =	shalt  }
0x53: {  	_ =	shalt  }
0x54: {  	_ =	shalt  }
0x55: {  	_ =	shalt  }
0x56: {  	_ =	shalt  }
0x57: {  	_ =	shalt  }
0x58: {  	_ =	shalt  }
0x59: {  	_ =	shalt  }
0x5a: {  	_ =	shalt  }
0x5b: {  	_ =	shalt  }
0x5c: {  	_ =	shalt  }
0x5d: {  	_ =	shalt  }
0x5e: {  	_ =	shalt  }
0x5f: {  	_ =	shalt  }
0x60: {  	_ =	shalt  }
0x61: {  	_ =	shalt  }
0x62: {  	_ =	shalt  }
0x63: {  	_ =	shalt  }
0x64: {  	_ =	shalt  }
0x65: {  	_ =	shalt  }
0x66: {  	_ =	shalt  }
0x67: {  	_ =	shalt  }
0x68: {  	_ =	shalt  }
0x69: {  	_ =	shalt  }
0x6a: {  	_ =	shalt  }
0x6b: {  	_ =	shalt  }
0x6c: {  	_ =	shalt  }
0x6d: {  	_ =	shalt  }
0x6e: {  	_ =	shalt  }
0x6f: {  	_ =	shalt  }
0x70: {  	_ =	shalt  }
0x71: {  	_ =	shalt  }
0x72: {  	_ =	shalt  }
0x73: {  	_ =	shalt  }
0x74: {  	_ =	shalt  }
0x75: {  	_ =	shalt  }
0x76: {  	_ =	shalt  }
0x77: {  	_ =	shalt  }
0x78: {  	_ =	shalt  }
0x79: {  	_ =	shalt  }
0x7a: {  	_ =	shalt  }
0x7b: {  	_ =	shalt  }
0x7c: {  	_ =	shalt  }
0x7d: {  	_ =	shalt  }
0x7e: {  	_ =	shalt  }
0x7f: {  	_ =	shalt  }
0x80: {  	_ =	shalt  }
0x81: {  	_ =	shalt  }
0x82: {  	_ =	shalt  }
0x83: {  	_ =	shalt  }
0x84: {  	_ =	shalt  }
0x85: {  	_ =	shalt  }
0x86: {  	_ =	shalt  }
0x87: {  	_ =	shalt  }
.Lfunc_end0:
.L_simem_size_0:
called_computation_lowered:
.L_overlay_start_0:
0x88: {  	s2 =	sld [smem:$0x3FD9]  }
0x89: {  	s3 =	sld [smem:$0x3FFE];
	_ =	sdelay $0x1  }
0x8a: {  	s1 =	srdreg.scid  }
0x8b: {  	s0 =	sand.u32 $0x1, s1  }
0x8c: {  	s16 =	sshll.u32 s0, $0xA;
	s2 =	sadd.s32 s3, s2  }
0x8d: {  	s2 =	sadd.s32 s2, s16  }
0x8e: {  	[smem:$0x3FBD] =	sst s2  }
0x8f: {  	_ = 	snop  }
0x90: {  	(tm) =	ssettm $0x1  }
0x91: {  	s17 =	sld [smem:$0x3FFB];
	_ =	sdelay $0x3  }
0x92: {  	_ =	strace s17  }
0x93: {  	s2 =	sld [smem:$0x3FFC];
	_ =	sdelay $0x3  }
0x94: {  	_ =	strace s2  }
0x95: {  	s2 =	sld [smem:$0x3FFD];
	_ =	sdelay $0x3  }
0x96: {  	_ =	strace s2  }
0x97: {  	_ =	strace $0x8FFFFFFF  }
0x98: {  	s18 =	sld [smem:$0x3FDB];
	_ =	sdelay $0x1  }
0x99: {  	s19 =	simm.s32 $_scs_section_size  }
0x9a: {  	s4 =	simm.s32 $_size__tile_overlayer_lowered;
	s5 =	simm.s32 $_tile_overlayer_lowered  }
0x9b: {  	s22 =	simm.s32 $0x1BFF;
	s21 =	sshll.u32 s5, $0x1;
	s2 =	sadd.s32 s19, s18  }
0x9c: {  	s6 =	simm.s32 $0x0;
	s20 =	sshll.u32 s4, $0x1;
	s4 =	sadd.s32 s21, s2  }
0x9d: {  	[timem:s6], [sflag:s22] =	dma.local [hbm:s4], s20  }
0x9e: {  	_ =	swait.ge [sflag:s22], s20  }
0x9f: {  	s3 =	ssub.s32 $0x0, s20;
	[sflag:s22] =	ssyncset.done $0x0  }
0xa0: {  	[sflag:s22] =	ssyncadd.s32 s3;
	_ =	sdelay $0x1  }
0xa1: {  	s23 =	simm.s32 $0x1B8B  }
0xa2: {  	_ =	swait.ge [sflag:s23], $0x1  }
0xa3: {  	[sflag:s23] =	ssyncset.done $0x0  }
0xa4: {  	s25 =	simm.s32 $0x1B8E;
	s24 =	sld [smem:$0x3FFE];
	[sflag:s23] =	ssyncadd.s32 $0xFFFFFFFF  }
0xa5: {  	s26 =	simm.s32 $execute0_lowered;
	[smem:$0x3FD2] =	sst s25  }
0xa6: {  	s4 =	sshll.u32 s26, $0x1;
	_ =	strace $0x80000046;
	[dreg:$0x1] =	wrdreg $0xFFFFFFFF  }
0xa7: {  	s28 =	simm.s32 $_size_execute0_lowered;
	s2 =	sadd.s32 s2, s4;
	[dreg:$0x0] =	wrdreg $0x0  }
0xa8: {  	s4 =	sshll.u32 s28, $0x1;
	[dreg:$0x2] =	wrdreg s2  }
0xa9: {  	[dreg:$0x3] =	wrdreg s4  }
0xaa: {  	[dreg:$0x4] =	wrdreg $0xC0  }
0xab: {  	_ =	task [dreg:s6], $0x5FFFF  }
0xac: {  	[dreg:$0x1] =	wrdreg $0xFFFFFFFF  }
0xad: {  	[dreg:$0x0] =	wrdreg $0x60  }
0xae: {  	[dreg:$0x2] =	wrdreg s24  }
0xaf: {  	[dreg:$0x3] =	wrdreg $0x9  }
0xb0: {  	_ =	task.clear_ibuf [dreg:s6], $0x4FFFF;
	_ =	strace $0x90000046  }
0xb1: {  	s29 =	simm.s32 $0x9;
	_ =	strace $0x80000048  }
0xb2: {  	_ =	swait.ge [sflag:s29], $0x1  }
0xb3: {  	[sflag:s29] =	ssyncadd.s32 $0xFFFFFFFF  }
0xb4: {  	_ =	strace $0x90000048  }
0xb5: {  	_ =	sfence  }
0xb6: {  	s30 =	sld [smem:$0x0];
	_ =	sdelay $0x2  }
0xb7: {  	s31 =	sshll.u32 s1, $0xD;
	s1 =	sshrl.u32 s1, $0x2  }
0xb8: {  	s3 =	sand.u32 $0x4000, s31;
	s1 =	sadd.s32 s1, s30  }
0xb9: {  	s0 =	sor.u32 s3, s0;
	s1 =	sshll.u32 s1, $0x11  }
0xba: {  	s0 =	sor.u32 s1, s0  }
0xbb: {  	s0 =	sadd.s32 $0x8F2B, s0  }
0xbc: {  	[sflag:s0] =	ssyncadd.remote.s32 $0x1  }
0xbd: {  	_ =	sfence.sel $0xFFFF  }
0xbe: {  	[dreg:$0x0] =	wrdreg $0xFFFFFFFF;
	(pc) =	sbr.abs _section_cstart, $3  }
0xbf: {  	[dreg:$0x1] =	wrdreg $0xFFFFFFFF  }
0xc0: {  	_ =	task.clear_ibuf [dreg:s6], $0x2FFFF;
	_ =	strace $0x9FFFFFFF  }
0xc1: {  	(tm) =	ssettm $0x7FFFFFFF  }
tec
execute0_lowered:
.L_overlay_start_1:
0x0: {  	(tag) =	ssettag $0x1  }
0x1: {  	s1 =	srdreg.scid  }
0x2: {  	s0 =	stileid.u32;
	s4 =	rddreg [dreg:$0x0]  }
0x3: {  	s2 =	simm.s32 $0x0;
	s3 =	sand.u32 $0x1, s1;
	s31 =	sshll.u32 s0, $0x1  }
0x4: {  	s9 =	simm.s32 $0x0;
	s1 =	rddreg [dreg:$0x1];
	s5 =	sor.u32 s3, s31  }
0x5: {  	[smem:$0x7FF] =	sst s2;
	s7 =	ssub.s32 $0x2, s3;
	s6 =	smul.u32 $0x4F0, s5  }
0x6: {  	_ =	strace $0x80000047;
	s5 =	smul.u32 $0x500, s5;
	s8 =	sshrl.u32 s7, $0x1  }
0x7: {  	s3 =	sadd.s32 $0xC400, s4;
	s7 =	ssub.s32 s7, s8;
	s6 =	sadd.s32 s6, s4  }
0x8: {  	s8 =	simm.s32 $0x2780;
	s5 =	sadd.s32 s5, s4;
	s4 =	sadd.s32 $0x2600, s6  }
0x9: {  	v0 =	vimm.f32 $1.000000000e+00;
	s5 =	sadd.s32 $0xCA00, s5;
	s6 =	smax.u32 s7, $0x1;
	s7 =	simm.s32 $0x1  }
.LBB2_1:
0xa: {  	[tilespmem:s2], [sflag:$0x1] =	stream.linear.gather [hbm4b:s4+s2], $0x2780, $0x38;
	[tilespmem:$0x4F80] =	vst v63  }
0xb: {  	_ =	swait.ge [sflag:s7], $0x2780  }
0xc: {  	[sflag:s7] =	ssyncset.done $0x0  }
0xd: {  	[sflag:s7] =	ssyncadd.s32 $0xFFFFD880  }
0xe: {  	[tilespmem:s8], [sflag:$0x1] =	stream.linear.gather [hbm4b:s3+s2], $0x2800, $0x38;
	[tilespmem:$0x4F80] =	vst v63  }
0xf: {  	_ =	swait.ge [sflag:s7], $0x2800  }
0x10: {  	[sflag:s7] =	ssyncset.done $0x0  }
0x11: {  	s11 =	simm.s32 $0x0;
	s10 =	simm.s32 $0x40;
	[sflag:s7] =	ssyncadd.s32 $0xFFFFD800  }
.LBB2_2:
0x12: {  	p0 =	sne.s32 s10, $0x9DC0;
	v1 =	vld [tilespmem:s11+$0x0];
	_ =	sdelay $0x3  }
.Ltmp0:
0x13: {  	(pc) =	sbr.rel @p0 .LBB2_2-.Ltmp0, $2  }
0x14: {  	_ =	sdelay $0x2  }
0x15: {  	s11 =	sshra.s32 s10, $0x2;
	s10 =	sadd.s32 $0x40, s10;
	[tilespmem:v1+s8+$0x0] =	vst.idx.add.f32.msk $0xffff, v0  }
0x16: {  	v1 =	vld [tilespmem:s11+$0x0];
	_ =	sdelay $0x5  }
0x17: {  	s9 =	sadd.s32 $0x1, s9  }
0x18: {  	p0 =	sne.s32 s9, s6  }
.Ltmp1:
0x19: {  	[tilespmem:v1+s8+$0x0] =	vst.idx.add.f32.msk $0xffff, v0;
	(pc) =	sbr.rel @p0 .LBB2_1-.Ltmp1, $4  }
0x1a: {  	[hbm4b:s5+s2] =	stream.linear.scatter [tilespmem:s8], [sflag:$0x1], $0x2800, $0x38;
	[tilespmem:$0x4F80] =	vst v63  }
0x1b: {  	_ =	swait.ge [sflag:s7], $0x2800  }
0x1c: {  	[sflag:s7] =	ssyncset.done $0x0  }
0x1d: {  	[sflag:s7] =	ssyncadd.s32 $0xFFFFD800  }
0x1e: {  	_ =	sfence.sel $0x180000  }
0x1f: {  	[bflag:$0x0] =	sbarrier.arrive $0xFFFF  }
0x20: {  	p0 =	sne.s32 s0, $0x0;
	_ =	strace $0x90000047  }
0x21: {  	s0 =	sadd.s32 @!p0 $0x100000, s1;
	[bflag:$0x2] =	sbarrier.arrive $0xFFFF  }
0x22: {  	[sflag:s0] =	ssyncadd.tile.s32 @!p0 $0x1;
	_ =	shalt  }
.Lfunc_end2:
_tile_overlayer_lowered:
.L_overlay_start_2:
0x23: {  	(tag) =	ssettag $0x2  }
0x24: {  	s0 =	rddreg [dreg:$0x0];
	s2 =	stileid.u32  }
0x25: {  	s1 =	rddreg [dreg:$0x1];
	p0 =	sne.s32 s2, $0x0  }
0x26: {  	s3 =	rddreg [dreg:$0x2];
	[bflag:$0x3] =	sbarrier.arrive $0xFFFF;
	s2 =	simm.s32 @!p0 $0x1C01  }
0x27: {  	[timem:s3], [sflag:s2] =	dma.local @!p0 [hbm:s0], s1  }
0x28: {  	s0 =	simm.s32 @!p0 $0x1  }
0x29: {  	_ =	swait.ge @!p0 [sflag:s0], s1  }
0x2a: {  	s1 =	ssub.s32 @!p0 $0x0, s1;
	[sflag:s0] =	ssyncset.done @!p0 $0x0  }
0x2b: {  	[sflag:s0] =	ssyncadd.s32 @!p0 s1  }
0x2c: {  	[bflag:$0x3] =	sbarrier.arrive $0xFFFF  }
0x2d: {  	_ =	shalt  }

</sc_bundles>
